<compile_context>
chip_gen: v7x
topology: tpu7x:2x2x1
jax: 0.10.2.dev20260603
libtpu: 0.0.44.dev20260713+nightly
codegen_flags: <defaults>
</compile_context>

<pallas_src>
import functools

import jax
import jax.numpy as jnp
from jax import lax
from jax.experimental import pallas as pl
from jax.experimental.pallas import tpu as pltpu
from jax.experimental.pallas import tpu_sc as plsc

N_CAT = 26
N_CONT = 13
VOCAB = 100000
DIM = 16
BATCH = 16384

NUM_CORES = 2
NUM_SUBCORES = 16
NW = NUM_CORES * NUM_SUBCORES
RPW = BATCH // NW
GRP = RPW // 16
CONT_CHUNK = 128


def _body(x_hbm, tab_hbm, bias_hbm, cw_hbm, cb_hbm,
          cat_out, cont_out,
          xv, idxv, maskv, embv, biasv, cwv, cbv, contv,
          sem_g):
    wid = lax.axis_index("s") * NUM_CORES + lax.axis_index("c")
    b0 = wid * RPW

    pltpu.sync_copy(x_hbm.at[pl.ds(b0, RPW)], xv)
    pltpu.sync_copy(bias_hbm, biasv)
    pltpu.sync_copy(cw_hbm, cwv)
    pltpu.sync_copy(cb_hbm, cbv)

    lanes = lax.iota(jnp.int32, 16)

    for i in range(N_CAT):
        col = jnp.full((16,), i, jnp.int32)

        def build(g, c, col=col):
            rows = g * 16 + lanes
            vals = plsc.load_gather(xv, [rows, col])
            ivals = vals.astype(jnp.int32)
            idxv[pl.ds(g * 16, 16)] = ivals + i * (VOCAB + 1)
            maskv[pl.ds(g * 16, 16)] = jnp.where(
                ivals == 0, jnp.zeros((16,), jnp.float32),
                jnp.ones((16,), jnp.float32))
            return c

        lax.fori_loop(0, GRP, build, 0)

        pltpu.async_copy(tab_hbm.at[idxv], embv, sem_g).wait()

        bias_i = biasv[i]

        def post(r, c, bias_i=bias_i):
            m = plsc.load_gather(maskv, [jnp.full((16,), r, jnp.int32)])
            embv[r] = embv[r] * m + bias_i
            return c

        lax.fori_loop(0, RPW, post, 0)

        pltpu.sync_copy(embv, cat_out.at[pl.ds(b0, RPW), pl.ds(i * DIM, DIM)])

    wvecs = [cwv[j] for j in range(N_CONT)]
    bvecs = [cbv[j] for j in range(N_CONT)]
    for c in range(RPW // CONT_CHUNK):
        def cont_row(r, carry):
            row = c * CONT_CHUNK + r
            rowv = jnp.full((16,), row, jnp.int32)
            for j in range(N_CONT):
                s = plsc.load_gather(
                    xv, [rowv, jnp.full((16,), N_CAT + j, jnp.int32)])
                contv[r, pl.ds(j * DIM, DIM)] = s * wvecs[j] + bvecs[j]
            return carry

        lax.fori_loop(0, CONT_CHUNK, cont_row, 0)
        pltpu.sync_copy(
            contv, cont_out.at[pl.ds(b0 + c * CONT_CHUNK, CONT_CHUNK)])


@jax.jit
def kernel(X, cat_tables, cat_biases, cont_weight, cont_bias):
    tab_flat = cat_tables.reshape(N_CAT * (VOCAB + 1), DIM)
    mesh = plsc.VectorSubcoreMesh(
        core_axis_name="c", subcore_axis_name="s",
        num_cores=NUM_CORES, num_subcores=NUM_SUBCORES)
    run = pl.kernel(
        _body,
        out_type=(
            jax.ShapeDtypeStruct((BATCH, N_CAT * DIM), jnp.float32),
            jax.ShapeDtypeStruct((BATCH, N_CONT * DIM), jnp.float32),
        ),
        mesh=mesh,
        compiler_params=pltpu.CompilerParams(
            use_tc_tiling_on_sc=False, needs_layout_passes=False),
        scratch_types=[
            pltpu.VMEM((RPW, N_CAT + N_CONT), jnp.float32),
            pltpu.VMEM((RPW,), jnp.int32),
            pltpu.VMEM((RPW,), jnp.float32),
            pltpu.VMEM((RPW, DIM), jnp.float32),
            pltpu.VMEM((N_CAT, DIM), jnp.float32),
            pltpu.VMEM((N_CONT, DIM), jnp.float32),
            pltpu.VMEM((N_CONT, DIM), jnp.float32),
            pltpu.VMEM((CONT_CHUNK, N_CONT * DIM), jnp.float32),
            pltpu.SemaphoreType.DMA,
        ],
    )
    x_cat, x_cont = run(X, tab_flat, cat_biases, cont_weight, cont_bias)
    return (x_cat, x_cont)

# --- scband reference (transcript-rebuilt; emitter-appended) ---
"""Pipeline reference for scband-diff-size-cat-and-cont-embeddings-90778428768766 (READ-ONLY COPY).

The authoritative reference and input builder live on the scoring server;
editing this copy changes nothing except your own understanding.
"""

import jax, jax.numpy as jnp
import numpy as np

N_CAT = 26
N_CONT = 13
VOCAB = 100000
DIM = 16
BATCH = 16384


def setup_inputs(seed: int = 0) -> dict:
    key = jax.random.key(seed)
    k_x, k_t, k_b, k_w, k_wb = jax.random.split(key, 5)
    # Mixed input: first 26 cols are categorical indices (stored as float), last 13 are continuous.
    X = jax.random.randint(k_x, (BATCH, N_CAT + N_CONT), 0, VOCAB).astype(jnp.float32)
    # 26 embedding tables of shape (VOCAB+1, DIM), stacked. Row 0 is padding_idx and zeroed.
    bound_t = np.sqrt(6.0 / (1.0 + 5.0)) / np.sqrt(VOCAB + 1)
    cat_tables = jax.random.normal(k_t, (N_CAT, VOCAB + 1, DIM), dtype=jnp.float32) * 0.02
    # per-column biases (use_cat_bias=True)
    bound_b = 1.0 / np.sqrt(DIM)
    cat_biases = jax.random.uniform(k_b, (N_CAT, DIM), dtype=jnp.float32, minval=-bound_b, maxval=bound_b)
    # ContEmbeddings params: weight and bias of shape (n_cont_cols, embed_dim)
    cont_weight = jax.random.normal(k_w, (N_CONT, DIM), dtype=jnp.float32) * 0.1
    cont_bias = jax.random.normal(k_wb, (N_CONT, DIM), dtype=jnp.float32) * 0.1
    return {"X": X, "cat_tables": cat_tables, "cat_biases": cat_biases,
            "cont_weight": cont_weight, "cont_bias": cont_bias}


def reference(X, cat_tables, cat_biases, cont_weight, cont_bias):
    # --- DiffSizeCatEmbeddings ---
    # padding_idx=0: row 0 of each table acts as zeros
    pad_mask = jnp.ones((VOCAB + 1, 1), dtype=cat_tables.dtype).at[0].set(0.0)
    tables_eff = cat_tables * pad_mask[None, :, :]
    idx = X[:, :N_CAT].astype(jnp.int32)  # (B, 26)
    embs = []
    for i in range(N_CAT):
        e = jnp.take(tables_eff[i], idx[:, i], axis=0) + cat_biases[i][None, :]
        embs.append(e)
    x_cat = jnp.concatenate(embs, axis=1)  # (B, 26*16)  (dropout p=0 -> identity)
    # --- continuous branch: Identity norm, then ContEmbeddings ---
    x_c = X[:, N_CAT:N_CAT + N_CONT].astype(jnp.float32)  # (B, 13)
    x_cont = cont_weight[None, :, :] * x_c[:, :, None] + cont_bias[None, :, :]  # (B, 13, 16)
    x_cont = x_cont.reshape(X.shape[0], N_CONT * DIM)  # einops 'b s d -> b (s d)'
    return (x_cat, x_cont)

if __name__ == "__main__":
    import jax
    _d = setup_inputs()
    print(jax.jit(kernel)(*tuple(_d.values())))

</pallas_src>

<mosaic_0001>
#map = affine_map<(d0, d1) -> (0, 0)>
module attributes {stable_mosaic.version = 14 : i64} {
  func.func @_body(%arg0: i32, %arg1: i32, %arg2: memref<16384x39xf32, #tpu.memory_space<hbm>>, %arg3: memref<2600026x16xf32, #tpu.memory_space<hbm>>, %arg4: memref<26x16xf32, #tpu.memory_space<hbm>>, %arg5: memref<13x16xf32, #tpu.memory_space<hbm>>, %arg6: memref<13x16xf32, #tpu.memory_space<hbm>>, %arg7: memref<16384x416xf32, #tpu.memory_space<hbm>>, %arg8: memref<16384x208xf32, #tpu.memory_space<hbm>>, %arg9: memref<512x39xf32, #tpu.memory_space<vmem>>, %arg10: memref<512xi32, #tpu.memory_space<vmem>>, %arg11: memref<512xf32, #tpu.memory_space<vmem>>, %arg12: memref<512x16xf32, #tpu.memory_space<vmem>>, %arg13: memref<26x16xf32, #tpu.memory_space<vmem>>, %arg14: memref<13x16xf32, #tpu.memory_space<vmem>>, %arg15: memref<13x16xf32, #tpu.memory_space<vmem>>, %arg16: memref<128x208xf32, #tpu.memory_space<vmem>>, %arg17: memref<!tpu.dma_semaphore, #tpu.memory_space<semaphore_mem>>) attributes {dimension_semantics = [#tpu.dimension_semantics<core_parallel>, #tpu.dimension_semantics<subcore_parallel>], iteration_bounds = array<i64: 2, 16>, scalar_prefetch = 0 : i64, scratch_operands = 9 : i64, tpu.core_type = #tpu.core_type<sc_vector_subcore>, window_params = [{transform_indices = #map}, {transform_indices = #map}, {transform_indices = #map}, {transform_indices = #map}, {transform_indices = #map}, {transform_indices = #map}, {transform_indices = #map}]} {
    %mul3A = arith.constant 2 : i32
    %mul3A_0 = arith.muli %arg1, %mul3A : i32
    %add3A = arith.addi %mul3A_0, %arg0 : i32
    %mul3A_1 = arith.constant 512 : i32
    %mul3A_2 = arith.muli %add3A, %mul3A_1 : i32
    "tpu.region"() ({
      %run_scoped3A = tpu.sem_alloc : memref<!tpu.dma_semaphore, #tpu.memory_space<semaphore_mem>>
      %dma_start3A_758 = arith.constant 0 : i32
      %dma_start3A_759 = tpu.memref_slice %arg2[%mul3A_2, %dma_start3A_758] : memref<16384x39xf32, #tpu.memory_space<hbm>> -> memref<512x39xf32, #tpu.memory_space<hbm>>
      %dma_start3A_760 = arith.constant 0 : i32
      %dma_start3A_761 = tpu.memref_slice %arg2[%mul3A_2, %dma_start3A_760] : memref<16384x39xf32, #tpu.memory_space<hbm>> -> memref<512x39xf32, #tpu.memory_space<hbm>>
      tpu.enqueue_dma source(%dma_start3A_761 : memref<512x39xf32, #tpu.memory_space<hbm>>) target(%arg9 : memref<512x39xf32, #tpu.memory_space<vmem>>) target_semaphore(%run_scoped3A : memref<!tpu.dma_semaphore, #tpu.memory_space<semaphore_mem>>)
      %dma_wait3A_762 = arith.constant 0 : i32
      %dma_wait3A_763 = tpu.memref_slice %arg2[%mul3A_2, %dma_wait3A_762] : memref<16384x39xf32, #tpu.memory_space<hbm>> -> memref<512x39xf32, #tpu.memory_space<hbm>>
      %dma_wait3A_764 = arith.constant 0 : i32
      %dma_wait3A_765 = tpu.memref_slice %arg2[%mul3A_2, %dma_wait3A_764] : memref<16384x39xf32, #tpu.memory_space<hbm>> -> memref<512x39xf32, #tpu.memory_space<hbm>>
      tpu.wait_dma2 semaphore(%run_scoped3A : memref<!tpu.dma_semaphore, #tpu.memory_space<semaphore_mem>>) src(%dma_wait3A_765 : memref<512x39xf32, #tpu.memory_space<hbm>>) dst(%arg9 : memref<512x39xf32, #tpu.memory_space<vmem>>)
      tpu.yield
    }) : () -> ()
    "tpu.region"() ({
      %run_scoped3A = tpu.sem_alloc : memref<!tpu.dma_semaphore, #tpu.memory_space<semaphore_mem>>
      tpu.enqueue_dma source(%arg4 : memref<26x16xf32, #tpu.memory_space<hbm>>) target(%arg13 : memref<26x16xf32, #tpu.memory_space<vmem>>) target_semaphore(%run_scoped3A : memref<!tpu.dma_semaphore, #tpu.memory_space<semaphore_mem>>)
      tpu.wait_dma2 semaphore(%run_scoped3A : memref<!tpu.dma_semaphore, #tpu.memory_space<semaphore_mem>>) src(%arg4 : memref<26x16xf32, #tpu.memory_space<hbm>>) dst(%arg13 : memref<26x16xf32, #tpu.memory_space<vmem>>)
      tpu.yield
    }) : () -> ()
    "tpu.region"() ({
      %run_scoped3A = tpu.sem_alloc : memref<!tpu.dma_semaphore, #tpu.memory_space<semaphore_mem>>
      tpu.enqueue_dma source(%arg5 : memref<13x16xf32, #tpu.memory_space<hbm>>) target(%arg14 : memref<13x16xf32, #tpu.memory_space<vmem>>) target_semaphore(%run_scoped3A : memref<!tpu.dma_semaphore, #tpu.memory_space<semaphore_mem>>)
      tpu.wait_dma2 semaphore(%run_scoped3A : memref<!tpu.dma_semaphore, #tpu.memory_space<semaphore_mem>>) src(%arg5 : memref<13x16xf32, #tpu.memory_space<hbm>>) dst(%arg14 : memref<13x16xf32, #tpu.memory_space<vmem>>)
      tpu.yield
    }) : () -> ()
    "tpu.region"() ({
      %run_scoped3A = tpu.sem_alloc : memref<!tpu.dma_semaphore, #tpu.memory_space<semaphore_mem>>
      tpu.enqueue_dma source(%arg6 : memref<13x16xf32, #tpu.memory_space<hbm>>) target(%arg15 : memref<13x16xf32, #tpu.memory_space<vmem>>) target_semaphore(%run_scoped3A : memref<!tpu.dma_semaphore, #tpu.memory_space<semaphore_mem>>)
      tpu.wait_dma2 semaphore(%run_scoped3A : memref<!tpu.dma_semaphore, #tpu.memory_space<semaphore_mem>>) src(%arg6 : memref<13x16xf32, #tpu.memory_space<hbm>>) dst(%arg15 : memref<13x16xf32, #tpu.memory_space<vmem>>)
      tpu.yield
    }) : () -> ()
    %iota3A = tpu.iota {dimensions = array<i32: 0>} : vector<16xi32>
    %broadcast_in_dim3A = arith.constant 0 : i32
    %broadcast_in_dim3A_3 = vector.broadcast %broadcast_in_dim3A : i32 to vector<16xi32>
    %scan3A = arith.constant 0 : i32
    %scan3A_4 = arith.constant 0 : i32
    %scan3A_5 = arith.constant 32 : i32
    %scan3A_6 = arith.addi %scan3A_4, %scan3A_5 : i32
    %scan3A_7 = arith.constant 1 : i32
    scf.for %scan3A_758 = %scan3A_4 to %scan3A_6 step %scan3A_7  : i32 {
      %mul3A_759 = arith.constant 16 : i32
      %mul3A_760 = arith.muli %scan3A_758, %mul3A_759 : i32
      %add3A_761 = vector.broadcast %mul3A_760 : i32 to vector<16xi32>
      %add3A_762 = arith.addi %add3A_761, %iota3A : vector<16xi32>
      %gather3A = tpu.vector_load_idx %arg9[%add3A_762, %broadcast_in_dim3A_3] : memref<512x39xf32, #tpu.memory_space<vmem>>[vector<16xi32>, vector<16xi32>], vector<16xf32>,
      %convert_element_type3A = arith.fptosi %gather3A : vector<16xf32> to vector<16xi32>
      %add3A_763 = arith.constant 0 : i32
      %add3A_764 = vector.broadcast %add3A_763 : i32 to vector<16xi32>
      %add3A_765 = arith.addi %convert_element_type3A, %add3A_764 : vector<16xi32>
      %mul3A_766 = arith.constant 16 : i32
      %mul3A_767 = arith.muli %scan3A_758, %mul3A_766 : i32
      %swap3A = arith.index_cast %mul3A_767 : i32 to index
      %swap3A_768 = tpu.vector_load %arg10[%swap3A] {strides = array<i32>} : memref<512xi32, #tpu.memory_space<vmem>>, vector<16xi32>,
      tpu.vector_store %arg10[%swap3A], %add3A_765 {strides = array<i32>} : memref<512xi32, #tpu.memory_space<vmem>>, vector<16xi32>,
      %eq3A = arith.constant 0 : i32
      %eq3A_769 = vector.broadcast %eq3A : i32 to vector<16xi32>
      %eq3A_770 = arith.cmpi eq, %convert_element_type3A, %eq3A_769 : vector<16xi32>
      %broadcast_in_dim3A_771 = arith.constant 0.000000e+00 : f32
      %broadcast_in_dim3A_772 = vector.broadcast %broadcast_in_dim3A_771 : f32 to vector<16xf32>
      %broadcast_in_dim3A_773 = arith.constant 1.000000e+00 : f32
      %broadcast_in_dim3A_774 = vector.broadcast %broadcast_in_dim3A_773 : f32 to vector<16xf32>
      %select_n3A = arith.select %eq3A_770, %broadcast_in_dim3A_772, %broadcast_in_dim3A_774 : vector<16xi1>, vector<16xf32>
      %mul3A_775 = arith.constant 16 : i32
      %mul3A_776 = arith.muli %scan3A_758, %mul3A_775 : i32
      %swap3A_777 = arith.index_cast %mul3A_776 : i32 to index
      %swap3A_778 = tpu.vector_load %arg11[%swap3A_777] {strides = array<i32>} : memref<512xf32, #tpu.memory_space<vmem>>, vector<16xf32>,
      tpu.vector_store %arg11[%swap3A_777], %select_n3A {strides = array<i32>} : memref<512xf32, #tpu.memory_space<vmem>>, vector<16xf32>,
    }
    %scan3A_8 = arith.constant 32 : i32
    %dma_start3A = arith.constant 0 : i32
    %dma_start3A_9 = arith.constant 0 : i32
    %dma_start3A_10 = tpu.memref_slice %arg3[%dma_start3A, %dma_start3A_9] : memref<2600026x16xf32, #tpu.memory_space<hbm>> -> memref<2600026x16xf32, #tpu.memory_space<hbm>>
    tpu.enqueue_indirect_dma source(%dma_start3A_10 : memref<2600026x16xf32, #tpu.memory_space<hbm>>) target(%arg12 : memref<512x16xf32, #tpu.memory_space<vmem>>) offsets(%arg10 : memref<512xi32, #tpu.memory_space<vmem>>) semaphore(%arg17 : memref<!tpu.dma_semaphore, #tpu.memory_space<semaphore_mem>>)
    %dma_wait3A = arith.constant 0 : i32
    %dma_wait3A_11 = arith.constant 0 : i32
    %dma_wait3A_12 = tpu.memref_slice %arg3[%dma_wait3A, %dma_wait3A_11] : memref<2600026x16xf32, #tpu.memory_space<hbm>> -> memref<2600026x16xf32, #tpu.memory_space<hbm>>
    tpu.wait_indirect_dma semaphore(%arg17 : memref<!tpu.dma_semaphore, #tpu.memory_space<semaphore_mem>>) src(%dma_wait3A_12 : memref<2600026x16xf32, #tpu.memory_space<hbm>>) dst(%arg12 : memref<512x16xf32, #tpu.memory_space<vmem>>)
    %get3A = arith.constant 0 : i32
    %get3A_13 = arith.index_cast %get3A : i32 to index
    %get3A_14 = arith.constant 0 : index
    %get3A_15 = tpu.vector_load %arg13[%get3A_13, %get3A_14] {strides = array<i32>} : memref<26x16xf32, #tpu.memory_space<vmem>>, vector<16xf32>,
    %scan3A_16 = arith.constant 0 : i32
    %scan3A_17 = arith.constant 0 : i32
    %scan3A_18 = arith.constant 512 : i32
    %scan3A_19 = arith.addi %scan3A_17, %scan3A_18 : i32
    %scan3A_20 = arith.constant 1 : i32
    scf.for %scan3A_758 = %scan3A_17 to %scan3A_19 step %scan3A_20  : i32 {
      %broadcast_in_dim3A_759 = vector.broadcast %scan3A_758 : i32 to vector<16xi32>
      %gather3A = tpu.vector_load_idx %arg11[%broadcast_in_dim3A_759] : memref<512xf32, #tpu.memory_space<vmem>>[vector<16xi32>], vector<16xf32>,
      %get3A_760 = arith.index_cast %scan3A_758 : i32 to index
      %get3A_761 = arith.constant 0 : index
      %get3A_762 = tpu.vector_load %arg12[%get3A_760, %get3A_761] {strides = array<i32>} : memref<512x16xf32, #tpu.memory_space<vmem>>, vector<16xf32>,
      %mul3A_763 = arith.mulf %get3A_762, %gather3A : vector<16xf32>
      %add3A_764 = arith.addf %mul3A_763, %get3A_15 : vector<16xf32>
      %swap3A = arith.index_cast %scan3A_758 : i32 to index
      %swap3A_765 = arith.constant 0 : index
      %swap3A_766 = tpu.vector_load %arg12[%swap3A, %swap3A_765] {strides = array<i32>} : memref<512x16xf32, #tpu.memory_space<vmem>>, vector<16xf32>,
      tpu.vector_store %arg12[%swap3A, %swap3A_765], %add3A_764 {strides = array<i32>} : memref<512x16xf32, #tpu.memory_space<vmem>>, vector<16xf32>,
    }
    %scan3A_21 = arith.constant 512 : i32
    "tpu.region"() ({
      %run_scoped3A = tpu.sem_alloc : memref<!tpu.dma_semaphore, #tpu.memory_space<semaphore_mem>>
      %dma_start3A_758 = arith.constant 0 : i32
      %dma_start3A_759 = tpu.memref_slice %arg7[%mul3A_2, %dma_start3A_758] : memref<16384x416xf32, #tpu.memory_space<hbm>> -> memref<512x16xf32, #tpu.memory_space<hbm>>
      %dma_start3A_760 = arith.constant 0 : i32
      %dma_start3A_761 = tpu.memref_slice %arg7[%mul3A_2, %dma_start3A_760] : memref<16384x416xf32, #tpu.memory_space<hbm>> -> memref<512x16xf32, #tpu.memory_space<hbm>>
      tpu.enqueue_dma source(%arg12 : memref<512x16xf32, #tpu.memory_space<vmem>>) target(%dma_start3A_761 : memref<512x16xf32, #tpu.memory_space<hbm>>) target_semaphore(%run_scoped3A : memref<!tpu.dma_semaphore, #tpu.memory_space<semaphore_mem>>)
      %dma_wait3A_762 = arith.constant 0 : i32
      %dma_wait3A_763 = tpu.memref_slice %arg7[%mul3A_2, %dma_wait3A_762] : memref<16384x416xf32, #tpu.memory_space<hbm>> -> memref<512x16xf32, #tpu.memory_space<hbm>>
      %dma_wait3A_764 = arith.constant 0 : i32
      %dma_wait3A_765 = tpu.memref_slice %arg7[%mul3A_2, %dma_wait3A_764] : memref<16384x416xf32, #tpu.memory_space<hbm>> -> memref<512x16xf32, #tpu.memory_space<hbm>>
      tpu.wait_dma2 semaphore(%run_scoped3A : memref<!tpu.dma_semaphore, #tpu.memory_space<semaphore_mem>>) src(%arg12 : memref<512x16xf32, #tpu.memory_space<vmem>>) dst(%dma_wait3A_765 : memref<512x16xf32, #tpu.memory_space<hbm>>)
      tpu.yield
    }) : () -> ()
    %broadcast_in_dim3A_22 = arith.constant 1 : i32
    %broadcast_in_dim3A_23 = vector.broadcast %broadcast_in_dim3A_22 : i32 to vector<16xi32>
    %scan3A_24 = arith.constant 0 : i32
    %scan3A_25 = arith.constant 0 : i32
    %scan3A_26 = arith.constant 32 : i32
    %scan3A_27 = arith.addi %scan3A_25, %scan3A_26 : i32
    %scan3A_28 = arith.constant 1 : i32
    scf.for %scan3A_758 = %scan3A_25 to %scan3A_27 step %scan3A_28  : i32 {
      %mul3A_759 = arith.constant 16 : i32
      %mul3A_760 = arith.muli %scan3A_758, %mul3A_759 : i32
      %add3A_761 = vector.broadcast %mul3A_760 : i32 to vector<16xi32>
      %add3A_762 = arith.addi %add3A_761, %iota3A : vector<16xi32>
      %gather3A = tpu.vector_load_idx %arg9[%add3A_762, %broadcast_in_dim3A_23] : memref<512x39xf32, #tpu.memory_space<vmem>>[vector<16xi32>, vector<16xi32>], vector<16xf32>,
      %convert_element_type3A = arith.fptosi %gather3A : vector<16xf32> to vector<16xi32>
      %add3A_763 = arith.constant 100001 : i32
      %add3A_764 = vector.broadcast %add3A_763 : i32 to vector<16xi32>
      %add3A_765 = arith.addi %convert_element_type3A, %add3A_764 : vector<16xi32>
      %mul3A_766 = arith.constant 16 : i32
      %mul3A_767 = arith.muli %scan3A_758, %mul3A_766 : i32
      %swap3A = arith.index_cast %mul3A_767 : i32 to index
      %swap3A_768 = tpu.vector_load %arg10[%swap3A] {strides = array<i32>} : memref<512xi32, #tpu.memory_space<vmem>>, vector<16xi32>,
      tpu.vector_store %arg10[%swap3A], %add3A_765 {strides = array<i32>} : memref<512xi32, #tpu.memory_space<vmem>>, vector<16xi32>,
      %eq3A = arith.constant 0 : i32
      %eq3A_769 = vector.broadcast %eq3A : i32 to vector<16xi32>
      %eq3A_770 = arith.cmpi eq, %convert_element_type3A, %eq3A_769 : vector<16xi32>
      %broadcast_in_dim3A_771 = arith.constant 0.000000e+00 : f32
      %broadcast_in_dim3A_772 = vector.broadcast %broadcast_in_dim3A_771 : f32 to vector<16xf32>
      %broadcast_in_dim3A_773 = arith.constant 1.000000e+00 : f32
      %broadcast_in_dim3A_774 = vector.broadcast %broadcast_in_dim3A_773 : f32 to vector<16xf32>
      %select_n3A = arith.select %eq3A_770, %broadcast_in_dim3A_772, %broadcast_in_dim3A_774 : vector<16xi1>, vector<16xf32>
      %mul3A_775 = arith.constant 16 : i32
      %mul3A_776 = arith.muli %scan3A_758, %mul3A_775 : i32
      %swap3A_777 = arith.index_cast %mul3A_776 : i32 to index
      %swap3A_778 = tpu.vector_load %arg11[%swap3A_777] {strides = array<i32>} : memref<512xf32, #tpu.memory_space<vmem>>, vector<16xf32>,
      tpu.vector_store %arg11[%swap3A_777], %select_n3A {strides = array<i32>} : memref<512xf32, #tpu.memory_space<vmem>>, vector<16xf32>,
    }
    %scan3A_29 = arith.constant 32 : i32
    %dma_start3A_30 = arith.constant 0 : i32
    %dma_start3A_31 = arith.constant 0 : i32
    %dma_start3A_32 = tpu.memref_slice %arg3[%dma_start3A_30, %dma_start3A_31] : memref<2600026x16xf32, #tpu.memory_space<hbm>> -> memref<2600026x16xf32, #tpu.memory_space<hbm>>
    tpu.enqueue_indirect_dma source(%dma_start3A_32 : memref<2600026x16xf32, #tpu.memory_space<hbm>>) target(%arg12 : memref<512x16xf32, #tpu.memory_space<vmem>>) offsets(%arg10 : memref<512xi32, #tpu.memory_space<vmem>>) semaphore(%arg17 : memref<!tpu.dma_semaphore, #tpu.memory_space<semaphore_mem>>)
    %dma_wait3A_33 = arith.constant 0 : i32
    %dma_wait3A_34 = arith.constant 0 : i32
    %dma_wait3A_35 = tpu.memref_slice %arg3[%dma_wait3A_33, %dma_wait3A_34] : memref<2600026x16xf32, #tpu.memory_space<hbm>> -> memref<2600026x16xf32, #tpu.memory_space<hbm>>
    tpu.wait_indirect_dma semaphore(%arg17 : memref<!tpu.dma_semaphore, #tpu.memory_space<semaphore_mem>>) src(%dma_wait3A_35 : memref<2600026x16xf32, #tpu.memory_space<hbm>>) dst(%arg12 : memref<512x16xf32, #tpu.memory_space<vmem>>)
    %get3A_36 = arith.constant 1 : i32
    %get3A_37 = arith.index_cast %get3A_36 : i32 to index
    %get3A_38 = arith.constant 0 : index
    %get3A_39 = tpu.vector_load %arg13[%get3A_37, %get3A_38] {strides = array<i32>} : memref<26x16xf32, #tpu.memory_space<vmem>>, vector<16xf32>,
    %scan3A_40 = arith.constant 0 : i32
    %scan3A_41 = arith.constant 0 : i32
    %scan3A_42 = arith.constant 512 : i32
    %scan3A_43 = arith.addi %scan3A_41, %scan3A_42 : i32
    %scan3A_44 = arith.constant 1 : i32
    scf.for %scan3A_758 = %scan3A_41 to %scan3A_43 step %scan3A_44  : i32 {
      %broadcast_in_dim3A_759 = vector.broadcast %scan3A_758 : i32 to vector<16xi32>
      %gather3A = tpu.vector_load_idx %arg11[%broadcast_in_dim3A_759] : memref<512xf32, #tpu.memory_space<vmem>>[vector<16xi32>], vector<16xf32>,
      %get3A_760 = arith.index_cast %scan3A_758 : i32 to index
      %get3A_761 = arith.constant 0 : index
      %get3A_762 = tpu.vector_load %arg12[%get3A_760, %get3A_761] {strides = array<i32>} : memref<512x16xf32, #tpu.memory_space<vmem>>, vector<16xf32>,
      %mul3A_763 = arith.mulf %get3A_762, %gather3A : vector<16xf32>
      %add3A_764 = arith.addf %mul3A_763, %get3A_39 : vector<16xf32>
      %swap3A = arith.index_cast %scan3A_758 : i32 to index
      %swap3A_765 = arith.constant 0 : index
      %swap3A_766 = tpu.vector_load %arg12[%swap3A, %swap3A_765] {strides = array<i32>} : memref<512x16xf32, #tpu.memory_space<vmem>>, vector<16xf32>,
      tpu.vector_store %arg12[%swap3A, %swap3A_765], %add3A_764 {strides = array<i32>} : memref<512x16xf32, #tpu.memory_space<vmem>>, vector<16xf32>,
    }
    %scan3A_45 = arith.constant 512 : i32
    "tpu.region"() ({
      %run_scoped3A = tpu.sem_alloc : memref<!tpu.dma_semaphore, #tpu.memory_space<semaphore_mem>>
      %dma_start3A_758 = arith.constant 16 : i32
      %dma_start3A_759 = tpu.memref_slice %arg7[%mul3A_2, %dma_start3A_758] : memref<16384x416xf32, #tpu.memory_space<hbm>> -> memref<512x16xf32, #tpu.memory_space<hbm>>
      %dma_start3A_760 = arith.constant 16 : i32
      %dma_start3A_761 = tpu.memref_slice %arg7[%mul3A_2, %dma_start3A_760] : memref<16384x416xf32, #tpu.memory_space<hbm>> -> memref<512x16xf32, #tpu.memory_space<hbm>>
      tpu.enqueue_dma source(%arg12 : memref<512x16xf32, #tpu.memory_space<vmem>>) target(%dma_start3A_761 : memref<512x16xf32, #tpu.memory_space<hbm>>) target_semaphore(%run_scoped3A : memref<!tpu.dma_semaphore, #tpu.memory_space<semaphore_mem>>)
      %dma_wait3A_762 = arith.constant 16 : i32
      %dma_wait3A_763 = tpu.memref_slice %arg7[%mul3A_2, %dma_wait3A_762] : memref<16384x416xf32, #tpu.memory_space<hbm>> -> memref<512x16xf32, #tpu.memory_space<hbm>>
      %dma_wait3A_764 = arith.constant 16 : i32
      %dma_wait3A_765 = tpu.memref_slice %arg7[%mul3A_2, %dma_wait3A_764] : memref<16384x416xf32, #tpu.memory_space<hbm>> -> memref<512x16xf32, #tpu.memory_space<hbm>>
      tpu.wait_dma2 semaphore(%run_scoped3A : memref<!tpu.dma_semaphore, #tpu.memory_space<semaphore_mem>>) src(%arg12 : memref<512x16xf32, #tpu.memory_space<vmem>>) dst(%dma_wait3A_765 : memref<512x16xf32, #tpu.memory_space<hbm>>)
      tpu.yield
    }) : () -> ()
    %broadcast_in_dim3A_46 = arith.constant 2 : i32
    %broadcast_in_dim3A_47 = vector.broadcast %broadcast_in_dim3A_46 : i32 to vector<16xi32>
    %scan3A_48 = arith.constant 0 : i32
    %scan3A_49 = arith.constant 0 : i32
    %scan3A_50 = arith.constant 32 : i32
    %scan3A_51 = arith.addi %scan3A_49, %scan3A_50 : i32
    %scan3A_52 = arith.constant 1 : i32
    scf.for %scan3A_758 = %scan3A_49 to %scan3A_51 step %scan3A_52  : i32 {
      %mul3A_759 = arith.constant 16 : i32
      %mul3A_760 = arith.muli %scan3A_758, %mul3A_759 : i32
      %add3A_761 = vector.broadcast %mul3A_760 : i32 to vector<16xi32>
      %add3A_762 = arith.addi %add3A_761, %iota3A : vector<16xi32>
      %gather3A = tpu.vector_load_idx %arg9[%add3A_762, %broadcast_in_dim3A_47] : memref<512x39xf32, #tpu.memory_space<vmem>>[vector<16xi32>, vector<16xi32>], vector<16xf32>,
      %convert_element_type3A = arith.fptosi %gather3A : vector<16xf32> to vector<16xi32>
      %add3A_763 = arith.constant 200002 : i32
      %add3A_764 = vector.broadcast %add3A_763 : i32 to vector<16xi32>
      %add3A_765 = arith.addi %convert_element_type3A, %add3A_764 : vector<16xi32>
      %mul3A_766 = arith.constant 16 : i32
      %mul3A_767 = arith.muli %scan3A_758, %mul3A_766 : i32
      %swap3A = arith.index_cast %mul3A_767 : i32 to index
      %swap3A_768 = tpu.vector_load %arg10[%swap3A] {strides = array<i32>} : memref<512xi32, #tpu.memory_space<vmem>>, vector<16xi32>,
      tpu.vector_store %arg10[%swap3A], %add3A_765 {strides = array<i32>} : memref<512xi32, #tpu.memory_space<vmem>>, vector<16xi32>,
      %eq3A = arith.constant 0 : i32
      %eq3A_769 = vector.broadcast %eq3A : i32 to vector<16xi32>
      %eq3A_770 = arith.cmpi eq, %convert_element_type3A, %eq3A_769 : vector<16xi32>
      %broadcast_in_dim3A_771 = arith.constant 0.000000e+00 : f32
      %broadcast_in_dim3A_772 = vector.broadcast %broadcast_in_dim3A_771 : f32 to vector<16xf32>
      %broadcast_in_dim3A_773 = arith.constant 1.000000e+00 : f32
      %broadcast_in_dim3A_774 = vector.broadcast %broadcast_in_dim3A_773 : f32 to vector<16xf32>
      %select_n3A = arith.select %eq3A_770, %broadcast_in_dim3A_772, %broadcast_in_dim3A_774 : vector<16xi1>, vector<16xf32>
      %mul3A_775 = arith.constant 16 : i32
      %mul3A_776 = arith.muli %scan3A_758, %mul3A_775 : i32
      %swap3A_777 = arith.index_cast %mul3A_776 : i32 to index
      %swap3A_778 = tpu.vector_load %arg11[%swap3A_777] {strides = array<i32>} : memref<512xf32, #tpu.memory_space<vmem>>, vector<16xf32>,
      tpu.vector_store %arg11[%swap3A_777], %select_n3A {strides = array<i32>} : memref<512xf32, #tpu.memory_space<vmem>>, vector<16xf32>,
    }
    %scan3A_53 = arith.constant 32 : i32
    %dma_start3A_54 = arith.constant 0 : i32
    %dma_start3A_55 = arith.constant 0 : i32
    %dma_start3A_56 = tpu.memref_slice %arg3[%dma_start3A_54, %dma_start3A_55] : memref<2600026x16xf32, #tpu.memory_space<hbm>> -> memref<2600026x16xf32, #tpu.memory_space<hbm>>
    tpu.enqueue_indirect_dma source(%dma_start3A_56 : memref<2600026x16xf32, #tpu.memory_space<hbm>>) target(%arg12 : memref<512x16xf32, #tpu.memory_space<vmem>>) offsets(%arg10 : memref<512xi32, #tpu.memory_space<vmem>>) semaphore(%arg17 : memref<!tpu.dma_semaphore, #tpu.memory_space<semaphore_mem>>)
    %dma_wait3A_57 = arith.constant 0 : i32
    %dma_wait3A_58 = arith.constant 0 : i32
    %dma_wait3A_59 = tpu.memref_slice %arg3[%dma_wait3A_57, %dma_wait3A_58] : memref<2600026x16xf32, #tpu.memory_space<hbm>> -> memref<2600026x16xf32, #tpu.memory_space<hbm>>
    tpu.wait_indirect_dma semaphore(%arg17 : memref<!tpu.dma_semaphore, #tpu.memory_space<semaphore_mem>>) src(%dma_wait3A_59 : memref<2600026x16xf32, #tpu.memory_space<hbm>>) dst(%arg12 : memref<512x16xf32, #tpu.memory_space<vmem>>)
    %get3A_60 = arith.constant 2 : i32
    %get3A_61 = arith.index_cast %get3A_60 : i32 to index
    %get3A_62 = arith.constant 0 : index
    %get3A_63 = tpu.vector_load %arg13[%get3A_61, %get3A_62] {strides = array<i32>} : memref<26x16xf32, #tpu.memory_space<vmem>>, vector<16xf32>,
    %scan3A_64 = arith.constant 0 : i32
    %scan3A_65 = arith.constant 0 : i32
    %scan3A_66 = arith.constant 512 : i32
    %scan3A_67 = arith.addi %scan3A_65, %scan3A_66 : i32
    %scan3A_68 = arith.constant 1 : i32
    scf.for %scan3A_758 = %scan3A_65 to %scan3A_67 step %scan3A_68  : i32 {
      %broadcast_in_dim3A_759 = vector.broadcast %scan3A_758 : i32 to vector<16xi32>
      %gather3A = tpu.vector_load_idx %arg11[%broadcast_in_dim3A_759] : memref<512xf32, #tpu.memory_space<vmem>>[vector<16xi32>], vector<16xf32>,
      %get3A_760 = arith.index_cast %scan3A_758 : i32 to index
      %get3A_761 = arith.constant 0 : index
      %get3A_762 = tpu.vector_load %arg12[%get3A_760, %get3A_761] {strides = array<i32>} : memref<512x16xf32, #tpu.memory_space<vmem>>, vector<16xf32>,
      %mul3A_763 = arith.mulf %get3A_762, %gather3A : vector<16xf32>
      %add3A_764 = arith.addf %mul3A_763, %get3A_63 : vector<16xf32>
      %swap3A = arith.index_cast %scan3A_758 : i32 to index
      %swap3A_765 = arith.constant 0 : index
      %swap3A_766 = tpu.vector_load %arg12[%swap3A, %swap3A_765] {strides = array<i32>} : memref<512x16xf32, #tpu.memory_space<vmem>>, vector<16xf32>,
      tpu.vector_store %arg12[%swap3A, %swap3A_765], %add3A_764 {strides = array<i32>} : memref<512x16xf32, #tpu.memory_space<vmem>>, vector<16xf32>,
    }
    %scan3A_69 = arith.constant 512 : i32
    "tpu.region"() ({
      %run_scoped3A = tpu.sem_alloc : memref<!tpu.dma_semaphore, #tpu.memory_space<semaphore_mem>>
      %dma_start3A_758 = arith.constant 32 : i32
      %dma_start3A_759 = tpu.memref_slice %arg7[%mul3A_2, %dma_start3A_758] : memref<16384x416xf32, #tpu.memory_space<hbm>> -> memref<512x16xf32, #tpu.memory_space<hbm>>
      %dma_start3A_760 = arith.constant 32 : i32
      %dma_start3A_761 = tpu.memref_slice %arg7[%mul3A_2, %dma_start3A_760] : memref<16384x416xf32, #tpu.memory_space<hbm>> -> memref<512x16xf32, #tpu.memory_space<hbm>>
      tpu.enqueue_dma source(%arg12 : memref<512x16xf32, #tpu.memory_space<vmem>>) target(%dma_start3A_761 : memref<512x16xf32, #tpu.memory_space<hbm>>) target_semaphore(%run_scoped3A : memref<!tpu.dma_semaphore, #tpu.memory_space<semaphore_mem>>)
      %dma_wait3A_762 = arith.constant 32 : i32
      %dma_wait3A_763 = tpu.memref_slice %arg7[%mul3A_2, %dma_wait3A_762] : memref<16384x416xf32, #tpu.memory_space<hbm>> -> memref<512x16xf32, #tpu.memory_space<hbm>>
      %dma_wait3A_764 = arith.constant 32 : i32
      %dma_wait3A_765 = tpu.memref_slice %arg7[%mul3A_2, %dma_wait3A_764] : memref<16384x416xf32, #tpu.memory_space<hbm>> -> memref<512x16xf32, #tpu.memory_space<hbm>>
      tpu.wait_dma2 semaphore(%run_scoped3A : memref<!tpu.dma_semaphore, #tpu.memory_space<semaphore_mem>>) src(%arg12 : memref<512x16xf32, #tpu.memory_space<vmem>>) dst(%dma_wait3A_765 : memref<512x16xf32, #tpu.memory_space<hbm>>)
      tpu.yield
    }) : () -> ()
    %broadcast_in_dim3A_70 = arith.constant 3 : i32
    %broadcast_in_dim3A_71 = vector.broadcast %broadcast_in_dim3A_70 : i32 to vector<16xi32>
    %scan3A_72 = arith.constant 0 : i32
    %scan3A_73 = arith.constant 0 : i32
    %scan3A_74 = arith.constant 32 : i32
    %scan3A_75 = arith.addi %scan3A_73, %scan3A_74 : i32
    %scan3A_76 = arith.constant 1 : i32
    scf.for %scan3A_758 = %scan3A_73 to %scan3A_75 step %scan3A_76  : i32 {
      %mul3A_759 = arith.constant 16 : i32
      %mul3A_760 = arith.muli %scan3A_758, %mul3A_759 : i32
      %add3A_761 = vector.broadcast %mul3A_760 : i32 to vector<16xi32>
      %add3A_762 = arith.addi %add3A_761, %iota3A : vector<16xi32>
      %gather3A = tpu.vector_load_idx %arg9[%add3A_762, %broadcast_in_dim3A_71] : memref<512x39xf32, #tpu.memory_space<vmem>>[vector<16xi32>, vector<16xi32>], vector<16xf32>,
      %convert_element_type3A = arith.fptosi %gather3A : vector<16xf32> to vector<16xi32>
      %add3A_763 = arith.constant 300003 : i32
      %add3A_764 = vector.broadcast %add3A_763 : i32 to vector<16xi32>
      %add3A_765 = arith.addi %convert_element_type3A, %add3A_764 : vector<16xi32>
      %mul3A_766 = arith.constant 16 : i32
      %mul3A_767 = arith.muli %scan3A_758, %mul3A_766 : i32
      %swap3A = arith.index_cast %mul3A_767 : i32 to index
      %swap3A_768 = tpu.vector_load %arg10[%swap3A] {strides = array<i32>} : memref<512xi32, #tpu.memory_space<vmem>>, vector<16xi32>,
      tpu.vector_store %arg10[%swap3A], %add3A_765 {strides = array<i32>} : memref<512xi32, #tpu.memory_space<vmem>>, vector<16xi32>,
      %eq3A = arith.constant 0 : i32
      %eq3A_769 = vector.broadcast %eq3A : i32 to vector<16xi32>
      %eq3A_770 = arith.cmpi eq, %convert_element_type3A, %eq3A_769 : vector<16xi32>
      %broadcast_in_dim3A_771 = arith.constant 0.000000e+00 : f32
      %broadcast_in_dim3A_772 = vector.broadcast %broadcast_in_dim3A_771 : f32 to vector<16xf32>
      %broadcast_in_dim3A_773 = arith.constant 1.000000e+00 : f32
      %broadcast_in_dim3A_774 = vector.broadcast %broadcast_in_dim3A_773 : f32 to vector<16xf32>
      %select_n3A = arith.select %eq3A_770, %broadcast_in_dim3A_772, %broadcast_in_dim3A_774 : vector<16xi1>, vector<16xf32>
      %mul3A_775 = arith.constant 16 : i32
      %mul3A_776 = arith.muli %scan3A_758, %mul3A_775 : i32
      %swap3A_777 = arith.index_cast %mul3A_776 : i32 to index
      %swap3A_778 = tpu.vector_load %arg11[%swap3A_777] {strides = array<i32>} : memref<512xf32, #tpu.memory_space<vmem>>, vector<16xf32>,
      tpu.vector_store %arg11[%swap3A_777], %select_n3A {strides = array<i32>} : memref<512xf32, #tpu.memory_space<vmem>>, vector<16xf32>,
    }
    %scan3A_77 = arith.constant 32 : i32
    %dma_start3A_78 = arith.constant 0 : i32
    %dma_start3A_79 = arith.constant 0 : i32
    %dma_start3A_80 = tpu.memref_slice %arg3[%dma_start3A_78, %dma_start3A_79] : memref<2600026x16xf32, #tpu.memory_space<hbm>> -> memref<2600026x16xf32, #tpu.memory_space<hbm>>
    tpu.enqueue_indirect_dma source(%dma_start3A_80 : memref<2600026x16xf32, #tpu.memory_space<hbm>>) target(%arg12 : memref<512x16xf32, #tpu.memory_space<vmem>>) offsets(%arg10 : memref<512xi32, #tpu.memory_space<vmem>>) semaphore(%arg17 : memref<!tpu.dma_semaphore, #tpu.memory_space<semaphore_mem>>)
    %dma_wait3A_81 = arith.constant 0 : i32
    %dma_wait3A_82 = arith.constant 0 : i32
    %dma_wait3A_83 = tpu.memref_slice %arg3[%dma_wait3A_81, %dma_wait3A_82] : memref<2600026x16xf32, #tpu.memory_space<hbm>> -> memref<2600026x16xf32, #tpu.memory_space<hbm>>
    tpu.wait_indirect_dma semaphore(%arg17 : memref<!tpu.dma_semaphore, #tpu.memory_space<semaphore_mem>>) src(%dma_wait3A_83 : memref<2600026x16xf32, #tpu.memory_space<hbm>>) dst(%arg12 : memref<512x16xf32, #tpu.memory_space<vmem>>)
    %get3A_84 = arith.constant 3 : i32
    %get3A_85 = arith.index_cast %get3A_84 : i32 to index
    %get3A_86 = arith.constant 0 : index
    %get3A_87 = tpu.vector_load %arg13[%get3A_85, %get3A_86] {strides = array<i32>} : memref<26x16xf32, #tpu.memory_space<vmem>>, vector<16xf32>,
    %scan3A_88 = arith.constant 0 : i32
    %scan3A_89 = arith.constant 0 : i32
    %scan3A_90 = arith.constant 512 : i32
    %scan3A_91 = arith.addi %scan3A_89, %scan3A_90 : i32
    %scan3A_92 = arith.constant 1 : i32
    scf.for %scan3A_758 = %scan3A_89 to %scan3A_91 step %scan3A_92  : i32 {
      %broadcast_in_dim3A_759 = vector.broadcast %scan3A_758 : i32 to vector<16xi32>
      %gather3A = tpu.vector_load_idx %arg11[%broadcast_in_dim3A_759] : memref<512xf32, #tpu.memory_space<vmem>>[vector<16xi32>], vector<16xf32>,
      %get3A_760 = arith.index_cast %scan3A_758 : i32 to index
      %get3A_761 = arith.constant 0 : index
      %get3A_762 = tpu.vector_load %arg12[%get3A_760, %get3A_761] {strides = array<i32>} : memref<512x16xf32, #tpu.memory_space<vmem>>, vector<16xf32>,
      %mul3A_763 = arith.mulf %get3A_762, %gather3A : vector<16xf32>
      %add3A_764 = arith.addf %mul3A_763, %get3A_87 : vector<16xf32>
      %swap3A = arith.index_cast %scan3A_758 : i32 to index
      %swap3A_765 = arith.constant 0 : index
      %swap3A_766 = tpu.vector_load %arg12[%swap3A, %swap3A_765] {strides = array<i32>} : memref<512x16xf32, #tpu.memory_space<vmem>>, vector<16xf32>,
      tpu.vector_store %arg12[%swap3A, %swap3A_765], %add3A_764 {strides = array<i32>} : memref<512x16xf32, #tpu.memory_space<vmem>>, vector<16xf32>,
    }
    %scan3A_93 = arith.constant 512 : i32
    "tpu.region"() ({
      %run_scoped3A = tpu.sem_alloc : memref<!tpu.dma_semaphore, #tpu.memory_space<semaphore_mem>>
      %dma_start3A_758 = arith.constant 48 : i32
      %dma_start3A_759 = tpu.memref_slice %arg7[%mul3A_2, %dma_start3A_758] : memref<16384x416xf32, #tpu.memory_space<hbm>> -> memref<512x16xf32, #tpu.memory_space<hbm>>
      %dma_start3A_760 = arith.constant 48 : i32
      %dma_start3A_761 = tpu.memref_slice %arg7[%mul3A_2, %dma_start3A_760] : memref<16384x416xf32, #tpu.memory_space<hbm>> -> memref<512x16xf32, #tpu.memory_space<hbm>>
      tpu.enqueue_dma source(%arg12 : memref<512x16xf32, #tpu.memory_space<vmem>>) target(%dma_start3A_761 : memref<512x16xf32, #tpu.memory_space<hbm>>) target_semaphore(%run_scoped3A : memref<!tpu.dma_semaphore, #tpu.memory_space<semaphore_mem>>)
      %dma_wait3A_762 = arith.constant 48 : i32
      %dma_wait3A_763 = tpu.memref_slice %arg7[%mul3A_2, %dma_wait3A_762] : memref<16384x416xf32, #tpu.memory_space<hbm>> -> memref<512x16xf32, #tpu.memory_space<hbm>>
      %dma_wait3A_764 = arith.constant 48 : i32
      %dma_wait3A_765 = tpu.memref_slice %arg7[%mul3A_2, %dma_wait3A_764] : memref<16384x416xf32, #tpu.memory_space<hbm>> -> memref<512x16xf32, #tpu.memory_space<hbm>>
      tpu.wait_dma2 semaphore(%run_scoped3A : memref<!tpu.dma_semaphore, #tpu.memory_space<semaphore_mem>>) src(%arg12 : memref<512x16xf32, #tpu.memory_space<vmem>>) dst(%dma_wait3A_765 : memref<512x16xf32, #tpu.memory_space<hbm>>)
      tpu.yield
    }) : () -> ()
    %broadcast_in_dim3A_94 = arith.constant 4 : i32
    %broadcast_in_dim3A_95 = vector.broadcast %broadcast_in_dim3A_94 : i32 to vector<16xi32>
    %scan3A_96 = arith.constant 0 : i32
    %scan3A_97 = arith.constant 0 : i32
    %scan3A_98 = arith.constant 32 : i32
    %scan3A_99 = arith.addi %scan3A_97, %scan3A_98 : i32
    %scan3A_100 = arith.constant 1 : i32
    scf.for %scan3A_758 = %scan3A_97 to %scan3A_99 step %scan3A_100  : i32 {
      %mul3A_759 = arith.constant 16 : i32
      %mul3A_760 = arith.muli %scan3A_758, %mul3A_759 : i32
      %add3A_761 = vector.broadcast %mul3A_760 : i32 to vector<16xi32>
      %add3A_762 = arith.addi %add3A_761, %iota3A : vector<16xi32>
      %gather3A = tpu.vector_load_idx %arg9[%add3A_762, %broadcast_in_dim3A_95] : memref<512x39xf32, #tpu.memory_space<vmem>>[vector<16xi32>, vector<16xi32>], vector<16xf32>,
      %convert_element_type3A = arith.fptosi %gather3A : vector<16xf32> to vector<16xi32>
      %add3A_763 = arith.constant 400004 : i32
      %add3A_764 = vector.broadcast %add3A_763 : i32 to vector<16xi32>
      %add3A_765 = arith.addi %convert_element_type3A, %add3A_764 : vector<16xi32>
      %mul3A_766 = arith.constant 16 : i32
      %mul3A_767 = arith.muli %scan3A_758, %mul3A_766 : i32
      %swap3A = arith.index_cast %mul3A_767 : i32 to index
      %swap3A_768 = tpu.vector_load %arg10[%swap3A] {strides = array<i32>} : memref<512xi32, #tpu.memory_space<vmem>>, vector<16xi32>,
      tpu.vector_store %arg10[%swap3A], %add3A_765 {strides = array<i32>} : memref<512xi32, #tpu.memory_space<vmem>>, vector<16xi32>,
      %eq3A = arith.constant 0 : i32
      %eq3A_769 = vector.broadcast %eq3A : i32 to vector<16xi32>
      %eq3A_770 = arith.cmpi eq, %convert_element_type3A, %eq3A_769 : vector<16xi32>
      %broadcast_in_dim3A_771 = arith.constant 0.000000e+00 : f32
      %broadcast_in_dim3A_772 = vector.broadcast %broadcast_in_dim3A_771 : f32 to vector<16xf32>
      %broadcast_in_dim3A_773 = arith.constant 1.000000e+00 : f32
      %broadcast_in_dim3A_774 = vector.broadcast %broadcast_in_dim3A_773 : f32 to vector<16xf32>
      %select_n3A = arith.select %eq3A_770, %broadcast_in_dim3A_772, %broadcast_in_dim3A_774 : vector<16xi1>, vector<16xf32>
      %mul3A_775 = arith.constant 16 : i32
      %mul3A_776 = arith.muli %scan3A_758, %mul3A_775 : i32
      %swap3A_777 = arith.index_cast %mul3A_776 : i32 to index
      %swap3A_778 = tpu.vector_load %arg11[%swap3A_777] {strides = array<i32>} : memref<512xf32, #tpu.memory_space<vmem>>, vector<16xf32>,
      tpu.vector_store %arg11[%swap3A_777], %select_n3A {strides = array<i32>} : memref<512xf32, #tpu.memory_space<vmem>>, vector<16xf32>,
    }
    %scan3A_101 = arith.constant 32 : i32
    %dma_start3A_102 = arith.constant 0 : i32
    %dma_start3A_103 = arith.constant 0 : i32
    %dma_start3A_104 = tpu.memref_slice %arg3[%dma_start3A_102, %dma_start3A_103] : memref<2600026x16xf32, #tpu.memory_space<hbm>> -> memref<2600026x16xf32, #tpu.memory_space<hbm>>
    tpu.enqueue_indirect_dma source(%dma_start3A_104 : memref<2600026x16xf32, #tpu.memory_space<hbm>>) target(%arg12 : memref<512x16xf32, #tpu.memory_space<vmem>>) offsets(%arg10 : memref<512xi32, #tpu.memory_space<vmem>>) semaphore(%arg17 : memref<!tpu.dma_semaphore, #tpu.memory_space<semaphore_mem>>)
    %dma_wait3A_105 = arith.constant 0 : i32
    %dma_wait3A_106 = arith.constant 0 : i32
    %dma_wait3A_107 = tpu.memref_slice %arg3[%dma_wait3A_105, %dma_wait3A_106] : memref<2600026x16xf32, #tpu.memory_space<hbm>> -> memref<2600026x16xf32, #tpu.memory_space<hbm>>
    tpu.wait_indirect_dma semaphore(%arg17 : memref<!tpu.dma_semaphore, #tpu.memory_space<semaphore_mem>>) src(%dma_wait3A_107 : memref<2600026x16xf32, #tpu.memory_space<hbm>>) dst(%arg12 : memref<512x16xf32, #tpu.memory_space<vmem>>)
    %get3A_108 = arith.constant 4 : i32
    %get3A_109 = arith.index_cast %get3A_108 : i32 to index
    %get3A_110 = arith.constant 0 : index
    %get3A_111 = tpu.vector_load %arg13[%get3A_109, %get3A_110] {strides = array<i32>} : memref<26x16xf32, #tpu.memory_space<vmem>>, vector<16xf32>,
    %scan3A_112 = arith.constant 0 : i32
    %scan3A_113 = arith.constant 0 : i32
    %scan3A_114 = arith.constant 512 : i32
    %scan3A_115 = arith.addi %scan3A_113, %scan3A_114 : i32
    %scan3A_116 = arith.constant 1 : i32
    scf.for %scan3A_758 = %scan3A_113 to %scan3A_115 step %scan3A_116  : i32 {
      %broadcast_in_dim3A_759 = vector.broadcast %scan3A_758 : i32 to vector<16xi32>
      %gather3A = tpu.vector_load_idx %arg11[%broadcast_in_dim3A_759] : memref<512xf32, #tpu.memory_space<vmem>>[vector<16xi32>], vector<16xf32>,
      %get3A_760 = arith.index_cast %scan3A_758 : i32 to index
      %get3A_761 = arith.constant 0 : index
      %get3A_762 = tpu.vector_load %arg12[%get3A_760, %get3A_761] {strides = array<i32>} : memref<512x16xf32, #tpu.memory_space<vmem>>, vector<16xf32>,
      %mul3A_763 = arith.mulf %get3A_762, %gather3A : vector<16xf32>
      %add3A_764 = arith.addf %mul3A_763, %get3A_111 : vector<16xf32>
      %swap3A = arith.index_cast %scan3A_758 : i32 to index
      %swap3A_765 = arith.constant 0 : index
      %swap3A_766 = tpu.vector_load %arg12[%swap3A, %swap3A_765] {strides = array<i32>} : memref<512x16xf32, #tpu.memory_space<vmem>>, vector<16xf32>,
      tpu.vector_store %arg12[%swap3A, %swap3A_765], %add3A_764 {strides = array<i32>} : memref<512x16xf32, #tpu.memory_space<vmem>>, vector<16xf32>,
    }
    %scan3A_117 = arith.constant 512 : i32
    "tpu.region"() ({
      %run_scoped3A = tpu.sem_alloc : memref<!tpu.dma_semaphore, #tpu.memory_space<semaphore_mem>>
      %dma_start3A_758 = arith.constant 64 : i32
      %dma_start3A_759 = tpu.memref_slice %arg7[%mul3A_2, %dma_start3A_758] : memref<16384x416xf32, #tpu.memory_space<hbm>> -> memref<512x16xf32, #tpu.memory_space<hbm>>
      %dma_start3A_760 = arith.constant 64 : i32
      %dma_start3A_761 = tpu.memref_slice %arg7[%mul3A_2, %dma_start3A_760] : memref<16384x416xf32, #tpu.memory_space<hbm>> -> memref<512x16xf32, #tpu.memory_space<hbm>>
      tpu.enqueue_dma source(%arg12 : memref<512x16xf32, #tpu.memory_space<vmem>>) target(%dma_start3A_761 : memref<512x16xf32, #tpu.memory_space<hbm>>) target_semaphore(%run_scoped3A : memref<!tpu.dma_semaphore, #tpu.memory_space<semaphore_mem>>)
      %dma_wait3A_762 = arith.constant 64 : i32
      %dma_wait3A_763 = tpu.memref_slice %arg7[%mul3A_2, %dma_wait3A_762] : memref<16384x416xf32, #tpu.memory_space<hbm>> -> memref<512x16xf32, #tpu.memory_space<hbm>>
      %dma_wait3A_764 = arith.constant 64 : i32
      %dma_wait3A_765 = tpu.memref_slice %arg7[%mul3A_2, %dma_wait3A_764] : memref<16384x416xf32, #tpu.memory_space<hbm>> -> memref<512x16xf32, #tpu.memory_space<hbm>>
      tpu.wait_dma2 semaphore(%run_scoped3A : memref<!tpu.dma_semaphore, #tpu.memory_space<semaphore_mem>>) src(%arg12 : memref<512x16xf32, #tpu.memory_space<vmem>>) dst(%dma_wait3A_765 : memref<512x16xf32, #tpu.memory_space<hbm>>)
      tpu.yield
    }) : () -> ()
    %broadcast_in_dim3A_118 = arith.constant 5 : i32
    %broadcast_in_dim3A_119 = vector.broadcast %broadcast_in_dim3A_118 : i32 to vector<16xi32>
    %scan3A_120 = arith.constant 0 : i32
    %scan3A_121 = arith.constant 0 : i32
    %scan3A_122 = arith.constant 32 : i32
    %scan3A_123 = arith.addi %scan3A_121, %scan3A_122 : i32
    %scan3A_124 = arith.constant 1 : i32
    scf.for %scan3A_758 = %scan3A_121 to %scan3A_123 step %scan3A_124  : i32 {
      %mul3A_759 = arith.constant 16 : i32
      %mul3A_760 = arith.muli %scan3A_758, %mul3A_759 : i32
      %add3A_761 = vector.broadcast %mul3A_760 : i32 to vector<16xi32>
      %add3A_762 = arith.addi %add3A_761, %iota3A : vector<16xi32>
      %gather3A = tpu.vector_load_idx %arg9[%add3A_762, %broadcast_in_dim3A_119] : memref<512x39xf32, #tpu.memory_space<vmem>>[vector<16xi32>, vector<16xi32>], vector<16xf32>,
      %convert_element_type3A = arith.fptosi %gather3A : vector<16xf32> to vector<16xi32>
      %add3A_763 = arith.constant 500005 : i32
      %add3A_764 = vector.broadcast %add3A_763 : i32 to vector<16xi32>
      %add3A_765 = arith.addi %convert_element_type3A, %add3A_764 : vector<16xi32>
      %mul3A_766 = arith.constant 16 : i32
      %mul3A_767 = arith.muli %scan3A_758, %mul3A_766 : i32
      %swap3A = arith.index_cast %mul3A_767 : i32 to index
      %swap3A_768 = tpu.vector_load %arg10[%swap3A] {strides = array<i32>} : memref<512xi32, #tpu.memory_space<vmem>>, vector<16xi32>,
      tpu.vector_store %arg10[%swap3A], %add3A_765 {strides = array<i32>} : memref<512xi32, #tpu.memory_space<vmem>>, vector<16xi32>,
      %eq3A = arith.constant 0 : i32
      %eq3A_769 = vector.broadcast %eq3A : i32 to vector<16xi32>
      %eq3A_770 = arith.cmpi eq, %convert_element_type3A, %eq3A_769 : vector<16xi32>
      %broadcast_in_dim3A_771 = arith.constant 0.000000e+00 : f32
      %broadcast_in_dim3A_772 = vector.broadcast %broadcast_in_dim3A_771 : f32 to vector<16xf32>
      %broadcast_in_dim3A_773 = arith.constant 1.000000e+00 : f32
      %broadcast_in_dim3A_774 = vector.broadcast %broadcast_in_dim3A_773 : f32 to vector<16xf32>
      %select_n3A = arith.select %eq3A_770, %broadcast_in_dim3A_772, %broadcast_in_dim3A_774 : vector<16xi1>, vector<16xf32>
      %mul3A_775 = arith.constant 16 : i32
      %mul3A_776 = arith.muli %scan3A_758, %mul3A_775 : i32
      %swap3A_777 = arith.index_cast %mul3A_776 : i32 to index
      %swap3A_778 = tpu.vector_load %arg11[%swap3A_777] {strides = array<i32>} : memref<512xf32, #tpu.memory_space<vmem>>, vector<16xf32>,
      tpu.vector_store %arg11[%swap3A_777], %select_n3A {strides = array<i32>} : memref<512xf32, #tpu.memory_space<vmem>>, vector<16xf32>,
    }
    %scan3A_125 = arith.constant 32 : i32
    %dma_start3A_126 = arith.constant 0 : i32
    %dma_start3A_127 = arith.constant 0 : i32
    %dma_start3A_128 = tpu.memref_slice %arg3[%dma_start3A_126, %dma_start3A_127] : memref<2600026x16xf32, #tpu.memory_space<hbm>> -> memref<2600026x16xf32, #tpu.memory_space<hbm>>
    tpu.enqueue_indirect_dma source(%dma_start3A_128 : memref<2600026x16xf32, #tpu.memory_space<hbm>>) target(%arg12 : memref<512x16xf32, #tpu.memory_space<vmem>>) offsets(%arg10 : memref<512xi32, #tpu.memory_space<vmem>>) semaphore(%arg17 : memref<!tpu.dma_semaphore, #tpu.memory_space<semaphore_mem>>)
    %dma_wait3A_129 = arith.constant 0 : i32
    %dma_wait3A_130 = arith.constant 0 : i32
    %dma_wait3A_131 = tpu.memref_slice %arg3[%dma_wait3A_129, %dma_wait3A_130] : memref<2600026x16xf32, #tpu.memory_space<hbm>> -> memref<2600026x16xf32, #tpu.memory_space<hbm>>
    tpu.wait_indirect_dma semaphore(%arg17 : memref<!tpu.dma_semaphore, #tpu.memory_space<semaphore_mem>>) src(%dma_wait3A_131 : memref<2600026x16xf32, #tpu.memory_space<hbm>>) dst(%arg12 : memref<512x16xf32, #tpu.memory_space<vmem>>)
    %get3A_132 = arith.constant 5 : i32
    %get3A_133 = arith.index_cast %get3A_132 : i32 to index
    %get3A_134 = arith.constant 0 : index
    %get3A_135 = tpu.vector_load %arg13[%get3A_133, %get3A_134] {strides = array<i32>} : memref<26x16xf32, #tpu.memory_space<vmem>>, vector<16xf32>,
    %scan3A_136 = arith.constant 0 : i32
    %scan3A_137 = arith.constant 0 : i32
    %scan3A_138 = arith.constant 512 : i32
    %scan3A_139 = arith.addi %scan3A_137, %scan3A_138 : i32
    %scan3A_140 = arith.constant 1 : i32
    scf.for %scan3A_758 = %scan3A_137 to %scan3A_139 step %scan3A_140  : i32 {
      %broadcast_in_dim3A_759 = vector.broadcast %scan3A_758 : i32 to vector<16xi32>
      %gather3A = tpu.vector_load_idx %arg11[%broadcast_in_dim3A_759] : memref<512xf32, #tpu.memory_space<vmem>>[vector<16xi32>], vector<16xf32>,
      %get3A_760 = arith.index_cast %scan3A_758 : i32 to index
      %get3A_761 = arith.constant 0 : index
      %get3A_762 = tpu.vector_load %arg12[%get3A_760, %get3A_761] {strides = array<i32>} : memref<512x16xf32, #tpu.memory_space<vmem>>, vector<16xf32>,
      %mul3A_763 = arith.mulf %get3A_762, %gather3A : vector<16xf32>
      %add3A_764 = arith.addf %mul3A_763, %get3A_135 : vector<16xf32>
      %swap3A = arith.index_cast %scan3A_758 : i32 to index
      %swap3A_765 = arith.constant 0 : index
      %swap3A_766 = tpu.vector_load %arg12[%swap3A, %swap3A_765] {strides = array<i32>} : memref<512x16xf32, #tpu.memory_space<vmem>>, vector<16xf32>,
      tpu.vector_store %arg12[%swap3A, %swap3A_765], %add3A_764 {strides = array<i32>} : memref<512x16xf32, #tpu.memory_space<vmem>>, vector<16xf32>,
    }
    %scan3A_141 = arith.constant 512 : i32
    "tpu.region"() ({
      %run_scoped3A = tpu.sem_alloc : memref<!tpu.dma_semaphore, #tpu.memory_space<semaphore_mem>>
      %dma_start3A_758 = arith.constant 80 : i32
      %dma_start3A_759 = tpu.memref_slice %arg7[%mul3A_2, %dma_start3A_758] : memref<16384x416xf32, #tpu.memory_space<hbm>> -> memref<512x16xf32, #tpu.memory_space<hbm>>
      %dma_start3A_760 = arith.constant 80 : i32
      %dma_start3A_761 = tpu.memref_slice %arg7[%mul3A_2, %dma_start3A_760] : memref<16384x416xf32, #tpu.memory_space<hbm>> -> memref<512x16xf32, #tpu.memory_space<hbm>>
      tpu.enqueue_dma source(%arg12 : memref<512x16xf32, #tpu.memory_space<vmem>>) target(%dma_start3A_761 : memref<512x16xf32, #tpu.memory_space<hbm>>) target_semaphore(%run_scoped3A : memref<!tpu.dma_semaphore, #tpu.memory_space<semaphore_mem>>)
      %dma_wait3A_762 = arith.constant 80 : i32
      %dma_wait3A_763 = tpu.memref_slice %arg7[%mul3A_2, %dma_wait3A_762] : memref<16384x416xf32, #tpu.memory_space<hbm>> -> memref<512x16xf32, #tpu.memory_space<hbm>>
      %dma_wait3A_764 = arith.constant 80 : i32
      %dma_wait3A_765 = tpu.memref_slice %arg7[%mul3A_2, %dma_wait3A_764] : memref<16384x416xf32, #tpu.memory_space<hbm>> -> memref<512x16xf32, #tpu.memory_space<hbm>>
      tpu.wait_dma2 semaphore(%run_scoped3A : memref<!tpu.dma_semaphore, #tpu.memory_space<semaphore_mem>>) src(%arg12 : memref<512x16xf32, #tpu.memory_space<vmem>>) dst(%dma_wait3A_765 : memref<512x16xf32, #tpu.memory_space<hbm>>)
      tpu.yield
    }) : () -> ()
    %broadcast_in_dim3A_142 = arith.constant 6 : i32
    %broadcast_in_dim3A_143 = vector.broadcast %broadcast_in_dim3A_142 : i32 to vector<16xi32>
    %scan3A_144 = arith.constant 0 : i32
    %scan3A_145 = arith.constant 0 : i32
    %scan3A_146 = arith.constant 32 : i32
    %scan3A_147 = arith.addi %scan3A_145, %scan3A_146 : i32
    %scan3A_148 = arith.constant 1 : i32
    scf.for %scan3A_758 = %scan3A_145 to %scan3A_147 step %scan3A_148  : i32 {
      %mul3A_759 = arith.constant 16 : i32
      %mul3A_760 = arith.muli %scan3A_758, %mul3A_759 : i32
      %add3A_761 = vector.broadcast %mul3A_760 : i32 to vector<16xi32>
      %add3A_762 = arith.addi %add3A_761, %iota3A : vector<16xi32>
      %gather3A = tpu.vector_load_idx %arg9[%add3A_762, %broadcast_in_dim3A_143] : memref<512x39xf32, #tpu.memory_space<vmem>>[vector<16xi32>, vector<16xi32>], vector<16xf32>,
      %convert_element_type3A = arith.fptosi %gather3A : vector<16xf32> to vector<16xi32>
      %add3A_763 = arith.constant 600006 : i32
      %add3A_764 = vector.broadcast %add3A_763 : i32 to vector<16xi32>
      %add3A_765 = arith.addi %convert_element_type3A, %add3A_764 : vector<16xi32>
      %mul3A_766 = arith.constant 16 : i32
      %mul3A_767 = arith.muli %scan3A_758, %mul3A_766 : i32
      %swap3A = arith.index_cast %mul3A_767 : i32 to index
      %swap3A_768 = tpu.vector_load %arg10[%swap3A] {strides = array<i32>} : memref<512xi32, #tpu.memory_space<vmem>>, vector<16xi32>,
      tpu.vector_store %arg10[%swap3A], %add3A_765 {strides = array<i32>} : memref<512xi32, #tpu.memory_space<vmem>>, vector<16xi32>,
      %eq3A = arith.constant 0 : i32
      %eq3A_769 = vector.broadcast %eq3A : i32 to vector<16xi32>
      %eq3A_770 = arith.cmpi eq, %convert_element_type3A, %eq3A_769 : vector<16xi32>
      %broadcast_in_dim3A_771 = arith.constant 0.000000e+00 : f32
      %broadcast_in_dim3A_772 = vector.broadcast %broadcast_in_dim3A_771 : f32 to vector<16xf32>
      %broadcast_in_dim3A_773 = arith.constant 1.000000e+00 : f32
      %broadcast_in_dim3A_774 = vector.broadcast %broadcast_in_dim3A_773 : f32 to vector<16xf32>
      %select_n3A = arith.select %eq3A_770, %broadcast_in_dim3A_772, %broadcast_in_dim3A_774 : vector<16xi1>, vector<16xf32>
      %mul3A_775 = arith.constant 16 : i32
      %mul3A_776 = arith.muli %scan3A_758, %mul3A_775 : i32
      %swap3A_777 = arith.index_cast %mul3A_776 : i32 to index
      %swap3A_778 = tpu.vector_load %arg11[%swap3A_777] {strides = array<i32>} : memref<512xf32, #tpu.memory_space<vmem>>, vector<16xf32>,
      tpu.vector_store %arg11[%swap3A_777], %select_n3A {strides = array<i32>} : memref<512xf32, #tpu.memory_space<vmem>>, vector<16xf32>,
    }
    %scan3A_149 = arith.constant 32 : i32
    %dma_start3A_150 = arith.constant 0 : i32
    %dma_start3A_151 = arith.constant 0 : i32
    %dma_start3A_152 = tpu.memref_slice %arg3[%dma_start3A_150, %dma_start3A_151] : memref<2600026x16xf32, #tpu.memory_space<hbm>> -> memref<2600026x16xf32, #tpu.memory_space<hbm>>
    tpu.enqueue_indirect_dma source(%dma_start3A_152 : memref<2600026x16xf32, #tpu.memory_space<hbm>>) target(%arg12 : memref<512x16xf32, #tpu.memory_space<vmem>>) offsets(%arg10 : memref<512xi32, #tpu.memory_space<vmem>>) semaphore(%arg17 : memref<!tpu.dma_semaphore, #tpu.memory_space<semaphore_mem>>)
    %dma_wait3A_153 = arith.constant 0 : i32
    %dma_wait3A_154 = arith.constant 0 : i32
    %dma_wait3A_155 = tpu.memref_slice %arg3[%dma_wait3A_153, %dma_wait3A_154] : memref<2600026x16xf32, #tpu.memory_space<hbm>> -> memref<2600026x16xf32, #tpu.memory_space<hbm>>
    tpu.wait_indirect_dma semaphore(%arg17 : memref<!tpu.dma_semaphore, #tpu.memory_space<semaphore_mem>>) src(%dma_wait3A_155 : memref<2600026x16xf32, #tpu.memory_space<hbm>>) dst(%arg12 : memref<512x16xf32, #tpu.memory_space<vmem>>)
    %get3A_156 = arith.constant 6 : i32
    %get3A_157 = arith.index_cast %get3A_156 : i32 to index
    %get3A_158 = arith.constant 0 : index
    %get3A_159 = tpu.vector_load %arg13[%get3A_157, %get3A_158] {strides = array<i32>} : memref<26x16xf32, #tpu.memory_space<vmem>>, vector<16xf32>,
    %scan3A_160 = arith.constant 0 : i32
    %scan3A_161 = arith.constant 0 : i32
    %scan3A_162 = arith.constant 512 : i32
    %scan3A_163 = arith.addi %scan3A_161, %scan3A_162 : i32
    %scan3A_164 = arith.constant 1 : i32
    scf.for %scan3A_758 = %scan3A_161 to %scan3A_163 step %scan3A_164  : i32 {
      %broadcast_in_dim3A_759 = vector.broadcast %scan3A_758 : i32 to vector<16xi32>
      %gather3A = tpu.vector_load_idx %arg11[%broadcast_in_dim3A_759] : memref<512xf32, #tpu.memory_space<vmem>>[vector<16xi32>], vector<16xf32>,
      %get3A_760 = arith.index_cast %scan3A_758 : i32 to index
      %get3A_761 = arith.constant 0 : index
      %get3A_762 = tpu.vector_load %arg12[%get3A_760, %get3A_761] {strides = array<i32>} : memref<512x16xf32, #tpu.memory_space<vmem>>, vector<16xf32>,
      %mul3A_763 = arith.mulf %get3A_762, %gather3A : vector<16xf32>
      %add3A_764 = arith.addf %mul3A_763, %get3A_159 : vector<16xf32>
      %swap3A = arith.index_cast %scan3A_758 : i32 to index
      %swap3A_765 = arith.constant 0 : index
      %swap3A_766 = tpu.vector_load %arg12[%swap3A, %swap3A_765] {strides = array<i32>} : memref<512x16xf32, #tpu.memory_space<vmem>>, vector<16xf32>,
      tpu.vector_store %arg12[%swap3A, %swap3A_765], %add3A_764 {strides = array<i32>} : memref<512x16xf32, #tpu.memory_space<vmem>>, vector<16xf32>,
    }
    %scan3A_165 = arith.constant 512 : i32
    "tpu.region"() ({
      %run_scoped3A = tpu.sem_alloc : memref<!tpu.dma_semaphore, #tpu.memory_space<semaphore_mem>>
      %dma_start3A_758 = arith.constant 96 : i32
      %dma_start3A_759 = tpu.memref_slice %arg7[%mul3A_2, %dma_start3A_758] : memref<16384x416xf32, #tpu.memory_space<hbm>> -> memref<512x16xf32, #tpu.memory_space<hbm>>
      %dma_start3A_760 = arith.constant 96 : i32
      %dma_start3A_761 = tpu.memref_slice %arg7[%mul3A_2, %dma_start3A_760] : memref<16384x416xf32, #tpu.memory_space<hbm>> -> memref<512x16xf32, #tpu.memory_space<hbm>>
      tpu.enqueue_dma source(%arg12 : memref<512x16xf32, #tpu.memory_space<vmem>>) target(%dma_start3A_761 : memref<512x16xf32, #tpu.memory_space<hbm>>) target_semaphore(%run_scoped3A : memref<!tpu.dma_semaphore, #tpu.memory_space<semaphore_mem>>)
      %dma_wait3A_762 = arith.constant 96 : i32
      %dma_wait3A_763 = tpu.memref_slice %arg7[%mul3A_2, %dma_wait3A_762] : memref<16384x416xf32, #tpu.memory_space<hbm>> -> memref<512x16xf32, #tpu.memory_space<hbm>>
      %dma_wait3A_764 = arith.constant 96 : i32
      %dma_wait3A_765 = tpu.memref_slice %arg7[%mul3A_2, %dma_wait3A_764] : memref<16384x416xf32, #tpu.memory_space<hbm>> -> memref<512x16xf32, #tpu.memory_space<hbm>>
      tpu.wait_dma2 semaphore(%run_scoped3A : memref<!tpu.dma_semaphore, #tpu.memory_space<semaphore_mem>>) src(%arg12 : memref<512x16xf32, #tpu.memory_space<vmem>>) dst(%dma_wait3A_765 : memref<512x16xf32, #tpu.memory_space<hbm>>)
      tpu.yield
    }) : () -> ()
    %broadcast_in_dim3A_166 = arith.constant 7 : i32
    %broadcast_in_dim3A_167 = vector.broadcast %broadcast_in_dim3A_166 : i32 to vector<16xi32>
    %scan3A_168 = arith.constant 0 : i32
    %scan3A_169 = arith.constant 0 : i32
    %scan3A_170 = arith.constant 32 : i32
    %scan3A_171 = arith.addi %scan3A_169, %scan3A_170 : i32
    %scan3A_172 = arith.constant 1 : i32
    scf.for %scan3A_758 = %scan3A_169 to %scan3A_171 step %scan3A_172  : i32 {
      %mul3A_759 = arith.constant 16 : i32
      %mul3A_760 = arith.muli %scan3A_758, %mul3A_759 : i32
      %add3A_761 = vector.broadcast %mul3A_760 : i32 to vector<16xi32>
      %add3A_762 = arith.addi %add3A_761, %iota3A : vector<16xi32>
      %gather3A = tpu.vector_load_idx %arg9[%add3A_762, %broadcast_in_dim3A_167] : memref<512x39xf32, #tpu.memory_space<vmem>>[vector<16xi32>, vector<16xi32>], vector<16xf32>,
      %convert_element_type3A = arith.fptosi %gather3A : vector<16xf32> to vector<16xi32>
      %add3A_763 = arith.constant 700007 : i32
      %add3A_764 = vector.broadcast %add3A_763 : i32 to vector<16xi32>
      %add3A_765 = arith.addi %convert_element_type3A, %add3A_764 : vector<16xi32>
      %mul3A_766 = arith.constant 16 : i32
      %mul3A_767 = arith.muli %scan3A_758, %mul3A_766 : i32
      %swap3A = arith.index_cast %mul3A_767 : i32 to index
      %swap3A_768 = tpu.vector_load %arg10[%swap3A] {strides = array<i32>} : memref<512xi32, #tpu.memory_space<vmem>>, vector<16xi32>,
      tpu.vector_store %arg10[%swap3A], %add3A_765 {strides = array<i32>} : memref<512xi32, #tpu.memory_space<vmem>>, vector<16xi32>,
      %eq3A = arith.constant 0 : i32
      %eq3A_769 = vector.broadcast %eq3A : i32 to vector<16xi32>
      %eq3A_770 = arith.cmpi eq, %convert_element_type3A, %eq3A_769 : vector<16xi32>
      %broadcast_in_dim3A_771 = arith.constant 0.000000e+00 : f32
      %broadcast_in_dim3A_772 = vector.broadcast %broadcast_in_dim3A_771 : f32 to vector<16xf32>
      %broadcast_in_dim3A_773 = arith.constant 1.000000e+00 : f32
      %broadcast_in_dim3A_774 = vector.broadcast %broadcast_in_dim3A_773 : f32 to vector<16xf32>
      %select_n3A = arith.select %eq3A_770, %broadcast_in_dim3A_772, %broadcast_in_dim3A_774 : vector<16xi1>, vector<16xf32>
      %mul3A_775 = arith.constant 16 : i32
      %mul3A_776 = arith.muli %scan3A_758, %mul3A_775 : i32
      %swap3A_777 = arith.index_cast %mul3A_776 : i32 to index
      %swap3A_778 = tpu.vector_load %arg11[%swap3A_777] {strides = array<i32>} : memref<512xf32, #tpu.memory_space<vmem>>, vector<16xf32>,
      tpu.vector_store %arg11[%swap3A_777], %select_n3A {strides = array<i32>} : memref<512xf32, #tpu.memory_space<vmem>>, vector<16xf32>,
    }
    %scan3A_173 = arith.constant 32 : i32
    %dma_start3A_174 = arith.constant 0 : i32
    %dma_start3A_175 = arith.constant 0 : i32
    %dma_start3A_176 = tpu.memref_slice %arg3[%dma_start3A_174, %dma_start3A_175] : memref<2600026x16xf32, #tpu.memory_space<hbm>> -> memref<2600026x16xf32, #tpu.memory_space<hbm>>
    tpu.enqueue_indirect_dma source(%dma_start3A_176 : memref<2600026x16xf32, #tpu.memory_space<hbm>>) target(%arg12 : memref<512x16xf32, #tpu.memory_space<vmem>>) offsets(%arg10 : memref<512xi32, #tpu.memory_space<vmem>>) semaphore(%arg17 : memref<!tpu.dma_semaphore, #tpu.memory_space<semaphore_mem>>)
    %dma_wait3A_177 = arith.constant 0 : i32
    %dma_wait3A_178 = arith.constant 0 : i32
    %dma_wait3A_179 = tpu.memref_slice %arg3[%dma_wait3A_177, %dma_wait3A_178] : memref<2600026x16xf32, #tpu.memory_space<hbm>> -> memref<2600026x16xf32, #tpu.memory_space<hbm>>
    tpu.wait_indirect_dma semaphore(%arg17 : memref<!tpu.dma_semaphore, #tpu.memory_space<semaphore_mem>>) src(%dma_wait3A_179 : memref<2600026x16xf32, #tpu.memory_space<hbm>>) dst(%arg12 : memref<512x16xf32, #tpu.memory_space<vmem>>)
    %get3A_180 = arith.constant 7 : i32
    %get3A_181 = arith.index_cast %get3A_180 : i32 to index
    %get3A_182 = arith.constant 0 : index
    %get3A_183 = tpu.vector_load %arg13[%get3A_181, %get3A_182] {strides = array<i32>} : memref<26x16xf32, #tpu.memory_space<vmem>>, vector<16xf32>,
    %scan3A_184 = arith.constant 0 : i32
    %scan3A_185 = arith.constant 0 : i32
    %scan3A_186 = arith.constant 512 : i32
    %scan3A_187 = arith.addi %scan3A_185, %scan3A_186 : i32
    %scan3A_188 = arith.constant 1 : i32
    scf.for %scan3A_758 = %scan3A_185 to %scan3A_187 step %scan3A_188  : i32 {
      %broadcast_in_dim3A_759 = vector.broadcast %scan3A_758 : i32 to vector<16xi32>
      %gather3A = tpu.vector_load_idx %arg11[%broadcast_in_dim3A_759] : memref<512xf32, #tpu.memory_space<vmem>>[vector<16xi32>], vector<16xf32>,
      %get3A_760 = arith.index_cast %scan3A_758 : i32 to index
      %get3A_761 = arith.constant 0 : index
      %get3A_762 = tpu.vector_load %arg12[%get3A_760, %get3A_761] {strides = array<i32>} : memref<512x16xf32, #tpu.memory_space<vmem>>, vector<16xf32>,
      %mul3A_763 = arith.mulf %get3A_762, %gather3A : vector<16xf32>
      %add3A_764 = arith.addf %mul3A_763, %get3A_183 : vector<16xf32>
      %swap3A = arith.index_cast %scan3A_758 : i32 to index
      %swap3A_765 = arith.constant 0 : index
      %swap3A_766 = tpu.vector_load %arg12[%swap3A, %swap3A_765] {strides = array<i32>} : memref<512x16xf32, #tpu.memory_space<vmem>>, vector<16xf32>,
      tpu.vector_store %arg12[%swap3A, %swap3A_765], %add3A_764 {strides = array<i32>} : memref<512x16xf32, #tpu.memory_space<vmem>>, vector<16xf32>,
    }
    %scan3A_189 = arith.constant 512 : i32
    "tpu.region"() ({
      %run_scoped3A = tpu.sem_alloc : memref<!tpu.dma_semaphore, #tpu.memory_space<semaphore_mem>>
      %dma_start3A_758 = arith.constant 112 : i32
      %dma_start3A_759 = tpu.memref_slice %arg7[%mul3A_2, %dma_start3A_758] : memref<16384x416xf32, #tpu.memory_space<hbm>> -> memref<512x16xf32, #tpu.memory_space<hbm>>
      %dma_start3A_760 = arith.constant 112 : i32
      %dma_start3A_761 = tpu.memref_slice %arg7[%mul3A_2, %dma_start3A_760] : memref<16384x416xf32, #tpu.memory_space<hbm>> -> memref<512x16xf32, #tpu.memory_space<hbm>>
      tpu.enqueue_dma source(%arg12 : memref<512x16xf32, #tpu.memory_space<vmem>>) target(%dma_start3A_761 : memref<512x16xf32, #tpu.memory_space<hbm>>) target_semaphore(%run_scoped3A : memref<!tpu.dma_semaphore, #tpu.memory_space<semaphore_mem>>)
      %dma_wait3A_762 = arith.constant 112 : i32
      %dma_wait3A_763 = tpu.memref_slice %arg7[%mul3A_2, %dma_wait3A_762] : memref<16384x416xf32, #tpu.memory_space<hbm>> -> memref<512x16xf32, #tpu.memory_space<hbm>>
      %dma_wait3A_764 = arith.constant 112 : i32
      %dma_wait3A_765 = tpu.memref_slice %arg7[%mul3A_2, %dma_wait3A_764] : memref<16384x416xf32, #tpu.memory_space<hbm>> -> memref<512x16xf32, #tpu.memory_space<hbm>>
      tpu.wait_dma2 semaphore(%run_scoped3A : memref<!tpu.dma_semaphore, #tpu.memory_space<semaphore_mem>>) src(%arg12 : memref<512x16xf32, #tpu.memory_space<vmem>>) dst(%dma_wait3A_765 : memref<512x16xf32, #tpu.memory_space<hbm>>)
      tpu.yield
    }) : () -> ()
    %broadcast_in_dim3A_190 = arith.constant 8 : i32
    %broadcast_in_dim3A_191 = vector.broadcast %broadcast_in_dim3A_190 : i32 to vector<16xi32>
    %scan3A_192 = arith.constant 0 : i32
    %scan3A_193 = arith.constant 0 : i32
    %scan3A_194 = arith.constant 32 : i32
    %scan3A_195 = arith.addi %scan3A_193, %scan3A_194 : i32
    %scan3A_196 = arith.constant 1 : i32
    scf.for %scan3A_758 = %scan3A_193 to %scan3A_195 step %scan3A_196  : i32 {
      %mul3A_759 = arith.constant 16 : i32
      %mul3A_760 = arith.muli %scan3A_758, %mul3A_759 : i32
      %add3A_761 = vector.broadcast %mul3A_760 : i32 to vector<16xi32>
      %add3A_762 = arith.addi %add3A_761, %iota3A : vector<16xi32>
      %gather3A = tpu.vector_load_idx %arg9[%add3A_762, %broadcast_in_dim3A_191] : memref<512x39xf32, #tpu.memory_space<vmem>>[vector<16xi32>, vector<16xi32>], vector<16xf32>,
      %convert_element_type3A = arith.fptosi %gather3A : vector<16xf32> to vector<16xi32>
      %add3A_763 = arith.constant 800008 : i32
      %add3A_764 = vector.broadcast %add3A_763 : i32 to vector<16xi32>
      %add3A_765 = arith.addi %convert_element_type3A, %add3A_764 : vector<16xi32>
      %mul3A_766 = arith.constant 16 : i32
      %mul3A_767 = arith.muli %scan3A_758, %mul3A_766 : i32
      %swap3A = arith.index_cast %mul3A_767 : i32 to index
      %swap3A_768 = tpu.vector_load %arg10[%swap3A] {strides = array<i32>} : memref<512xi32, #tpu.memory_space<vmem>>, vector<16xi32>,
      tpu.vector_store %arg10[%swap3A], %add3A_765 {strides = array<i32>} : memref<512xi32, #tpu.memory_space<vmem>>, vector<16xi32>,
      %eq3A = arith.constant 0 : i32
      %eq3A_769 = vector.broadcast %eq3A : i32 to vector<16xi32>
      %eq3A_770 = arith.cmpi eq, %convert_element_type3A, %eq3A_769 : vector<16xi32>
      %broadcast_in_dim3A_771 = arith.constant 0.000000e+00 : f32
      %broadcast_in_dim3A_772 = vector.broadcast %broadcast_in_dim3A_771 : f32 to vector<16xf32>
      %broadcast_in_dim3A_773 = arith.constant 1.000000e+00 : f32
      %broadcast_in_dim3A_774 = vector.broadcast %broadcast_in_dim3A_773 : f32 to vector<16xf32>
      %select_n3A = arith.select %eq3A_770, %broadcast_in_dim3A_772, %broadcast_in_dim3A_774 : vector<16xi1>, vector<16xf32>
      %mul3A_775 = arith.constant 16 : i32
      %mul3A_776 = arith.muli %scan3A_758, %mul3A_775 : i32
      %swap3A_777 = arith.index_cast %mul3A_776 : i32 to index
      %swap3A_778 = tpu.vector_load %arg11[%swap3A_777] {strides = array<i32>} : memref<512xf32, #tpu.memory_space<vmem>>, vector<16xf32>,
      tpu.vector_store %arg11[%swap3A_777], %select_n3A {strides = array<i32>} : memref<512xf32, #tpu.memory_space<vmem>>, vector<16xf32>,
    }
    %scan3A_197 = arith.constant 32 : i32
    %dma_start3A_198 = arith.constant 0 : i32
    %dma_start3A_199 = arith.constant 0 : i32
    %dma_start3A_200 = tpu.memref_slice %arg3[%dma_start3A_198, %dma_start3A_199] : memref<2600026x16xf32, #tpu.memory_space<hbm>> -> memref<2600026x16xf32, #tpu.memory_space<hbm>>
    tpu.enqueue_indirect_dma source(%dma_start3A_200 : memref<2600026x16xf32, #tpu.memory_space<hbm>>) target(%arg12 : memref<512x16xf32, #tpu.memory_space<vmem>>) offsets(%arg10 : memref<512xi32, #tpu.memory_space<vmem>>) semaphore(%arg17 : memref<!tpu.dma_semaphore, #tpu.memory_space<semaphore_mem>>)
    %dma_wait3A_201 = arith.constant 0 : i32
    %dma_wait3A_202 = arith.constant 0 : i32
    %dma_wait3A_203 = tpu.memref_slice %arg3[%dma_wait3A_201, %dma_wait3A_202] : memref<2600026x16xf32, #tpu.memory_space<hbm>> -> memref<2600026x16xf32, #tpu.memory_space<hbm>>
    tpu.wait_indirect_dma semaphore(%arg17 : memref<!tpu.dma_semaphore, #tpu.memory_space<semaphore_mem>>) src(%dma_wait3A_203 : memref<2600026x16xf32, #tpu.memory_space<hbm>>) dst(%arg12 : memref<512x16xf32, #tpu.memory_space<vmem>>)
    %get3A_204 = arith.constant 8 : i32
    %get3A_205 = arith.index_cast %get3A_204 : i32 to index
    %get3A_206 = arith.constant 0 : index
    %get3A_207 = tpu.vector_load %arg13[%get3A_205, %get3A_206] {strides = array<i32>} : memref<26x16xf32, #tpu.memory_space<vmem>>, vector<16xf32>,
    %scan3A_208 = arith.constant 0 : i32
    %scan3A_209 = arith.constant 0 : i32
    %scan3A_210 = arith.constant 512 : i32
    %scan3A_211 = arith.addi %scan3A_209, %scan3A_210 : i32
    %scan3A_212 = arith.constant 1 : i32
    scf.for %scan3A_758 = %scan3A_209 to %scan3A_211 step %scan3A_212  : i32 {
      %broadcast_in_dim3A_759 = vector.broadcast %scan3A_758 : i32 to vector<16xi32>
      %gather3A = tpu.vector_load_idx %arg11[%broadcast_in_dim3A_759] : memref<512xf32, #tpu.memory_space<vmem>>[vector<16xi32>], vector<16xf32>,
      %get3A_760 = arith.index_cast %scan3A_758 : i32 to index
      %get3A_761 = arith.constant 0 : index
      %get3A_762 = tpu.vector_load %arg12[%get3A_760, %get3A_761] {strides = array<i32>} : memref<512x16xf32, #tpu.memory_space<vmem>>, vector<16xf32>,
      %mul3A_763 = arith.mulf %get3A_762, %gather3A : vector<16xf32>
      %add3A_764 = arith.addf %mul3A_763, %get3A_207 : vector<16xf32>
      %swap3A = arith.index_cast %scan3A_758 : i32 to index
      %swap3A_765 = arith.constant 0 : index
      %swap3A_766 = tpu.vector_load %arg12[%swap3A, %swap3A_765] {strides = array<i32>} : memref<512x16xf32, #tpu.memory_space<vmem>>, vector<16xf32>,
      tpu.vector_store %arg12[%swap3A, %swap3A_765], %add3A_764 {strides = array<i32>} : memref<512x16xf32, #tpu.memory_space<vmem>>, vector<16xf32>,
    }
    %scan3A_213 = arith.constant 512 : i32
    "tpu.region"() ({
      %run_scoped3A = tpu.sem_alloc : memref<!tpu.dma_semaphore, #tpu.memory_space<semaphore_mem>>
      %dma_start3A_758 = arith.constant 128 : i32
      %dma_start3A_759 = tpu.memref_slice %arg7[%mul3A_2, %dma_start3A_758] : memref<16384x416xf32, #tpu.memory_space<hbm>> -> memref<512x16xf32, #tpu.memory_space<hbm>>
      %dma_start3A_760 = arith.constant 128 : i32
      %dma_start3A_761 = tpu.memref_slice %arg7[%mul3A_2, %dma_start3A_760] : memref<16384x416xf32, #tpu.memory_space<hbm>> -> memref<512x16xf32, #tpu.memory_space<hbm>>
      tpu.enqueue_dma source(%arg12 : memref<512x16xf32, #tpu.memory_space<vmem>>) target(%dma_start3A_761 : memref<512x16xf32, #tpu.memory_space<hbm>>) target_semaphore(%run_scoped3A : memref<!tpu.dma_semaphore, #tpu.memory_space<semaphore_mem>>)
      %dma_wait3A_762 = arith.constant 128 : i32
      %dma_wait3A_763 = tpu.memref_slice %arg7[%mul3A_2, %dma_wait3A_762] : memref<16384x416xf32, #tpu.memory_space<hbm>> -> memref<512x16xf32, #tpu.memory_space<hbm>>
      %dma_wait3A_764 = arith.constant 128 : i32
      %dma_wait3A_765 = tpu.memref_slice %arg7[%mul3A_2, %dma_wait3A_764] : memref<16384x416xf32, #tpu.memory_space<hbm>> -> memref<512x16xf32, #tpu.memory_space<hbm>>
      tpu.wait_dma2 semaphore(%run_scoped3A : memref<!tpu.dma_semaphore, #tpu.memory_space<semaphore_mem>>) src(%arg12 : memref<512x16xf32, #tpu.memory_space<vmem>>) dst(%dma_wait3A_765 : memref<512x16xf32, #tpu.memory_space<hbm>>)
      tpu.yield
    }) : () -> ()
    %broadcast_in_dim3A_214 = arith.constant 9 : i32
    %broadcast_in_dim3A_215 = vector.broadcast %broadcast_in_dim3A_214 : i32 to vector<16xi32>
    %scan3A_216 = arith.constant 0 : i32
    %scan3A_217 = arith.constant 0 : i32
    %scan3A_218 = arith.constant 32 : i32
    %scan3A_219 = arith.addi %scan3A_217, %scan3A_218 : i32
    %scan3A_220 = arith.constant 1 : i32
    scf.for %scan3A_758 = %scan3A_217 to %scan3A_219 step %scan3A_220  : i32 {
      %mul3A_759 = arith.constant 16 : i32
      %mul3A_760 = arith.muli %scan3A_758, %mul3A_759 : i32
      %add3A_761 = vector.broadcast %mul3A_760 : i32 to vector<16xi32>
      %add3A_762 = arith.addi %add3A_761, %iota3A : vector<16xi32>
      %gather3A = tpu.vector_load_idx %arg9[%add3A_762, %broadcast_in_dim3A_215] : memref<512x39xf32, #tpu.memory_space<vmem>>[vector<16xi32>, vector<16xi32>], vector<16xf32>,
      %convert_element_type3A = arith.fptosi %gather3A : vector<16xf32> to vector<16xi32>
      %add3A_763 = arith.constant 900009 : i32
      %add3A_764 = vector.broadcast %add3A_763 : i32 to vector<16xi32>
      %add3A_765 = arith.addi %convert_element_type3A, %add3A_764 : vector<16xi32>
      %mul3A_766 = arith.constant 16 : i32
      %mul3A_767 = arith.muli %scan3A_758, %mul3A_766 : i32
      %swap3A = arith.index_cast %mul3A_767 : i32 to index
      %swap3A_768 = tpu.vector_load %arg10[%swap3A] {strides = array<i32>} : memref<512xi32, #tpu.memory_space<vmem>>, vector<16xi32>,
      tpu.vector_store %arg10[%swap3A], %add3A_765 {strides = array<i32>} : memref<512xi32, #tpu.memory_space<vmem>>, vector<16xi32>,
      %eq3A = arith.constant 0 : i32
      %eq3A_769 = vector.broadcast %eq3A : i32 to vector<16xi32>
      %eq3A_770 = arith.cmpi eq, %convert_element_type3A, %eq3A_769 : vector<16xi32>
      %broadcast_in_dim3A_771 = arith.constant 0.000000e+00 : f32
      %broadcast_in_dim3A_772 = vector.broadcast %broadcast_in_dim3A_771 : f32 to vector<16xf32>
      %broadcast_in_dim3A_773 = arith.constant 1.000000e+00 : f32
      %broadcast_in_dim3A_774 = vector.broadcast %broadcast_in_dim3A_773 : f32 to vector<16xf32>
      %select_n3A = arith.select %eq3A_770, %broadcast_in_dim3A_772, %broadcast_in_dim3A_774 : vector<16xi1>, vector<16xf32>
      %mul3A_775 = arith.constant 16 : i32
      %mul3A_776 = arith.muli %scan3A_758, %mul3A_775 : i32
      %swap3A_777 = arith.index_cast %mul3A_776 : i32 to index
      %swap3A_778 = tpu.vector_load %arg11[%swap3A_777] {strides = array<i32>} : memref<512xf32, #tpu.memory_space<vmem>>, vector<16xf32>,
      tpu.vector_store %arg11[%swap3A_777], %select_n3A {strides = array<i32>} : memref<512xf32, #tpu.memory_space<vmem>>, vector<16xf32>,
    }
    %scan3A_221 = arith.constant 32 : i32
    %dma_start3A_222 = arith.constant 0 : i32
    %dma_start3A_223 = arith.constant 0 : i32
    %dma_start3A_224 = tpu.memref_slice %arg3[%dma_start3A_222, %dma_start3A_223] : memref<2600026x16xf32, #tpu.memory_space<hbm>> -> memref<2600026x16xf32, #tpu.memory_space<hbm>>
    tpu.enqueue_indirect_dma source(%dma_start3A_224 : memref<2600026x16xf32, #tpu.memory_space<hbm>>) target(%arg12 : memref<512x16xf32, #tpu.memory_space<vmem>>) offsets(%arg10 : memref<512xi32, #tpu.memory_space<vmem>>) semaphore(%arg17 : memref<!tpu.dma_semaphore, #tpu.memory_space<semaphore_mem>>)
    %dma_wait3A_225 = arith.constant 0 : i32
    %dma_wait3A_226 = arith.constant 0 : i32
    %dma_wait3A_227 = tpu.memref_slice %arg3[%dma_wait3A_225, %dma_wait3A_226] : memref<2600026x16xf32, #tpu.memory_space<hbm>> -> memref<2600026x16xf32, #tpu.memory_space<hbm>>
    tpu.wait_indirect_dma semaphore(%arg17 : memref<!tpu.dma_semaphore, #tpu.memory_space<semaphore_mem>>) src(%dma_wait3A_227 : memref<2600026x16xf32, #tpu.memory_space<hbm>>) dst(%arg12 : memref<512x16xf32, #tpu.memory_space<vmem>>)
    %get3A_228 = arith.constant 9 : i32
    %get3A_229 = arith.index_cast %get3A_228 : i32 to index
    %get3A_230 = arith.constant 0 : index
    %get3A_231 = tpu.vector_load %arg13[%get3A_229, %get3A_230] {strides = array<i32>} : memref<26x16xf32, #tpu.memory_space<vmem>>, vector<16xf32>,
    %scan3A_232 = arith.constant 0 : i32
    %scan3A_233 = arith.constant 0 : i32
    %scan3A_234 = arith.constant 512 : i32
    %scan3A_235 = arith.addi %scan3A_233, %scan3A_234 : i32
    %scan3A_236 = arith.constant 1 : i32
    scf.for %scan3A_758 = %scan3A_233 to %scan3A_235 step %scan3A_236  : i32 {
      %broadcast_in_dim3A_759 = vector.broadcast %scan3A_758 : i32 to vector<16xi32>
      %gather3A = tpu.vector_load_idx %arg11[%broadcast_in_dim3A_759] : memref<512xf32, #tpu.memory_space<vmem>>[vector<16xi32>], vector<16xf32>,
      %get3A_760 = arith.index_cast %scan3A_758 : i32 to index
      %get3A_761 = arith.constant 0 : index
      %get3A_762 = tpu.vector_load %arg12[%get3A_760, %get3A_761] {strides = array<i32>} : memref<512x16xf32, #tpu.memory_space<vmem>>, vector<16xf32>,
      %mul3A_763 = arith.mulf %get3A_762, %gather3A : vector<16xf32>
      %add3A_764 = arith.addf %mul3A_763, %get3A_231 : vector<16xf32>
      %swap3A = arith.index_cast %scan3A_758 : i32 to index
      %swap3A_765 = arith.constant 0 : index
      %swap3A_766 = tpu.vector_load %arg12[%swap3A, %swap3A_765] {strides = array<i32>} : memref<512x16xf32, #tpu.memory_space<vmem>>, vector<16xf32>,
      tpu.vector_store %arg12[%swap3A, %swap3A_765], %add3A_764 {strides = array<i32>} : memref<512x16xf32, #tpu.memory_space<vmem>>, vector<16xf32>,
    }
    %scan3A_237 = arith.constant 512 : i32
    "tpu.region"() ({
      %run_scoped3A = tpu.sem_alloc : memref<!tpu.dma_semaphore, #tpu.memory_space<semaphore_mem>>
      %dma_start3A_758 = arith.constant 144 : i32
      %dma_start3A_759 = tpu.memref_slice %arg7[%mul3A_2, %dma_start3A_758] : memref<16384x416xf32, #tpu.memory_space<hbm>> -> memref<512x16xf32, #tpu.memory_space<hbm>>
      %dma_start3A_760 = arith.constant 144 : i32
      %dma_start3A_761 = tpu.memref_slice %arg7[%mul3A_2, %dma_start3A_760] : memref<16384x416xf32, #tpu.memory_space<hbm>> -> memref<512x16xf32, #tpu.memory_space<hbm>>
      tpu.enqueue_dma source(%arg12 : memref<512x16xf32, #tpu.memory_space<vmem>>) target(%dma_start3A_761 : memref<512x16xf32, #tpu.memory_space<hbm>>) target_semaphore(%run_scoped3A : memref<!tpu.dma_semaphore, #tpu.memory_space<semaphore_mem>>)
      %dma_wait3A_762 = arith.constant 144 : i32
      %dma_wait3A_763 = tpu.memref_slice %arg7[%mul3A_2, %dma_wait3A_762] : memref<16384x416xf32, #tpu.memory_space<hbm>> -> memref<512x16xf32, #tpu.memory_space<hbm>>
      %dma_wait3A_764 = arith.constant 144 : i32
      %dma_wait3A_765 = tpu.memref_slice %arg7[%mul3A_2, %dma_wait3A_764] : memref<16384x416xf32, #tpu.memory_space<hbm>> -> memref<512x16xf32, #tpu.memory_space<hbm>>
      tpu.wait_dma2 semaphore(%run_scoped3A : memref<!tpu.dma_semaphore, #tpu.memory_space<semaphore_mem>>) src(%arg12 : memref<512x16xf32, #tpu.memory_space<vmem>>) dst(%dma_wait3A_765 : memref<512x16xf32, #tpu.memory_space<hbm>>)
      tpu.yield
    }) : () -> ()
    %broadcast_in_dim3A_238 = arith.constant 10 : i32
    %broadcast_in_dim3A_239 = vector.broadcast %broadcast_in_dim3A_238 : i32 to vector<16xi32>
    %scan3A_240 = arith.constant 0 : i32
    %scan3A_241 = arith.constant 0 : i32
    %scan3A_242 = arith.constant 32 : i32
    %scan3A_243 = arith.addi %scan3A_241, %scan3A_242 : i32
    %scan3A_244 = arith.constant 1 : i32
    scf.for %scan3A_758 = %scan3A_241 to %scan3A_243 step %scan3A_244  : i32 {
      %mul3A_759 = arith.constant 16 : i32
      %mul3A_760 = arith.muli %scan3A_758, %mul3A_759 : i32
      %add3A_761 = vector.broadcast %mul3A_760 : i32 to vector<16xi32>
      %add3A_762 = arith.addi %add3A_761, %iota3A : vector<16xi32>
      %gather3A = tpu.vector_load_idx %arg9[%add3A_762, %broadcast_in_dim3A_239] : memref<512x39xf32, #tpu.memory_space<vmem>>[vector<16xi32>, vector<16xi32>], vector<16xf32>,
      %convert_element_type3A = arith.fptosi %gather3A : vector<16xf32> to vector<16xi32>
      %add3A_763 = arith.constant 1000010 : i32
      %add3A_764 = vector.broadcast %add3A_763 : i32 to vector<16xi32>
      %add3A_765 = arith.addi %convert_element_type3A, %add3A_764 : vector<16xi32>
      %mul3A_766 = arith.constant 16 : i32
      %mul3A_767 = arith.muli %scan3A_758, %mul3A_766 : i32
      %swap3A = arith.index_cast %mul3A_767 : i32 to index
      %swap3A_768 = tpu.vector_load %arg10[%swap3A] {strides = array<i32>} : memref<512xi32, #tpu.memory_space<vmem>>, vector<16xi32>,
      tpu.vector_store %arg10[%swap3A], %add3A_765 {strides = array<i32>} : memref<512xi32, #tpu.memory_space<vmem>>, vector<16xi32>,
      %eq3A = arith.constant 0 : i32
      %eq3A_769 = vector.broadcast %eq3A : i32 to vector<16xi32>
      %eq3A_770 = arith.cmpi eq, %convert_element_type3A, %eq3A_769 : vector<16xi32>
      %broadcast_in_dim3A_771 = arith.constant 0.000000e+00 : f32
      %broadcast_in_dim3A_772 = vector.broadcast %broadcast_in_dim3A_771 : f32 to vector<16xf32>
      %broadcast_in_dim3A_773 = arith.constant 1.000000e+00 : f32
      %broadcast_in_dim3A_774 = vector.broadcast %broadcast_in_dim3A_773 : f32 to vector<16xf32>
      %select_n3A = arith.select %eq3A_770, %broadcast_in_dim3A_772, %broadcast_in_dim3A_774 : vector<16xi1>, vector<16xf32>
      %mul3A_775 = arith.constant 16 : i32
      %mul3A_776 = arith.muli %scan3A_758, %mul3A_775 : i32
      %swap3A_777 = arith.index_cast %mul3A_776 : i32 to index
      %swap3A_778 = tpu.vector_load %arg11[%swap3A_777] {strides = array<i32>} : memref<512xf32, #tpu.memory_space<vmem>>, vector<16xf32>,
      tpu.vector_store %arg11[%swap3A_777], %select_n3A {strides = array<i32>} : memref<512xf32, #tpu.memory_space<vmem>>, vector<16xf32>,
    }
    %scan3A_245 = arith.constant 32 : i32
    %dma_start3A_246 = arith.constant 0 : i32
    %dma_start3A_247 = arith.constant 0 : i32
    %dma_start3A_248 = tpu.memref_slice %arg3[%dma_start3A_246, %dma_start3A_247] : memref<2600026x16xf32, #tpu.memory_space<hbm>> -> memref<2600026x16xf32, #tpu.memory_space<hbm>>
    tpu.enqueue_indirect_dma source(%dma_start3A_248 : memref<2600026x16xf32, #tpu.memory_space<hbm>>) target(%arg12 : memref<512x16xf32, #tpu.memory_space<vmem>>) offsets(%arg10 : memref<512xi32, #tpu.memory_space<vmem>>) semaphore(%arg17 : memref<!tpu.dma_semaphore, #tpu.memory_space<semaphore_mem>>)
    %dma_wait3A_249 = arith.constant 0 : i32
    %dma_wait3A_250 = arith.constant 0 : i32
    %dma_wait3A_251 = tpu.memref_slice %arg3[%dma_wait3A_249, %dma_wait3A_250] : memref<2600026x16xf32, #tpu.memory_space<hbm>> -> memref<2600026x16xf32, #tpu.memory_space<hbm>>
    tpu.wait_indirect_dma semaphore(%arg17 : memref<!tpu.dma_semaphore, #tpu.memory_space<semaphore_mem>>) src(%dma_wait3A_251 : memref<2600026x16xf32, #tpu.memory_space<hbm>>) dst(%arg12 : memref<512x16xf32, #tpu.memory_space<vmem>>)
    %get3A_252 = arith.constant 10 : i32
    %get3A_253 = arith.index_cast %get3A_252 : i32 to index
    %get3A_254 = arith.constant 0 : index
    %get3A_255 = tpu.vector_load %arg13[%get3A_253, %get3A_254] {strides = array<i32>} : memref<26x16xf32, #tpu.memory_space<vmem>>, vector<16xf32>,
    %scan3A_256 = arith.constant 0 : i32
    %scan3A_257 = arith.constant 0 : i32
    %scan3A_258 = arith.constant 512 : i32
    %scan3A_259 = arith.addi %scan3A_257, %scan3A_258 : i32
    %scan3A_260 = arith.constant 1 : i32
    scf.for %scan3A_758 = %scan3A_257 to %scan3A_259 step %scan3A_260  : i32 {
      %broadcast_in_dim3A_759 = vector.broadcast %scan3A_758 : i32 to vector<16xi32>
      %gather3A = tpu.vector_load_idx %arg11[%broadcast_in_dim3A_759] : memref<512xf32, #tpu.memory_space<vmem>>[vector<16xi32>], vector<16xf32>,
      %get3A_760 = arith.index_cast %scan3A_758 : i32 to index
      %get3A_761 = arith.constant 0 : index
      %get3A_762 = tpu.vector_load %arg12[%get3A_760, %get3A_761] {strides = array<i32>} : memref<512x16xf32, #tpu.memory_space<vmem>>, vector<16xf32>,
      %mul3A_763 = arith.mulf %get3A_762, %gather3A : vector<16xf32>
      %add3A_764 = arith.addf %mul3A_763, %get3A_255 : vector<16xf32>
      %swap3A = arith.index_cast %scan3A_758 : i32 to index
      %swap3A_765 = arith.constant 0 : index
      %swap3A_766 = tpu.vector_load %arg12[%swap3A, %swap3A_765] {strides = array<i32>} : memref<512x16xf32, #tpu.memory_space<vmem>>, vector<16xf32>,
      tpu.vector_store %arg12[%swap3A, %swap3A_765], %add3A_764 {strides = array<i32>} : memref<512x16xf32, #tpu.memory_space<vmem>>, vector<16xf32>,
    }
    %scan3A_261 = arith.constant 512 : i32
    "tpu.region"() ({
      %run_scoped3A = tpu.sem_alloc : memref<!tpu.dma_semaphore, #tpu.memory_space<semaphore_mem>>
      %dma_start3A_758 = arith.constant 160 : i32
      %dma_start3A_759 = tpu.memref_slice %arg7[%mul3A_2, %dma_start3A_758] : memref<16384x416xf32, #tpu.memory_space<hbm>> -> memref<512x16xf32, #tpu.memory_space<hbm>>
      %dma_start3A_760 = arith.constant 160 : i32
      %dma_start3A_761 = tpu.memref_slice %arg7[%mul3A_2, %dma_start3A_760] : memref<16384x416xf32, #tpu.memory_space<hbm>> -> memref<512x16xf32, #tpu.memory_space<hbm>>
      tpu.enqueue_dma source(%arg12 : memref<512x16xf32, #tpu.memory_space<vmem>>) target(%dma_start3A_761 : memref<512x16xf32, #tpu.memory_space<hbm>>) target_semaphore(%run_scoped3A : memref<!tpu.dma_semaphore, #tpu.memory_space<semaphore_mem>>)
      %dma_wait3A_762 = arith.constant 160 : i32
      %dma_wait3A_763 = tpu.memref_slice %arg7[%mul3A_2, %dma_wait3A_762] : memref<16384x416xf32, #tpu.memory_space<hbm>> -> memref<512x16xf32, #tpu.memory_space<hbm>>
      %dma_wait3A_764 = arith.constant 160 : i32
      %dma_wait3A_765 = tpu.memref_slice %arg7[%mul3A_2, %dma_wait3A_764] : memref<16384x416xf32, #tpu.memory_space<hbm>> -> memref<512x16xf32, #tpu.memory_space<hbm>>
      tpu.wait_dma2 semaphore(%run_scoped3A : memref<!tpu.dma_semaphore, #tpu.memory_space<semaphore_mem>>) src(%arg12 : memref<512x16xf32, #tpu.memory_space<vmem>>) dst(%dma_wait3A_765 : memref<512x16xf32, #tpu.memory_space<hbm>>)
      tpu.yield
    }) : () -> ()
    %broadcast_in_dim3A_262 = arith.constant 11 : i32
    %broadcast_in_dim3A_263 = vector.broadcast %broadcast_in_dim3A_262 : i32 to vector<16xi32>
    %scan3A_264 = arith.constant 0 : i32
    %scan3A_265 = arith.constant 0 : i32
    %scan3A_266 = arith.constant 32 : i32
    %scan3A_267 = arith.addi %scan3A_265, %scan3A_266 : i32
    %scan3A_268 = arith.constant 1 : i32
    scf.for %scan3A_758 = %scan3A_265 to %scan3A_267 step %scan3A_268  : i32 {
      %mul3A_759 = arith.constant 16 : i32
      %mul3A_760 = arith.muli %scan3A_758, %mul3A_759 : i32
      %add3A_761 = vector.broadcast %mul3A_760 : i32 to vector<16xi32>
      %add3A_762 = arith.addi %add3A_761, %iota3A : vector<16xi32>
      %gather3A = tpu.vector_load_idx %arg9[%add3A_762, %broadcast_in_dim3A_263] : memref<512x39xf32, #tpu.memory_space<vmem>>[vector<16xi32>, vector<16xi32>], vector<16xf32>,
      %convert_element_type3A = arith.fptosi %gather3A : vector<16xf32> to vector<16xi32>
      %add3A_763 = arith.constant 1100011 : i32
      %add3A_764 = vector.broadcast %add3A_763 : i32 to vector<16xi32>
      %add3A_765 = arith.addi %convert_element_type3A, %add3A_764 : vector<16xi32>
      %mul3A_766 = arith.constant 16 : i32
      %mul3A_767 = arith.muli %scan3A_758, %mul3A_766 : i32
      %swap3A = arith.index_cast %mul3A_767 : i32 to index
      %swap3A_768 = tpu.vector_load %arg10[%swap3A] {strides = array<i32>} : memref<512xi32, #tpu.memory_space<vmem>>, vector<16xi32>,
      tpu.vector_store %arg10[%swap3A], %add3A_765 {strides = array<i32>} : memref<512xi32, #tpu.memory_space<vmem>>, vector<16xi32>,
      %eq3A = arith.constant 0 : i32
      %eq3A_769 = vector.broadcast %eq3A : i32 to vector<16xi32>
      %eq3A_770 = arith.cmpi eq, %convert_element_type3A, %eq3A_769 : vector<16xi32>
      %broadcast_in_dim3A_771 = arith.constant 0.000000e+00 : f32
      %broadcast_in_dim3A_772 = vector.broadcast %broadcast_in_dim3A_771 : f32 to vector<16xf32>
      %broadcast_in_dim3A_773 = arith.constant 1.000000e+00 : f32
      %broadcast_in_dim3A_774 = vector.broadcast %broadcast_in_dim3A_773 : f32 to vector<16xf32>
      %select_n3A = arith.select %eq3A_770, %broadcast_in_dim3A_772, %broadcast_in_dim3A_774 : vector<16xi1>, vector<16xf32>
      %mul3A_775 = arith.constant 16 : i32
      %mul3A_776 = arith.muli %scan3A_758, %mul3A_775 : i32
      %swap3A_777 = arith.index_cast %mul3A_776 : i32 to index
      %swap3A_778 = tpu.vector_load %arg11[%swap3A_777] {strides = array<i32>} : memref<512xf32, #tpu.memory_space<vmem>>, vector<16xf32>,
      tpu.vector_store %arg11[%swap3A_777], %select_n3A {strides = array<i32>} : memref<512xf32, #tpu.memory_space<vmem>>, vector<16xf32>,
    }
    %scan3A_269 = arith.constant 32 : i32
    %dma_start3A_270 = arith.constant 0 : i32
    %dma_start3A_271 = arith.constant 0 : i32
    %dma_start3A_272 = tpu.memref_slice %arg3[%dma_start3A_270, %dma_start3A_271] : memref<2600026x16xf32, #tpu.memory_space<hbm>> -> memref<2600026x16xf32, #tpu.memory_space<hbm>>
    tpu.enqueue_indirect_dma source(%dma_start3A_272 : memref<2600026x16xf32, #tpu.memory_space<hbm>>) target(%arg12 : memref<512x16xf32, #tpu.memory_space<vmem>>) offsets(%arg10 : memref<512xi32, #tpu.memory_space<vmem>>) semaphore(%arg17 : memref<!tpu.dma_semaphore, #tpu.memory_space<semaphore_mem>>)
    %dma_wait3A_273 = arith.constant 0 : i32
    %dma_wait3A_274 = arith.constant 0 : i32
    %dma_wait3A_275 = tpu.memref_slice %arg3[%dma_wait3A_273, %dma_wait3A_274] : memref<2600026x16xf32, #tpu.memory_space<hbm>> -> memref<2600026x16xf32, #tpu.memory_space<hbm>>
    tpu.wait_indirect_dma semaphore(%arg17 : memref<!tpu.dma_semaphore, #tpu.memory_space<semaphore_mem>>) src(%dma_wait3A_275 : memref<2600026x16xf32, #tpu.memory_space<hbm>>) dst(%arg12 : memref<512x16xf32, #tpu.memory_space<vmem>>)
    %get3A_276 = arith.constant 11 : i32
    %get3A_277 = arith.index_cast %get3A_276 : i32 to index
    %get3A_278 = arith.constant 0 : index
    %get3A_279 = tpu.vector_load %arg13[%get3A_277, %get3A_278] {strides = array<i32>} : memref<26x16xf32, #tpu.memory_space<vmem>>, vector<16xf32>,
    %scan3A_280 = arith.constant 0 : i32
    %scan3A_281 = arith.constant 0 : i32
    %scan3A_282 = arith.constant 512 : i32
    %scan3A_283 = arith.addi %scan3A_281, %scan3A_282 : i32
    %scan3A_284 = arith.constant 1 : i32
    scf.for %scan3A_758 = %scan3A_281 to %scan3A_283 step %scan3A_284  : i32 {
      %broadcast_in_dim3A_759 = vector.broadcast %scan3A_758 : i32 to vector<16xi32>
      %gather3A = tpu.vector_load_idx %arg11[%broadcast_in_dim3A_759] : memref<512xf32, #tpu.memory_space<vmem>>[vector<16xi32>], vector<16xf32>,
      %get3A_760 = arith.index_cast %scan3A_758 : i32 to index
      %get3A_761 = arith.constant 0 : index
      %get3A_762 = tpu.vector_load %arg12[%get3A_760, %get3A_761] {strides = array<i32>} : memref<512x16xf32, #tpu.memory_space<vmem>>, vector<16xf32>,
      %mul3A_763 = arith.mulf %get3A_762, %gather3A : vector<16xf32>
      %add3A_764 = arith.addf %mul3A_763, %get3A_279 : vector<16xf32>
      %swap3A = arith.index_cast %scan3A_758 : i32 to index
      %swap3A_765 = arith.constant 0 : index
      %swap3A_766 = tpu.vector_load %arg12[%swap3A, %swap3A_765] {strides = array<i32>} : memref<512x16xf32, #tpu.memory_space<vmem>>, vector<16xf32>,
      tpu.vector_store %arg12[%swap3A, %swap3A_765], %add3A_764 {strides = array<i32>} : memref<512x16xf32, #tpu.memory_space<vmem>>, vector<16xf32>,
    }
    %scan3A_285 = arith.constant 512 : i32
    "tpu.region"() ({
      %run_scoped3A = tpu.sem_alloc : memref<!tpu.dma_semaphore, #tpu.memory_space<semaphore_mem>>
      %dma_start3A_758 = arith.constant 176 : i32
      %dma_start3A_759 = tpu.memref_slice %arg7[%mul3A_2, %dma_start3A_758] : memref<16384x416xf32, #tpu.memory_space<hbm>> -> memref<512x16xf32, #tpu.memory_space<hbm>>
      %dma_start3A_760 = arith.constant 176 : i32
      %dma_start3A_761 = tpu.memref_slice %arg7[%mul3A_2, %dma_start3A_760] : memref<16384x416xf32, #tpu.memory_space<hbm>> -> memref<512x16xf32, #tpu.memory_space<hbm>>
      tpu.enqueue_dma source(%arg12 : memref<512x16xf32, #tpu.memory_space<vmem>>) target(%dma_start3A_761 : memref<512x16xf32, #tpu.memory_space<hbm>>) target_semaphore(%run_scoped3A : memref<!tpu.dma_semaphore, #tpu.memory_space<semaphore_mem>>)
      %dma_wait3A_762 = arith.constant 176 : i32
      %dma_wait3A_763 = tpu.memref_slice %arg7[%mul3A_2, %dma_wait3A_762] : memref<16384x416xf32, #tpu.memory_space<hbm>> -> memref<512x16xf32, #tpu.memory_space<hbm>>
      %dma_wait3A_764 = arith.constant 176 : i32
      %dma_wait3A_765 = tpu.memref_slice %arg7[%mul3A_2, %dma_wait3A_764] : memref<16384x416xf32, #tpu.memory_space<hbm>> -> memref<512x16xf32, #tpu.memory_space<hbm>>
      tpu.wait_dma2 semaphore(%run_scoped3A : memref<!tpu.dma_semaphore, #tpu.memory_space<semaphore_mem>>) src(%arg12 : memref<512x16xf32, #tpu.memory_space<vmem>>) dst(%dma_wait3A_765 : memref<512x16xf32, #tpu.memory_space<hbm>>)
      tpu.yield
    }) : () -> ()
    %broadcast_in_dim3A_286 = arith.constant 12 : i32
    %broadcast_in_dim3A_287 = vector.broadcast %broadcast_in_dim3A_286 : i32 to vector<16xi32>
    %scan3A_288 = arith.constant 0 : i32
    %scan3A_289 = arith.constant 0 : i32
    %scan3A_290 = arith.constant 32 : i32
    %scan3A_291 = arith.addi %scan3A_289, %scan3A_290 : i32
    %scan3A_292 = arith.constant 1 : i32
    scf.for %scan3A_758 = %scan3A_289 to %scan3A_291 step %scan3A_292  : i32 {
      %mul3A_759 = arith.constant 16 : i32
      %mul3A_760 = arith.muli %scan3A_758, %mul3A_759 : i32
      %add3A_761 = vector.broadcast %mul3A_760 : i32 to vector<16xi32>
      %add3A_762 = arith.addi %add3A_761, %iota3A : vector<16xi32>
      %gather3A = tpu.vector_load_idx %arg9[%add3A_762, %broadcast_in_dim3A_287] : memref<512x39xf32, #tpu.memory_space<vmem>>[vector<16xi32>, vector<16xi32>], vector<16xf32>,
      %convert_element_type3A = arith.fptosi %gather3A : vector<16xf32> to vector<16xi32>
      %add3A_763 = arith.constant 1200012 : i32
      %add3A_764 = vector.broadcast %add3A_763 : i32 to vector<16xi32>
      %add3A_765 = arith.addi %convert_element_type3A, %add3A_764 : vector<16xi32>
      %mul3A_766 = arith.constant 16 : i32
      %mul3A_767 = arith.muli %scan3A_758, %mul3A_766 : i32
      %swap3A = arith.index_cast %mul3A_767 : i32 to index
      %swap3A_768 = tpu.vector_load %arg10[%swap3A] {strides = array<i32>} : memref<512xi32, #tpu.memory_space<vmem>>, vector<16xi32>,
      tpu.vector_store %arg10[%swap3A], %add3A_765 {strides = array<i32>} : memref<512xi32, #tpu.memory_space<vmem>>, vector<16xi32>,
      %eq3A = arith.constant 0 : i32
      %eq3A_769 = vector.broadcast %eq3A : i32 to vector<16xi32>
      %eq3A_770 = arith.cmpi eq, %convert_element_type3A, %eq3A_769 : vector<16xi32>
      %broadcast_in_dim3A_771 = arith.constant 0.000000e+00 : f32
      %broadcast_in_dim3A_772 = vector.broadcast %broadcast_in_dim3A_771 : f32 to vector<16xf32>
      %broadcast_in_dim3A_773 = arith.constant 1.000000e+00 : f32
      %broadcast_in_dim3A_774 = vector.broadcast %broadcast_in_dim3A_773 : f32 to vector<16xf32>
      %select_n3A = arith.select %eq3A_770, %broadcast_in_dim3A_772, %broadcast_in_dim3A_774 : vector<16xi1>, vector<16xf32>
      %mul3A_775 = arith.constant 16 : i32
      %mul3A_776 = arith.muli %scan3A_758, %mul3A_775 : i32
      %swap3A_777 = arith.index_cast %mul3A_776 : i32 to index
      %swap3A_778 = tpu.vector_load %arg11[%swap3A_777] {strides = array<i32>} : memref<512xf32, #tpu.memory_space<vmem>>, vector<16xf32>,
      tpu.vector_store %arg11[%swap3A_777], %select_n3A {strides = array<i32>} : memref<512xf32, #tpu.memory_space<vmem>>, vector<16xf32>,
    }
    %scan3A_293 = arith.constant 32 : i32
    %dma_start3A_294 = arith.constant 0 : i32
    %dma_start3A_295 = arith.constant 0 : i32
    %dma_start3A_296 = tpu.memref_slice %arg3[%dma_start3A_294, %dma_start3A_295] : memref<2600026x16xf32, #tpu.memory_space<hbm>> -> memref<2600026x16xf32, #tpu.memory_space<hbm>>
    tpu.enqueue_indirect_dma source(%dma_start3A_296 : memref<2600026x16xf32, #tpu.memory_space<hbm>>) target(%arg12 : memref<512x16xf32, #tpu.memory_space<vmem>>) offsets(%arg10 : memref<512xi32, #tpu.memory_space<vmem>>) semaphore(%arg17 : memref<!tpu.dma_semaphore, #tpu.memory_space<semaphore_mem>>)
    %dma_wait3A_297 = arith.constant 0 : i32
    %dma_wait3A_298 = arith.constant 0 : i32
    %dma_wait3A_299 = tpu.memref_slice %arg3[%dma_wait3A_297, %dma_wait3A_298] : memref<2600026x16xf32, #tpu.memory_space<hbm>> -> memref<2600026x16xf32, #tpu.memory_space<hbm>>
    tpu.wait_indirect_dma semaphore(%arg17 : memref<!tpu.dma_semaphore, #tpu.memory_space<semaphore_mem>>) src(%dma_wait3A_299 : memref<2600026x16xf32, #tpu.memory_space<hbm>>) dst(%arg12 : memref<512x16xf32, #tpu.memory_space<vmem>>)
    %get3A_300 = arith.constant 12 : i32
    %get3A_301 = arith.index_cast %get3A_300 : i32 to index
    %get3A_302 = arith.constant 0 : index
    %get3A_303 = tpu.vector_load %arg13[%get3A_301, %get3A_302] {strides = array<i32>} : memref<26x16xf32, #tpu.memory_space<vmem>>, vector<16xf32>,
    %scan3A_304 = arith.constant 0 : i32
    %scan3A_305 = arith.constant 0 : i32
    %scan3A_306 = arith.constant 512 : i32
    %scan3A_307 = arith.addi %scan3A_305, %scan3A_306 : i32
    %scan3A_308 = arith.constant 1 : i32
    scf.for %scan3A_758 = %scan3A_305 to %scan3A_307 step %scan3A_308  : i32 {
      %broadcast_in_dim3A_759 = vector.broadcast %scan3A_758 : i32 to vector<16xi32>
      %gather3A = tpu.vector_load_idx %arg11[%broadcast_in_dim3A_759] : memref<512xf32, #tpu.memory_space<vmem>>[vector<16xi32>], vector<16xf32>,
      %get3A_760 = arith.index_cast %scan3A_758 : i32 to index
      %get3A_761 = arith.constant 0 : index
      %get3A_762 = tpu.vector_load %arg12[%get3A_760, %get3A_761] {strides = array<i32>} : memref<512x16xf32, #tpu.memory_space<vmem>>, vector<16xf32>,
      %mul3A_763 = arith.mulf %get3A_762, %gather3A : vector<16xf32>
      %add3A_764 = arith.addf %mul3A_763, %get3A_303 : vector<16xf32>
      %swap3A = arith.index_cast %scan3A_758 : i32 to index
      %swap3A_765 = arith.constant 0 : index
      %swap3A_766 = tpu.vector_load %arg12[%swap3A, %swap3A_765] {strides = array<i32>} : memref<512x16xf32, #tpu.memory_space<vmem>>, vector<16xf32>,
      tpu.vector_store %arg12[%swap3A, %swap3A_765], %add3A_764 {strides = array<i32>} : memref<512x16xf32, #tpu.memory_space<vmem>>, vector<16xf32>,
    }
    %scan3A_309 = arith.constant 512 : i32
    "tpu.region"() ({
      %run_scoped3A = tpu.sem_alloc : memref<!tpu.dma_semaphore, #tpu.memory_space<semaphore_mem>>
      %dma_start3A_758 = arith.constant 192 : i32
      %dma_start3A_759 = tpu.memref_slice %arg7[%mul3A_2, %dma_start3A_758] : memref<16384x416xf32, #tpu.memory_space<hbm>> -> memref<512x16xf32, #tpu.memory_space<hbm>>
      %dma_start3A_760 = arith.constant 192 : i32
      %dma_start3A_761 = tpu.memref_slice %arg7[%mul3A_2, %dma_start3A_760] : memref<16384x416xf32, #tpu.memory_space<hbm>> -> memref<512x16xf32, #tpu.memory_space<hbm>>
      tpu.enqueue_dma source(%arg12 : memref<512x16xf32, #tpu.memory_space<vmem>>) target(%dma_start3A_761 : memref<512x16xf32, #tpu.memory_space<hbm>>) target_semaphore(%run_scoped3A : memref<!tpu.dma_semaphore, #tpu.memory_space<semaphore_mem>>)
      %dma_wait3A_762 = arith.constant 192 : i32
      %dma_wait3A_763 = tpu.memref_slice %arg7[%mul3A_2, %dma_wait3A_762] : memref<16384x416xf32, #tpu.memory_space<hbm>> -> memref<512x16xf32, #tpu.memory_space<hbm>>
      %dma_wait3A_764 = arith.constant 192 : i32
      %dma_wait3A_765 = tpu.memref_slice %arg7[%mul3A_2, %dma_wait3A_764] : memref<16384x416xf32, #tpu.memory_space<hbm>> -> memref<512x16xf32, #tpu.memory_space<hbm>>
      tpu.wait_dma2 semaphore(%run_scoped3A : memref<!tpu.dma_semaphore, #tpu.memory_space<semaphore_mem>>) src(%arg12 : memref<512x16xf32, #tpu.memory_space<vmem>>) dst(%dma_wait3A_765 : memref<512x16xf32, #tpu.memory_space<hbm>>)
      tpu.yield
    }) : () -> ()
    %broadcast_in_dim3A_310 = arith.constant 13 : i32
    %broadcast_in_dim3A_311 = vector.broadcast %broadcast_in_dim3A_310 : i32 to vector<16xi32>
    %scan3A_312 = arith.constant 0 : i32
    %scan3A_313 = arith.constant 0 : i32
    %scan3A_314 = arith.constant 32 : i32
    %scan3A_315 = arith.addi %scan3A_313, %scan3A_314 : i32
    %scan3A_316 = arith.constant 1 : i32
    scf.for %scan3A_758 = %scan3A_313 to %scan3A_315 step %scan3A_316  : i32 {
      %mul3A_759 = arith.constant 16 : i32
      %mul3A_760 = arith.muli %scan3A_758, %mul3A_759 : i32
      %add3A_761 = vector.broadcast %mul3A_760 : i32 to vector<16xi32>
      %add3A_762 = arith.addi %add3A_761, %iota3A : vector<16xi32>
      %gather3A = tpu.vector_load_idx %arg9[%add3A_762, %broadcast_in_dim3A_311] : memref<512x39xf32, #tpu.memory_space<vmem>>[vector<16xi32>, vector<16xi32>], vector<16xf32>,
      %convert_element_type3A = arith.fptosi %gather3A : vector<16xf32> to vector<16xi32>
      %add3A_763 = arith.constant 1300013 : i32
      %add3A_764 = vector.broadcast %add3A_763 : i32 to vector<16xi32>
      %add3A_765 = arith.addi %convert_element_type3A, %add3A_764 : vector<16xi32>
      %mul3A_766 = arith.constant 16 : i32
      %mul3A_767 = arith.muli %scan3A_758, %mul3A_766 : i32
      %swap3A = arith.index_cast %mul3A_767 : i32 to index
      %swap3A_768 = tpu.vector_load %arg10[%swap3A] {strides = array<i32>} : memref<512xi32, #tpu.memory_space<vmem>>, vector<16xi32>,
      tpu.vector_store %arg10[%swap3A], %add3A_765 {strides = array<i32>} : memref<512xi32, #tpu.memory_space<vmem>>, vector<16xi32>,
      %eq3A = arith.constant 0 : i32
      %eq3A_769 = vector.broadcast %eq3A : i32 to vector<16xi32>
      %eq3A_770 = arith.cmpi eq, %convert_element_type3A, %eq3A_769 : vector<16xi32>
      %broadcast_in_dim3A_771 = arith.constant 0.000000e+00 : f32
      %broadcast_in_dim3A_772 = vector.broadcast %broadcast_in_dim3A_771 : f32 to vector<16xf32>
      %broadcast_in_dim3A_773 = arith.constant 1.000000e+00 : f32
      %broadcast_in_dim3A_774 = vector.broadcast %broadcast_in_dim3A_773 : f32 to vector<16xf32>
      %select_n3A = arith.select %eq3A_770, %broadcast_in_dim3A_772, %broadcast_in_dim3A_774 : vector<16xi1>, vector<16xf32>
      %mul3A_775 = arith.constant 16 : i32
      %mul3A_776 = arith.muli %scan3A_758, %mul3A_775 : i32
      %swap3A_777 = arith.index_cast %mul3A_776 : i32 to index
      %swap3A_778 = tpu.vector_load %arg11[%swap3A_777] {strides = array<i32>} : memref<512xf32, #tpu.memory_space<vmem>>, vector<16xf32>,
      tpu.vector_store %arg11[%swap3A_777], %select_n3A {strides = array<i32>} : memref<512xf32, #tpu.memory_space<vmem>>, vector<16xf32>,
    }
    %scan3A_317 = arith.constant 32 : i32
    %dma_start3A_318 = arith.constant 0 : i32
    %dma_start3A_319 = arith.constant 0 : i32
    %dma_start3A_320 = tpu.memref_slice %arg3[%dma_start3A_318, %dma_start3A_319] : memref<2600026x16xf32, #tpu.memory_space<hbm>> -> memref<2600026x16xf32, #tpu.memory_space<hbm>>
    tpu.enqueue_indirect_dma source(%dma_start3A_320 : memref<2600026x16xf32, #tpu.memory_space<hbm>>) target(%arg12 : memref<512x16xf32, #tpu.memory_space<vmem>>) offsets(%arg10 : memref<512xi32, #tpu.memory_space<vmem>>) semaphore(%arg17 : memref<!tpu.dma_semaphore, #tpu.memory_space<semaphore_mem>>)
    %dma_wait3A_321 = arith.constant 0 : i32
    %dma_wait3A_322 = arith.constant 0 : i32
    %dma_wait3A_323 = tpu.memref_slice %arg3[%dma_wait3A_321, %dma_wait3A_322] : memref<2600026x16xf32, #tpu.memory_space<hbm>> -> memref<2600026x16xf32, #tpu.memory_space<hbm>>
    tpu.wait_indirect_dma semaphore(%arg17 : memref<!tpu.dma_semaphore, #tpu.memory_space<semaphore_mem>>) src(%dma_wait3A_323 : memref<2600026x16xf32, #tpu.memory_space<hbm>>) dst(%arg12 : memref<512x16xf32, #tpu.memory_space<vmem>>)
    %get3A_324 = arith.constant 13 : i32
    %get3A_325 = arith.index_cast %get3A_324 : i32 to index
    %get3A_326 = arith.constant 0 : index
    %get3A_327 = tpu.vector_load %arg13[%get3A_325, %get3A_326] {strides = array<i32>} : memref<26x16xf32, #tpu.memory_space<vmem>>, vector<16xf32>,
    %scan3A_328 = arith.constant 0 : i32
    %scan3A_329 = arith.constant 0 : i32
    %scan3A_330 = arith.constant 512 : i32
    %scan3A_331 = arith.addi %scan3A_329, %scan3A_330 : i32
    %scan3A_332 = arith.constant 1 : i32
    scf.for %scan3A_758 = %scan3A_329 to %scan3A_331 step %scan3A_332  : i32 {
      %broadcast_in_dim3A_759 = vector.broadcast %scan3A_758 : i32 to vector<16xi32>
      %gather3A = tpu.vector_load_idx %arg11[%broadcast_in_dim3A_759] : memref<512xf32, #tpu.memory_space<vmem>>[vector<16xi32>], vector<16xf32>,
      %get3A_760 = arith.index_cast %scan3A_758 : i32 to index
      %get3A_761 = arith.constant 0 : index
      %get3A_762 = tpu.vector_load %arg12[%get3A_760, %get3A_761] {strides = array<i32>} : memref<512x16xf32, #tpu.memory_space<vmem>>, vector<16xf32>,
      %mul3A_763 = arith.mulf %get3A_762, %gather3A : vector<16xf32>
      %add3A_764 = arith.addf %mul3A_763, %get3A_327 : vector<16xf32>
      %swap3A = arith.index_cast %scan3A_758 : i32 to index
      %swap3A_765 = arith.constant 0 : index
      %swap3A_766 = tpu.vector_load %arg12[%swap3A, %swap3A_765] {strides = array<i32>} : memref<512x16xf32, #tpu.memory_space<vmem>>, vector<16xf32>,
      tpu.vector_store %arg12[%swap3A, %swap3A_765], %add3A_764 {strides = array<i32>} : memref<512x16xf32, #tpu.memory_space<vmem>>, vector<16xf32>,
    }
    %scan3A_333 = arith.constant 512 : i32
    "tpu.region"() ({
      %run_scoped3A = tpu.sem_alloc : memref<!tpu.dma_semaphore, #tpu.memory_space<semaphore_mem>>
      %dma_start3A_758 = arith.constant 208 : i32
      %dma_start3A_759 = tpu.memref_slice %arg7[%mul3A_2, %dma_start3A_758] : memref<16384x416xf32, #tpu.memory_space<hbm>> -> memref<512x16xf32, #tpu.memory_space<hbm>>
      %dma_start3A_760 = arith.constant 208 : i32
      %dma_start3A_761 = tpu.memref_slice %arg7[%mul3A_2, %dma_start3A_760] : memref<16384x416xf32, #tpu.memory_space<hbm>> -> memref<512x16xf32, #tpu.memory_space<hbm>>
      tpu.enqueue_dma source(%arg12 : memref<512x16xf32, #tpu.memory_space<vmem>>) target(%dma_start3A_761 : memref<512x16xf32, #tpu.memory_space<hbm>>) target_semaphore(%run_scoped3A : memref<!tpu.dma_semaphore, #tpu.memory_space<semaphore_mem>>)
      %dma_wait3A_762 = arith.constant 208 : i32
      %dma_wait3A_763 = tpu.memref_slice %arg7[%mul3A_2, %dma_wait3A_762] : memref<16384x416xf32, #tpu.memory_space<hbm>> -> memref<512x16xf32, #tpu.memory_space<hbm>>
      %dma_wait3A_764 = arith.constant 208 : i32
      %dma_wait3A_765 = tpu.memref_slice %arg7[%mul3A_2, %dma_wait3A_764] : memref<16384x416xf32, #tpu.memory_space<hbm>> -> memref<512x16xf32, #tpu.memory_space<hbm>>
      tpu.wait_dma2 semaphore(%run_scoped3A : memref<!tpu.dma_semaphore, #tpu.memory_space<semaphore_mem>>) src(%arg12 : memref<512x16xf32, #tpu.memory_space<vmem>>) dst(%dma_wait3A_765 : memref<512x16xf32, #tpu.memory_space<hbm>>)
      tpu.yield
    }) : () -> ()
    %broadcast_in_dim3A_334 = arith.constant 14 : i32
    %broadcast_in_dim3A_335 = vector.broadcast %broadcast_in_dim3A_334 : i32 to vector<16xi32>
    %scan3A_336 = arith.constant 0 : i32
    %scan3A_337 = arith.constant 0 : i32
    %scan3A_338 = arith.constant 32 : i32
    %scan3A_339 = arith.addi %scan3A_337, %scan3A_338 : i32
    %scan3A_340 = arith.constant 1 : i32
    scf.for %scan3A_758 = %scan3A_337 to %scan3A_339 step %scan3A_340  : i32 {
      %mul3A_759 = arith.constant 16 : i32
      %mul3A_760 = arith.muli %scan3A_758, %mul3A_759 : i32
      %add3A_761 = vector.broadcast %mul3A_760 : i32 to vector<16xi32>
      %add3A_762 = arith.addi %add3A_761, %iota3A : vector<16xi32>
      %gather3A = tpu.vector_load_idx %arg9[%add3A_762, %broadcast_in_dim3A_335] : memref<512x39xf32, #tpu.memory_space<vmem>>[vector<16xi32>, vector<16xi32>], vector<16xf32>,
      %convert_element_type3A = arith.fptosi %gather3A : vector<16xf32> to vector<16xi32>
      %add3A_763 = arith.constant 1400014 : i32
      %add3A_764 = vector.broadcast %add3A_763 : i32 to vector<16xi32>
      %add3A_765 = arith.addi %convert_element_type3A, %add3A_764 : vector<16xi32>
      %mul3A_766 = arith.constant 16 : i32
      %mul3A_767 = arith.muli %scan3A_758, %mul3A_766 : i32
      %swap3A = arith.index_cast %mul3A_767 : i32 to index
      %swap3A_768 = tpu.vector_load %arg10[%swap3A] {strides = array<i32>} : memref<512xi32, #tpu.memory_space<vmem>>, vector<16xi32>,
      tpu.vector_store %arg10[%swap3A], %add3A_765 {strides = array<i32>} : memref<512xi32, #tpu.memory_space<vmem>>, vector<16xi32>,
      %eq3A = arith.constant 0 : i32
      %eq3A_769 = vector.broadcast %eq3A : i32 to vector<16xi32>
      %eq3A_770 = arith.cmpi eq, %convert_element_type3A, %eq3A_769 : vector<16xi32>
      %broadcast_in_dim3A_771 = arith.constant 0.000000e+00 : f32
      %broadcast_in_dim3A_772 = vector.broadcast %broadcast_in_dim3A_771 : f32 to vector<16xf32>
      %broadcast_in_dim3A_773 = arith.constant 1.000000e+00 : f32
      %broadcast_in_dim3A_774 = vector.broadcast %broadcast_in_dim3A_773 : f32 to vector<16xf32>
      %select_n3A = arith.select %eq3A_770, %broadcast_in_dim3A_772, %broadcast_in_dim3A_774 : vector<16xi1>, vector<16xf32>
      %mul3A_775 = arith.constant 16 : i32
      %mul3A_776 = arith.muli %scan3A_758, %mul3A_775 : i32
      %swap3A_777 = arith.index_cast %mul3A_776 : i32 to index
      %swap3A_778 = tpu.vector_load %arg11[%swap3A_777] {strides = array<i32>} : memref<512xf32, #tpu.memory_space<vmem>>, vector<16xf32>,
      tpu.vector_store %arg11[%swap3A_777], %select_n3A {strides = array<i32>} : memref<512xf32, #tpu.memory_space<vmem>>, vector<16xf32>,
    }
    %scan3A_341 = arith.constant 32 : i32
    %dma_start3A_342 = arith.constant 0 : i32
    %dma_start3A_343 = arith.constant 0 : i32
    %dma_start3A_344 = tpu.memref_slice %arg3[%dma_start3A_342, %dma_start3A_343] : memref<2600026x16xf32, #tpu.memory_space<hbm>> -> memref<2600026x16xf32, #tpu.memory_space<hbm>>
    tpu.enqueue_indirect_dma source(%dma_start3A_344 : memref<2600026x16xf32, #tpu.memory_space<hbm>>) target(%arg12 : memref<512x16xf32, #tpu.memory_space<vmem>>) offsets(%arg10 : memref<512xi32, #tpu.memory_space<vmem>>) semaphore(%arg17 : memref<!tpu.dma_semaphore, #tpu.memory_space<semaphore_mem>>)
    %dma_wait3A_345 = arith.constant 0 : i32
    %dma_wait3A_346 = arith.constant 0 : i32
    %dma_wait3A_347 = tpu.memref_slice %arg3[%dma_wait3A_345, %dma_wait3A_346] : memref<2600026x16xf32, #tpu.memory_space<hbm>> -> memref<2600026x16xf32, #tpu.memory_space<hbm>>
    tpu.wait_indirect_dma semaphore(%arg17 : memref<!tpu.dma_semaphore, #tpu.memory_space<semaphore_mem>>) src(%dma_wait3A_347 : memref<2600026x16xf32, #tpu.memory_space<hbm>>) dst(%arg12 : memref<512x16xf32, #tpu.memory_space<vmem>>)
    %get3A_348 = arith.constant 14 : i32
    %get3A_349 = arith.index_cast %get3A_348 : i32 to index
    %get3A_350 = arith.constant 0 : index
    %get3A_351 = tpu.vector_load %arg13[%get3A_349, %get3A_350] {strides = array<i32>} : memref<26x16xf32, #tpu.memory_space<vmem>>, vector<16xf32>,
    %scan3A_352 = arith.constant 0 : i32
    %scan3A_353 = arith.constant 0 : i32
    %scan3A_354 = arith.constant 512 : i32
    %scan3A_355 = arith.addi %scan3A_353, %scan3A_354 : i32
    %scan3A_356 = arith.constant 1 : i32
    scf.for %scan3A_758 = %scan3A_353 to %scan3A_355 step %scan3A_356  : i32 {
      %broadcast_in_dim3A_759 = vector.broadcast %scan3A_758 : i32 to vector<16xi32>
      %gather3A = tpu.vector_load_idx %arg11[%broadcast_in_dim3A_759] : memref<512xf32, #tpu.memory_space<vmem>>[vector<16xi32>], vector<16xf32>,
      %get3A_760 = arith.index_cast %scan3A_758 : i32 to index
      %get3A_761 = arith.constant 0 : index
      %get3A_762 = tpu.vector_load %arg12[%get3A_760, %get3A_761] {strides = array<i32>} : memref<512x16xf32, #tpu.memory_space<vmem>>, vector<16xf32>,
      %mul3A_763 = arith.mulf %get3A_762, %gather3A : vector<16xf32>
      %add3A_764 = arith.addf %mul3A_763, %get3A_351 : vector<16xf32>
      %swap3A = arith.index_cast %scan3A_758 : i32 to index
      %swap3A_765 = arith.constant 0 : index
      %swap3A_766 = tpu.vector_load %arg12[%swap3A, %swap3A_765] {strides = array<i32>} : memref<512x16xf32, #tpu.memory_space<vmem>>, vector<16xf32>,
      tpu.vector_store %arg12[%swap3A, %swap3A_765], %add3A_764 {strides = array<i32>} : memref<512x16xf32, #tpu.memory_space<vmem>>, vector<16xf32>,
    }
    %scan3A_357 = arith.constant 512 : i32
    "tpu.region"() ({
      %run_scoped3A = tpu.sem_alloc : memref<!tpu.dma_semaphore, #tpu.memory_space<semaphore_mem>>
      %dma_start3A_758 = arith.constant 224 : i32
      %dma_start3A_759 = tpu.memref_slice %arg7[%mul3A_2, %dma_start3A_758] : memref<16384x416xf32, #tpu.memory_space<hbm>> -> memref<512x16xf32, #tpu.memory_space<hbm>>
      %dma_start3A_760 = arith.constant 224 : i32
      %dma_start3A_761 = tpu.memref_slice %arg7[%mul3A_2, %dma_start3A_760] : memref<16384x416xf32, #tpu.memory_space<hbm>> -> memref<512x16xf32, #tpu.memory_space<hbm>>
      tpu.enqueue_dma source(%arg12 : memref<512x16xf32, #tpu.memory_space<vmem>>) target(%dma_start3A_761 : memref<512x16xf32, #tpu.memory_space<hbm>>) target_semaphore(%run_scoped3A : memref<!tpu.dma_semaphore, #tpu.memory_space<semaphore_mem>>)
      %dma_wait3A_762 = arith.constant 224 : i32
      %dma_wait3A_763 = tpu.memref_slice %arg7[%mul3A_2, %dma_wait3A_762] : memref<16384x416xf32, #tpu.memory_space<hbm>> -> memref<512x16xf32, #tpu.memory_space<hbm>>
      %dma_wait3A_764 = arith.constant 224 : i32
      %dma_wait3A_765 = tpu.memref_slice %arg7[%mul3A_2, %dma_wait3A_764] : memref<16384x416xf32, #tpu.memory_space<hbm>> -> memref<512x16xf32, #tpu.memory_space<hbm>>
      tpu.wait_dma2 semaphore(%run_scoped3A : memref<!tpu.dma_semaphore, #tpu.memory_space<semaphore_mem>>) src(%arg12 : memref<512x16xf32, #tpu.memory_space<vmem>>) dst(%dma_wait3A_765 : memref<512x16xf32, #tpu.memory_space<hbm>>)
      tpu.yield
    }) : () -> ()
    %broadcast_in_dim3A_358 = arith.constant 15 : i32
    %broadcast_in_dim3A_359 = vector.broadcast %broadcast_in_dim3A_358 : i32 to vector<16xi32>
    %scan3A_360 = arith.constant 0 : i32
    %scan3A_361 = arith.constant 0 : i32
    %scan3A_362 = arith.constant 32 : i32
    %scan3A_363 = arith.addi %scan3A_361, %scan3A_362 : i32
    %scan3A_364 = arith.constant 1 : i32
    scf.for %scan3A_758 = %scan3A_361 to %scan3A_363 step %scan3A_364  : i32 {
      %mul3A_759 = arith.constant 16 : i32
      %mul3A_760 = arith.muli %scan3A_758, %mul3A_759 : i32
      %add3A_761 = vector.broadcast %mul3A_760 : i32 to vector<16xi32>
      %add3A_762 = arith.addi %add3A_761, %iota3A : vector<16xi32>
      %gather3A = tpu.vector_load_idx %arg9[%add3A_762, %broadcast_in_dim3A_359] : memref<512x39xf32, #tpu.memory_space<vmem>>[vector<16xi32>, vector<16xi32>], vector<16xf32>,
      %convert_element_type3A = arith.fptosi %gather3A : vector<16xf32> to vector<16xi32>
      %add3A_763 = arith.constant 1500015 : i32
      %add3A_764 = vector.broadcast %add3A_763 : i32 to vector<16xi32>
      %add3A_765 = arith.addi %convert_element_type3A, %add3A_764 : vector<16xi32>
      %mul3A_766 = arith.constant 16 : i32
      %mul3A_767 = arith.muli %scan3A_758, %mul3A_766 : i32
      %swap3A = arith.index_cast %mul3A_767 : i32 to index
      %swap3A_768 = tpu.vector_load %arg10[%swap3A] {strides = array<i32>} : memref<512xi32, #tpu.memory_space<vmem>>, vector<16xi32>,
      tpu.vector_store %arg10[%swap3A], %add3A_765 {strides = array<i32>} : memref<512xi32, #tpu.memory_space<vmem>>, vector<16xi32>,
      %eq3A = arith.constant 0 : i32
      %eq3A_769 = vector.broadcast %eq3A : i32 to vector<16xi32>
      %eq3A_770 = arith.cmpi eq, %convert_element_type3A, %eq3A_769 : vector<16xi32>
      %broadcast_in_dim3A_771 = arith.constant 0.000000e+00 : f32
      %broadcast_in_dim3A_772 = vector.broadcast %broadcast_in_dim3A_771 : f32 to vector<16xf32>
      %broadcast_in_dim3A_773 = arith.constant 1.000000e+00 : f32
      %broadcast_in_dim3A_774 = vector.broadcast %broadcast_in_dim3A_773 : f32 to vector<16xf32>
      %select_n3A = arith.select %eq3A_770, %broadcast_in_dim3A_772, %broadcast_in_dim3A_774 : vector<16xi1>, vector<16xf32>
      %mul3A_775 = arith.constant 16 : i32
      %mul3A_776 = arith.muli %scan3A_758, %mul3A_775 : i32
      %swap3A_777 = arith.index_cast %mul3A_776 : i32 to index
      %swap3A_778 = tpu.vector_load %arg11[%swap3A_777] {strides = array<i32>} : memref<512xf32, #tpu.memory_space<vmem>>, vector<16xf32>,
      tpu.vector_store %arg11[%swap3A_777], %select_n3A {strides = array<i32>} : memref<512xf32, #tpu.memory_space<vmem>>, vector<16xf32>,
    }
    %scan3A_365 = arith.constant 32 : i32
    %dma_start3A_366 = arith.constant 0 : i32
    %dma_start3A_367 = arith.constant 0 : i32
    %dma_start3A_368 = tpu.memref_slice %arg3[%dma_start3A_366, %dma_start3A_367] : memref<2600026x16xf32, #tpu.memory_space<hbm>> -> memref<2600026x16xf32, #tpu.memory_space<hbm>>
    tpu.enqueue_indirect_dma source(%dma_start3A_368 : memref<2600026x16xf32, #tpu.memory_space<hbm>>) target(%arg12 : memref<512x16xf32, #tpu.memory_space<vmem>>) offsets(%arg10 : memref<512xi32, #tpu.memory_space<vmem>>) semaphore(%arg17 : memref<!tpu.dma_semaphore, #tpu.memory_space<semaphore_mem>>)
    %dma_wait3A_369 = arith.constant 0 : i32
    %dma_wait3A_370 = arith.constant 0 : i32
    %dma_wait3A_371 = tpu.memref_slice %arg3[%dma_wait3A_369, %dma_wait3A_370] : memref<2600026x16xf32, #tpu.memory_space<hbm>> -> memref<2600026x16xf32, #tpu.memory_space<hbm>>
    tpu.wait_indirect_dma semaphore(%arg17 : memref<!tpu.dma_semaphore, #tpu.memory_space<semaphore_mem>>) src(%dma_wait3A_371 : memref<2600026x16xf32, #tpu.memory_space<hbm>>) dst(%arg12 : memref<512x16xf32, #tpu.memory_space<vmem>>)
    %get3A_372 = arith.constant 15 : i32
    %get3A_373 = arith.index_cast %get3A_372 : i32 to index
    %get3A_374 = arith.constant 0 : index
    %get3A_375 = tpu.vector_load %arg13[%get3A_373, %get3A_374] {strides = array<i32>} : memref<26x16xf32, #tpu.memory_space<vmem>>, vector<16xf32>,
    %scan3A_376 = arith.constant 0 : i32
    %scan3A_377 = arith.constant 0 : i32
    %scan3A_378 = arith.constant 512 : i32
    %scan3A_379 = arith.addi %scan3A_377, %scan3A_378 : i32
    %scan3A_380 = arith.constant 1 : i32
    scf.for %scan3A_758 = %scan3A_377 to %scan3A_379 step %scan3A_380  : i32 {
      %broadcast_in_dim3A_759 = vector.broadcast %scan3A_758 : i32 to vector<16xi32>
      %gather3A = tpu.vector_load_idx %arg11[%broadcast_in_dim3A_759] : memref<512xf32, #tpu.memory_space<vmem>>[vector<16xi32>], vector<16xf32>,
      %get3A_760 = arith.index_cast %scan3A_758 : i32 to index
      %get3A_761 = arith.constant 0 : index
      %get3A_762 = tpu.vector_load %arg12[%get3A_760, %get3A_761] {strides = array<i32>} : memref<512x16xf32, #tpu.memory_space<vmem>>, vector<16xf32>,
      %mul3A_763 = arith.mulf %get3A_762, %gather3A : vector<16xf32>
      %add3A_764 = arith.addf %mul3A_763, %get3A_375 : vector<16xf32>
      %swap3A = arith.index_cast %scan3A_758 : i32 to index
      %swap3A_765 = arith.constant 0 : index
      %swap3A_766 = tpu.vector_load %arg12[%swap3A, %swap3A_765] {strides = array<i32>} : memref<512x16xf32, #tpu.memory_space<vmem>>, vector<16xf32>,
      tpu.vector_store %arg12[%swap3A, %swap3A_765], %add3A_764 {strides = array<i32>} : memref<512x16xf32, #tpu.memory_space<vmem>>, vector<16xf32>,
    }
    %scan3A_381 = arith.constant 512 : i32
    "tpu.region"() ({
      %run_scoped3A = tpu.sem_alloc : memref<!tpu.dma_semaphore, #tpu.memory_space<semaphore_mem>>
      %dma_start3A_758 = arith.constant 240 : i32
      %dma_start3A_759 = tpu.memref_slice %arg7[%mul3A_2, %dma_start3A_758] : memref<16384x416xf32, #tpu.memory_space<hbm>> -> memref<512x16xf32, #tpu.memory_space<hbm>>
      %dma_start3A_760 = arith.constant 240 : i32
      %dma_start3A_761 = tpu.memref_slice %arg7[%mul3A_2, %dma_start3A_760] : memref<16384x416xf32, #tpu.memory_space<hbm>> -> memref<512x16xf32, #tpu.memory_space<hbm>>
      tpu.enqueue_dma source(%arg12 : memref<512x16xf32, #tpu.memory_space<vmem>>) target(%dma_start3A_761 : memref<512x16xf32, #tpu.memory_space<hbm>>) target_semaphore(%run_scoped3A : memref<!tpu.dma_semaphore, #tpu.memory_space<semaphore_mem>>)
      %dma_wait3A_762 = arith.constant 240 : i32
      %dma_wait3A_763 = tpu.memref_slice %arg7[%mul3A_2, %dma_wait3A_762] : memref<16384x416xf32, #tpu.memory_space<hbm>> -> memref<512x16xf32, #tpu.memory_space<hbm>>
      %dma_wait3A_764 = arith.constant 240 : i32
      %dma_wait3A_765 = tpu.memref_slice %arg7[%mul3A_2, %dma_wait3A_764] : memref<16384x416xf32, #tpu.memory_space<hbm>> -> memref<512x16xf32, #tpu.memory_space<hbm>>
      tpu.wait_dma2 semaphore(%run_scoped3A : memref<!tpu.dma_semaphore, #tpu.memory_space<semaphore_mem>>) src(%arg12 : memref<512x16xf32, #tpu.memory_space<vmem>>) dst(%dma_wait3A_765 : memref<512x16xf32, #tpu.memory_space<hbm>>)
      tpu.yield
    }) : () -> ()
    %broadcast_in_dim3A_382 = arith.constant 16 : i32
    %broadcast_in_dim3A_383 = vector.broadcast %broadcast_in_dim3A_382 : i32 to vector<16xi32>
    %scan3A_384 = arith.constant 0 : i32
    %scan3A_385 = arith.constant 0 : i32
    %scan3A_386 = arith.constant 32 : i32
    %scan3A_387 = arith.addi %scan3A_385, %scan3A_386 : i32
    %scan3A_388 = arith.constant 1 : i32
    scf.for %scan3A_758 = %scan3A_385 to %scan3A_387 step %scan3A_388  : i32 {
      %mul3A_759 = arith.constant 16 : i32
      %mul3A_760 = arith.muli %scan3A_758, %mul3A_759 : i32
      %add3A_761 = vector.broadcast %mul3A_760 : i32 to vector<16xi32>
      %add3A_762 = arith.addi %add3A_761, %iota3A : vector<16xi32>
      %gather3A = tpu.vector_load_idx %arg9[%add3A_762, %broadcast_in_dim3A_383] : memref<512x39xf32, #tpu.memory_space<vmem>>[vector<16xi32>, vector<16xi32>], vector<16xf32>,
      %convert_element_type3A = arith.fptosi %gather3A : vector<16xf32> to vector<16xi32>
      %add3A_763 = arith.constant 1600016 : i32
      %add3A_764 = vector.broadcast %add3A_763 : i32 to vector<16xi32>
      %add3A_765 = arith.addi %convert_element_type3A, %add3A_764 : vector<16xi32>
      %mul3A_766 = arith.constant 16 : i32
      %mul3A_767 = arith.muli %scan3A_758, %mul3A_766 : i32
      %swap3A = arith.index_cast %mul3A_767 : i32 to index
      %swap3A_768 = tpu.vector_load %arg10[%swap3A] {strides = array<i32>} : memref<512xi32, #tpu.memory_space<vmem>>, vector<16xi32>,
      tpu.vector_store %arg10[%swap3A], %add3A_765 {strides = array<i32>} : memref<512xi32, #tpu.memory_space<vmem>>, vector<16xi32>,
      %eq3A = arith.constant 0 : i32
      %eq3A_769 = vector.broadcast %eq3A : i32 to vector<16xi32>
      %eq3A_770 = arith.cmpi eq, %convert_element_type3A, %eq3A_769 : vector<16xi32>
      %broadcast_in_dim3A_771 = arith.constant 0.000000e+00 : f32
      %broadcast_in_dim3A_772 = vector.broadcast %broadcast_in_dim3A_771 : f32 to vector<16xf32>
      %broadcast_in_dim3A_773 = arith.constant 1.000000e+00 : f32
      %broadcast_in_dim3A_774 = vector.broadcast %broadcast_in_dim3A_773 : f32 to vector<16xf32>
      %select_n3A = arith.select %eq3A_770, %broadcast_in_dim3A_772, %broadcast_in_dim3A_774 : vector<16xi1>, vector<16xf32>
      %mul3A_775 = arith.constant 16 : i32
      %mul3A_776 = arith.muli %scan3A_758, %mul3A_775 : i32
      %swap3A_777 = arith.index_cast %mul3A_776 : i32 to index
      %swap3A_778 = tpu.vector_load %arg11[%swap3A_777] {strides = array<i32>} : memref<512xf32, #tpu.memory_space<vmem>>, vector<16xf32>,
      tpu.vector_store %arg11[%swap3A_777], %select_n3A {strides = array<i32>} : memref<512xf32, #tpu.memory_space<vmem>>, vector<16xf32>,
    }
    %scan3A_389 = arith.constant 32 : i32
    %dma_start3A_390 = arith.constant 0 : i32
    %dma_start3A_391 = arith.constant 0 : i32
    %dma_start3A_392 = tpu.memref_slice %arg3[%dma_start3A_390, %dma_start3A_391] : memref<2600026x16xf32, #tpu.memory_space<hbm>> -> memref<2600026x16xf32, #tpu.memory_space<hbm>>
    tpu.enqueue_indirect_dma source(%dma_start3A_392 : memref<2600026x16xf32, #tpu.memory_space<hbm>>) target(%arg12 : memref<512x16xf32, #tpu.memory_space<vmem>>) offsets(%arg10 : memref<512xi32, #tpu.memory_space<vmem>>) semaphore(%arg17 : memref<!tpu.dma_semaphore, #tpu.memory_space<semaphore_mem>>)
    %dma_wait3A_393 = arith.constant 0 : i32
    %dma_wait3A_394 = arith.constant 0 : i32
    %dma_wait3A_395 = tpu.memref_slice %arg3[%dma_wait3A_393, %dma_wait3A_394] : memref<2600026x16xf32, #tpu.memory_space<hbm>> -> memref<2600026x16xf32, #tpu.memory_space<hbm>>
    tpu.wait_indirect_dma semaphore(%arg17 : memref<!tpu.dma_semaphore, #tpu.memory_space<semaphore_mem>>) src(%dma_wait3A_395 : memref<2600026x16xf32, #tpu.memory_space<hbm>>) dst(%arg12 : memref<512x16xf32, #tpu.memory_space<vmem>>)
    %get3A_396 = arith.constant 16 : i32
    %get3A_397 = arith.index_cast %get3A_396 : i32 to index
    %get3A_398 = arith.constant 0 : index
    %get3A_399 = tpu.vector_load %arg13[%get3A_397, %get3A_398] {strides = array<i32>} : memref<26x16xf32, #tpu.memory_space<vmem>>, vector<16xf32>,
    %scan3A_400 = arith.constant 0 : i32
    %scan3A_401 = arith.constant 0 : i32
    %scan3A_402 = arith.constant 512 : i32
    %scan3A_403 = arith.addi %scan3A_401, %scan3A_402 : i32
    %scan3A_404 = arith.constant 1 : i32
    scf.for %scan3A_758 = %scan3A_401 to %scan3A_403 step %scan3A_404  : i32 {
      %broadcast_in_dim3A_759 = vector.broadcast %scan3A_758 : i32 to vector<16xi32>
      %gather3A = tpu.vector_load_idx %arg11[%broadcast_in_dim3A_759] : memref<512xf32, #tpu.memory_space<vmem>>[vector<16xi32>], vector<16xf32>,
      %get3A_760 = arith.index_cast %scan3A_758 : i32 to index
      %get3A_761 = arith.constant 0 : index
      %get3A_762 = tpu.vector_load %arg12[%get3A_760, %get3A_761] {strides = array<i32>} : memref<512x16xf32, #tpu.memory_space<vmem>>, vector<16xf32>,
      %mul3A_763 = arith.mulf %get3A_762, %gather3A : vector<16xf32>
      %add3A_764 = arith.addf %mul3A_763, %get3A_399 : vector<16xf32>
      %swap3A = arith.index_cast %scan3A_758 : i32 to index
      %swap3A_765 = arith.constant 0 : index
      %swap3A_766 = tpu.vector_load %arg12[%swap3A, %swap3A_765] {strides = array<i32>} : memref<512x16xf32, #tpu.memory_space<vmem>>, vector<16xf32>,
      tpu.vector_store %arg12[%swap3A, %swap3A_765], %add3A_764 {strides = array<i32>} : memref<512x16xf32, #tpu.memory_space<vmem>>, vector<16xf32>,
    }
    %scan3A_405 = arith.constant 512 : i32
    "tpu.region"() ({
      %run_scoped3A = tpu.sem_alloc : memref<!tpu.dma_semaphore, #tpu.memory_space<semaphore_mem>>
      %dma_start3A_758 = arith.constant 256 : i32
      %dma_start3A_759 = tpu.memref_slice %arg7[%mul3A_2, %dma_start3A_758] : memref<16384x416xf32, #tpu.memory_space<hbm>> -> memref<512x16xf32, #tpu.memory_space<hbm>>
      %dma_start3A_760 = arith.constant 256 : i32
      %dma_start3A_761 = tpu.memref_slice %arg7[%mul3A_2, %dma_start3A_760] : memref<16384x416xf32, #tpu.memory_space<hbm>> -> memref<512x16xf32, #tpu.memory_space<hbm>>
      tpu.enqueue_dma source(%arg12 : memref<512x16xf32, #tpu.memory_space<vmem>>) target(%dma_start3A_761 : memref<512x16xf32, #tpu.memory_space<hbm>>) target_semaphore(%run_scoped3A : memref<!tpu.dma_semaphore, #tpu.memory_space<semaphore_mem>>)
      %dma_wait3A_762 = arith.constant 256 : i32
      %dma_wait3A_763 = tpu.memref_slice %arg7[%mul3A_2, %dma_wait3A_762] : memref<16384x416xf32, #tpu.memory_space<hbm>> -> memref<512x16xf32, #tpu.memory_space<hbm>>
      %dma_wait3A_764 = arith.constant 256 : i32
      %dma_wait3A_765 = tpu.memref_slice %arg7[%mul3A_2, %dma_wait3A_764] : memref<16384x416xf32, #tpu.memory_space<hbm>> -> memref<512x16xf32, #tpu.memory_space<hbm>>
      tpu.wait_dma2 semaphore(%run_scoped3A : memref<!tpu.dma_semaphore, #tpu.memory_space<semaphore_mem>>) src(%arg12 : memref<512x16xf32, #tpu.memory_space<vmem>>) dst(%dma_wait3A_765 : memref<512x16xf32, #tpu.memory_space<hbm>>)
      tpu.yield
    }) : () -> ()
    %broadcast_in_dim3A_406 = arith.constant 17 : i32
    %broadcast_in_dim3A_407 = vector.broadcast %broadcast_in_dim3A_406 : i32 to vector<16xi32>
    %scan3A_408 = arith.constant 0 : i32
    %scan3A_409 = arith.constant 0 : i32
    %scan3A_410 = arith.constant 32 : i32
    %scan3A_411 = arith.addi %scan3A_409, %scan3A_410 : i32
    %scan3A_412 = arith.constant 1 : i32
    scf.for %scan3A_758 = %scan3A_409 to %scan3A_411 step %scan3A_412  : i32 {
      %mul3A_759 = arith.constant 16 : i32
      %mul3A_760 = arith.muli %scan3A_758, %mul3A_759 : i32
      %add3A_761 = vector.broadcast %mul3A_760 : i32 to vector<16xi32>
      %add3A_762 = arith.addi %add3A_761, %iota3A : vector<16xi32>
      %gather3A = tpu.vector_load_idx %arg9[%add3A_762, %broadcast_in_dim3A_407] : memref<512x39xf32, #tpu.memory_space<vmem>>[vector<16xi32>, vector<16xi32>], vector<16xf32>,
      %convert_element_type3A = arith.fptosi %gather3A : vector<16xf32> to vector<16xi32>
      %add3A_763 = arith.constant 1700017 : i32
      %add3A_764 = vector.broadcast %add3A_763 : i32 to vector<16xi32>
      %add3A_765 = arith.addi %convert_element_type3A, %add3A_764 : vector<16xi32>
      %mul3A_766 = arith.constant 16 : i32
      %mul3A_767 = arith.muli %scan3A_758, %mul3A_766 : i32
      %swap3A = arith.index_cast %mul3A_767 : i32 to index
      %swap3A_768 = tpu.vector_load %arg10[%swap3A] {strides = array<i32>} : memref<512xi32, #tpu.memory_space<vmem>>, vector<16xi32>,
      tpu.vector_store %arg10[%swap3A], %add3A_765 {strides = array<i32>} : memref<512xi32, #tpu.memory_space<vmem>>, vector<16xi32>,
      %eq3A = arith.constant 0 : i32
      %eq3A_769 = vector.broadcast %eq3A : i32 to vector<16xi32>
      %eq3A_770 = arith.cmpi eq, %convert_element_type3A, %eq3A_769 : vector<16xi32>
      %broadcast_in_dim3A_771 = arith.constant 0.000000e+00 : f32
      %broadcast_in_dim3A_772 = vector.broadcast %broadcast_in_dim3A_771 : f32 to vector<16xf32>
      %broadcast_in_dim3A_773 = arith.constant 1.000000e+00 : f32
      %broadcast_in_dim3A_774 = vector.broadcast %broadcast_in_dim3A_773 : f32 to vector<16xf32>
      %select_n3A = arith.select %eq3A_770, %broadcast_in_dim3A_772, %broadcast_in_dim3A_774 : vector<16xi1>, vector<16xf32>
      %mul3A_775 = arith.constant 16 : i32
      %mul3A_776 = arith.muli %scan3A_758, %mul3A_775 : i32
      %swap3A_777 = arith.index_cast %mul3A_776 : i32 to index
      %swap3A_778 = tpu.vector_load %arg11[%swap3A_777] {strides = array<i32>} : memref<512xf32, #tpu.memory_space<vmem>>, vector<16xf32>,
      tpu.vector_store %arg11[%swap3A_777], %select_n3A {strides = array<i32>} : memref<512xf32, #tpu.memory_space<vmem>>, vector<16xf32>,
    }
    %scan3A_413 = arith.constant 32 : i32
    %dma_start3A_414 = arith.constant 0 : i32
    %dma_start3A_415 = arith.constant 0 : i32
    %dma_start3A_416 = tpu.memref_slice %arg3[%dma_start3A_414, %dma_start3A_415] : memref<2600026x16xf32, #tpu.memory_space<hbm>> -> memref<2600026x16xf32, #tpu.memory_space<hbm>>
    tpu.enqueue_indirect_dma source(%dma_start3A_416 : memref<2600026x16xf32, #tpu.memory_space<hbm>>) target(%arg12 : memref<512x16xf32, #tpu.memory_space<vmem>>) offsets(%arg10 : memref<512xi32, #tpu.memory_space<vmem>>) semaphore(%arg17 : memref<!tpu.dma_semaphore, #tpu.memory_space<semaphore_mem>>)
    %dma_wait3A_417 = arith.constant 0 : i32
    %dma_wait3A_418 = arith.constant 0 : i32
    %dma_wait3A_419 = tpu.memref_slice %arg3[%dma_wait3A_417, %dma_wait3A_418] : memref<2600026x16xf32, #tpu.memory_space<hbm>> -> memref<2600026x16xf32, #tpu.memory_space<hbm>>
    tpu.wait_indirect_dma semaphore(%arg17 : memref<!tpu.dma_semaphore, #tpu.memory_space<semaphore_mem>>) src(%dma_wait3A_419 : memref<2600026x16xf32, #tpu.memory_space<hbm>>) dst(%arg12 : memref<512x16xf32, #tpu.memory_space<vmem>>)
    %get3A_420 = arith.constant 17 : i32
    %get3A_421 = arith.index_cast %get3A_420 : i32 to index
    %get3A_422 = arith.constant 0 : index
    %get3A_423 = tpu.vector_load %arg13[%get3A_421, %get3A_422] {strides = array<i32>} : memref<26x16xf32, #tpu.memory_space<vmem>>, vector<16xf32>,
    %scan3A_424 = arith.constant 0 : i32
    %scan3A_425 = arith.constant 0 : i32
    %scan3A_426 = arith.constant 512 : i32
    %scan3A_427 = arith.addi %scan3A_425, %scan3A_426 : i32
    %scan3A_428 = arith.constant 1 : i32
    scf.for %scan3A_758 = %scan3A_425 to %scan3A_427 step %scan3A_428  : i32 {
      %broadcast_in_dim3A_759 = vector.broadcast %scan3A_758 : i32 to vector<16xi32>
      %gather3A = tpu.vector_load_idx %arg11[%broadcast_in_dim3A_759] : memref<512xf32, #tpu.memory_space<vmem>>[vector<16xi32>], vector<16xf32>,
      %get3A_760 = arith.index_cast %scan3A_758 : i32 to index
      %get3A_761 = arith.constant 0 : index
      %get3A_762 = tpu.vector_load %arg12[%get3A_760, %get3A_761] {strides = array<i32>} : memref<512x16xf32, #tpu.memory_space<vmem>>, vector<16xf32>,
      %mul3A_763 = arith.mulf %get3A_762, %gather3A : vector<16xf32>
      %add3A_764 = arith.addf %mul3A_763, %get3A_423 : vector<16xf32>
      %swap3A = arith.index_cast %scan3A_758 : i32 to index
      %swap3A_765 = arith.constant 0 : index
      %swap3A_766 = tpu.vector_load %arg12[%swap3A, %swap3A_765] {strides = array<i32>} : memref<512x16xf32, #tpu.memory_space<vmem>>, vector<16xf32>,
      tpu.vector_store %arg12[%swap3A, %swap3A_765], %add3A_764 {strides = array<i32>} : memref<512x16xf32, #tpu.memory_space<vmem>>, vector<16xf32>,
    }
    %scan3A_429 = arith.constant 512 : i32
    "tpu.region"() ({
      %run_scoped3A = tpu.sem_alloc : memref<!tpu.dma_semaphore, #tpu.memory_space<semaphore_mem>>
      %dma_start3A_758 = arith.constant 272 : i32
      %dma_start3A_759 = tpu.memref_slice %arg7[%mul3A_2, %dma_start3A_758] : memref<16384x416xf32, #tpu.memory_space<hbm>> -> memref<512x16xf32, #tpu.memory_space<hbm>>
      %dma_start3A_760 = arith.constant 272 : i32
      %dma_start3A_761 = tpu.memref_slice %arg7[%mul3A_2, %dma_start3A_760] : memref<16384x416xf32, #tpu.memory_space<hbm>> -> memref<512x16xf32, #tpu.memory_space<hbm>>
      tpu.enqueue_dma source(%arg12 : memref<512x16xf32, #tpu.memory_space<vmem>>) target(%dma_start3A_761 : memref<512x16xf32, #tpu.memory_space<hbm>>) target_semaphore(%run_scoped3A : memref<!tpu.dma_semaphore, #tpu.memory_space<semaphore_mem>>)
      %dma_wait3A_762 = arith.constant 272 : i32
      %dma_wait3A_763 = tpu.memref_slice %arg7[%mul3A_2, %dma_wait3A_762] : memref<16384x416xf32, #tpu.memory_space<hbm>> -> memref<512x16xf32, #tpu.memory_space<hbm>>
      %dma_wait3A_764 = arith.constant 272 : i32
      %dma_wait3A_765 = tpu.memref_slice %arg7[%mul3A_2, %dma_wait3A_764] : memref<16384x416xf32, #tpu.memory_space<hbm>> -> memref<512x16xf32, #tpu.memory_space<hbm>>
      tpu.wait_dma2 semaphore(%run_scoped3A : memref<!tpu.dma_semaphore, #tpu.memory_space<semaphore_mem>>) src(%arg12 : memref<512x16xf32, #tpu.memory_space<vmem>>) dst(%dma_wait3A_765 : memref<512x16xf32, #tpu.memory_space<hbm>>)
      tpu.yield
    }) : () -> ()
    %broadcast_in_dim3A_430 = arith.constant 18 : i32
    %broadcast_in_dim3A_431 = vector.broadcast %broadcast_in_dim3A_430 : i32 to vector<16xi32>
    %scan3A_432 = arith.constant 0 : i32
    %scan3A_433 = arith.constant 0 : i32
    %scan3A_434 = arith.constant 32 : i32
    %scan3A_435 = arith.addi %scan3A_433, %scan3A_434 : i32
    %scan3A_436 = arith.constant 1 : i32
    scf.for %scan3A_758 = %scan3A_433 to %scan3A_435 step %scan3A_436  : i32 {
      %mul3A_759 = arith.constant 16 : i32
      %mul3A_760 = arith.muli %scan3A_758, %mul3A_759 : i32
      %add3A_761 = vector.broadcast %mul3A_760 : i32 to vector<16xi32>
      %add3A_762 = arith.addi %add3A_761, %iota3A : vector<16xi32>
      %gather3A = tpu.vector_load_idx %arg9[%add3A_762, %broadcast_in_dim3A_431] : memref<512x39xf32, #tpu.memory_space<vmem>>[vector<16xi32>, vector<16xi32>], vector<16xf32>,
      %convert_element_type3A = arith.fptosi %gather3A : vector<16xf32> to vector<16xi32>
      %add3A_763 = arith.constant 1800018 : i32
      %add3A_764 = vector.broadcast %add3A_763 : i32 to vector<16xi32>
      %add3A_765 = arith.addi %convert_element_type3A, %add3A_764 : vector<16xi32>
      %mul3A_766 = arith.constant 16 : i32
      %mul3A_767 = arith.muli %scan3A_758, %mul3A_766 : i32
      %swap3A = arith.index_cast %mul3A_767 : i32 to index
      %swap3A_768 = tpu.vector_load %arg10[%swap3A] {strides = array<i32>} : memref<512xi32, #tpu.memory_space<vmem>>, vector<16xi32>,
      tpu.vector_store %arg10[%swap3A], %add3A_765 {strides = array<i32>} : memref<512xi32, #tpu.memory_space<vmem>>, vector<16xi32>,
      %eq3A = arith.constant 0 : i32
      %eq3A_769 = vector.broadcast %eq3A : i32 to vector<16xi32>
      %eq3A_770 = arith.cmpi eq, %convert_element_type3A, %eq3A_769 : vector<16xi32>
      %broadcast_in_dim3A_771 = arith.constant 0.000000e+00 : f32
      %broadcast_in_dim3A_772 = vector.broadcast %broadcast_in_dim3A_771 : f32 to vector<16xf32>
      %broadcast_in_dim3A_773 = arith.constant 1.000000e+00 : f32
      %broadcast_in_dim3A_774 = vector.broadcast %broadcast_in_dim3A_773 : f32 to vector<16xf32>
      %select_n3A = arith.select %eq3A_770, %broadcast_in_dim3A_772, %broadcast_in_dim3A_774 : vector<16xi1>, vector<16xf32>
      %mul3A_775 = arith.constant 16 : i32
      %mul3A_776 = arith.muli %scan3A_758, %mul3A_775 : i32
      %swap3A_777 = arith.index_cast %mul3A_776 : i32 to index
      %swap3A_778 = tpu.vector_load %arg11[%swap3A_777] {strides = array<i32>} : memref<512xf32, #tpu.memory_space<vmem>>, vector<16xf32>,
      tpu.vector_store %arg11[%swap3A_777], %select_n3A {strides = array<i32>} : memref<512xf32, #tpu.memory_space<vmem>>, vector<16xf32>,
    }
    %scan3A_437 = arith.constant 32 : i32
    %dma_start3A_438 = arith.constant 0 : i32
    %dma_start3A_439 = arith.constant 0 : i32
    %dma_start3A_440 = tpu.memref_slice %arg3[%dma_start3A_438, %dma_start3A_439] : memref<2600026x16xf32, #tpu.memory_space<hbm>> -> memref<2600026x16xf32, #tpu.memory_space<hbm>>
    tpu.enqueue_indirect_dma source(%dma_start3A_440 : memref<2600026x16xf32, #tpu.memory_space<hbm>>) target(%arg12 : memref<512x16xf32, #tpu.memory_space<vmem>>) offsets(%arg10 : memref<512xi32, #tpu.memory_space<vmem>>) semaphore(%arg17 : memref<!tpu.dma_semaphore, #tpu.memory_space<semaphore_mem>>)
    %dma_wait3A_441 = arith.constant 0 : i32
    %dma_wait3A_442 = arith.constant 0 : i32
    %dma_wait3A_443 = tpu.memref_slice %arg3[%dma_wait3A_441, %dma_wait3A_442] : memref<2600026x16xf32, #tpu.memory_space<hbm>> -> memref<2600026x16xf32, #tpu.memory_space<hbm>>
    tpu.wait_indirect_dma semaphore(%arg17 : memref<!tpu.dma_semaphore, #tpu.memory_space<semaphore_mem>>) src(%dma_wait3A_443 : memref<2600026x16xf32, #tpu.memory_space<hbm>>) dst(%arg12 : memref<512x16xf32, #tpu.memory_space<vmem>>)
    %get3A_444 = arith.constant 18 : i32
    %get3A_445 = arith.index_cast %get3A_444 : i32 to index
    %get3A_446 = arith.constant 0 : index
    %get3A_447 = tpu.vector_load %arg13[%get3A_445, %get3A_446] {strides = array<i32>} : memref<26x16xf32, #tpu.memory_space<vmem>>, vector<16xf32>,
    %scan3A_448 = arith.constant 0 : i32
    %scan3A_449 = arith.constant 0 : i32
    %scan3A_450 = arith.constant 512 : i32
    %scan3A_451 = arith.addi %scan3A_449, %scan3A_450 : i32
    %scan3A_452 = arith.constant 1 : i32
    scf.for %scan3A_758 = %scan3A_449 to %scan3A_451 step %scan3A_452  : i32 {
      %broadcast_in_dim3A_759 = vector.broadcast %scan3A_758 : i32 to vector<16xi32>
      %gather3A = tpu.vector_load_idx %arg11[%broadcast_in_dim3A_759] : memref<512xf32, #tpu.memory_space<vmem>>[vector<16xi32>], vector<16xf32>,
      %get3A_760 = arith.index_cast %scan3A_758 : i32 to index
      %get3A_761 = arith.constant 0 : index
      %get3A_762 = tpu.vector_load %arg12[%get3A_760, %get3A_761] {strides = array<i32>} : memref<512x16xf32, #tpu.memory_space<vmem>>, vector<16xf32>,
      %mul3A_763 = arith.mulf %get3A_762, %gather3A : vector<16xf32>
      %add3A_764 = arith.addf %mul3A_763, %get3A_447 : vector<16xf32>
      %swap3A = arith.index_cast %scan3A_758 : i32 to index
      %swap3A_765 = arith.constant 0 : index
      %swap3A_766 = tpu.vector_load %arg12[%swap3A, %swap3A_765] {strides = array<i32>} : memref<512x16xf32, #tpu.memory_space<vmem>>, vector<16xf32>,
      tpu.vector_store %arg12[%swap3A, %swap3A_765], %add3A_764 {strides = array<i32>} : memref<512x16xf32, #tpu.memory_space<vmem>>, vector<16xf32>,
    }
    %scan3A_453 = arith.constant 512 : i32
    "tpu.region"() ({
      %run_scoped3A = tpu.sem_alloc : memref<!tpu.dma_semaphore, #tpu.memory_space<semaphore_mem>>
      %dma_start3A_758 = arith.constant 288 : i32
      %dma_start3A_759 = tpu.memref_slice %arg7[%mul3A_2, %dma_start3A_758] : memref<16384x416xf32, #tpu.memory_space<hbm>> -> memref<512x16xf32, #tpu.memory_space<hbm>>
      %dma_start3A_760 = arith.constant 288 : i32
      %dma_start3A_761 = tpu.memref_slice %arg7[%mul3A_2, %dma_start3A_760] : memref<16384x416xf32, #tpu.memory_space<hbm>> -> memref<512x16xf32, #tpu.memory_space<hbm>>
      tpu.enqueue_dma source(%arg12 : memref<512x16xf32, #tpu.memory_space<vmem>>) target(%dma_start3A_761 : memref<512x16xf32, #tpu.memory_space<hbm>>) target_semaphore(%run_scoped3A : memref<!tpu.dma_semaphore, #tpu.memory_space<semaphore_mem>>)
      %dma_wait3A_762 = arith.constant 288 : i32
      %dma_wait3A_763 = tpu.memref_slice %arg7[%mul3A_2, %dma_wait3A_762] : memref<16384x416xf32, #tpu.memory_space<hbm>> -> memref<512x16xf32, #tpu.memory_space<hbm>>
      %dma_wait3A_764 = arith.constant 288 : i32
      %dma_wait3A_765 = tpu.memref_slice %arg7[%mul3A_2, %dma_wait3A_764] : memref<16384x416xf32, #tpu.memory_space<hbm>> -> memref<512x16xf32, #tpu.memory_space<hbm>>
      tpu.wait_dma2 semaphore(%run_scoped3A : memref<!tpu.dma_semaphore, #tpu.memory_space<semaphore_mem>>) src(%arg12 : memref<512x16xf32, #tpu.memory_space<vmem>>) dst(%dma_wait3A_765 : memref<512x16xf32, #tpu.memory_space<hbm>>)
      tpu.yield
    }) : () -> ()
    %broadcast_in_dim3A_454 = arith.constant 19 : i32
    %broadcast_in_dim3A_455 = vector.broadcast %broadcast_in_dim3A_454 : i32 to vector<16xi32>
    %scan3A_456 = arith.constant 0 : i32
    %scan3A_457 = arith.constant 0 : i32
    %scan3A_458 = arith.constant 32 : i32
    %scan3A_459 = arith.addi %scan3A_457, %scan3A_458 : i32
    %scan3A_460 = arith.constant 1 : i32
    scf.for %scan3A_758 = %scan3A_457 to %scan3A_459 step %scan3A_460  : i32 {
      %mul3A_759 = arith.constant 16 : i32
      %mul3A_760 = arith.muli %scan3A_758, %mul3A_759 : i32
      %add3A_761 = vector.broadcast %mul3A_760 : i32 to vector<16xi32>
      %add3A_762 = arith.addi %add3A_761, %iota3A : vector<16xi32>
      %gather3A = tpu.vector_load_idx %arg9[%add3A_762, %broadcast_in_dim3A_455] : memref<512x39xf32, #tpu.memory_space<vmem>>[vector<16xi32>, vector<16xi32>], vector<16xf32>,
      %convert_element_type3A = arith.fptosi %gather3A : vector<16xf32> to vector<16xi32>
      %add3A_763 = arith.constant 1900019 : i32
      %add3A_764 = vector.broadcast %add3A_763 : i32 to vector<16xi32>
      %add3A_765 = arith.addi %convert_element_type3A, %add3A_764 : vector<16xi32>
      %mul3A_766 = arith.constant 16 : i32
      %mul3A_767 = arith.muli %scan3A_758, %mul3A_766 : i32
      %swap3A = arith.index_cast %mul3A_767 : i32 to index
      %swap3A_768 = tpu.vector_load %arg10[%swap3A] {strides = array<i32>} : memref<512xi32, #tpu.memory_space<vmem>>, vector<16xi32>,
      tpu.vector_store %arg10[%swap3A], %add3A_765 {strides = array<i32>} : memref<512xi32, #tpu.memory_space<vmem>>, vector<16xi32>,
      %eq3A = arith.constant 0 : i32
      %eq3A_769 = vector.broadcast %eq3A : i32 to vector<16xi32>
      %eq3A_770 = arith.cmpi eq, %convert_element_type3A, %eq3A_769 : vector<16xi32>
      %broadcast_in_dim3A_771 = arith.constant 0.000000e+00 : f32
      %broadcast_in_dim3A_772 = vector.broadcast %broadcast_in_dim3A_771 : f32 to vector<16xf32>
      %broadcast_in_dim3A_773 = arith.constant 1.000000e+00 : f32
      %broadcast_in_dim3A_774 = vector.broadcast %broadcast_in_dim3A_773 : f32 to vector<16xf32>
      %select_n3A = arith.select %eq3A_770, %broadcast_in_dim3A_772, %broadcast_in_dim3A_774 : vector<16xi1>, vector<16xf32>
      %mul3A_775 = arith.constant 16 : i32
      %mul3A_776 = arith.muli %scan3A_758, %mul3A_775 : i32
      %swap3A_777 = arith.index_cast %mul3A_776 : i32 to index
      %swap3A_778 = tpu.vector_load %arg11[%swap3A_777] {strides = array<i32>} : memref<512xf32, #tpu.memory_space<vmem>>, vector<16xf32>,
      tpu.vector_store %arg11[%swap3A_777], %select_n3A {strides = array<i32>} : memref<512xf32, #tpu.memory_space<vmem>>, vector<16xf32>,
    }
    %scan3A_461 = arith.constant 32 : i32
    %dma_start3A_462 = arith.constant 0 : i32
    %dma_start3A_463 = arith.constant 0 : i32
    %dma_start3A_464 = tpu.memref_slice %arg3[%dma_start3A_462, %dma_start3A_463] : memref<2600026x16xf32, #tpu.memory_space<hbm>> -> memref<2600026x16xf32, #tpu.memory_space<hbm>>
    tpu.enqueue_indirect_dma source(%dma_start3A_464 : memref<2600026x16xf32, #tpu.memory_space<hbm>>) target(%arg12 : memref<512x16xf32, #tpu.memory_space<vmem>>) offsets(%arg10 : memref<512xi32, #tpu.memory_space<vmem>>) semaphore(%arg17 : memref<!tpu.dma_semaphore, #tpu.memory_space<semaphore_mem>>)
    %dma_wait3A_465 = arith.constant 0 : i32
    %dma_wait3A_466 = arith.constant 0 : i32
    %dma_wait3A_467 = tpu.memref_slice %arg3[%dma_wait3A_465, %dma_wait3A_466] : memref<2600026x16xf32, #tpu.memory_space<hbm>> -> memref<2600026x16xf32, #tpu.memory_space<hbm>>
    tpu.wait_indirect_dma semaphore(%arg17 : memref<!tpu.dma_semaphore, #tpu.memory_space<semaphore_mem>>) src(%dma_wait3A_467 : memref<2600026x16xf32, #tpu.memory_space<hbm>>) dst(%arg12 : memref<512x16xf32, #tpu.memory_space<vmem>>)
    %get3A_468 = arith.constant 19 : i32
    %get3A_469 = arith.index_cast %get3A_468 : i32 to index
    %get3A_470 = arith.constant 0 : index
    %get3A_471 = tpu.vector_load %arg13[%get3A_469, %get3A_470] {strides = array<i32>} : memref<26x16xf32, #tpu.memory_space<vmem>>, vector<16xf32>,
    %scan3A_472 = arith.constant 0 : i32
    %scan3A_473 = arith.constant 0 : i32
    %scan3A_474 = arith.constant 512 : i32
    %scan3A_475 = arith.addi %scan3A_473, %scan3A_474 : i32
    %scan3A_476 = arith.constant 1 : i32
    scf.for %scan3A_758 = %scan3A_473 to %scan3A_475 step %scan3A_476  : i32 {
      %broadcast_in_dim3A_759 = vector.broadcast %scan3A_758 : i32 to vector<16xi32>
      %gather3A = tpu.vector_load_idx %arg11[%broadcast_in_dim3A_759] : memref<512xf32, #tpu.memory_space<vmem>>[vector<16xi32>], vector<16xf32>,
      %get3A_760 = arith.index_cast %scan3A_758 : i32 to index
      %get3A_761 = arith.constant 0 : index
      %get3A_762 = tpu.vector_load %arg12[%get3A_760, %get3A_761] {strides = array<i32>} : memref<512x16xf32, #tpu.memory_space<vmem>>, vector<16xf32>,
      %mul3A_763 = arith.mulf %get3A_762, %gather3A : vector<16xf32>
      %add3A_764 = arith.addf %mul3A_763, %get3A_471 : vector<16xf32>
      %swap3A = arith.index_cast %scan3A_758 : i32 to index
      %swap3A_765 = arith.constant 0 : index
      %swap3A_766 = tpu.vector_load %arg12[%swap3A, %swap3A_765] {strides = array<i32>} : memref<512x16xf32, #tpu.memory_space<vmem>>, vector<16xf32>,
      tpu.vector_store %arg12[%swap3A, %swap3A_765], %add3A_764 {strides = array<i32>} : memref<512x16xf32, #tpu.memory_space<vmem>>, vector<16xf32>,
    }
    %scan3A_477 = arith.constant 512 : i32
    "tpu.region"() ({
      %run_scoped3A = tpu.sem_alloc : memref<!tpu.dma_semaphore, #tpu.memory_space<semaphore_mem>>
      %dma_start3A_758 = arith.constant 304 : i32
      %dma_start3A_759 = tpu.memref_slice %arg7[%mul3A_2, %dma_start3A_758] : memref<16384x416xf32, #tpu.memory_space<hbm>> -> memref<512x16xf32, #tpu.memory_space<hbm>>
      %dma_start3A_760 = arith.constant 304 : i32
      %dma_start3A_761 = tpu.memref_slice %arg7[%mul3A_2, %dma_start3A_760] : memref<16384x416xf32, #tpu.memory_space<hbm>> -> memref<512x16xf32, #tpu.memory_space<hbm>>
      tpu.enqueue_dma source(%arg12 : memref<512x16xf32, #tpu.memory_space<vmem>>) target(%dma_start3A_761 : memref<512x16xf32, #tpu.memory_space<hbm>>) target_semaphore(%run_scoped3A : memref<!tpu.dma_semaphore, #tpu.memory_space<semaphore_mem>>)
      %dma_wait3A_762 = arith.constant 304 : i32
      %dma_wait3A_763 = tpu.memref_slice %arg7[%mul3A_2, %dma_wait3A_762] : memref<16384x416xf32, #tpu.memory_space<hbm>> -> memref<512x16xf32, #tpu.memory_space<hbm>>
      %dma_wait3A_764 = arith.constant 304 : i32
      %dma_wait3A_765 = tpu.memref_slice %arg7[%mul3A_2, %dma_wait3A_764] : memref<16384x416xf32, #tpu.memory_space<hbm>> -> memref<512x16xf32, #tpu.memory_space<hbm>>
      tpu.wait_dma2 semaphore(%run_scoped3A : memref<!tpu.dma_semaphore, #tpu.memory_space<semaphore_mem>>) src(%arg12 : memref<512x16xf32, #tpu.memory_space<vmem>>) dst(%dma_wait3A_765 : memref<512x16xf32, #tpu.memory_space<hbm>>)
      tpu.yield
    }) : () -> ()
    %broadcast_in_dim3A_478 = arith.constant 20 : i32
    %broadcast_in_dim3A_479 = vector.broadcast %broadcast_in_dim3A_478 : i32 to vector<16xi32>
    %scan3A_480 = arith.constant 0 : i32
    %scan3A_481 = arith.constant 0 : i32
    %scan3A_482 = arith.constant 32 : i32
    %scan3A_483 = arith.addi %scan3A_481, %scan3A_482 : i32
    %scan3A_484 = arith.constant 1 : i32
    scf.for %scan3A_758 = %scan3A_481 to %scan3A_483 step %scan3A_484  : i32 {
      %mul3A_759 = arith.constant 16 : i32
      %mul3A_760 = arith.muli %scan3A_758, %mul3A_759 : i32
      %add3A_761 = vector.broadcast %mul3A_760 : i32 to vector<16xi32>
      %add3A_762 = arith.addi %add3A_761, %iota3A : vector<16xi32>
      %gather3A = tpu.vector_load_idx %arg9[%add3A_762, %broadcast_in_dim3A_479] : memref<512x39xf32, #tpu.memory_space<vmem>>[vector<16xi32>, vector<16xi32>], vector<16xf32>,
      %convert_element_type3A = arith.fptosi %gather3A : vector<16xf32> to vector<16xi32>
      %add3A_763 = arith.constant 2000020 : i32
      %add3A_764 = vector.broadcast %add3A_763 : i32 to vector<16xi32>
      %add3A_765 = arith.addi %convert_element_type3A, %add3A_764 : vector<16xi32>
      %mul3A_766 = arith.constant 16 : i32
      %mul3A_767 = arith.muli %scan3A_758, %mul3A_766 : i32
      %swap3A = arith.index_cast %mul3A_767 : i32 to index
      %swap3A_768 = tpu.vector_load %arg10[%swap3A] {strides = array<i32>} : memref<512xi32, #tpu.memory_space<vmem>>, vector<16xi32>,
      tpu.vector_store %arg10[%swap3A], %add3A_765 {strides = array<i32>} : memref<512xi32, #tpu.memory_space<vmem>>, vector<16xi32>,
      %eq3A = arith.constant 0 : i32
      %eq3A_769 = vector.broadcast %eq3A : i32 to vector<16xi32>
      %eq3A_770 = arith.cmpi eq, %convert_element_type3A, %eq3A_769 : vector<16xi32>
      %broadcast_in_dim3A_771 = arith.constant 0.000000e+00 : f32
      %broadcast_in_dim3A_772 = vector.broadcast %broadcast_in_dim3A_771 : f32 to vector<16xf32>
      %broadcast_in_dim3A_773 = arith.constant 1.000000e+00 : f32
      %broadcast_in_dim3A_774 = vector.broadcast %broadcast_in_dim3A_773 : f32 to vector<16xf32>
      %select_n3A = arith.select %eq3A_770, %broadcast_in_dim3A_772, %broadcast_in_dim3A_774 : vector<16xi1>, vector<16xf32>
      %mul3A_775 = arith.constant 16 : i32
      %mul3A_776 = arith.muli %scan3A_758, %mul3A_775 : i32
      %swap3A_777 = arith.index_cast %mul3A_776 : i32 to index
      %swap3A_778 = tpu.vector_load %arg11[%swap3A_777] {strides = array<i32>} : memref<512xf32, #tpu.memory_space<vmem>>, vector<16xf32>,
      tpu.vector_store %arg11[%swap3A_777], %select_n3A {strides = array<i32>} : memref<512xf32, #tpu.memory_space<vmem>>, vector<16xf32>,
    }
    %scan3A_485 = arith.constant 32 : i32
    %dma_start3A_486 = arith.constant 0 : i32
    %dma_start3A_487 = arith.constant 0 : i32
    %dma_start3A_488 = tpu.memref_slice %arg3[%dma_start3A_486, %dma_start3A_487] : memref<2600026x16xf32, #tpu.memory_space<hbm>> -> memref<2600026x16xf32, #tpu.memory_space<hbm>>
    tpu.enqueue_indirect_dma source(%dma_start3A_488 : memref<2600026x16xf32, #tpu.memory_space<hbm>>) target(%arg12 : memref<512x16xf32, #tpu.memory_space<vmem>>) offsets(%arg10 : memref<512xi32, #tpu.memory_space<vmem>>) semaphore(%arg17 : memref<!tpu.dma_semaphore, #tpu.memory_space<semaphore_mem>>)
    %dma_wait3A_489 = arith.constant 0 : i32
    %dma_wait3A_490 = arith.constant 0 : i32
    %dma_wait3A_491 = tpu.memref_slice %arg3[%dma_wait3A_489, %dma_wait3A_490] : memref<2600026x16xf32, #tpu.memory_space<hbm>> -> memref<2600026x16xf32, #tpu.memory_space<hbm>>
    tpu.wait_indirect_dma semaphore(%arg17 : memref<!tpu.dma_semaphore, #tpu.memory_space<semaphore_mem>>) src(%dma_wait3A_491 : memref<2600026x16xf32, #tpu.memory_space<hbm>>) dst(%arg12 : memref<512x16xf32, #tpu.memory_space<vmem>>)
    %get3A_492 = arith.constant 20 : i32
    %get3A_493 = arith.index_cast %get3A_492 : i32 to index
    %get3A_494 = arith.constant 0 : index
    %get3A_495 = tpu.vector_load %arg13[%get3A_493, %get3A_494] {strides = array<i32>} : memref<26x16xf32, #tpu.memory_space<vmem>>, vector<16xf32>,
    %scan3A_496 = arith.constant 0 : i32
    %scan3A_497 = arith.constant 0 : i32
    %scan3A_498 = arith.constant 512 : i32
    %scan3A_499 = arith.addi %scan3A_497, %scan3A_498 : i32
    %scan3A_500 = arith.constant 1 : i32
    scf.for %scan3A_758 = %scan3A_497 to %scan3A_499 step %scan3A_500  : i32 {
      %broadcast_in_dim3A_759 = vector.broadcast %scan3A_758 : i32 to vector<16xi32>
      %gather3A = tpu.vector_load_idx %arg11[%broadcast_in_dim3A_759] : memref<512xf32, #tpu.memory_space<vmem>>[vector<16xi32>], vector<16xf32>,
      %get3A_760 = arith.index_cast %scan3A_758 : i32 to index
      %get3A_761 = arith.constant 0 : index
      %get3A_762 = tpu.vector_load %arg12[%get3A_760, %get3A_761] {strides = array<i32>} : memref<512x16xf32, #tpu.memory_space<vmem>>, vector<16xf32>,
      %mul3A_763 = arith.mulf %get3A_762, %gather3A : vector<16xf32>
      %add3A_764 = arith.addf %mul3A_763, %get3A_495 : vector<16xf32>
      %swap3A = arith.index_cast %scan3A_758 : i32 to index
      %swap3A_765 = arith.constant 0 : index
      %swap3A_766 = tpu.vector_load %arg12[%swap3A, %swap3A_765] {strides = array<i32>} : memref<512x16xf32, #tpu.memory_space<vmem>>, vector<16xf32>,
      tpu.vector_store %arg12[%swap3A, %swap3A_765], %add3A_764 {strides = array<i32>} : memref<512x16xf32, #tpu.memory_space<vmem>>, vector<16xf32>,
    }
    %scan3A_501 = arith.constant 512 : i32
    "tpu.region"() ({
      %run_scoped3A = tpu.sem_alloc : memref<!tpu.dma_semaphore, #tpu.memory_space<semaphore_mem>>
      %dma_start3A_758 = arith.constant 320 : i32
      %dma_start3A_759 = tpu.memref_slice %arg7[%mul3A_2, %dma_start3A_758] : memref<16384x416xf32, #tpu.memory_space<hbm>> -> memref<512x16xf32, #tpu.memory_space<hbm>>
      %dma_start3A_760 = arith.constant 320 : i32
      %dma_start3A_761 = tpu.memref_slice %arg7[%mul3A_2, %dma_start3A_760] : memref<16384x416xf32, #tpu.memory_space<hbm>> -> memref<512x16xf32, #tpu.memory_space<hbm>>
      tpu.enqueue_dma source(%arg12 : memref<512x16xf32, #tpu.memory_space<vmem>>) target(%dma_start3A_761 : memref<512x16xf32, #tpu.memory_space<hbm>>) target_semaphore(%run_scoped3A : memref<!tpu.dma_semaphore, #tpu.memory_space<semaphore_mem>>)
      %dma_wait3A_762 = arith.constant 320 : i32
      %dma_wait3A_763 = tpu.memref_slice %arg7[%mul3A_2, %dma_wait3A_762] : memref<16384x416xf32, #tpu.memory_space<hbm>> -> memref<512x16xf32, #tpu.memory_space<hbm>>
      %dma_wait3A_764 = arith.constant 320 : i32
      %dma_wait3A_765 = tpu.memref_slice %arg7[%mul3A_2, %dma_wait3A_764] : memref<16384x416xf32, #tpu.memory_space<hbm>> -> memref<512x16xf32, #tpu.memory_space<hbm>>
      tpu.wait_dma2 semaphore(%run_scoped3A : memref<!tpu.dma_semaphore, #tpu.memory_space<semaphore_mem>>) src(%arg12 : memref<512x16xf32, #tpu.memory_space<vmem>>) dst(%dma_wait3A_765 : memref<512x16xf32, #tpu.memory_space<hbm>>)
      tpu.yield
    }) : () -> ()
    %broadcast_in_dim3A_502 = arith.constant 21 : i32
    %broadcast_in_dim3A_503 = vector.broadcast %broadcast_in_dim3A_502 : i32 to vector<16xi32>
    %scan3A_504 = arith.constant 0 : i32
    %scan3A_505 = arith.constant 0 : i32
    %scan3A_506 = arith.constant 32 : i32
    %scan3A_507 = arith.addi %scan3A_505, %scan3A_506 : i32
    %scan3A_508 = arith.constant 1 : i32
    scf.for %scan3A_758 = %scan3A_505 to %scan3A_507 step %scan3A_508  : i32 {
      %mul3A_759 = arith.constant 16 : i32
      %mul3A_760 = arith.muli %scan3A_758, %mul3A_759 : i32
      %add3A_761 = vector.broadcast %mul3A_760 : i32 to vector<16xi32>
      %add3A_762 = arith.addi %add3A_761, %iota3A : vector<16xi32>
      %gather3A = tpu.vector_load_idx %arg9[%add3A_762, %broadcast_in_dim3A_503] : memref<512x39xf32, #tpu.memory_space<vmem>>[vector<16xi32>, vector<16xi32>], vector<16xf32>,
      %convert_element_type3A = arith.fptosi %gather3A : vector<16xf32> to vector<16xi32>
      %add3A_763 = arith.constant 2100021 : i32
      %add3A_764 = vector.broadcast %add3A_763 : i32 to vector<16xi32>
      %add3A_765 = arith.addi %convert_element_type3A, %add3A_764 : vector<16xi32>
      %mul3A_766 = arith.constant 16 : i32
      %mul3A_767 = arith.muli %scan3A_758, %mul3A_766 : i32
      %swap3A = arith.index_cast %mul3A_767 : i32 to index
      %swap3A_768 = tpu.vector_load %arg10[%swap3A] {strides = array<i32>} : memref<512xi32, #tpu.memory_space<vmem>>, vector<16xi32>,
      tpu.vector_store %arg10[%swap3A], %add3A_765 {strides = array<i32>} : memref<512xi32, #tpu.memory_space<vmem>>, vector<16xi32>,
      %eq3A = arith.constant 0 : i32
      %eq3A_769 = vector.broadcast %eq3A : i32 to vector<16xi32>
      %eq3A_770 = arith.cmpi eq, %convert_element_type3A, %eq3A_769 : vector<16xi32>
      %broadcast_in_dim3A_771 = arith.constant 0.000000e+00 : f32
      %broadcast_in_dim3A_772 = vector.broadcast %broadcast_in_dim3A_771 : f32 to vector<16xf32>
      %broadcast_in_dim3A_773 = arith.constant 1.000000e+00 : f32
      %broadcast_in_dim3A_774 = vector.broadcast %broadcast_in_dim3A_773 : f32 to vector<16xf32>
      %select_n3A = arith.select %eq3A_770, %broadcast_in_dim3A_772, %broadcast_in_dim3A_774 : vector<16xi1>, vector<16xf32>
      %mul3A_775 = arith.constant 16 : i32
      %mul3A_776 = arith.muli %scan3A_758, %mul3A_775 : i32
      %swap3A_777 = arith.index_cast %mul3A_776 : i32 to index
      %swap3A_778 = tpu.vector_load %arg11[%swap3A_777] {strides = array<i32>} : memref<512xf32, #tpu.memory_space<vmem>>, vector<16xf32>,
      tpu.vector_store %arg11[%swap3A_777], %select_n3A {strides = array<i32>} : memref<512xf32, #tpu.memory_space<vmem>>, vector<16xf32>,
    }
    %scan3A_509 = arith.constant 32 : i32
    %dma_start3A_510 = arith.constant 0 : i32
    %dma_start3A_511 = arith.constant 0 : i32
    %dma_start3A_512 = tpu.memref_slice %arg3[%dma_start3A_510, %dma_start3A_511] : memref<2600026x16xf32, #tpu.memory_space<hbm>> -> memref<2600026x16xf32, #tpu.memory_space<hbm>>
    tpu.enqueue_indirect_dma source(%dma_start3A_512 : memref<2600026x16xf32, #tpu.memory_space<hbm>>) target(%arg12 : memref<512x16xf32, #tpu.memory_space<vmem>>) offsets(%arg10 : memref<512xi32, #tpu.memory_space<vmem>>) semaphore(%arg17 : memref<!tpu.dma_semaphore, #tpu.memory_space<semaphore_mem>>)
    %dma_wait3A_513 = arith.constant 0 : i32
    %dma_wait3A_514 = arith.constant 0 : i32
    %dma_wait3A_515 = tpu.memref_slice %arg3[%dma_wait3A_513, %dma_wait3A_514] : memref<2600026x16xf32, #tpu.memory_space<hbm>> -> memref<2600026x16xf32, #tpu.memory_space<hbm>>
    tpu.wait_indirect_dma semaphore(%arg17 : memref<!tpu.dma_semaphore, #tpu.memory_space<semaphore_mem>>) src(%dma_wait3A_515 : memref<2600026x16xf32, #tpu.memory_space<hbm>>) dst(%arg12 : memref<512x16xf32, #tpu.memory_space<vmem>>)
    %get3A_516 = arith.constant 21 : i32
    %get3A_517 = arith.index_cast %get3A_516 : i32 to index
    %get3A_518 = arith.constant 0 : index
    %get3A_519 = tpu.vector_load %arg13[%get3A_517, %get3A_518] {strides = array<i32>} : memref<26x16xf32, #tpu.memory_space<vmem>>, vector<16xf32>,
    %scan3A_520 = arith.constant 0 : i32
    %scan3A_521 = arith.constant 0 : i32
    %scan3A_522 = arith.constant 512 : i32
    %scan3A_523 = arith.addi %scan3A_521, %scan3A_522 : i32
    %scan3A_524 = arith.constant 1 : i32
    scf.for %scan3A_758 = %scan3A_521 to %scan3A_523 step %scan3A_524  : i32 {
      %broadcast_in_dim3A_759 = vector.broadcast %scan3A_758 : i32 to vector<16xi32>
      %gather3A = tpu.vector_load_idx %arg11[%broadcast_in_dim3A_759] : memref<512xf32, #tpu.memory_space<vmem>>[vector<16xi32>], vector<16xf32>,
      %get3A_760 = arith.index_cast %scan3A_758 : i32 to index
      %get3A_761 = arith.constant 0 : index
      %get3A_762 = tpu.vector_load %arg12[%get3A_760, %get3A_761] {strides = array<i32>} : memref<512x16xf32, #tpu.memory_space<vmem>>, vector<16xf32>,
      %mul3A_763 = arith.mulf %get3A_762, %gather3A : vector<16xf32>
      %add3A_764 = arith.addf %mul3A_763, %get3A_519 : vector<16xf32>
      %swap3A = arith.index_cast %scan3A_758 : i32 to index
      %swap3A_765 = arith.constant 0 : index
      %swap3A_766 = tpu.vector_load %arg12[%swap3A, %swap3A_765] {strides = array<i32>} : memref<512x16xf32, #tpu.memory_space<vmem>>, vector<16xf32>,
      tpu.vector_store %arg12[%swap3A, %swap3A_765], %add3A_764 {strides = array<i32>} : memref<512x16xf32, #tpu.memory_space<vmem>>, vector<16xf32>,
    }
    %scan3A_525 = arith.constant 512 : i32
    "tpu.region"() ({
      %run_scoped3A = tpu.sem_alloc : memref<!tpu.dma_semaphore, #tpu.memory_space<semaphore_mem>>
      %dma_start3A_758 = arith.constant 336 : i32
      %dma_start3A_759 = tpu.memref_slice %arg7[%mul3A_2, %dma_start3A_758] : memref<16384x416xf32, #tpu.memory_space<hbm>> -> memref<512x16xf32, #tpu.memory_space<hbm>>
      %dma_start3A_760 = arith.constant 336 : i32
      %dma_start3A_761 = tpu.memref_slice %arg7[%mul3A_2, %dma_start3A_760] : memref<16384x416xf32, #tpu.memory_space<hbm>> -> memref<512x16xf32, #tpu.memory_space<hbm>>
      tpu.enqueue_dma source(%arg12 : memref<512x16xf32, #tpu.memory_space<vmem>>) target(%dma_start3A_761 : memref<512x16xf32, #tpu.memory_space<hbm>>) target_semaphore(%run_scoped3A : memref<!tpu.dma_semaphore, #tpu.memory_space<semaphore_mem>>)
      %dma_wait3A_762 = arith.constant 336 : i32
      %dma_wait3A_763 = tpu.memref_slice %arg7[%mul3A_2, %dma_wait3A_762] : memref<16384x416xf32, #tpu.memory_space<hbm>> -> memref<512x16xf32, #tpu.memory_space<hbm>>
      %dma_wait3A_764 = arith.constant 336 : i32
      %dma_wait3A_765 = tpu.memref_slice %arg7[%mul3A_2, %dma_wait3A_764] : memref<16384x416xf32, #tpu.memory_space<hbm>> -> memref<512x16xf32, #tpu.memory_space<hbm>>
      tpu.wait_dma2 semaphore(%run_scoped3A : memref<!tpu.dma_semaphore, #tpu.memory_space<semaphore_mem>>) src(%arg12 : memref<512x16xf32, #tpu.memory_space<vmem>>) dst(%dma_wait3A_765 : memref<512x16xf32, #tpu.memory_space<hbm>>)
      tpu.yield
    }) : () -> ()
    %broadcast_in_dim3A_526 = arith.constant 22 : i32
    %broadcast_in_dim3A_527 = vector.broadcast %broadcast_in_dim3A_526 : i32 to vector<16xi32>
    %scan3A_528 = arith.constant 0 : i32
    %scan3A_529 = arith.constant 0 : i32
    %scan3A_530 = arith.constant 32 : i32
    %scan3A_531 = arith.addi %scan3A_529, %scan3A_530 : i32
    %scan3A_532 = arith.constant 1 : i32
    scf.for %scan3A_758 = %scan3A_529 to %scan3A_531 step %scan3A_532  : i32 {
      %mul3A_759 = arith.constant 16 : i32
      %mul3A_760 = arith.muli %scan3A_758, %mul3A_759 : i32
      %add3A_761 = vector.broadcast %mul3A_760 : i32 to vector<16xi32>
      %add3A_762 = arith.addi %add3A_761, %iota3A : vector<16xi32>
      %gather3A = tpu.vector_load_idx %arg9[%add3A_762, %broadcast_in_dim3A_527] : memref<512x39xf32, #tpu.memory_space<vmem>>[vector<16xi32>, vector<16xi32>], vector<16xf32>,
      %convert_element_type3A = arith.fptosi %gather3A : vector<16xf32> to vector<16xi32>
      %add3A_763 = arith.constant 2200022 : i32
      %add3A_764 = vector.broadcast %add3A_763 : i32 to vector<16xi32>
      %add3A_765 = arith.addi %convert_element_type3A, %add3A_764 : vector<16xi32>
      %mul3A_766 = arith.constant 16 : i32
      %mul3A_767 = arith.muli %scan3A_758, %mul3A_766 : i32
      %swap3A = arith.index_cast %mul3A_767 : i32 to index
      %swap3A_768 = tpu.vector_load %arg10[%swap3A] {strides = array<i32>} : memref<512xi32, #tpu.memory_space<vmem>>, vector<16xi32>,
      tpu.vector_store %arg10[%swap3A], %add3A_765 {strides = array<i32>} : memref<512xi32, #tpu.memory_space<vmem>>, vector<16xi32>,
      %eq3A = arith.constant 0 : i32
      %eq3A_769 = vector.broadcast %eq3A : i32 to vector<16xi32>
      %eq3A_770 = arith.cmpi eq, %convert_element_type3A, %eq3A_769 : vector<16xi32>
      %broadcast_in_dim3A_771 = arith.constant 0.000000e+00 : f32
      %broadcast_in_dim3A_772 = vector.broadcast %broadcast_in_dim3A_771 : f32 to vector<16xf32>
      %broadcast_in_dim3A_773 = arith.constant 1.000000e+00 : f32
      %broadcast_in_dim3A_774 = vector.broadcast %broadcast_in_dim3A_773 : f32 to vector<16xf32>
      %select_n3A = arith.select %eq3A_770, %broadcast_in_dim3A_772, %broadcast_in_dim3A_774 : vector<16xi1>, vector<16xf32>
      %mul3A_775 = arith.constant 16 : i32
      %mul3A_776 = arith.muli %scan3A_758, %mul3A_775 : i32
      %swap3A_777 = arith.index_cast %mul3A_776 : i32 to index
      %swap3A_778 = tpu.vector_load %arg11[%swap3A_777] {strides = array<i32>} : memref<512xf32, #tpu.memory_space<vmem>>, vector<16xf32>,
      tpu.vector_store %arg11[%swap3A_777], %select_n3A {strides = array<i32>} : memref<512xf32, #tpu.memory_space<vmem>>, vector<16xf32>,
    }
    %scan3A_533 = arith.constant 32 : i32
    %dma_start3A_534 = arith.constant 0 : i32
    %dma_start3A_535 = arith.constant 0 : i32
    %dma_start3A_536 = tpu.memref_slice %arg3[%dma_start3A_534, %dma_start3A_535] : memref<2600026x16xf32, #tpu.memory_space<hbm>> -> memref<2600026x16xf32, #tpu.memory_space<hbm>>
    tpu.enqueue_indirect_dma source(%dma_start3A_536 : memref<2600026x16xf32, #tpu.memory_space<hbm>>) target(%arg12 : memref<512x16xf32, #tpu.memory_space<vmem>>) offsets(%arg10 : memref<512xi32, #tpu.memory_space<vmem>>) semaphore(%arg17 : memref<!tpu.dma_semaphore, #tpu.memory_space<semaphore_mem>>)
    %dma_wait3A_537 = arith.constant 0 : i32
    %dma_wait3A_538 = arith.constant 0 : i32
    %dma_wait3A_539 = tpu.memref_slice %arg3[%dma_wait3A_537, %dma_wait3A_538] : memref<2600026x16xf32, #tpu.memory_space<hbm>> -> memref<2600026x16xf32, #tpu.memory_space<hbm>>
    tpu.wait_indirect_dma semaphore(%arg17 : memref<!tpu.dma_semaphore, #tpu.memory_space<semaphore_mem>>) src(%dma_wait3A_539 : memref<2600026x16xf32, #tpu.memory_space<hbm>>) dst(%arg12 : memref<512x16xf32, #tpu.memory_space<vmem>>)
    %get3A_540 = arith.constant 22 : i32
    %get3A_541 = arith.index_cast %get3A_540 : i32 to index
    %get3A_542 = arith.constant 0 : index
    %get3A_543 = tpu.vector_load %arg13[%get3A_541, %get3A_542] {strides = array<i32>} : memref<26x16xf32, #tpu.memory_space<vmem>>, vector<16xf32>,
    %scan3A_544 = arith.constant 0 : i32
    %scan3A_545 = arith.constant 0 : i32
    %scan3A_546 = arith.constant 512 : i32
    %scan3A_547 = arith.addi %scan3A_545, %scan3A_546 : i32
    %scan3A_548 = arith.constant 1 : i32
    scf.for %scan3A_758 = %scan3A_545 to %scan3A_547 step %scan3A_548  : i32 {
      %broadcast_in_dim3A_759 = vector.broadcast %scan3A_758 : i32 to vector<16xi32>
      %gather3A = tpu.vector_load_idx %arg11[%broadcast_in_dim3A_759] : memref<512xf32, #tpu.memory_space<vmem>>[vector<16xi32>], vector<16xf32>,
      %get3A_760 = arith.index_cast %scan3A_758 : i32 to index
      %get3A_761 = arith.constant 0 : index
      %get3A_762 = tpu.vector_load %arg12[%get3A_760, %get3A_761] {strides = array<i32>} : memref<512x16xf32, #tpu.memory_space<vmem>>, vector<16xf32>,
      %mul3A_763 = arith.mulf %get3A_762, %gather3A : vector<16xf32>
      %add3A_764 = arith.addf %mul3A_763, %get3A_543 : vector<16xf32>
      %swap3A = arith.index_cast %scan3A_758 : i32 to index
      %swap3A_765 = arith.constant 0 : index
      %swap3A_766 = tpu.vector_load %arg12[%swap3A, %swap3A_765] {strides = array<i32>} : memref<512x16xf32, #tpu.memory_space<vmem>>, vector<16xf32>,
      tpu.vector_store %arg12[%swap3A, %swap3A_765], %add3A_764 {strides = array<i32>} : memref<512x16xf32, #tpu.memory_space<vmem>>, vector<16xf32>,
    }
    %scan3A_549 = arith.constant 512 : i32
    "tpu.region"() ({
      %run_scoped3A = tpu.sem_alloc : memref<!tpu.dma_semaphore, #tpu.memory_space<semaphore_mem>>
      %dma_start3A_758 = arith.constant 352 : i32
      %dma_start3A_759 = tpu.memref_slice %arg7[%mul3A_2, %dma_start3A_758] : memref<16384x416xf32, #tpu.memory_space<hbm>> -> memref<512x16xf32, #tpu.memory_space<hbm>>
      %dma_start3A_760 = arith.constant 352 : i32
      %dma_start3A_761 = tpu.memref_slice %arg7[%mul3A_2, %dma_start3A_760] : memref<16384x416xf32, #tpu.memory_space<hbm>> -> memref<512x16xf32, #tpu.memory_space<hbm>>
      tpu.enqueue_dma source(%arg12 : memref<512x16xf32, #tpu.memory_space<vmem>>) target(%dma_start3A_761 : memref<512x16xf32, #tpu.memory_space<hbm>>) target_semaphore(%run_scoped3A : memref<!tpu.dma_semaphore, #tpu.memory_space<semaphore_mem>>)
      %dma_wait3A_762 = arith.constant 352 : i32
      %dma_wait3A_763 = tpu.memref_slice %arg7[%mul3A_2, %dma_wait3A_762] : memref<16384x416xf32, #tpu.memory_space<hbm>> -> memref<512x16xf32, #tpu.memory_space<hbm>>
      %dma_wait3A_764 = arith.constant 352 : i32
      %dma_wait3A_765 = tpu.memref_slice %arg7[%mul3A_2, %dma_wait3A_764] : memref<16384x416xf32, #tpu.memory_space<hbm>> -> memref<512x16xf32, #tpu.memory_space<hbm>>
      tpu.wait_dma2 semaphore(%run_scoped3A : memref<!tpu.dma_semaphore, #tpu.memory_space<semaphore_mem>>) src(%arg12 : memref<512x16xf32, #tpu.memory_space<vmem>>) dst(%dma_wait3A_765 : memref<512x16xf32, #tpu.memory_space<hbm>>)
      tpu.yield
    }) : () -> ()
    %broadcast_in_dim3A_550 = arith.constant 23 : i32
    %broadcast_in_dim3A_551 = vector.broadcast %broadcast_in_dim3A_550 : i32 to vector<16xi32>
    %scan3A_552 = arith.constant 0 : i32
    %scan3A_553 = arith.constant 0 : i32
    %scan3A_554 = arith.constant 32 : i32
    %scan3A_555 = arith.addi %scan3A_553, %scan3A_554 : i32
    %scan3A_556 = arith.constant 1 : i32
    scf.for %scan3A_758 = %scan3A_553 to %scan3A_555 step %scan3A_556  : i32 {
      %mul3A_759 = arith.constant 16 : i32
      %mul3A_760 = arith.muli %scan3A_758, %mul3A_759 : i32
      %add3A_761 = vector.broadcast %mul3A_760 : i32 to vector<16xi32>
      %add3A_762 = arith.addi %add3A_761, %iota3A : vector<16xi32>
      %gather3A = tpu.vector_load_idx %arg9[%add3A_762, %broadcast_in_dim3A_551] : memref<512x39xf32, #tpu.memory_space<vmem>>[vector<16xi32>, vector<16xi32>], vector<16xf32>,
      %convert_element_type3A = arith.fptosi %gather3A : vector<16xf32> to vector<16xi32>
      %add3A_763 = arith.constant 2300023 : i32
      %add3A_764 = vector.broadcast %add3A_763 : i32 to vector<16xi32>
      %add3A_765 = arith.addi %convert_element_type3A, %add3A_764 : vector<16xi32>
      %mul3A_766 = arith.constant 16 : i32
      %mul3A_767 = arith.muli %scan3A_758, %mul3A_766 : i32
      %swap3A = arith.index_cast %mul3A_767 : i32 to index
      %swap3A_768 = tpu.vector_load %arg10[%swap3A] {strides = array<i32>} : memref<512xi32, #tpu.memory_space<vmem>>, vector<16xi32>,
      tpu.vector_store %arg10[%swap3A], %add3A_765 {strides = array<i32>} : memref<512xi32, #tpu.memory_space<vmem>>, vector<16xi32>,
      %eq3A = arith.constant 0 : i32
      %eq3A_769 = vector.broadcast %eq3A : i32 to vector<16xi32>
      %eq3A_770 = arith.cmpi eq, %convert_element_type3A, %eq3A_769 : vector<16xi32>
      %broadcast_in_dim3A_771 = arith.constant 0.000000e+00 : f32
      %broadcast_in_dim3A_772 = vector.broadcast %broadcast_in_dim3A_771 : f32 to vector<16xf32>
      %broadcast_in_dim3A_773 = arith.constant 1.000000e+00 : f32
      %broadcast_in_dim3A_774 = vector.broadcast %broadcast_in_dim3A_773 : f32 to vector<16xf32>
      %select_n3A = arith.select %eq3A_770, %broadcast_in_dim3A_772, %broadcast_in_dim3A_774 : vector<16xi1>, vector<16xf32>
      %mul3A_775 = arith.constant 16 : i32
      %mul3A_776 = arith.muli %scan3A_758, %mul3A_775 : i32
      %swap3A_777 = arith.index_cast %mul3A_776 : i32 to index
      %swap3A_778 = tpu.vector_load %arg11[%swap3A_777] {strides = array<i32>} : memref<512xf32, #tpu.memory_space<vmem>>, vector<16xf32>,
      tpu.vector_store %arg11[%swap3A_777], %select_n3A {strides = array<i32>} : memref<512xf32, #tpu.memory_space<vmem>>, vector<16xf32>,
    }
    %scan3A_557 = arith.constant 32 : i32
    %dma_start3A_558 = arith.constant 0 : i32
    %dma_start3A_559 = arith.constant 0 : i32
    %dma_start3A_560 = tpu.memref_slice %arg3[%dma_start3A_558, %dma_start3A_559] : memref<2600026x16xf32, #tpu.memory_space<hbm>> -> memref<2600026x16xf32, #tpu.memory_space<hbm>>
    tpu.enqueue_indirect_dma source(%dma_start3A_560 : memref<2600026x16xf32, #tpu.memory_space<hbm>>) target(%arg12 : memref<512x16xf32, #tpu.memory_space<vmem>>) offsets(%arg10 : memref<512xi32, #tpu.memory_space<vmem>>) semaphore(%arg17 : memref<!tpu.dma_semaphore, #tpu.memory_space<semaphore_mem>>)
    %dma_wait3A_561 = arith.constant 0 : i32
    %dma_wait3A_562 = arith.constant 0 : i32
    %dma_wait3A_563 = tpu.memref_slice %arg3[%dma_wait3A_561, %dma_wait3A_562] : memref<2600026x16xf32, #tpu.memory_space<hbm>> -> memref<2600026x16xf32, #tpu.memory_space<hbm>>
    tpu.wait_indirect_dma semaphore(%arg17 : memref<!tpu.dma_semaphore, #tpu.memory_space<semaphore_mem>>) src(%dma_wait3A_563 : memref<2600026x16xf32, #tpu.memory_space<hbm>>) dst(%arg12 : memref<512x16xf32, #tpu.memory_space<vmem>>)
    %get3A_564 = arith.constant 23 : i32
    %get3A_565 = arith.index_cast %get3A_564 : i32 to index
    %get3A_566 = arith.constant 0 : index
    %get3A_567 = tpu.vector_load %arg13[%get3A_565, %get3A_566] {strides = array<i32>} : memref<26x16xf32, #tpu.memory_space<vmem>>, vector<16xf32>,
    %scan3A_568 = arith.constant 0 : i32
    %scan3A_569 = arith.constant 0 : i32
    %scan3A_570 = arith.constant 512 : i32
    %scan3A_571 = arith.addi %scan3A_569, %scan3A_570 : i32
    %scan3A_572 = arith.constant 1 : i32
    scf.for %scan3A_758 = %scan3A_569 to %scan3A_571 step %scan3A_572  : i32 {
      %broadcast_in_dim3A_759 = vector.broadcast %scan3A_758 : i32 to vector<16xi32>
      %gather3A = tpu.vector_load_idx %arg11[%broadcast_in_dim3A_759] : memref<512xf32, #tpu.memory_space<vmem>>[vector<16xi32>], vector<16xf32>,
      %get3A_760 = arith.index_cast %scan3A_758 : i32 to index
      %get3A_761 = arith.constant 0 : index
      %get3A_762 = tpu.vector_load %arg12[%get3A_760, %get3A_761] {strides = array<i32>} : memref<512x16xf32, #tpu.memory_space<vmem>>, vector<16xf32>,
      %mul3A_763 = arith.mulf %get3A_762, %gather3A : vector<16xf32>
      %add3A_764 = arith.addf %mul3A_763, %get3A_567 : vector<16xf32>
      %swap3A = arith.index_cast %scan3A_758 : i32 to index
      %swap3A_765 = arith.constant 0 : index
      %swap3A_766 = tpu.vector_load %arg12[%swap3A, %swap3A_765] {strides = array<i32>} : memref<512x16xf32, #tpu.memory_space<vmem>>, vector<16xf32>,
      tpu.vector_store %arg12[%swap3A, %swap3A_765], %add3A_764 {strides = array<i32>} : memref<512x16xf32, #tpu.memory_space<vmem>>, vector<16xf32>,
    }
    %scan3A_573 = arith.constant 512 : i32
    "tpu.region"() ({
      %run_scoped3A = tpu.sem_alloc : memref<!tpu.dma_semaphore, #tpu.memory_space<semaphore_mem>>
      %dma_start3A_758 = arith.constant 368 : i32
      %dma_start3A_759 = tpu.memref_slice %arg7[%mul3A_2, %dma_start3A_758] : memref<16384x416xf32, #tpu.memory_space<hbm>> -> memref<512x16xf32, #tpu.memory_space<hbm>>
      %dma_start3A_760 = arith.constant 368 : i32
      %dma_start3A_761 = tpu.memref_slice %arg7[%mul3A_2, %dma_start3A_760] : memref<16384x416xf32, #tpu.memory_space<hbm>> -> memref<512x16xf32, #tpu.memory_space<hbm>>
      tpu.enqueue_dma source(%arg12 : memref<512x16xf32, #tpu.memory_space<vmem>>) target(%dma_start3A_761 : memref<512x16xf32, #tpu.memory_space<hbm>>) target_semaphore(%run_scoped3A : memref<!tpu.dma_semaphore, #tpu.memory_space<semaphore_mem>>)
      %dma_wait3A_762 = arith.constant 368 : i32
      %dma_wait3A_763 = tpu.memref_slice %arg7[%mul3A_2, %dma_wait3A_762] : memref<16384x416xf32, #tpu.memory_space<hbm>> -> memref<512x16xf32, #tpu.memory_space<hbm>>
      %dma_wait3A_764 = arith.constant 368 : i32
      %dma_wait3A_765 = tpu.memref_slice %arg7[%mul3A_2, %dma_wait3A_764] : memref<16384x416xf32, #tpu.memory_space<hbm>> -> memref<512x16xf32, #tpu.memory_space<hbm>>
      tpu.wait_dma2 semaphore(%run_scoped3A : memref<!tpu.dma_semaphore, #tpu.memory_space<semaphore_mem>>) src(%arg12 : memref<512x16xf32, #tpu.memory_space<vmem>>) dst(%dma_wait3A_765 : memref<512x16xf32, #tpu.memory_space<hbm>>)
      tpu.yield
    }) : () -> ()
    %broadcast_in_dim3A_574 = arith.constant 24 : i32
    %broadcast_in_dim3A_575 = vector.broadcast %broadcast_in_dim3A_574 : i32 to vector<16xi32>
    %scan3A_576 = arith.constant 0 : i32
    %scan3A_577 = arith.constant 0 : i32
    %scan3A_578 = arith.constant 32 : i32
    %scan3A_579 = arith.addi %scan3A_577, %scan3A_578 : i32
    %scan3A_580 = arith.constant 1 : i32
    scf.for %scan3A_758 = %scan3A_577 to %scan3A_579 step %scan3A_580  : i32 {
      %mul3A_759 = arith.constant 16 : i32
      %mul3A_760 = arith.muli %scan3A_758, %mul3A_759 : i32
      %add3A_761 = vector.broadcast %mul3A_760 : i32 to vector<16xi32>
      %add3A_762 = arith.addi %add3A_761, %iota3A : vector<16xi32>
      %gather3A = tpu.vector_load_idx %arg9[%add3A_762, %broadcast_in_dim3A_575] : memref<512x39xf32, #tpu.memory_space<vmem>>[vector<16xi32>, vector<16xi32>], vector<16xf32>,
      %convert_element_type3A = arith.fptosi %gather3A : vector<16xf32> to vector<16xi32>
      %add3A_763 = arith.constant 2400024 : i32
      %add3A_764 = vector.broadcast %add3A_763 : i32 to vector<16xi32>
      %add3A_765 = arith.addi %convert_element_type3A, %add3A_764 : vector<16xi32>
      %mul3A_766 = arith.constant 16 : i32
      %mul3A_767 = arith.muli %scan3A_758, %mul3A_766 : i32
      %swap3A = arith.index_cast %mul3A_767 : i32 to index
      %swap3A_768 = tpu.vector_load %arg10[%swap3A] {strides = array<i32>} : memref<512xi32, #tpu.memory_space<vmem>>, vector<16xi32>,
      tpu.vector_store %arg10[%swap3A], %add3A_765 {strides = array<i32>} : memref<512xi32, #tpu.memory_space<vmem>>, vector<16xi32>,
      %eq3A = arith.constant 0 : i32
      %eq3A_769 = vector.broadcast %eq3A : i32 to vector<16xi32>
      %eq3A_770 = arith.cmpi eq, %convert_element_type3A, %eq3A_769 : vector<16xi32>
      %broadcast_in_dim3A_771 = arith.constant 0.000000e+00 : f32
      %broadcast_in_dim3A_772 = vector.broadcast %broadcast_in_dim3A_771 : f32 to vector<16xf32>
      %broadcast_in_dim3A_773 = arith.constant 1.000000e+00 : f32
      %broadcast_in_dim3A_774 = vector.broadcast %broadcast_in_dim3A_773 : f32 to vector<16xf32>
      %select_n3A = arith.select %eq3A_770, %broadcast_in_dim3A_772, %broadcast_in_dim3A_774 : vector<16xi1>, vector<16xf32>
      %mul3A_775 = arith.constant 16 : i32
      %mul3A_776 = arith.muli %scan3A_758, %mul3A_775 : i32
      %swap3A_777 = arith.index_cast %mul3A_776 : i32 to index
      %swap3A_778 = tpu.vector_load %arg11[%swap3A_777] {strides = array<i32>} : memref<512xf32, #tpu.memory_space<vmem>>, vector<16xf32>,
      tpu.vector_store %arg11[%swap3A_777], %select_n3A {strides = array<i32>} : memref<512xf32, #tpu.memory_space<vmem>>, vector<16xf32>,
    }
    %scan3A_581 = arith.constant 32 : i32
    %dma_start3A_582 = arith.constant 0 : i32
    %dma_start3A_583 = arith.constant 0 : i32
    %dma_start3A_584 = tpu.memref_slice %arg3[%dma_start3A_582, %dma_start3A_583] : memref<2600026x16xf32, #tpu.memory_space<hbm>> -> memref<2600026x16xf32, #tpu.memory_space<hbm>>
    tpu.enqueue_indirect_dma source(%dma_start3A_584 : memref<2600026x16xf32, #tpu.memory_space<hbm>>) target(%arg12 : memref<512x16xf32, #tpu.memory_space<vmem>>) offsets(%arg10 : memref<512xi32, #tpu.memory_space<vmem>>) semaphore(%arg17 : memref<!tpu.dma_semaphore, #tpu.memory_space<semaphore_mem>>)
    %dma_wait3A_585 = arith.constant 0 : i32
    %dma_wait3A_586 = arith.constant 0 : i32
    %dma_wait3A_587 = tpu.memref_slice %arg3[%dma_wait3A_585, %dma_wait3A_586] : memref<2600026x16xf32, #tpu.memory_space<hbm>> -> memref<2600026x16xf32, #tpu.memory_space<hbm>>
    tpu.wait_indirect_dma semaphore(%arg17 : memref<!tpu.dma_semaphore, #tpu.memory_space<semaphore_mem>>) src(%dma_wait3A_587 : memref<2600026x16xf32, #tpu.memory_space<hbm>>) dst(%arg12 : memref<512x16xf32, #tpu.memory_space<vmem>>)
    %get3A_588 = arith.constant 24 : i32
    %get3A_589 = arith.index_cast %get3A_588 : i32 to index
    %get3A_590 = arith.constant 0 : index
    %get3A_591 = tpu.vector_load %arg13[%get3A_589, %get3A_590] {strides = array<i32>} : memref<26x16xf32, #tpu.memory_space<vmem>>, vector<16xf32>,
    %scan3A_592 = arith.constant 0 : i32
    %scan3A_593 = arith.constant 0 : i32
    %scan3A_594 = arith.constant 512 : i32
    %scan3A_595 = arith.addi %scan3A_593, %scan3A_594 : i32
    %scan3A_596 = arith.constant 1 : i32
    scf.for %scan3A_758 = %scan3A_593 to %scan3A_595 step %scan3A_596  : i32 {
      %broadcast_in_dim3A_759 = vector.broadcast %scan3A_758 : i32 to vector<16xi32>
      %gather3A = tpu.vector_load_idx %arg11[%broadcast_in_dim3A_759] : memref<512xf32, #tpu.memory_space<vmem>>[vector<16xi32>], vector<16xf32>,
      %get3A_760 = arith.index_cast %scan3A_758 : i32 to index
      %get3A_761 = arith.constant 0 : index
      %get3A_762 = tpu.vector_load %arg12[%get3A_760, %get3A_761] {strides = array<i32>} : memref<512x16xf32, #tpu.memory_space<vmem>>, vector<16xf32>,
      %mul3A_763 = arith.mulf %get3A_762, %gather3A : vector<16xf32>
      %add3A_764 = arith.addf %mul3A_763, %get3A_591 : vector<16xf32>
      %swap3A = arith.index_cast %scan3A_758 : i32 to index
      %swap3A_765 = arith.constant 0 : index
      %swap3A_766 = tpu.vector_load %arg12[%swap3A, %swap3A_765] {strides = array<i32>} : memref<512x16xf32, #tpu.memory_space<vmem>>, vector<16xf32>,
      tpu.vector_store %arg12[%swap3A, %swap3A_765], %add3A_764 {strides = array<i32>} : memref<512x16xf32, #tpu.memory_space<vmem>>, vector<16xf32>,
    }
    %scan3A_597 = arith.constant 512 : i32
    "tpu.region"() ({
      %run_scoped3A = tpu.sem_alloc : memref<!tpu.dma_semaphore, #tpu.memory_space<semaphore_mem>>
      %dma_start3A_758 = arith.constant 384 : i32
      %dma_start3A_759 = tpu.memref_slice %arg7[%mul3A_2, %dma_start3A_758] : memref<16384x416xf32, #tpu.memory_space<hbm>> -> memref<512x16xf32, #tpu.memory_space<hbm>>
      %dma_start3A_760 = arith.constant 384 : i32
      %dma_start3A_761 = tpu.memref_slice %arg7[%mul3A_2, %dma_start3A_760] : memref<16384x416xf32, #tpu.memory_space<hbm>> -> memref<512x16xf32, #tpu.memory_space<hbm>>
      tpu.enqueue_dma source(%arg12 : memref<512x16xf32, #tpu.memory_space<vmem>>) target(%dma_start3A_761 : memref<512x16xf32, #tpu.memory_space<hbm>>) target_semaphore(%run_scoped3A : memref<!tpu.dma_semaphore, #tpu.memory_space<semaphore_mem>>)
      %dma_wait3A_762 = arith.constant 384 : i32
      %dma_wait3A_763 = tpu.memref_slice %arg7[%mul3A_2, %dma_wait3A_762] : memref<16384x416xf32, #tpu.memory_space<hbm>> -> memref<512x16xf32, #tpu.memory_space<hbm>>
      %dma_wait3A_764 = arith.constant 384 : i32
      %dma_wait3A_765 = tpu.memref_slice %arg7[%mul3A_2, %dma_wait3A_764] : memref<16384x416xf32, #tpu.memory_space<hbm>> -> memref<512x16xf32, #tpu.memory_space<hbm>>
      tpu.wait_dma2 semaphore(%run_scoped3A : memref<!tpu.dma_semaphore, #tpu.memory_space<semaphore_mem>>) src(%arg12 : memref<512x16xf32, #tpu.memory_space<vmem>>) dst(%dma_wait3A_765 : memref<512x16xf32, #tpu.memory_space<hbm>>)
      tpu.yield
    }) : () -> ()
    %broadcast_in_dim3A_598 = arith.constant 25 : i32
    %broadcast_in_dim3A_599 = vector.broadcast %broadcast_in_dim3A_598 : i32 to vector<16xi32>
    %scan3A_600 = arith.constant 0 : i32
    %scan3A_601 = arith.constant 0 : i32
    %scan3A_602 = arith.constant 32 : i32
    %scan3A_603 = arith.addi %scan3A_601, %scan3A_602 : i32
    %scan3A_604 = arith.constant 1 : i32
    scf.for %scan3A_758 = %scan3A_601 to %scan3A_603 step %scan3A_604  : i32 {
      %mul3A_759 = arith.constant 16 : i32
      %mul3A_760 = arith.muli %scan3A_758, %mul3A_759 : i32
      %add3A_761 = vector.broadcast %mul3A_760 : i32 to vector<16xi32>
      %add3A_762 = arith.addi %add3A_761, %iota3A : vector<16xi32>
      %gather3A = tpu.vector_load_idx %arg9[%add3A_762, %broadcast_in_dim3A_599] : memref<512x39xf32, #tpu.memory_space<vmem>>[vector<16xi32>, vector<16xi32>], vector<16xf32>,
      %convert_element_type3A = arith.fptosi %gather3A : vector<16xf32> to vector<16xi32>
      %add3A_763 = arith.constant 2500025 : i32
      %add3A_764 = vector.broadcast %add3A_763 : i32 to vector<16xi32>
      %add3A_765 = arith.addi %convert_element_type3A, %add3A_764 : vector<16xi32>
      %mul3A_766 = arith.constant 16 : i32
      %mul3A_767 = arith.muli %scan3A_758, %mul3A_766 : i32
      %swap3A = arith.index_cast %mul3A_767 : i32 to index
      %swap3A_768 = tpu.vector_load %arg10[%swap3A] {strides = array<i32>} : memref<512xi32, #tpu.memory_space<vmem>>, vector<16xi32>,
      tpu.vector_store %arg10[%swap3A], %add3A_765 {strides = array<i32>} : memref<512xi32, #tpu.memory_space<vmem>>, vector<16xi32>,
      %eq3A = arith.constant 0 : i32
      %eq3A_769 = vector.broadcast %eq3A : i32 to vector<16xi32>
      %eq3A_770 = arith.cmpi eq, %convert_element_type3A, %eq3A_769 : vector<16xi32>
      %broadcast_in_dim3A_771 = arith.constant 0.000000e+00 : f32
      %broadcast_in_dim3A_772 = vector.broadcast %broadcast_in_dim3A_771 : f32 to vector<16xf32>
      %broadcast_in_dim3A_773 = arith.constant 1.000000e+00 : f32
      %broadcast_in_dim3A_774 = vector.broadcast %broadcast_in_dim3A_773 : f32 to vector<16xf32>
      %select_n3A = arith.select %eq3A_770, %broadcast_in_dim3A_772, %broadcast_in_dim3A_774 : vector<16xi1>, vector<16xf32>
      %mul3A_775 = arith.constant 16 : i32
      %mul3A_776 = arith.muli %scan3A_758, %mul3A_775 : i32
      %swap3A_777 = arith.index_cast %mul3A_776 : i32 to index
      %swap3A_778 = tpu.vector_load %arg11[%swap3A_777] {strides = array<i32>} : memref<512xf32, #tpu.memory_space<vmem>>, vector<16xf32>,
      tpu.vector_store %arg11[%swap3A_777], %select_n3A {strides = array<i32>} : memref<512xf32, #tpu.memory_space<vmem>>, vector<16xf32>,
    }
    %scan3A_605 = arith.constant 32 : i32
    %dma_start3A_606 = arith.constant 0 : i32
    %dma_start3A_607 = arith.constant 0 : i32
    %dma_start3A_608 = tpu.memref_slice %arg3[%dma_start3A_606, %dma_start3A_607] : memref<2600026x16xf32, #tpu.memory_space<hbm>> -> memref<2600026x16xf32, #tpu.memory_space<hbm>>
    tpu.enqueue_indirect_dma source(%dma_start3A_608 : memref<2600026x16xf32, #tpu.memory_space<hbm>>) target(%arg12 : memref<512x16xf32, #tpu.memory_space<vmem>>) offsets(%arg10 : memref<512xi32, #tpu.memory_space<vmem>>) semaphore(%arg17 : memref<!tpu.dma_semaphore, #tpu.memory_space<semaphore_mem>>)
    %dma_wait3A_609 = arith.constant 0 : i32
    %dma_wait3A_610 = arith.constant 0 : i32
    %dma_wait3A_611 = tpu.memref_slice %arg3[%dma_wait3A_609, %dma_wait3A_610] : memref<2600026x16xf32, #tpu.memory_space<hbm>> -> memref<2600026x16xf32, #tpu.memory_space<hbm>>
    tpu.wait_indirect_dma semaphore(%arg17 : memref<!tpu.dma_semaphore, #tpu.memory_space<semaphore_mem>>) src(%dma_wait3A_611 : memref<2600026x16xf32, #tpu.memory_space<hbm>>) dst(%arg12 : memref<512x16xf32, #tpu.memory_space<vmem>>)
    %get3A_612 = arith.constant 25 : i32
    %get3A_613 = arith.index_cast %get3A_612 : i32 to index
    %get3A_614 = arith.constant 0 : index
    %get3A_615 = tpu.vector_load %arg13[%get3A_613, %get3A_614] {strides = array<i32>} : memref<26x16xf32, #tpu.memory_space<vmem>>, vector<16xf32>,
    %scan3A_616 = arith.constant 0 : i32
    %scan3A_617 = arith.constant 0 : i32
    %scan3A_618 = arith.constant 512 : i32
    %scan3A_619 = arith.addi %scan3A_617, %scan3A_618 : i32
    %scan3A_620 = arith.constant 1 : i32
    scf.for %scan3A_758 = %scan3A_617 to %scan3A_619 step %scan3A_620  : i32 {
      %broadcast_in_dim3A_759 = vector.broadcast %scan3A_758 : i32 to vector<16xi32>
      %gather3A = tpu.vector_load_idx %arg11[%broadcast_in_dim3A_759] : memref<512xf32, #tpu.memory_space<vmem>>[vector<16xi32>], vector<16xf32>,
      %get3A_760 = arith.index_cast %scan3A_758 : i32 to index
      %get3A_761 = arith.constant 0 : index
      %get3A_762 = tpu.vector_load %arg12[%get3A_760, %get3A_761] {strides = array<i32>} : memref<512x16xf32, #tpu.memory_space<vmem>>, vector<16xf32>,
      %mul3A_763 = arith.mulf %get3A_762, %gather3A : vector<16xf32>
      %add3A_764 = arith.addf %mul3A_763, %get3A_615 : vector<16xf32>
      %swap3A = arith.index_cast %scan3A_758 : i32 to index
      %swap3A_765 = arith.constant 0 : index
      %swap3A_766 = tpu.vector_load %arg12[%swap3A, %swap3A_765] {strides = array<i32>} : memref<512x16xf32, #tpu.memory_space<vmem>>, vector<16xf32>,
      tpu.vector_store %arg12[%swap3A, %swap3A_765], %add3A_764 {strides = array<i32>} : memref<512x16xf32, #tpu.memory_space<vmem>>, vector<16xf32>,
    }
    %scan3A_621 = arith.constant 512 : i32
    "tpu.region"() ({
      %run_scoped3A = tpu.sem_alloc : memref<!tpu.dma_semaphore, #tpu.memory_space<semaphore_mem>>
      %dma_start3A_758 = arith.constant 400 : i32
      %dma_start3A_759 = tpu.memref_slice %arg7[%mul3A_2, %dma_start3A_758] : memref<16384x416xf32, #tpu.memory_space<hbm>> -> memref<512x16xf32, #tpu.memory_space<hbm>>
      %dma_start3A_760 = arith.constant 400 : i32
      %dma_start3A_761 = tpu.memref_slice %arg7[%mul3A_2, %dma_start3A_760] : memref<16384x416xf32, #tpu.memory_space<hbm>> -> memref<512x16xf32, #tpu.memory_space<hbm>>
      tpu.enqueue_dma source(%arg12 : memref<512x16xf32, #tpu.memory_space<vmem>>) target(%dma_start3A_761 : memref<512x16xf32, #tpu.memory_space<hbm>>) target_semaphore(%run_scoped3A : memref<!tpu.dma_semaphore, #tpu.memory_space<semaphore_mem>>)
      %dma_wait3A_762 = arith.constant 400 : i32
      %dma_wait3A_763 = tpu.memref_slice %arg7[%mul3A_2, %dma_wait3A_762] : memref<16384x416xf32, #tpu.memory_space<hbm>> -> memref<512x16xf32, #tpu.memory_space<hbm>>
      %dma_wait3A_764 = arith.constant 400 : i32
      %dma_wait3A_765 = tpu.memref_slice %arg7[%mul3A_2, %dma_wait3A_764] : memref<16384x416xf32, #tpu.memory_space<hbm>> -> memref<512x16xf32, #tpu.memory_space<hbm>>
      tpu.wait_dma2 semaphore(%run_scoped3A : memref<!tpu.dma_semaphore, #tpu.memory_space<semaphore_mem>>) src(%arg12 : memref<512x16xf32, #tpu.memory_space<vmem>>) dst(%dma_wait3A_765 : memref<512x16xf32, #tpu.memory_space<hbm>>)
      tpu.yield
    }) : () -> ()
    %get3A_622 = arith.constant 0 : i32
    %get3A_623 = arith.index_cast %get3A_622 : i32 to index
    %get3A_624 = arith.constant 0 : index
    %get3A_625 = tpu.vector_load %arg14[%get3A_623, %get3A_624] {strides = array<i32>} : memref<13x16xf32, #tpu.memory_space<vmem>>, vector<16xf32>,
    %get3A_626 = arith.constant 1 : i32
    %get3A_627 = arith.index_cast %get3A_626 : i32 to index
    %get3A_628 = arith.constant 0 : index
    %get3A_629 = tpu.vector_load %arg14[%get3A_627, %get3A_628] {strides = array<i32>} : memref<13x16xf32, #tpu.memory_space<vmem>>, vector<16xf32>,
    %get3A_630 = arith.constant 2 : i32
    %get3A_631 = arith.index_cast %get3A_630 : i32 to index
    %get3A_632 = arith.constant 0 : index
    %get3A_633 = tpu.vector_load %arg14[%get3A_631, %get3A_632] {strides = array<i32>} : memref<13x16xf32, #tpu.memory_space<vmem>>, vector<16xf32>,
    %get3A_634 = arith.constant 3 : i32
    %get3A_635 = arith.index_cast %get3A_634 : i32 to index
    %get3A_636 = arith.constant 0 : index
    %get3A_637 = tpu.vector_load %arg14[%get3A_635, %get3A_636] {strides = array<i32>} : memref<13x16xf32, #tpu.memory_space<vmem>>, vector<16xf32>,
    %get3A_638 = arith.constant 4 : i32
    %get3A_639 = arith.index_cast %get3A_638 : i32 to index
    %get3A_640 = arith.constant 0 : index
    %get3A_641 = tpu.vector_load %arg14[%get3A_639, %get3A_640] {strides = array<i32>} : memref<13x16xf32, #tpu.memory_space<vmem>>, vector<16xf32>,
    %get3A_642 = arith.constant 5 : i32
    %get3A_643 = arith.index_cast %get3A_642 : i32 to index
    %get3A_644 = arith.constant 0 : index
    %get3A_645 = tpu.vector_load %arg14[%get3A_643, %get3A_644] {strides = array<i32>} : memref<13x16xf32, #tpu.memory_space<vmem>>, vector<16xf32>,
    %get3A_646 = arith.constant 6 : i32
    %get3A_647 = arith.index_cast %get3A_646 : i32 to index
    %get3A_648 = arith.constant 0 : index
    %get3A_649 = tpu.vector_load %arg14[%get3A_647, %get3A_648] {strides = array<i32>} : memref<13x16xf32, #tpu.memory_space<vmem>>, vector<16xf32>,
    %get3A_650 = arith.constant 7 : i32
    %get3A_651 = arith.index_cast %get3A_650 : i32 to index
    %get3A_652 = arith.constant 0 : index
    %get3A_653 = tpu.vector_load %arg14[%get3A_651, %get3A_652] {strides = array<i32>} : memref<13x16xf32, #tpu.memory_space<vmem>>, vector<16xf32>,
    %get3A_654 = arith.constant 8 : i32
    %get3A_655 = arith.index_cast %get3A_654 : i32 to index
    %get3A_656 = arith.constant 0 : index
    %get3A_657 = tpu.vector_load %arg14[%get3A_655, %get3A_656] {strides = array<i32>} : memref<13x16xf32, #tpu.memory_space<vmem>>, vector<16xf32>,
    %get3A_658 = arith.constant 9 : i32
    %get3A_659 = arith.index_cast %get3A_658 : i32 to index
    %get3A_660 = arith.constant 0 : index
    %get3A_661 = tpu.vector_load %arg14[%get3A_659, %get3A_660] {strides = array<i32>} : memref<13x16xf32, #tpu.memory_space<vmem>>, vector<16xf32>,
    %get3A_662 = arith.constant 10 : i32
    %get3A_663 = arith.index_cast %get3A_662 : i32 to index
    %get3A_664 = arith.constant 0 : index
    %get3A_665 = tpu.vector_load %arg14[%get3A_663, %get3A_664] {strides = array<i32>} : memref<13x16xf32, #tpu.memory_space<vmem>>, vector<16xf32>,
    %get3A_666 = arith.constant 11 : i32
    %get3A_667 = arith.index_cast %get3A_666 : i32 to index
    %get3A_668 = arith.constant 0 : index
    %get3A_669 = tpu.vector_load %arg14[%get3A_667, %get3A_668] {strides = array<i32>} : memref<13x16xf32, #tpu.memory_space<vmem>>, vector<16xf32>,
    %get3A_670 = arith.constant 12 : i32
    %get3A_671 = arith.index_cast %get3A_670 : i32 to index
    %get3A_672 = arith.constant 0 : index
    %get3A_673 = tpu.vector_load %arg14[%get3A_671, %get3A_672] {strides = array<i32>} : memref<13x16xf32, #tpu.memory_space<vmem>>, vector<16xf32>,
    %get3A_674 = arith.constant 0 : i32
    %get3A_675 = arith.index_cast %get3A_674 : i32 to index
    %get3A_676 = arith.constant 0 : index
    %get3A_677 = tpu.vector_load %arg15[%get3A_675, %get3A_676] {strides = array<i32>} : memref<13x16xf32, #tpu.memory_space<vmem>>, vector<16xf32>,
    %get3A_678 = arith.constant 1 : i32
    %get3A_679 = arith.index_cast %get3A_678 : i32 to index
    %get3A_680 = arith.constant 0 : index
    %get3A_681 = tpu.vector_load %arg15[%get3A_679, %get3A_680] {strides = array<i32>} : memref<13x16xf32, #tpu.memory_space<vmem>>, vector<16xf32>,
    %get3A_682 = arith.constant 2 : i32
    %get3A_683 = arith.index_cast %get3A_682 : i32 to index
    %get3A_684 = arith.constant 0 : index
    %get3A_685 = tpu.vector_load %arg15[%get3A_683, %get3A_684] {strides = array<i32>} : memref<13x16xf32, #tpu.memory_space<vmem>>, vector<16xf32>,
    %get3A_686 = arith.constant 3 : i32
    %get3A_687 = arith.index_cast %get3A_686 : i32 to index
    %get3A_688 = arith.constant 0 : index
    %get3A_689 = tpu.vector_load %arg15[%get3A_687, %get3A_688] {strides = array<i32>} : memref<13x16xf32, #tpu.memory_space<vmem>>, vector<16xf32>,
    %get3A_690 = arith.constant 4 : i32
    %get3A_691 = arith.index_cast %get3A_690 : i32 to index
    %get3A_692 = arith.constant 0 : index
    %get3A_693 = tpu.vector_load %arg15[%get3A_691, %get3A_692] {strides = array<i32>} : memref<13x16xf32, #tpu.memory_space<vmem>>, vector<16xf32>,
    %get3A_694 = arith.constant 5 : i32
    %get3A_695 = arith.index_cast %get3A_694 : i32 to index
    %get3A_696 = arith.constant 0 : index
    %get3A_697 = tpu.vector_load %arg15[%get3A_695, %get3A_696] {strides = array<i32>} : memref<13x16xf32, #tpu.memory_space<vmem>>, vector<16xf32>,
    %get3A_698 = arith.constant 6 : i32
    %get3A_699 = arith.index_cast %get3A_698 : i32 to index
    %get3A_700 = arith.constant 0 : index
    %get3A_701 = tpu.vector_load %arg15[%get3A_699, %get3A_700] {strides = array<i32>} : memref<13x16xf32, #tpu.memory_space<vmem>>, vector<16xf32>,
    %get3A_702 = arith.constant 7 : i32
    %get3A_703 = arith.index_cast %get3A_702 : i32 to index
    %get3A_704 = arith.constant 0 : index
    %get3A_705 = tpu.vector_load %arg15[%get3A_703, %get3A_704] {strides = array<i32>} : memref<13x16xf32, #tpu.memory_space<vmem>>, vector<16xf32>,
    %get3A_706 = arith.constant 8 : i32
    %get3A_707 = arith.index_cast %get3A_706 : i32 to index
    %get3A_708 = arith.constant 0 : index
    %get3A_709 = tpu.vector_load %arg15[%get3A_707, %get3A_708] {strides = array<i32>} : memref<13x16xf32, #tpu.memory_space<vmem>>, vector<16xf32>,
    %get3A_710 = arith.constant 9 : i32
    %get3A_711 = arith.index_cast %get3A_710 : i32 to index
    %get3A_712 = arith.constant 0 : index
    %get3A_713 = tpu.vector_load %arg15[%get3A_711, %get3A_712] {strides = array<i32>} : memref<13x16xf32, #tpu.memory_space<vmem>>, vector<16xf32>,
    %get3A_714 = arith.constant 10 : i32
    %get3A_715 = arith.index_cast %get3A_714 : i32 to index
    %get3A_716 = arith.constant 0 : index
    %get3A_717 = tpu.vector_load %arg15[%get3A_715, %get3A_716] {strides = array<i32>} : memref<13x16xf32, #tpu.memory_space<vmem>>, vector<16xf32>,
    %get3A_718 = arith.constant 11 : i32
    %get3A_719 = arith.index_cast %get3A_718 : i32 to index
    %get3A_720 = arith.constant 0 : index
    %get3A_721 = tpu.vector_load %arg15[%get3A_719, %get3A_720] {strides = array<i32>} : memref<13x16xf32, #tpu.memory_space<vmem>>, vector<16xf32>,
    %get3A_722 = arith.constant 12 : i32
    %get3A_723 = arith.index_cast %get3A_722 : i32 to index
    %get3A_724 = arith.constant 0 : index
    %get3A_725 = tpu.vector_load %arg15[%get3A_723, %get3A_724] {strides = array<i32>} : memref<13x16xf32, #tpu.memory_space<vmem>>, vector<16xf32>,
    %scan3A_726 = arith.constant 0 : i32
    %scan3A_727 = arith.constant 0 : i32
    %scan3A_728 = arith.constant 128 : i32
    %scan3A_729 = arith.addi %scan3A_727, %scan3A_728 : i32
    %scan3A_730 = arith.constant 1 : i32
    scf.for %scan3A_758 = %scan3A_727 to %scan3A_729 step %scan3A_730  : i32 {
      %add3A_759 = arith.constant 0 : i32
      %add3A_760 = arith.addi %add3A_759, %scan3A_758 : i32
      %broadcast_in_dim3A_761 = vector.broadcast %add3A_760 : i32 to vector<16xi32>
      %broadcast_in_dim3A_762 = arith.constant 26 : i32
      %broadcast_in_dim3A_763 = vector.broadcast %broadcast_in_dim3A_762 : i32 to vector<16xi32>
      %gather3A = tpu.vector_load_idx %arg9[%broadcast_in_dim3A_761, %broadcast_in_dim3A_763] : memref<512x39xf32, #tpu.memory_space<vmem>>[vector<16xi32>, vector<16xi32>], vector<16xf32>,
      %mul3A_764 = arith.mulf %gather3A, %get3A_625 : vector<16xf32>
      %add3A_765 = arith.addf %mul3A_764, %get3A_677 : vector<16xf32>
      %swap3A = arith.index_cast %scan3A_758 : i32 to index
      %swap3A_766 = arith.constant 0 : index
      %swap3A_767 = tpu.vector_load %arg16[%swap3A, %swap3A_766] {strides = array<i32>} : memref<128x208xf32, #tpu.memory_space<vmem>>, vector<16xf32>,
      tpu.vector_store %arg16[%swap3A, %swap3A_766], %add3A_765 {strides = array<i32>} : memref<128x208xf32, #tpu.memory_space<vmem>>, vector<16xf32>,
      %broadcast_in_dim3A_768 = arith.constant 27 : i32
      %broadcast_in_dim3A_769 = vector.broadcast %broadcast_in_dim3A_768 : i32 to vector<16xi32>
      %gather3A_770 = tpu.vector_load_idx %arg9[%broadcast_in_dim3A_761, %broadcast_in_dim3A_769] : memref<512x39xf32, #tpu.memory_space<vmem>>[vector<16xi32>, vector<16xi32>], vector<16xf32>,
      %mul3A_771 = arith.mulf %gather3A_770, %get3A_629 : vector<16xf32>
      %add3A_772 = arith.addf %mul3A_771, %get3A_681 : vector<16xf32>
      %swap3A_773 = arith.index_cast %scan3A_758 : i32 to index
      %swap3A_774 = arith.constant 16 : index
      %swap3A_775 = tpu.vector_load %arg16[%swap3A_773, %swap3A_774] {strides = array<i32>} : memref<128x208xf32, #tpu.memory_space<vmem>>, vector<16xf32>,
      tpu.vector_store %arg16[%swap3A_773, %swap3A_774], %add3A_772 {strides = array<i32>} : memref<128x208xf32, #tpu.memory_space<vmem>>, vector<16xf32>,
      %broadcast_in_dim3A_776 = arith.constant 28 : i32
      %broadcast_in_dim3A_777 = vector.broadcast %broadcast_in_dim3A_776 : i32 to vector<16xi32>
      %gather3A_778 = tpu.vector_load_idx %arg9[%broadcast_in_dim3A_761, %broadcast_in_dim3A_777] : memref<512x39xf32, #tpu.memory_space<vmem>>[vector<16xi32>, vector<16xi32>], vector<16xf32>,
      %mul3A_779 = arith.mulf %gather3A_778, %get3A_633 : vector<16xf32>
      %add3A_780 = arith.addf %mul3A_779, %get3A_685 : vector<16xf32>
      %swap3A_781 = arith.index_cast %scan3A_758 : i32 to index
      %swap3A_782 = arith.constant 32 : index
      %swap3A_783 = tpu.vector_load %arg16[%swap3A_781, %swap3A_782] {strides = array<i32>} : memref<128x208xf32, #tpu.memory_space<vmem>>, vector<16xf32>,
      tpu.vector_store %arg16[%swap3A_781, %swap3A_782], %add3A_780 {strides = array<i32>} : memref<128x208xf32, #tpu.memory_space<vmem>>, vector<16xf32>,
      %broadcast_in_dim3A_784 = arith.constant 29 : i32
      %broadcast_in_dim3A_785 = vector.broadcast %broadcast_in_dim3A_784 : i32 to vector<16xi32>
      %gather3A_786 = tpu.vector_load_idx %arg9[%broadcast_in_dim3A_761, %broadcast_in_dim3A_785] : memref<512x39xf32, #tpu.memory_space<vmem>>[vector<16xi32>, vector<16xi32>], vector<16xf32>,
      %mul3A_787 = arith.mulf %gather3A_786, %get3A_637 : vector<16xf32>
      %add3A_788 = arith.addf %mul3A_787, %get3A_689 : vector<16xf32>
      %swap3A_789 = arith.index_cast %scan3A_758 : i32 to index
      %swap3A_790 = arith.constant 48 : index
      %swap3A_791 = tpu.vector_load %arg16[%swap3A_789, %swap3A_790] {strides = array<i32>} : memref<128x208xf32, #tpu.memory_space<vmem>>, vector<16xf32>,
      tpu.vector_store %arg16[%swap3A_789, %swap3A_790], %add3A_788 {strides = array<i32>} : memref<128x208xf32, #tpu.memory_space<vmem>>, vector<16xf32>,
      %broadcast_in_dim3A_792 = arith.constant 30 : i32
      %broadcast_in_dim3A_793 = vector.broadcast %broadcast_in_dim3A_792 : i32 to vector<16xi32>
      %gather3A_794 = tpu.vector_load_idx %arg9[%broadcast_in_dim3A_761, %broadcast_in_dim3A_793] : memref<512x39xf32, #tpu.memory_space<vmem>>[vector<16xi32>, vector<16xi32>], vector<16xf32>,
      %mul3A_795 = arith.mulf %gather3A_794, %get3A_641 : vector<16xf32>
      %add3A_796 = arith.addf %mul3A_795, %get3A_693 : vector<16xf32>
      %swap3A_797 = arith.index_cast %scan3A_758 : i32 to index
      %swap3A_798 = arith.constant 64 : index
      %swap3A_799 = tpu.vector_load %arg16[%swap3A_797, %swap3A_798] {strides = array<i32>} : memref<128x208xf32, #tpu.memory_space<vmem>>, vector<16xf32>,
      tpu.vector_store %arg16[%swap3A_797, %swap3A_798], %add3A_796 {strides = array<i32>} : memref<128x208xf32, #tpu.memory_space<vmem>>, vector<16xf32>,
      %broadcast_in_dim3A_800 = arith.constant 31 : i32
      %broadcast_in_dim3A_801 = vector.broadcast %broadcast_in_dim3A_800 : i32 to vector<16xi32>
      %gather3A_802 = tpu.vector_load_idx %arg9[%broadcast_in_dim3A_761, %broadcast_in_dim3A_801] : memref<512x39xf32, #tpu.memory_space<vmem>>[vector<16xi32>, vector<16xi32>], vector<16xf32>,
      %mul3A_803 = arith.mulf %gather3A_802, %get3A_645 : vector<16xf32>
      %add3A_804 = arith.addf %mul3A_803, %get3A_697 : vector<16xf32>
      %swap3A_805 = arith.index_cast %scan3A_758 : i32 to index
      %swap3A_806 = arith.constant 80 : index
      %swap3A_807 = tpu.vector_load %arg16[%swap3A_805, %swap3A_806] {strides = array<i32>} : memref<128x208xf32, #tpu.memory_space<vmem>>, vector<16xf32>,
      tpu.vector_store %arg16[%swap3A_805, %swap3A_806], %add3A_804 {strides = array<i32>} : memref<128x208xf32, #tpu.memory_space<vmem>>, vector<16xf32>,
      %broadcast_in_dim3A_808 = arith.constant 32 : i32
      %broadcast_in_dim3A_809 = vector.broadcast %broadcast_in_dim3A_808 : i32 to vector<16xi32>
      %gather3A_810 = tpu.vector_load_idx %arg9[%broadcast_in_dim3A_761, %broadcast_in_dim3A_809] : memref<512x39xf32, #tpu.memory_space<vmem>>[vector<16xi32>, vector<16xi32>], vector<16xf32>,
      %mul3A_811 = arith.mulf %gather3A_810, %get3A_649 : vector<16xf32>
      %add3A_812 = arith.addf %mul3A_811, %get3A_701 : vector<16xf32>
      %swap3A_813 = arith.index_cast %scan3A_758 : i32 to index
      %swap3A_814 = arith.constant 96 : index
      %swap3A_815 = tpu.vector_load %arg16[%swap3A_813, %swap3A_814] {strides = array<i32>} : memref<128x208xf32, #tpu.memory_space<vmem>>, vector<16xf32>,
      tpu.vector_store %arg16[%swap3A_813, %swap3A_814], %add3A_812 {strides = array<i32>} : memref<128x208xf32, #tpu.memory_space<vmem>>, vector<16xf32>,
      %broadcast_in_dim3A_816 = arith.constant 33 : i32
      %broadcast_in_dim3A_817 = vector.broadcast %broadcast_in_dim3A_816 : i32 to vector<16xi32>
      %gather3A_818 = tpu.vector_load_idx %arg9[%broadcast_in_dim3A_761, %broadcast_in_dim3A_817] : memref<512x39xf32, #tpu.memory_space<vmem>>[vector<16xi32>, vector<16xi32>], vector<16xf32>,
      %mul3A_819 = arith.mulf %gather3A_818, %get3A_653 : vector<16xf32>
      %add3A_820 = arith.addf %mul3A_819, %get3A_705 : vector<16xf32>
      %swap3A_821 = arith.index_cast %scan3A_758 : i32 to index
      %swap3A_822 = arith.constant 112 : index
      %swap3A_823 = tpu.vector_load %arg16[%swap3A_821, %swap3A_822] {strides = array<i32>} : memref<128x208xf32, #tpu.memory_space<vmem>>, vector<16xf32>,
      tpu.vector_store %arg16[%swap3A_821, %swap3A_822], %add3A_820 {strides = array<i32>} : memref<128x208xf32, #tpu.memory_space<vmem>>, vector<16xf32>,
      %broadcast_in_dim3A_824 = arith.constant 34 : i32
      %broadcast_in_dim3A_825 = vector.broadcast %broadcast_in_dim3A_824 : i32 to vector<16xi32>
      %gather3A_826 = tpu.vector_load_idx %arg9[%broadcast_in_dim3A_761, %broadcast_in_dim3A_825] : memref<512x39xf32, #tpu.memory_space<vmem>>[vector<16xi32>, vector<16xi32>], vector<16xf32>,
      %mul3A_827 = arith.mulf %gather3A_826, %get3A_657 : vector<16xf32>
      %add3A_828 = arith.addf %mul3A_827, %get3A_709 : vector<16xf32>
      %swap3A_829 = arith.index_cast %scan3A_758 : i32 to index
      %swap3A_830 = arith.constant 128 : index
      %swap3A_831 = tpu.vector_load %arg16[%swap3A_829, %swap3A_830] {strides = array<i32>} : memref<128x208xf32, #tpu.memory_space<vmem>>, vector<16xf32>,
      tpu.vector_store %arg16[%swap3A_829, %swap3A_830], %add3A_828 {strides = array<i32>} : memref<128x208xf32, #tpu.memory_space<vmem>>, vector<16xf32>,
      %broadcast_in_dim3A_832 = arith.constant 35 : i32
      %broadcast_in_dim3A_833 = vector.broadcast %broadcast_in_dim3A_832 : i32 to vector<16xi32>
      %gather3A_834 = tpu.vector_load_idx %arg9[%broadcast_in_dim3A_761, %broadcast_in_dim3A_833] : memref<512x39xf32, #tpu.memory_space<vmem>>[vector<16xi32>, vector<16xi32>], vector<16xf32>,
      %mul3A_835 = arith.mulf %gather3A_834, %get3A_661 : vector<16xf32>
      %add3A_836 = arith.addf %mul3A_835, %get3A_713 : vector<16xf32>
      %swap3A_837 = arith.index_cast %scan3A_758 : i32 to index
      %swap3A_838 = arith.constant 144 : index
      %swap3A_839 = tpu.vector_load %arg16[%swap3A_837, %swap3A_838] {strides = array<i32>} : memref<128x208xf32, #tpu.memory_space<vmem>>, vector<16xf32>,
      tpu.vector_store %arg16[%swap3A_837, %swap3A_838], %add3A_836 {strides = array<i32>} : memref<128x208xf32, #tpu.memory_space<vmem>>, vector<16xf32>,
      %broadcast_in_dim3A_840 = arith.constant 36 : i32
      %broadcast_in_dim3A_841 = vector.broadcast %broadcast_in_dim3A_840 : i32 to vector<16xi32>
      %gather3A_842 = tpu.vector_load_idx %arg9[%broadcast_in_dim3A_761, %broadcast_in_dim3A_841] : memref<512x39xf32, #tpu.memory_space<vmem>>[vector<16xi32>, vector<16xi32>], vector<16xf32>,
      %mul3A_843 = arith.mulf %gather3A_842, %get3A_665 : vector<16xf32>
      %add3A_844 = arith.addf %mul3A_843, %get3A_717 : vector<16xf32>
      %swap3A_845 = arith.index_cast %scan3A_758 : i32 to index
      %swap3A_846 = arith.constant 160 : index
      %swap3A_847 = tpu.vector_load %arg16[%swap3A_845, %swap3A_846] {strides = array<i32>} : memref<128x208xf32, #tpu.memory_space<vmem>>, vector<16xf32>,
      tpu.vector_store %arg16[%swap3A_845, %swap3A_846], %add3A_844 {strides = array<i32>} : memref<128x208xf32, #tpu.memory_space<vmem>>, vector<16xf32>,
      %broadcast_in_dim3A_848 = arith.constant 37 : i32
      %broadcast_in_dim3A_849 = vector.broadcast %broadcast_in_dim3A_848 : i32 to vector<16xi32>
      %gather3A_850 = tpu.vector_load_idx %arg9[%broadcast_in_dim3A_761, %broadcast_in_dim3A_849] : memref<512x39xf32, #tpu.memory_space<vmem>>[vector<16xi32>, vector<16xi32>], vector<16xf32>,
      %mul3A_851 = arith.mulf %gather3A_850, %get3A_669 : vector<16xf32>
      %add3A_852 = arith.addf %mul3A_851, %get3A_721 : vector<16xf32>
      %swap3A_853 = arith.index_cast %scan3A_758 : i32 to index
      %swap3A_854 = arith.constant 176 : index
      %swap3A_855 = tpu.vector_load %arg16[%swap3A_853, %swap3A_854] {strides = array<i32>} : memref<128x208xf32, #tpu.memory_space<vmem>>, vector<16xf32>,
      tpu.vector_store %arg16[%swap3A_853, %swap3A_854], %add3A_852 {strides = array<i32>} : memref<128x208xf32, #tpu.memory_space<vmem>>, vector<16xf32>,
      %broadcast_in_dim3A_856 = arith.constant 38 : i32
      %broadcast_in_dim3A_857 = vector.broadcast %broadcast_in_dim3A_856 : i32 to vector<16xi32>
      %gather3A_858 = tpu.vector_load_idx %arg9[%broadcast_in_dim3A_761, %broadcast_in_dim3A_857] : memref<512x39xf32, #tpu.memory_space<vmem>>[vector<16xi32>, vector<16xi32>], vector<16xf32>,
      %mul3A_859 = arith.mulf %gather3A_858, %get3A_673 : vector<16xf32>
      %add3A_860 = arith.addf %mul3A_859, %get3A_725 : vector<16xf32>
      %swap3A_861 = arith.index_cast %scan3A_758 : i32 to index
      %swap3A_862 = arith.constant 192 : index
      %swap3A_863 = tpu.vector_load %arg16[%swap3A_861, %swap3A_862] {strides = array<i32>} : memref<128x208xf32, #tpu.memory_space<vmem>>, vector<16xf32>,
      tpu.vector_store %arg16[%swap3A_861, %swap3A_862], %add3A_860 {strides = array<i32>} : memref<128x208xf32, #tpu.memory_space<vmem>>, vector<16xf32>,
    }
    %scan3A_731 = arith.constant 128 : i32
    %add3A_732 = arith.constant 0 : i32
    %add3A_733 = arith.addi %mul3A_2, %add3A_732 : i32
    "tpu.region"() ({
      %run_scoped3A = tpu.sem_alloc : memref<!tpu.dma_semaphore, #tpu.memory_space<semaphore_mem>>
      %dma_start3A_758 = arith.constant 0 : i32
      %dma_start3A_759 = tpu.memref_slice %arg8[%add3A_733, %dma_start3A_758] : memref<16384x208xf32, #tpu.memory_space<hbm>> -> memref<128x208xf32, #tpu.memory_space<hbm>>
      %dma_start3A_760 = arith.constant 0 : i32
      %dma_start3A_761 = tpu.memref_slice %arg8[%add3A_733, %dma_start3A_760] : memref<16384x208xf32, #tpu.memory_space<hbm>> -> memref<128x208xf32, #tpu.memory_space<hbm>>
      tpu.enqueue_dma source(%arg16 : memref<128x208xf32, #tpu.memory_space<vmem>>) target(%dma_start3A_761 : memref<128x208xf32, #tpu.memory_space<hbm>>) target_semaphore(%run_scoped3A : memref<!tpu.dma_semaphore, #tpu.memory_space<semaphore_mem>>)
      %dma_wait3A_762 = arith.constant 0 : i32
      %dma_wait3A_763 = tpu.memref_slice %arg8[%add3A_733, %dma_wait3A_762] : memref<16384x208xf32, #tpu.memory_space<hbm>> -> memref<128x208xf32, #tpu.memory_space<hbm>>
      %dma_wait3A_764 = arith.constant 0 : i32
      %dma_wait3A_765 = tpu.memref_slice %arg8[%add3A_733, %dma_wait3A_764] : memref<16384x208xf32, #tpu.memory_space<hbm>> -> memref<128x208xf32, #tpu.memory_space<hbm>>
      tpu.wait_dma2 semaphore(%run_scoped3A : memref<!tpu.dma_semaphore, #tpu.memory_space<semaphore_mem>>) src(%arg16 : memref<128x208xf32, #tpu.memory_space<vmem>>) dst(%dma_wait3A_765 : memref<128x208xf32, #tpu.memory_space<hbm>>)
      tpu.yield
    }) : () -> ()
    %scan3A_734 = arith.constant 0 : i32
    %scan3A_735 = arith.constant 0 : i32
    %scan3A_736 = arith.constant 128 : i32
    %scan3A_737 = arith.addi %scan3A_735, %scan3A_736 : i32
    %scan3A_738 = arith.constant 1 : i32
    scf.for %scan3A_758 = %scan3A_735 to %scan3A_737 step %scan3A_738  : i32 {
      %add3A_759 = arith.constant 128 : i32
      %add3A_760 = arith.addi %add3A_759, %scan3A_758 : i32
      %broadcast_in_dim3A_761 = vector.broadcast %add3A_760 : i32 to vector<16xi32>
      %broadcast_in_dim3A_762 = arith.constant 26 : i32
      %broadcast_in_dim3A_763 = vector.broadcast %broadcast_in_dim3A_762 : i32 to vector<16xi32>
      %gather3A = tpu.vector_load_idx %arg9[%broadcast_in_dim3A_761, %broadcast_in_dim3A_763] : memref<512x39xf32, #tpu.memory_space<vmem>>[vector<16xi32>, vector<16xi32>], vector<16xf32>,
      %mul3A_764 = arith.mulf %gather3A, %get3A_625 : vector<16xf32>
      %add3A_765 = arith.addf %mul3A_764, %get3A_677 : vector<16xf32>
      %swap3A = arith.index_cast %scan3A_758 : i32 to index
      %swap3A_766 = arith.constant 0 : index
      %swap3A_767 = tpu.vector_load %arg16[%swap3A, %swap3A_766] {strides = array<i32>} : memref<128x208xf32, #tpu.memory_space<vmem>>, vector<16xf32>,
      tpu.vector_store %arg16[%swap3A, %swap3A_766], %add3A_765 {strides = array<i32>} : memref<128x208xf32, #tpu.memory_space<vmem>>, vector<16xf32>,
      %broadcast_in_dim3A_768 = arith.constant 27 : i32
      %broadcast_in_dim3A_769 = vector.broadcast %broadcast_in_dim3A_768 : i32 to vector<16xi32>
      %gather3A_770 = tpu.vector_load_idx %arg9[%broadcast_in_dim3A_761, %broadcast_in_dim3A_769] : memref<512x39xf32, #tpu.memory_space<vmem>>[vector<16xi32>, vector<16xi32>], vector<16xf32>,
      %mul3A_771 = arith.mulf %gather3A_770, %get3A_629 : vector<16xf32>
      %add3A_772 = arith.addf %mul3A_771, %get3A_681 : vector<16xf32>
      %swap3A_773 = arith.index_cast %scan3A_758 : i32 to index
      %swap3A_774 = arith.constant 16 : index
      %swap3A_775 = tpu.vector_load %arg16[%swap3A_773, %swap3A_774] {strides = array<i32>} : memref<128x208xf32, #tpu.memory_space<vmem>>, vector<16xf32>,
      tpu.vector_store %arg16[%swap3A_773, %swap3A_774], %add3A_772 {strides = array<i32>} : memref<128x208xf32, #tpu.memory_space<vmem>>, vector<16xf32>,
      %broadcast_in_dim3A_776 = arith.constant 28 : i32
      %broadcast_in_dim3A_777 = vector.broadcast %broadcast_in_dim3A_776 : i32 to vector<16xi32>
      %gather3A_778 = tpu.vector_load_idx %arg9[%broadcast_in_dim3A_761, %broadcast_in_dim3A_777] : memref<512x39xf32, #tpu.memory_space<vmem>>[vector<16xi32>, vector<16xi32>], vector<16xf32>,
      %mul3A_779 = arith.mulf %gather3A_778, %get3A_633 : vector<16xf32>
      %add3A_780 = arith.addf %mul3A_779, %get3A_685 : vector<16xf32>
      %swap3A_781 = arith.index_cast %scan3A_758 : i32 to index
      %swap3A_782 = arith.constant 32 : index
      %swap3A_783 = tpu.vector_load %arg16[%swap3A_781, %swap3A_782] {strides = array<i32>} : memref<128x208xf32, #tpu.memory_space<vmem>>, vector<16xf32>,
      tpu.vector_store %arg16[%swap3A_781, %swap3A_782], %add3A_780 {strides = array<i32>} : memref<128x208xf32, #tpu.memory_space<vmem>>, vector<16xf32>,
      %broadcast_in_dim3A_784 = arith.constant 29 : i32
      %broadcast_in_dim3A_785 = vector.broadcast %broadcast_in_dim3A_784 : i32 to vector<16xi32>
      %gather3A_786 = tpu.vector_load_idx %arg9[%broadcast_in_dim3A_761, %broadcast_in_dim3A_785] : memref<512x39xf32, #tpu.memory_space<vmem>>[vector<16xi32>, vector<16xi32>], vector<16xf32>,
      %mul3A_787 = arith.mulf %gather3A_786, %get3A_637 : vector<16xf32>
      %add3A_788 = arith.addf %mul3A_787, %get3A_689 : vector<16xf32>
      %swap3A_789 = arith.index_cast %scan3A_758 : i32 to index
      %swap3A_790 = arith.constant 48 : index
      %swap3A_791 = tpu.vector_load %arg16[%swap3A_789, %swap3A_790] {strides = array<i32>} : memref<128x208xf32, #tpu.memory_space<vmem>>, vector<16xf32>,
      tpu.vector_store %arg16[%swap3A_789, %swap3A_790], %add3A_788 {strides = array<i32>} : memref<128x208xf32, #tpu.memory_space<vmem>>, vector<16xf32>,
      %broadcast_in_dim3A_792 = arith.constant 30 : i32
      %broadcast_in_dim3A_793 = vector.broadcast %broadcast_in_dim3A_792 : i32 to vector<16xi32>
      %gather3A_794 = tpu.vector_load_idx %arg9[%broadcast_in_dim3A_761, %broadcast_in_dim3A_793] : memref<512x39xf32, #tpu.memory_space<vmem>>[vector<16xi32>, vector<16xi32>], vector<16xf32>,
      %mul3A_795 = arith.mulf %gather3A_794, %get3A_641 : vector<16xf32>
      %add3A_796 = arith.addf %mul3A_795, %get3A_693 : vector<16xf32>
      %swap3A_797 = arith.index_cast %scan3A_758 : i32 to index
      %swap3A_798 = arith.constant 64 : index
      %swap3A_799 = tpu.vector_load %arg16[%swap3A_797, %swap3A_798] {strides = array<i32>} : memref<128x208xf32, #tpu.memory_space<vmem>>, vector<16xf32>,
      tpu.vector_store %arg16[%swap3A_797, %swap3A_798], %add3A_796 {strides = array<i32>} : memref<128x208xf32, #tpu.memory_space<vmem>>, vector<16xf32>,
      %broadcast_in_dim3A_800 = arith.constant 31 : i32
      %broadcast_in_dim3A_801 = vector.broadcast %broadcast_in_dim3A_800 : i32 to vector<16xi32>
      %gather3A_802 = tpu.vector_load_idx %arg9[%broadcast_in_dim3A_761, %broadcast_in_dim3A_801] : memref<512x39xf32, #tpu.memory_space<vmem>>[vector<16xi32>, vector<16xi32>], vector<16xf32>,
      %mul3A_803 = arith.mulf %gather3A_802, %get3A_645 : vector<16xf32>
      %add3A_804 = arith.addf %mul3A_803, %get3A_697 : vector<16xf32>
      %swap3A_805 = arith.index_cast %scan3A_758 : i32 to index
      %swap3A_806 = arith.constant 80 : index
      %swap3A_807 = tpu.vector_load %arg16[%swap3A_805, %swap3A_806] {strides = array<i32>} : memref<128x208xf32, #tpu.memory_space<vmem>>, vector<16xf32>,
      tpu.vector_store %arg16[%swap3A_805, %swap3A_806], %add3A_804 {strides = array<i32>} : memref<128x208xf32, #tpu.memory_space<vmem>>, vector<16xf32>,
      %broadcast_in_dim3A_808 = arith.constant 32 : i32
      %broadcast_in_dim3A_809 = vector.broadcast %broadcast_in_dim3A_808 : i32 to vector<16xi32>
      %gather3A_810 = tpu.vector_load_idx %arg9[%broadcast_in_dim3A_761, %broadcast_in_dim3A_809] : memref<512x39xf32, #tpu.memory_space<vmem>>[vector<16xi32>, vector<16xi32>], vector<16xf32>,
      %mul3A_811 = arith.mulf %gather3A_810, %get3A_649 : vector<16xf32>
      %add3A_812 = arith.addf %mul3A_811, %get3A_701 : vector<16xf32>
      %swap3A_813 = arith.index_cast %scan3A_758 : i32 to index
      %swap3A_814 = arith.constant 96 : index
      %swap3A_815 = tpu.vector_load %arg16[%swap3A_813, %swap3A_814] {strides = array<i32>} : memref<128x208xf32, #tpu.memory_space<vmem>>, vector<16xf32>,
      tpu.vector_store %arg16[%swap3A_813, %swap3A_814], %add3A_812 {strides = array<i32>} : memref<128x208xf32, #tpu.memory_space<vmem>>, vector<16xf32>,
      %broadcast_in_dim3A_816 = arith.constant 33 : i32
      %broadcast_in_dim3A_817 = vector.broadcast %broadcast_in_dim3A_816 : i32 to vector<16xi32>
      %gather3A_818 = tpu.vector_load_idx %arg9[%broadcast_in_dim3A_761, %broadcast_in_dim3A_817] : memref<512x39xf32, #tpu.memory_space<vmem>>[vector<16xi32>, vector<16xi32>], vector<16xf32>,
      %mul3A_819 = arith.mulf %gather3A_818, %get3A_653 : vector<16xf32>
      %add3A_820 = arith.addf %mul3A_819, %get3A_705 : vector<16xf32>
      %swap3A_821 = arith.index_cast %scan3A_758 : i32 to index
      %swap3A_822 = arith.constant 112 : index
      %swap3A_823 = tpu.vector_load %arg16[%swap3A_821, %swap3A_822] {strides = array<i32>} : memref<128x208xf32, #tpu.memory_space<vmem>>, vector<16xf32>,
      tpu.vector_store %arg16[%swap3A_821, %swap3A_822], %add3A_820 {strides = array<i32>} : memref<128x208xf32, #tpu.memory_space<vmem>>, vector<16xf32>,
      %broadcast_in_dim3A_824 = arith.constant 34 : i32
      %broadcast_in_dim3A_825 = vector.broadcast %broadcast_in_dim3A_824 : i32 to vector<16xi32>
      %gather3A_826 = tpu.vector_load_idx %arg9[%broadcast_in_dim3A_761, %broadcast_in_dim3A_825] : memref<512x39xf32, #tpu.memory_space<vmem>>[vector<16xi32>, vector<16xi32>], vector<16xf32>,
      %mul3A_827 = arith.mulf %gather3A_826, %get3A_657 : vector<16xf32>
      %add3A_828 = arith.addf %mul3A_827, %get3A_709 : vector<16xf32>
      %swap3A_829 = arith.index_cast %scan3A_758 : i32 to index
      %swap3A_830 = arith.constant 128 : index
      %swap3A_831 = tpu.vector_load %arg16[%swap3A_829, %swap3A_830] {strides = array<i32>} : memref<128x208xf32, #tpu.memory_space<vmem>>, vector<16xf32>,
      tpu.vector_store %arg16[%swap3A_829, %swap3A_830], %add3A_828 {strides = array<i32>} : memref<128x208xf32, #tpu.memory_space<vmem>>, vector<16xf32>,
      %broadcast_in_dim3A_832 = arith.constant 35 : i32
      %broadcast_in_dim3A_833 = vector.broadcast %broadcast_in_dim3A_832 : i32 to vector<16xi32>
      %gather3A_834 = tpu.vector_load_idx %arg9[%broadcast_in_dim3A_761, %broadcast_in_dim3A_833] : memref<512x39xf32, #tpu.memory_space<vmem>>[vector<16xi32>, vector<16xi32>], vector<16xf32>,
      %mul3A_835 = arith.mulf %gather3A_834, %get3A_661 : vector<16xf32>
      %add3A_836 = arith.addf %mul3A_835, %get3A_713 : vector<16xf32>
      %swap3A_837 = arith.index_cast %scan3A_758 : i32 to index
      %swap3A_838 = arith.constant 144 : index
      %swap3A_839 = tpu.vector_load %arg16[%swap3A_837, %swap3A_838] {strides = array<i32>} : memref<128x208xf32, #tpu.memory_space<vmem>>, vector<16xf32>,
      tpu.vector_store %arg16[%swap3A_837, %swap3A_838], %add3A_836 {strides = array<i32>} : memref<128x208xf32, #tpu.memory_space<vmem>>, vector<16xf32>,
      %broadcast_in_dim3A_840 = arith.constant 36 : i32
      %broadcast_in_dim3A_841 = vector.broadcast %broadcast_in_dim3A_840 : i32 to vector<16xi32>
      %gather3A_842 = tpu.vector_load_idx %arg9[%broadcast_in_dim3A_761, %broadcast_in_dim3A_841] : memref<512x39xf32, #tpu.memory_space<vmem>>[vector<16xi32>, vector<16xi32>], vector<16xf32>,
      %mul3A_843 = arith.mulf %gather3A_842, %get3A_665 : vector<16xf32>
      %add3A_844 = arith.addf %mul3A_843, %get3A_717 : vector<16xf32>
      %swap3A_845 = arith.index_cast %scan3A_758 : i32 to index
      %swap3A_846 = arith.constant 160 : index
      %swap3A_847 = tpu.vector_load %arg16[%swap3A_845, %swap3A_846] {strides = array<i32>} : memref<128x208xf32, #tpu.memory_space<vmem>>, vector<16xf32>,
      tpu.vector_store %arg16[%swap3A_845, %swap3A_846], %add3A_844 {strides = array<i32>} : memref<128x208xf32, #tpu.memory_space<vmem>>, vector<16xf32>,
      %broadcast_in_dim3A_848 = arith.constant 37 : i32
      %broadcast_in_dim3A_849 = vector.broadcast %broadcast_in_dim3A_848 : i32 to vector<16xi32>
      %gather3A_850 = tpu.vector_load_idx %arg9[%broadcast_in_dim3A_761, %broadcast_in_dim3A_849] : memref<512x39xf32, #tpu.memory_space<vmem>>[vector<16xi32>, vector<16xi32>], vector<16xf32>,
      %mul3A_851 = arith.mulf %gather3A_850, %get3A_669 : vector<16xf32>
      %add3A_852 = arith.addf %mul3A_851, %get3A_721 : vector<16xf32>
      %swap3A_853 = arith.index_cast %scan3A_758 : i32 to index
      %swap3A_854 = arith.constant 176 : index
      %swap3A_855 = tpu.vector_load %arg16[%swap3A_853, %swap3A_854] {strides = array<i32>} : memref<128x208xf32, #tpu.memory_space<vmem>>, vector<16xf32>,
      tpu.vector_store %arg16[%swap3A_853, %swap3A_854], %add3A_852 {strides = array<i32>} : memref<128x208xf32, #tpu.memory_space<vmem>>, vector<16xf32>,
      %broadcast_in_dim3A_856 = arith.constant 38 : i32
      %broadcast_in_dim3A_857 = vector.broadcast %broadcast_in_dim3A_856 : i32 to vector<16xi32>
      %gather3A_858 = tpu.vector_load_idx %arg9[%broadcast_in_dim3A_761, %broadcast_in_dim3A_857] : memref<512x39xf32, #tpu.memory_space<vmem>>[vector<16xi32>, vector<16xi32>], vector<16xf32>,
      %mul3A_859 = arith.mulf %gather3A_858, %get3A_673 : vector<16xf32>
      %add3A_860 = arith.addf %mul3A_859, %get3A_725 : vector<16xf32>
      %swap3A_861 = arith.index_cast %scan3A_758 : i32 to index
      %swap3A_862 = arith.constant 192 : index
      %swap3A_863 = tpu.vector_load %arg16[%swap3A_861, %swap3A_862] {strides = array<i32>} : memref<128x208xf32, #tpu.memory_space<vmem>>, vector<16xf32>,
      tpu.vector_store %arg16[%swap3A_861, %swap3A_862], %add3A_860 {strides = array<i32>} : memref<128x208xf32, #tpu.memory_space<vmem>>, vector<16xf32>,
    }
    %scan3A_739 = arith.constant 128 : i32
    %add3A_740 = arith.constant 128 : i32
    %add3A_741 = arith.addi %mul3A_2, %add3A_740 : i32
    "tpu.region"() ({
      %run_scoped3A = tpu.sem_alloc : memref<!tpu.dma_semaphore, #tpu.memory_space<semaphore_mem>>
      %dma_start3A_758 = arith.constant 0 : i32
      %dma_start3A_759 = tpu.memref_slice %arg8[%add3A_741, %dma_start3A_758] : memref<16384x208xf32, #tpu.memory_space<hbm>> -> memref<128x208xf32, #tpu.memory_space<hbm>>
      %dma_start3A_760 = arith.constant 0 : i32
      %dma_start3A_761 = tpu.memref_slice %arg8[%add3A_741, %dma_start3A_760] : memref<16384x208xf32, #tpu.memory_space<hbm>> -> memref<128x208xf32, #tpu.memory_space<hbm>>
      tpu.enqueue_dma source(%arg16 : memref<128x208xf32, #tpu.memory_space<vmem>>) target(%dma_start3A_761 : memref<128x208xf32, #tpu.memory_space<hbm>>) target_semaphore(%run_scoped3A : memref<!tpu.dma_semaphore, #tpu.memory_space<semaphore_mem>>)
      %dma_wait3A_762 = arith.constant 0 : i32
      %dma_wait3A_763 = tpu.memref_slice %arg8[%add3A_741, %dma_wait3A_762] : memref<16384x208xf32, #tpu.memory_space<hbm>> -> memref<128x208xf32, #tpu.memory_space<hbm>>
      %dma_wait3A_764 = arith.constant 0 : i32
      %dma_wait3A_765 = tpu.memref_slice %arg8[%add3A_741, %dma_wait3A_764] : memref<16384x208xf32, #tpu.memory_space<hbm>> -> memref<128x208xf32, #tpu.memory_space<hbm>>
      tpu.wait_dma2 semaphore(%run_scoped3A : memref<!tpu.dma_semaphore, #tpu.memory_space<semaphore_mem>>) src(%arg16 : memref<128x208xf32, #tpu.memory_space<vmem>>) dst(%dma_wait3A_765 : memref<128x208xf32, #tpu.memory_space<hbm>>)
      tpu.yield
    }) : () -> ()
    %scan3A_742 = arith.constant 0 : i32
    %scan3A_743 = arith.constant 0 : i32
    %scan3A_744 = arith.constant 128 : i32
    %scan3A_745 = arith.addi %scan3A_743, %scan3A_744 : i32
    %scan3A_746 = arith.constant 1 : i32
    scf.for %scan3A_758 = %scan3A_743 to %scan3A_745 step %scan3A_746  : i32 {
      %add3A_759 = arith.constant 256 : i32
      %add3A_760 = arith.addi %add3A_759, %scan3A_758 : i32
      %broadcast_in_dim3A_761 = vector.broadcast %add3A_760 : i32 to vector<16xi32>
      %broadcast_in_dim3A_762 = arith.constant 26 : i32
      %broadcast_in_dim3A_763 = vector.broadcast %broadcast_in_dim3A_762 : i32 to vector<16xi32>
      %gather3A = tpu.vector_load_idx %arg9[%broadcast_in_dim3A_761, %broadcast_in_dim3A_763] : memref<512x39xf32, #tpu.memory_space<vmem>>[vector<16xi32>, vector<16xi32>], vector<16xf32>,
      %mul3A_764 = arith.mulf %gather3A, %get3A_625 : vector<16xf32>
      %add3A_765 = arith.addf %mul3A_764, %get3A_677 : vector<16xf32>
      %swap3A = arith.index_cast %scan3A_758 : i32 to index
      %swap3A_766 = arith.constant 0 : index
      %swap3A_767 = tpu.vector_load %arg16[%swap3A, %swap3A_766] {strides = array<i32>} : memref<128x208xf32, #tpu.memory_space<vmem>>, vector<16xf32>,
      tpu.vector_store %arg16[%swap3A, %swap3A_766], %add3A_765 {strides = array<i32>} : memref<128x208xf32, #tpu.memory_space<vmem>>, vector<16xf32>,
      %broadcast_in_dim3A_768 = arith.constant 27 : i32
      %broadcast_in_dim3A_769 = vector.broadcast %broadcast_in_dim3A_768 : i32 to vector<16xi32>
      %gather3A_770 = tpu.vector_load_idx %arg9[%broadcast_in_dim3A_761, %broadcast_in_dim3A_769] : memref<512x39xf32, #tpu.memory_space<vmem>>[vector<16xi32>, vector<16xi32>], vector<16xf32>,
      %mul3A_771 = arith.mulf %gather3A_770, %get3A_629 : vector<16xf32>
      %add3A_772 = arith.addf %mul3A_771, %get3A_681 : vector<16xf32>
      %swap3A_773 = arith.index_cast %scan3A_758 : i32 to index
      %swap3A_774 = arith.constant 16 : index
      %swap3A_775 = tpu.vector_load %arg16[%swap3A_773, %swap3A_774] {strides = array<i32>} : memref<128x208xf32, #tpu.memory_space<vmem>>, vector<16xf32>,
      tpu.vector_store %arg16[%swap3A_773, %swap3A_774], %add3A_772 {strides = array<i32>} : memref<128x208xf32, #tpu.memory_space<vmem>>, vector<16xf32>,
      %broadcast_in_dim3A_776 = arith.constant 28 : i32
      %broadcast_in_dim3A_777 = vector.broadcast %broadcast_in_dim3A_776 : i32 to vector<16xi32>
      %gather3A_778 = tpu.vector_load_idx %arg9[%broadcast_in_dim3A_761, %broadcast_in_dim3A_777] : memref<512x39xf32, #tpu.memory_space<vmem>>[vector<16xi32>, vector<16xi32>], vector<16xf32>,
      %mul3A_779 = arith.mulf %gather3A_778, %get3A_633 : vector<16xf32>
      %add3A_780 = arith.addf %mul3A_779, %get3A_685 : vector<16xf32>
      %swap3A_781 = arith.index_cast %scan3A_758 : i32 to index
      %swap3A_782 = arith.constant 32 : index
      %swap3A_783 = tpu.vector_load %arg16[%swap3A_781, %swap3A_782] {strides = array<i32>} : memref<128x208xf32, #tpu.memory_space<vmem>>, vector<16xf32>,
      tpu.vector_store %arg16[%swap3A_781, %swap3A_782], %add3A_780 {strides = array<i32>} : memref<128x208xf32, #tpu.memory_space<vmem>>, vector<16xf32>,
      %broadcast_in_dim3A_784 = arith.constant 29 : i32
      %broadcast_in_dim3A_785 = vector.broadcast %broadcast_in_dim3A_784 : i32 to vector<16xi32>
      %gather3A_786 = tpu.vector_load_idx %arg9[%broadcast_in_dim3A_761, %broadcast_in_dim3A_785] : memref<512x39xf32, #tpu.memory_space<vmem>>[vector<16xi32>, vector<16xi32>], vector<16xf32>,
      %mul3A_787 = arith.mulf %gather3A_786, %get3A_637 : vector<16xf32>
      %add3A_788 = arith.addf %mul3A_787, %get3A_689 : vector<16xf32>
      %swap3A_789 = arith.index_cast %scan3A_758 : i32 to index
      %swap3A_790 = arith.constant 48 : index
      %swap3A_791 = tpu.vector_load %arg16[%swap3A_789, %swap3A_790] {strides = array<i32>} : memref<128x208xf32, #tpu.memory_space<vmem>>, vector<16xf32>,
      tpu.vector_store %arg16[%swap3A_789, %swap3A_790], %add3A_788 {strides = array<i32>} : memref<128x208xf32, #tpu.memory_space<vmem>>, vector<16xf32>,
      %broadcast_in_dim3A_792 = arith.constant 30 : i32
      %broadcast_in_dim3A_793 = vector.broadcast %broadcast_in_dim3A_792 : i32 to vector<16xi32>
      %gather3A_794 = tpu.vector_load_idx %arg9[%broadcast_in_dim3A_761, %broadcast_in_dim3A_793] : memref<512x39xf32, #tpu.memory_space<vmem>>[vector<16xi32>, vector<16xi32>], vector<16xf32>,
      %mul3A_795 = arith.mulf %gather3A_794, %get3A_641 : vector<16xf32>
      %add3A_796 = arith.addf %mul3A_795, %get3A_693 : vector<16xf32>
      %swap3A_797 = arith.index_cast %scan3A_758 : i32 to index
      %swap3A_798 = arith.constant 64 : index
      %swap3A_799 = tpu.vector_load %arg16[%swap3A_797, %swap3A_798] {strides = array<i32>} : memref<128x208xf32, #tpu.memory_space<vmem>>, vector<16xf32>,
      tpu.vector_store %arg16[%swap3A_797, %swap3A_798], %add3A_796 {strides = array<i32>} : memref<128x208xf32, #tpu.memory_space<vmem>>, vector<16xf32>,
      %broadcast_in_dim3A_800 = arith.constant 31 : i32
      %broadcast_in_dim3A_801 = vector.broadcast %broadcast_in_dim3A_800 : i32 to vector<16xi32>
      %gather3A_802 = tpu.vector_load_idx %arg9[%broadcast_in_dim3A_761, %broadcast_in_dim3A_801] : memref<512x39xf32, #tpu.memory_space<vmem>>[vector<16xi32>, vector<16xi32>], vector<16xf32>,
      %mul3A_803 = arith.mulf %gather3A_802, %get3A_645 : vector<16xf32>
      %add3A_804 = arith.addf %mul3A_803, %get3A_697 : vector<16xf32>
      %swap3A_805 = arith.index_cast %scan3A_758 : i32 to index
      %swap3A_806 = arith.constant 80 : index
      %swap3A_807 = tpu.vector_load %arg16[%swap3A_805, %swap3A_806] {strides = array<i32>} : memref<128x208xf32, #tpu.memory_space<vmem>>, vector<16xf32>,
      tpu.vector_store %arg16[%swap3A_805, %swap3A_806], %add3A_804 {strides = array<i32>} : memref<128x208xf32, #tpu.memory_space<vmem>>, vector<16xf32>,
      %broadcast_in_dim3A_808 = arith.constant 32 : i32
      %broadcast_in_dim3A_809 = vector.broadcast %broadcast_in_dim3A_808 : i32 to vector<16xi32>
      %gather3A_810 = tpu.vector_load_idx %arg9[%broadcast_in_dim3A_761, %broadcast_in_dim3A_809] : memref<512x39xf32, #tpu.memory_space<vmem>>[vector<16xi32>, vector<16xi32>], vector<16xf32>,
      %mul3A_811 = arith.mulf %gather3A_810, %get3A_649 : vector<16xf32>
      %add3A_812 = arith.addf %mul3A_811, %get3A_701 : vector<16xf32>
      %swap3A_813 = arith.index_cast %scan3A_758 : i32 to index
      %swap3A_814 = arith.constant 96 : index
      %swap3A_815 = tpu.vector_load %arg16[%swap3A_813, %swap3A_814] {strides = array<i32>} : memref<128x208xf32, #tpu.memory_space<vmem>>, vector<16xf32>,
      tpu.vector_store %arg16[%swap3A_813, %swap3A_814], %add3A_812 {strides = array<i32>} : memref<128x208xf32, #tpu.memory_space<vmem>>, vector<16xf32>,
      %broadcast_in_dim3A_816 = arith.constant 33 : i32
      %broadcast_in_dim3A_817 = vector.broadcast %broadcast_in_dim3A_816 : i32 to vector<16xi32>
      %gather3A_818 = tpu.vector_load_idx %arg9[%broadcast_in_dim3A_761, %broadcast_in_dim3A_817] : memref<512x39xf32, #tpu.memory_space<vmem>>[vector<16xi32>, vector<16xi32>], vector<16xf32>,
      %mul3A_819 = arith.mulf %gather3A_818, %get3A_653 : vector<16xf32>
      %add3A_820 = arith.addf %mul3A_819, %get3A_705 : vector<16xf32>
      %swap3A_821 = arith.index_cast %scan3A_758 : i32 to index
      %swap3A_822 = arith.constant 112 : index
      %swap3A_823 = tpu.vector_load %arg16[%swap3A_821, %swap3A_822] {strides = array<i32>} : memref<128x208xf32, #tpu.memory_space<vmem>>, vector<16xf32>,
      tpu.vector_store %arg16[%swap3A_821, %swap3A_822], %add3A_820 {strides = array<i32>} : memref<128x208xf32, #tpu.memory_space<vmem>>, vector<16xf32>,
      %broadcast_in_dim3A_824 = arith.constant 34 : i32
      %broadcast_in_dim3A_825 = vector.broadcast %broadcast_in_dim3A_824 : i32 to vector<16xi32>
      %gather3A_826 = tpu.vector_load_idx %arg9[%broadcast_in_dim3A_761, %broadcast_in_dim3A_825] : memref<512x39xf32, #tpu.memory_space<vmem>>[vector<16xi32>, vector<16xi32>], vector<16xf32>,
      %mul3A_827 = arith.mulf %gather3A_826, %get3A_657 : vector<16xf32>
      %add3A_828 = arith.addf %mul3A_827, %get3A_709 : vector<16xf32>
      %swap3A_829 = arith.index_cast %scan3A_758 : i32 to index
      %swap3A_830 = arith.constant 128 : index
      %swap3A_831 = tpu.vector_load %arg16[%swap3A_829, %swap3A_830] {strides = array<i32>} : memref<128x208xf32, #tpu.memory_space<vmem>>, vector<16xf32>,
      tpu.vector_store %arg16[%swap3A_829, %swap3A_830], %add3A_828 {strides = array<i32>} : memref<128x208xf32, #tpu.memory_space<vmem>>, vector<16xf32>,
      %broadcast_in_dim3A_832 = arith.constant 35 : i32
      %broadcast_in_dim3A_833 = vector.broadcast %broadcast_in_dim3A_832 : i32 to vector<16xi32>
      %gather3A_834 = tpu.vector_load_idx %arg9[%broadcast_in_dim3A_761, %broadcast_in_dim3A_833] : memref<512x39xf32, #tpu.memory_space<vmem>>[vector<16xi32>, vector<16xi32>], vector<16xf32>,
      %mul3A_835 = arith.mulf %gather3A_834, %get3A_661 : vector<16xf32>
      %add3A_836 = arith.addf %mul3A_835, %get3A_713 : vector<16xf32>
      %swap3A_837 = arith.index_cast %scan3A_758 : i32 to index
      %swap3A_838 = arith.constant 144 : index
      %swap3A_839 = tpu.vector_load %arg16[%swap3A_837, %swap3A_838] {strides = array<i32>} : memref<128x208xf32, #tpu.memory_space<vmem>>, vector<16xf32>,
      tpu.vector_store %arg16[%swap3A_837, %swap3A_838], %add3A_836 {strides = array<i32>} : memref<128x208xf32, #tpu.memory_space<vmem>>, vector<16xf32>,
      %broadcast_in_dim3A_840 = arith.constant 36 : i32
      %broadcast_in_dim3A_841 = vector.broadcast %broadcast_in_dim3A_840 : i32 to vector<16xi32>
      %gather3A_842 = tpu.vector_load_idx %arg9[%broadcast_in_dim3A_761, %broadcast_in_dim3A_841] : memref<512x39xf32, #tpu.memory_space<vmem>>[vector<16xi32>, vector<16xi32>], vector<16xf32>,
      %mul3A_843 = arith.mulf %gather3A_842, %get3A_665 : vector<16xf32>
      %add3A_844 = arith.addf %mul3A_843, %get3A_717 : vector<16xf32>
      %swap3A_845 = arith.index_cast %scan3A_758 : i32 to index
      %swap3A_846 = arith.constant 160 : index
      %swap3A_847 = tpu.vector_load %arg16[%swap3A_845, %swap3A_846] {strides = array<i32>} : memref<128x208xf32, #tpu.memory_space<vmem>>, vector<16xf32>,
      tpu.vector_store %arg16[%swap3A_845, %swap3A_846], %add3A_844 {strides = array<i32>} : memref<128x208xf32, #tpu.memory_space<vmem>>, vector<16xf32>,
      %broadcast_in_dim3A_848 = arith.constant 37 : i32
      %broadcast_in_dim3A_849 = vector.broadcast %broadcast_in_dim3A_848 : i32 to vector<16xi32>
      %gather3A_850 = tpu.vector_load_idx %arg9[%broadcast_in_dim3A_761, %broadcast_in_dim3A_849] : memref<512x39xf32, #tpu.memory_space<vmem>>[vector<16xi32>, vector<16xi32>], vector<16xf32>,
      %mul3A_851 = arith.mulf %gather3A_850, %get3A_669 : vector<16xf32>
      %add3A_852 = arith.addf %mul3A_851, %get3A_721 : vector<16xf32>
      %swap3A_853 = arith.index_cast %scan3A_758 : i32 to index
      %swap3A_854 = arith.constant 176 : index
      %swap3A_855 = tpu.vector_load %arg16[%swap3A_853, %swap3A_854] {strides = array<i32>} : memref<128x208xf32, #tpu.memory_space<vmem>>, vector<16xf32>,
      tpu.vector_store %arg16[%swap3A_853, %swap3A_854], %add3A_852 {strides = array<i32>} : memref<128x208xf32, #tpu.memory_space<vmem>>, vector<16xf32>,
      %broadcast_in_dim3A_856 = arith.constant 38 : i32
      %broadcast_in_dim3A_857 = vector.broadcast %broadcast_in_dim3A_856 : i32 to vector<16xi32>
      %gather3A_858 = tpu.vector_load_idx %arg9[%broadcast_in_dim3A_761, %broadcast_in_dim3A_857] : memref<512x39xf32, #tpu.memory_space<vmem>>[vector<16xi32>, vector<16xi32>], vector<16xf32>,
      %mul3A_859 = arith.mulf %gather3A_858, %get3A_673 : vector<16xf32>
      %add3A_860 = arith.addf %mul3A_859, %get3A_725 : vector<16xf32>
      %swap3A_861 = arith.index_cast %scan3A_758 : i32 to index
      %swap3A_862 = arith.constant 192 : index
      %swap3A_863 = tpu.vector_load %arg16[%swap3A_861, %swap3A_862] {strides = array<i32>} : memref<128x208xf32, #tpu.memory_space<vmem>>, vector<16xf32>,
      tpu.vector_store %arg16[%swap3A_861, %swap3A_862], %add3A_860 {strides = array<i32>} : memref<128x208xf32, #tpu.memory_space<vmem>>, vector<16xf32>,
    }
    %scan3A_747 = arith.constant 128 : i32
    %add3A_748 = arith.constant 256 : i32
    %add3A_749 = arith.addi %mul3A_2, %add3A_748 : i32
    "tpu.region"() ({
      %run_scoped3A = tpu.sem_alloc : memref<!tpu.dma_semaphore, #tpu.memory_space<semaphore_mem>>
      %dma_start3A_758 = arith.constant 0 : i32
      %dma_start3A_759 = tpu.memref_slice %arg8[%add3A_749, %dma_start3A_758] : memref<16384x208xf32, #tpu.memory_space<hbm>> -> memref<128x208xf32, #tpu.memory_space<hbm>>
      %dma_start3A_760 = arith.constant 0 : i32
      %dma_start3A_761 = tpu.memref_slice %arg8[%add3A_749, %dma_start3A_760] : memref<16384x208xf32, #tpu.memory_space<hbm>> -> memref<128x208xf32, #tpu.memory_space<hbm>>
      tpu.enqueue_dma source(%arg16 : memref<128x208xf32, #tpu.memory_space<vmem>>) target(%dma_start3A_761 : memref<128x208xf32, #tpu.memory_space<hbm>>) target_semaphore(%run_scoped3A : memref<!tpu.dma_semaphore, #tpu.memory_space<semaphore_mem>>)
      %dma_wait3A_762 = arith.constant 0 : i32
      %dma_wait3A_763 = tpu.memref_slice %arg8[%add3A_749, %dma_wait3A_762] : memref<16384x208xf32, #tpu.memory_space<hbm>> -> memref<128x208xf32, #tpu.memory_space<hbm>>
      %dma_wait3A_764 = arith.constant 0 : i32
      %dma_wait3A_765 = tpu.memref_slice %arg8[%add3A_749, %dma_wait3A_764] : memref<16384x208xf32, #tpu.memory_space<hbm>> -> memref<128x208xf32, #tpu.memory_space<hbm>>
      tpu.wait_dma2 semaphore(%run_scoped3A : memref<!tpu.dma_semaphore, #tpu.memory_space<semaphore_mem>>) src(%arg16 : memref<128x208xf32, #tpu.memory_space<vmem>>) dst(%dma_wait3A_765 : memref<128x208xf32, #tpu.memory_space<hbm>>)
      tpu.yield
    }) : () -> ()
    %scan3A_750 = arith.constant 0 : i32
    %scan3A_751 = arith.constant 0 : i32
    %scan3A_752 = arith.constant 128 : i32
    %scan3A_753 = arith.addi %scan3A_751, %scan3A_752 : i32
    %scan3A_754 = arith.constant 1 : i32
    scf.for %scan3A_758 = %scan3A_751 to %scan3A_753 step %scan3A_754  : i32 {
      %add3A_759 = arith.constant 384 : i32
      %add3A_760 = arith.addi %add3A_759, %scan3A_758 : i32
      %broadcast_in_dim3A_761 = vector.broadcast %add3A_760 : i32 to vector<16xi32>
      %broadcast_in_dim3A_762 = arith.constant 26 : i32
      %broadcast_in_dim3A_763 = vector.broadcast %broadcast_in_dim3A_762 : i32 to vector<16xi32>
      %gather3A = tpu.vector_load_idx %arg9[%broadcast_in_dim3A_761, %broadcast_in_dim3A_763] : memref<512x39xf32, #tpu.memory_space<vmem>>[vector<16xi32>, vector<16xi32>], vector<16xf32>,
      %mul3A_764 = arith.mulf %gather3A, %get3A_625 : vector<16xf32>
      %add3A_765 = arith.addf %mul3A_764, %get3A_677 : vector<16xf32>
      %swap3A = arith.index_cast %scan3A_758 : i32 to index
      %swap3A_766 = arith.constant 0 : index
      %swap3A_767 = tpu.vector_load %arg16[%swap3A, %swap3A_766] {strides = array<i32>} : memref<128x208xf32, #tpu.memory_space<vmem>>, vector<16xf32>,
      tpu.vector_store %arg16[%swap3A, %swap3A_766], %add3A_765 {strides = array<i32>} : memref<128x208xf32, #tpu.memory_space<vmem>>, vector<16xf32>,
      %broadcast_in_dim3A_768 = arith.constant 27 : i32
      %broadcast_in_dim3A_769 = vector.broadcast %broadcast_in_dim3A_768 : i32 to vector<16xi32>
      %gather3A_770 = tpu.vector_load_idx %arg9[%broadcast_in_dim3A_761, %broadcast_in_dim3A_769] : memref<512x39xf32, #tpu.memory_space<vmem>>[vector<16xi32>, vector<16xi32>], vector<16xf32>,
      %mul3A_771 = arith.mulf %gather3A_770, %get3A_629 : vector<16xf32>
      %add3A_772 = arith.addf %mul3A_771, %get3A_681 : vector<16xf32>
      %swap3A_773 = arith.index_cast %scan3A_758 : i32 to index
      %swap3A_774 = arith.constant 16 : index
      %swap3A_775 = tpu.vector_load %arg16[%swap3A_773, %swap3A_774] {strides = array<i32>} : memref<128x208xf32, #tpu.memory_space<vmem>>, vector<16xf32>,
      tpu.vector_store %arg16[%swap3A_773, %swap3A_774], %add3A_772 {strides = array<i32>} : memref<128x208xf32, #tpu.memory_space<vmem>>, vector<16xf32>,
      %broadcast_in_dim3A_776 = arith.constant 28 : i32
      %broadcast_in_dim3A_777 = vector.broadcast %broadcast_in_dim3A_776 : i32 to vector<16xi32>
      %gather3A_778 = tpu.vector_load_idx %arg9[%broadcast_in_dim3A_761, %broadcast_in_dim3A_777] : memref<512x39xf32, #tpu.memory_space<vmem>>[vector<16xi32>, vector<16xi32>], vector<16xf32>,
      %mul3A_779 = arith.mulf %gather3A_778, %get3A_633 : vector<16xf32>
      %add3A_780 = arith.addf %mul3A_779, %get3A_685 : vector<16xf32>
      %swap3A_781 = arith.index_cast %scan3A_758 : i32 to index
      %swap3A_782 = arith.constant 32 : index
      %swap3A_783 = tpu.vector_load %arg16[%swap3A_781, %swap3A_782] {strides = array<i32>} : memref<128x208xf32, #tpu.memory_space<vmem>>, vector<16xf32>,
      tpu.vector_store %arg16[%swap3A_781, %swap3A_782], %add3A_780 {strides = array<i32>} : memref<128x208xf32, #tpu.memory_space<vmem>>, vector<16xf32>,
      %broadcast_in_dim3A_784 = arith.constant 29 : i32
      %broadcast_in_dim3A_785 = vector.broadcast %broadcast_in_dim3A_784 : i32 to vector<16xi32>
      %gather3A_786 = tpu.vector_load_idx %arg9[%broadcast_in_dim3A_761, %broadcast_in_dim3A_785] : memref<512x39xf32, #tpu.memory_space<vmem>>[vector<16xi32>, vector<16xi32>], vector<16xf32>,
      %mul3A_787 = arith.mulf %gather3A_786, %get3A_637 : vector<16xf32>
      %add3A_788 = arith.addf %mul3A_787, %get3A_689 : vector<16xf32>
      %swap3A_789 = arith.index_cast %scan3A_758 : i32 to index
      %swap3A_790 = arith.constant 48 : index
      %swap3A_791 = tpu.vector_load %arg16[%swap3A_789, %swap3A_790] {strides = array<i32>} : memref<128x208xf32, #tpu.memory_space<vmem>>, vector<16xf32>,
      tpu.vector_store %arg16[%swap3A_789, %swap3A_790], %add3A_788 {strides = array<i32>} : memref<128x208xf32, #tpu.memory_space<vmem>>, vector<16xf32>,
      %broadcast_in_dim3A_792 = arith.constant 30 : i32
      %broadcast_in_dim3A_793 = vector.broadcast %broadcast_in_dim3A_792 : i32 to vector<16xi32>
      %gather3A_794 = tpu.vector_load_idx %arg9[%broadcast_in_dim3A_761, %broadcast_in_dim3A_793] : memref<512x39xf32, #tpu.memory_space<vmem>>[vector<16xi32>, vector<16xi32>], vector<16xf32>,
      %mul3A_795 = arith.mulf %gather3A_794, %get3A_641 : vector<16xf32>
      %add3A_796 = arith.addf %mul3A_795, %get3A_693 : vector<16xf32>
      %swap3A_797 = arith.index_cast %scan3A_758 : i32 to index
      %swap3A_798 = arith.constant 64 : index
      %swap3A_799 = tpu.vector_load %arg16[%swap3A_797, %swap3A_798] {strides = array<i32>} : memref<128x208xf32, #tpu.memory_space<vmem>>, vector<16xf32>,
      tpu.vector_store %arg16[%swap3A_797, %swap3A_798], %add3A_796 {strides = array<i32>} : memref<128x208xf32, #tpu.memory_space<vmem>>, vector<16xf32>,
      %broadcast_in_dim3A_800 = arith.constant 31 : i32
      %broadcast_in_dim3A_801 = vector.broadcast %broadcast_in_dim3A_800 : i32 to vector<16xi32>
      %gather3A_802 = tpu.vector_load_idx %arg9[%broadcast_in_dim3A_761, %broadcast_in_dim3A_801] : memref<512x39xf32, #tpu.memory_space<vmem>>[vector<16xi32>, vector<16xi32>], vector<16xf32>,
      %mul3A_803 = arith.mulf %gather3A_802, %get3A_645 : vector<16xf32>
      %add3A_804 = arith.addf %mul3A_803, %get3A_697 : vector<16xf32>
      %swap3A_805 = arith.index_cast %scan3A_758 : i32 to index
      %swap3A_806 = arith.constant 80 : index
      %swap3A_807 = tpu.vector_load %arg16[%swap3A_805, %swap3A_806] {strides = array<i32>} : memref<128x208xf32, #tpu.memory_space<vmem>>, vector<16xf32>,
      tpu.vector_store %arg16[%swap3A_805, %swap3A_806], %add3A_804 {strides = array<i32>} : memref<128x208xf32, #tpu.memory_space<vmem>>, vector<16xf32>,
      %broadcast_in_dim3A_808 = arith.constant 32 : i32
      %broadcast_in_dim3A_809 = vector.broadcast %broadcast_in_dim3A_808 : i32 to vector<16xi32>
      %gather3A_810 = tpu.vector_load_idx %arg9[%broadcast_in_dim3A_761, %broadcast_in_dim3A_809] : memref<512x39xf32, #tpu.memory_space<vmem>>[vector<16xi32>, vector<16xi32>], vector<16xf32>,
      %mul3A_811 = arith.mulf %gather3A_810, %get3A_649 : vector<16xf32>
      %add3A_812 = arith.addf %mul3A_811, %get3A_701 : vector<16xf32>
      %swap3A_813 = arith.index_cast %scan3A_758 : i32 to index
      %swap3A_814 = arith.constant 96 : index
      %swap3A_815 = tpu.vector_load %arg16[%swap3A_813, %swap3A_814] {strides = array<i32>} : memref<128x208xf32, #tpu.memory_space<vmem>>, vector<16xf32>,
      tpu.vector_store %arg16[%swap3A_813, %swap3A_814], %add3A_812 {strides = array<i32>} : memref<128x208xf32, #tpu.memory_space<vmem>>, vector<16xf32>,
      %broadcast_in_dim3A_816 = arith.constant 33 : i32
      %broadcast_in_dim3A_817 = vector.broadcast %broadcast_in_dim3A_816 : i32 to vector<16xi32>
      %gather3A_818 = tpu.vector_load_idx %arg9[%broadcast_in_dim3A_761, %broadcast_in_dim3A_817] : memref<512x39xf32, #tpu.memory_space<vmem>>[vector<16xi32>, vector<16xi32>], vector<16xf32>,
      %mul3A_819 = arith.mulf %gather3A_818, %get3A_653 : vector<16xf32>
      %add3A_820 = arith.addf %mul3A_819, %get3A_705 : vector<16xf32>
      %swap3A_821 = arith.index_cast %scan3A_758 : i32 to index
      %swap3A_822 = arith.constant 112 : index
      %swap3A_823 = tpu.vector_load %arg16[%swap3A_821, %swap3A_822] {strides = array<i32>} : memref<128x208xf32, #tpu.memory_space<vmem>>, vector<16xf32>,
      tpu.vector_store %arg16[%swap3A_821, %swap3A_822], %add3A_820 {strides = array<i32>} : memref<128x208xf32, #tpu.memory_space<vmem>>, vector<16xf32>,
      %broadcast_in_dim3A_824 = arith.constant 34 : i32
      %broadcast_in_dim3A_825 = vector.broadcast %broadcast_in_dim3A_824 : i32 to vector<16xi32>
      %gather3A_826 = tpu.vector_load_idx %arg9[%broadcast_in_dim3A_761, %broadcast_in_dim3A_825] : memref<512x39xf32, #tpu.memory_space<vmem>>[vector<16xi32>, vector<16xi32>], vector<16xf32>,
      %mul3A_827 = arith.mulf %gather3A_826, %get3A_657 : vector<16xf32>
      %add3A_828 = arith.addf %mul3A_827, %get3A_709 : vector<16xf32>
      %swap3A_829 = arith.index_cast %scan3A_758 : i32 to index
      %swap3A_830 = arith.constant 128 : index
      %swap3A_831 = tpu.vector_load %arg16[%swap3A_829, %swap3A_830] {strides = array<i32>} : memref<128x208xf32, #tpu.memory_space<vmem>>, vector<16xf32>,
      tpu.vector_store %arg16[%swap3A_829, %swap3A_830], %add3A_828 {strides = array<i32>} : memref<128x208xf32, #tpu.memory_space<vmem>>, vector<16xf32>,
      %broadcast_in_dim3A_832 = arith.constant 35 : i32
      %broadcast_in_dim3A_833 = vector.broadcast %broadcast_in_dim3A_832 : i32 to vector<16xi32>
      %gather3A_834 = tpu.vector_load_idx %arg9[%broadcast_in_dim3A_761, %broadcast_in_dim3A_833] : memref<512x39xf32, #tpu.memory_space<vmem>>[vector<16xi32>, vector<16xi32>], vector<16xf32>,
      %mul3A_835 = arith.mulf %gather3A_834, %get3A_661 : vector<16xf32>
      %add3A_836 = arith.addf %mul3A_835, %get3A_713 : vector<16xf32>
      %swap3A_837 = arith.index_cast %scan3A_758 : i32 to index
      %swap3A_838 = arith.constant 144 : index
      %swap3A_839 = tpu.vector_load %arg16[%swap3A_837, %swap3A_838] {strides = array<i32>} : memref<128x208xf32, #tpu.memory_space<vmem>>, vector<16xf32>,
      tpu.vector_store %arg16[%swap3A_837, %swap3A_838], %add3A_836 {strides = array<i32>} : memref<128x208xf32, #tpu.memory_space<vmem>>, vector<16xf32>,
      %broadcast_in_dim3A_840 = arith.constant 36 : i32
      %broadcast_in_dim3A_841 = vector.broadcast %broadcast_in_dim3A_840 : i32 to vector<16xi32>
      %gather3A_842 = tpu.vector_load_idx %arg9[%broadcast_in_dim3A_761, %broadcast_in_dim3A_841] : memref<512x39xf32, #tpu.memory_space<vmem>>[vector<16xi32>, vector<16xi32>], vector<16xf32>,
      %mul3A_843 = arith.mulf %gather3A_842, %get3A_665 : vector<16xf32>
      %add3A_844 = arith.addf %mul3A_843, %get3A_717 : vector<16xf32>
      %swap3A_845 = arith.index_cast %scan3A_758 : i32 to index
      %swap3A_846 = arith.constant 160 : index
      %swap3A_847 = tpu.vector_load %arg16[%swap3A_845, %swap3A_846] {strides = array<i32>} : memref<128x208xf32, #tpu.memory_space<vmem>>, vector<16xf32>,
      tpu.vector_store %arg16[%swap3A_845, %swap3A_846], %add3A_844 {strides = array<i32>} : memref<128x208xf32, #tpu.memory_space<vmem>>, vector<16xf32>,
      %broadcast_in_dim3A_848 = arith.constant 37 : i32
      %broadcast_in_dim3A_849 = vector.broadcast %broadcast_in_dim3A_848 : i32 to vector<16xi32>
      %gather3A_850 = tpu.vector_load_idx %arg9[%broadcast_in_dim3A_761, %broadcast_in_dim3A_849] : memref<512x39xf32, #tpu.memory_space<vmem>>[vector<16xi32>, vector<16xi32>], vector<16xf32>,
      %mul3A_851 = arith.mulf %gather3A_850, %get3A_669 : vector<16xf32>
      %add3A_852 = arith.addf %mul3A_851, %get3A_721 : vector<16xf32>
      %swap3A_853 = arith.index_cast %scan3A_758 : i32 to index
      %swap3A_854 = arith.constant 176 : index
      %swap3A_855 = tpu.vector_load %arg16[%swap3A_853, %swap3A_854] {strides = array<i32>} : memref<128x208xf32, #tpu.memory_space<vmem>>, vector<16xf32>,
      tpu.vector_store %arg16[%swap3A_853, %swap3A_854], %add3A_852 {strides = array<i32>} : memref<128x208xf32, #tpu.memory_space<vmem>>, vector<16xf32>,
      %broadcast_in_dim3A_856 = arith.constant 38 : i32
      %broadcast_in_dim3A_857 = vector.broadcast %broadcast_in_dim3A_856 : i32 to vector<16xi32>
      %gather3A_858 = tpu.vector_load_idx %arg9[%broadcast_in_dim3A_761, %broadcast_in_dim3A_857] : memref<512x39xf32, #tpu.memory_space<vmem>>[vector<16xi32>, vector<16xi32>], vector<16xf32>,
      %mul3A_859 = arith.mulf %gather3A_858, %get3A_673 : vector<16xf32>
      %add3A_860 = arith.addf %mul3A_859, %get3A_725 : vector<16xf32>
      %swap3A_861 = arith.index_cast %scan3A_758 : i32 to index
      %swap3A_862 = arith.constant 192 : index
      %swap3A_863 = tpu.vector_load %arg16[%swap3A_861, %swap3A_862] {strides = array<i32>} : memref<128x208xf32, #tpu.memory_space<vmem>>, vector<16xf32>,
      tpu.vector_store %arg16[%swap3A_861, %swap3A_862], %add3A_860 {strides = array<i32>} : memref<128x208xf32, #tpu.memory_space<vmem>>, vector<16xf32>,
    }
    %scan3A_755 = arith.constant 128 : i32
    %add3A_756 = arith.constant 384 : i32
    %add3A_757 = arith.addi %mul3A_2, %add3A_756 : i32
    "tpu.region"() ({
      %run_scoped3A = tpu.sem_alloc : memref<!tpu.dma_semaphore, #tpu.memory_space<semaphore_mem>>
      %dma_start3A_758 = arith.constant 0 : i32
      %dma_start3A_759 = tpu.memref_slice %arg8[%add3A_757, %dma_start3A_758] : memref<16384x208xf32, #tpu.memory_space<hbm>> -> memref<128x208xf32, #tpu.memory_space<hbm>>
      %dma_start3A_760 = arith.constant 0 : i32
      %dma_start3A_761 = tpu.memref_slice %arg8[%add3A_757, %dma_start3A_760] : memref<16384x208xf32, #tpu.memory_space<hbm>> -> memref<128x208xf32, #tpu.memory_space<hbm>>
      tpu.enqueue_dma source(%arg16 : memref<128x208xf32, #tpu.memory_space<vmem>>) target(%dma_start3A_761 : memref<128x208xf32, #tpu.memory_space<hbm>>) target_semaphore(%run_scoped3A : memref<!tpu.dma_semaphore, #tpu.memory_space<semaphore_mem>>)
      %dma_wait3A_762 = arith.constant 0 : i32
      %dma_wait3A_763 = tpu.memref_slice %arg8[%add3A_757, %dma_wait3A_762] : memref<16384x208xf32, #tpu.memory_space<hbm>> -> memref<128x208xf32, #tpu.memory_space<hbm>>
      %dma_wait3A_764 = arith.constant 0 : i32
      %dma_wait3A_765 = tpu.memref_slice %arg8[%add3A_757, %dma_wait3A_764] : memref<16384x208xf32, #tpu.memory_space<hbm>> -> memref<128x208xf32, #tpu.memory_space<hbm>>
      tpu.wait_dma2 semaphore(%run_scoped3A : memref<!tpu.dma_semaphore, #tpu.memory_space<semaphore_mem>>) src(%arg16 : memref<128x208xf32, #tpu.memory_space<vmem>>) dst(%dma_wait3A_765 : memref<128x208xf32, #tpu.memory_space<hbm>>)
      tpu.yield
    }) : () -> ()
    return
  }
}

</mosaic_0001>

<sc_bundles>
// kernel: kernel.3.cloned.1.call-start
scs
__scs_entry_jumppad:
0x0: {  	(pc) =	sbr.rel $0x88, $3  }
0x1: {  	(tag) =	ssettag $0x0;
	lr =	simm.s32 $0x1  }
0x2: {  	[smem:$0x3F9C] =	sst lr;
	_ =	strace $0xD0000000  }
0x3: {  	_ = 	snop  }
0x4: {  	_ = 	snop  }
0x5: {  	_ = 	snop  }
0x6: {  	_ = 	snop  }
0x7: {  	_ = 	snop  }
__scs_overlays_trampoline_lowered:
0x8: {  	[smem:$0x3FAB] =	sst s0  }
0x9: {  	[smem:$0x3FAC] =	sst s1  }
0xa: {  	[smem:$0x3FAD] =	sst s2  }
0xb: {  	[smem:$0x3FAE] =	sst s3  }
0xc: {  	[smem:$0x3FAF] =	sst s4  }
0xd: {  	[smem:$0x3FB0] =	sst s5  }
0xe: {  	[smem:$0x3FB1] =	sst s6  }
0xf: {  	[smem:$0x3FB2] =	sst s7  }
0x10: {  	[smem:$0x3FB3] =	sst s8  }
0x11: {  	[smem:$0x3FB4] =	sst s9;
	s0 =	simm.s32 @!p0 $0x0  }
0x12: {  	s1 =	sld [smem:$0x3F9A];
	s0 =	simm.s32 @p0 $0x1  }
0x13: {  	[smem:$0x3FB5] =	sst s0;
	s0 =	simm.s32 @!p1 $0x0  }
0x14: {  	s2 =	sld [smem:$0x3F99];
	s0 =	simm.s32 @p1 $0x1  }
0x15: {  	[smem:$0x3FB6] =	sst s0;
	s0 =	simm.s32 @!p2 $0x0  }
0x16: {  	s3 =	sld [smem:$0x3FDB];
	s0 =	simm.s32 @p2 $0x1  }
0x17: {  	s4 =	simm.s32 $0x1BF5;
	[smem:$0x3FB8] =	sst s0  }
0x18: {  	s0 =	sld [smem:$0x3F9B];
	_ =	swait.ge [sflag:s4], $0x0  }
0x19: {  	s7 =	sld [smem:$0x3F9C]  }
0x1a: {  	s8 =	sadd.s32 $0xFFFFE003, lr  }
0x1b: {  	s9 =	sadd.s32 $0xFFFFFEF7, lr;
	s5 =	simm.s32 $0xFFFFFFFF;
	p2 =	slt.u32 s8, $0xFFFFF086  }
0x1c: {  	p1 =	slt.u32 s9, $0xF7A;
	s5 =	simm.s32 @!p2 $0x0  }
0x1d: {  	s5 =	simm.s32 @p1 $0x1;
	p0 =	seq.s32 s7, s2  }
0x1e: {  	s7 =	smul.u32 @!p0 $0xF7A, s2;
	p2 =	seq.s32 @!p0 s5, $0x0  }
0x1f: {  	s9 =	smul.u32 $0xF7A, s1;
	s8 =	simm.s32 @!p0 $0x1BF5;
	p2 =	por !p2, p0  }
0x20: {  	[sflag:s8] =	ssyncset.s32 @!p0 $0xFFFFF086;
	s6 =	sadd.s32 @!p0 s3, s7;
	s7 =	simm.s32 @!p0 $0x108  }
0x21: {  	s3 =	sadd.s32 s3, s9;
	s6 =	sadd.s32 @!p0 $0x88, s6;
	s7 =	simm.s32 @p2 $0x1082  }
0x22: {  	[simem:s7], [sflag:s8] =	dma.local @!p0 [hbm:s6], $0xF7A  }
0x23: {  	s9 =	sor.u32 $0xD0000000, s2;
	s6 =	simm.s32 $0x108;
	_ =	swait.ge @!p0 [sflag:s8], $0x0  }
0x24: {  	s3 =	sadd.s32 $0x88, s3;
	s6 =	simm.s32 @!p1 $0x1082;
	[sflag:s4] =	ssyncset.s32 $0xFFFFF086  }
0x25: {  	[simem:s6], [sflag:s4] =	dma.local [hbm:s3], $0xF7A  }
0x26: {  	[smem:$0x3F9C] =	sst s1;
	(tag) =	ssettag s2;
	_ =	strace s9  }
0x27: {  	s1 =	sld [smem:$0x3FAC]  }
0x28: {  	s2 =	sld [smem:$0x3FAD]  }
0x29: {  	s4 =	sld [smem:$0x3FAF]  }
0x2a: {  	p0 =	seq.s32 s5, $0x0;
	s5 =	sld [smem:$0x3FB0]  }
0x2b: {  	s6 =	sld [smem:$0x3FB1]  }
0x2c: {  	s7 =	sld [smem:$0x3FB2]  }
0x2d: {  	s3 =	simm.s32 $0x108;
	s8 =	sld [smem:$0x3FB3]  }
0x2e: {  	s3 =	simm.s32 @!p0 $0x1082;
	s9 =	sld [smem:$0x3FB4]  }
0x2f: {  	lr =	sadd.s32 s0, s3;
	s0 =	sld [smem:$0x3FAB]  }
0x30: {  	s3 =	sld [smem:$0x3FAE]  }
0x31: {  	[smem:$0x3FB7] =	sst s10  }
0x32: {  	s10 =	sld [smem:$0x3FB5];
	_ =	sdelay $0x3  }
0x33: {  	p0 =	seq.s32 s10, $0x1;
	s10 =	sld [smem:$0x3FB7];
	_ =	sdelay $0x3  }
0x34: {  	[smem:$0x3FB7] =	sst s10  }
0x35: {  	s10 =	sld [smem:$0x3FB6];
	_ =	sdelay $0x3  }
0x36: {  	p1 =	seq.s32 s10, $0x1;
	s10 =	sld [smem:$0x3FB7];
	_ =	sdelay $0x3  }
0x37: {  	[smem:$0x3FB7] =	sst s10  }
0x38: {  	s10 =	sld [smem:$0x3FB8]  }
0x39: {  	_ = 	snop;
	(pc) =	sbr.ind lr, $3  }
0x3a: {  	_ = 	snop  }
0x3b: {  	_ = 	snop  }
0x3c: {  	p2 =	seq.s32 s10, $0x1;
	s10 =	sld [smem:$0x3FB7]  }
0x3d: {  	_ =	shalt  }
0x3e: {  	_ =	shalt  }
0x3f: {  	_ =	shalt  }
0x40: {  	_ =	shalt  }
0x41: {  	_ =	shalt  }
0x42: {  	_ =	shalt  }
0x43: {  	_ =	shalt  }
0x44: {  	_ =	shalt  }
0x45: {  	_ =	shalt  }
0x46: {  	_ =	shalt  }
0x47: {  	_ =	shalt  }
0x48: {  	_ =	shalt  }
0x49: {  	_ =	shalt  }
0x4a: {  	_ =	shalt  }
0x4b: {  	_ =	shalt  }
0x4c: {  	_ =	shalt  }
0x4d: {  	_ =	shalt  }
0x4e: {  	_ =	shalt  }
0x4f: {  	_ =	shalt  }
0x50: {  	_ =	shalt  }
0x51: {  	_ =	shalt  }
0x52: {  	_ =	shalt  }
0x53: {  	_ =	shalt  }
0x54: {  	_ =	shalt  }
0x55: {  	_ =	shalt  }
0x56: {  	_ =	shalt  }
0x57: {  	_ =	shalt  }
0x58: {  	_ =	shalt  }
0x59: {  	_ =	shalt  }
0x5a: {  	_ =	shalt  }
0x5b: {  	_ =	shalt  }
0x5c: {  	_ =	shalt  }
0x5d: {  	_ =	shalt  }
0x5e: {  	_ =	shalt  }
0x5f: {  	_ =	shalt  }
0x60: {  	_ =	shalt  }
0x61: {  	_ =	shalt  }
0x62: {  	_ =	shalt  }
0x63: {  	_ =	shalt  }
0x64: {  	_ =	shalt  }
0x65: {  	_ =	shalt  }
0x66: {  	_ =	shalt  }
0x67: {  	_ =	shalt  }
0x68: {  	_ =	shalt  }
0x69: {  	_ =	shalt  }
0x6a: {  	_ =	shalt  }
0x6b: {  	_ =	shalt  }
0x6c: {  	_ =	shalt  }
0x6d: {  	_ =	shalt  }
0x6e: {  	_ =	shalt  }
0x6f: {  	_ =	shalt  }
0x70: {  	_ =	shalt  }
0x71: {  	_ =	shalt  }
0x72: {  	_ =	shalt  }
0x73: {  	_ =	shalt  }
0x74: {  	_ =	shalt  }
0x75: {  	_ =	shalt  }
0x76: {  	_ =	shalt  }
0x77: {  	_ =	shalt  }
0x78: {  	_ =	shalt  }
0x79: {  	_ =	shalt  }
0x7a: {  	_ =	shalt  }
0x7b: {  	_ =	shalt  }
0x7c: {  	_ =	shalt  }
0x7d: {  	_ =	shalt  }
0x7e: {  	_ =	shalt  }
0x7f: {  	_ =	shalt  }
0x80: {  	_ =	shalt  }
0x81: {  	_ =	shalt  }
0x82: {  	_ =	shalt  }
0x83: {  	_ =	shalt  }
0x84: {  	_ =	shalt  }
0x85: {  	_ =	shalt  }
0x86: {  	_ =	shalt  }
0x87: {  	_ =	shalt  }
.Lfunc_end0:
.L_simem_size_0:
called_computation.1_lowered:
.L_overlay_start_0:
0x88: {  	s2 =	sld [smem:$0x3FD9]  }
0x89: {  	s3 =	sld [smem:$0x3FFE];
	_ =	sdelay $0x1  }
0x8a: {  	s1 =	srdreg.scid  }
0x8b: {  	s0 =	sand.u32 $0x1, s1  }
0x8c: {  	s14 =	sshll.u32 s0, $0xA;
	s2 =	sadd.s32 s3, s2  }
0x8d: {  	s2 =	sadd.s32 s2, s14  }
0x8e: {  	[smem:$0x3FC3] =	sst s2  }
0x8f: {  	_ = 	snop  }
0x90: {  	s2 =	sld [smem:$0x3FD0];
	_ =	sdelay $0x2  }
0x91: {  	s15 =	simm.s32 $0xA;
	s4 =	simm.s32 $0x10  }
0x92: {  	[smem:s4], [sflag:s15] =	dma.local [hbm:s2], $0x1  }
0x93: {  	_ =	swait.eq [sflag:s15], $0x1  }
0x94: {  	[sflag:s15] =	ssyncset.done $0x0  }
0x95: {  	s16 =	sld [smem:$0x10];
	[sflag:s15] =	ssyncadd.s32 $0xFFFFFFFF  }
0x96: {  	s17 =	sld [smem:$0x11];
	(tm) =	ssettm $0x1  }
0x97: {  	s18 =	sld [smem:$0x3FFB];
	_ =	sdelay $0x3  }
0x98: {  	_ =	strace s18  }
0x99: {  	s4 =	sld [smem:$0x3FFC];
	_ =	sdelay $0x3  }
0x9a: {  	_ =	strace s4  }
0x9b: {  	s4 =	sld [smem:$0x3FFD];
	_ =	sdelay $0x3  }
0x9c: {  	_ =	strace s4  }
0x9d: {  	_ =	strace $0x8FFFFFFF  }
0x9e: {  	s19 =	sld [smem:$0x3FDB];
	_ =	sdelay $0x1  }
0x9f: {  	s5 =	simm.s32 $_scs_section_size  }
0xa0: {  	s6 =	simm.s32 $_size__tile_overlayer_lowered;
	s7 =	simm.s32 $_tile_overlayer_lowered  }
0xa1: {  	s22 =	simm.s32 $0x1BFF;
	s21 =	sshll.u32 s7, $0x1;
	s4 =	sadd.s32 s5, s19  }
0xa2: {  	s8 =	simm.s32 $0x0;
	s20 =	sshll.u32 s6, $0x1;
	s6 =	sadd.s32 s21, s4  }
0xa3: {  	[timem:s8], [sflag:s22] =	dma.local [hbm:s6], s20  }
0xa4: {  	_ =	swait.ge [sflag:s22], s20  }
0xa5: {  	s5 =	ssub.s32 $0x0, s20;
	[sflag:s22] =	ssyncset.done $0x0  }
0xa6: {  	[sflag:s22] =	ssyncadd.s32 s5;
	_ =	sdelay $0x1  }
0xa7: {  	s23 =	simm.s32 $0x1B8B  }
0xa8: {  	_ =	swait.ge [sflag:s23], $0x1  }
0xa9: {  	[sflag:s23] =	ssyncset.done $0x0  }
0xaa: {  	s25 =	simm.s32 $0x1B8E;
	s24 =	sld [smem:$0x3FFE];
	[sflag:s23] =	ssyncadd.s32 $0xFFFFFFFF  }
0xab: {  	s26 =	simm.s32 $execute0_lowered;
	[smem:$0x3FD2] =	sst s25  }
0xac: {  	s6 =	sshll.u32 s26, $0x1;
	_ =	strace $0x80000049;
	[dreg:$0x1] =	wrdreg $0xFFFFFFFF  }
0xad: {  	s28 =	simm.s32 $_size_execute0_lowered;
	s4 =	sadd.s32 s4, s6;
	[dreg:$0x0] =	wrdreg $0x0  }
0xae: {  	s6 =	sshll.u32 s28, $0x1;
	[dreg:$0x2] =	wrdreg s4  }
0xaf: {  	[dreg:$0x3] =	wrdreg s6  }
0xb0: {  	[dreg:$0x4] =	wrdreg $0xC0  }
0xb1: {  	_ =	task [dreg:s8], $0x5FFFF  }
0xb2: {  	[dreg:$0x1] =	wrdreg $0xFFFFFFFF  }
0xb3: {  	[dreg:$0x0] =	wrdreg $0x60  }
0xb4: {  	[dreg:$0x2] =	wrdreg s24  }
0xb5: {  	[dreg:$0x3] =	wrdreg s16  }
0xb6: {  	[dreg:$0x4] =	wrdreg s17  }
0xb7: {  	[dreg:$0x5] =	wrdreg $0x9  }
0xb8: {  	_ =	task.clear_ibuf [dreg:s8], $0x6FFFF;
	_ =	strace $0x90000049  }
0xb9: {  	s29 =	simm.s32 $0x9;
	_ =	strace $0x8000004B  }
0xba: {  	_ =	swait.ge [sflag:s29], $0x1  }
0xbb: {  	[sflag:s29] =	ssyncadd.s32 $0xFFFFFFFF  }
0xbc: {  	_ =	strace $0x9000004B  }
0xbd: {  	_ =	sfence  }
0xbe: {  	s30 =	sld [smem:$0x0];
	_ =	sdelay $0x2  }
0xbf: {  	s31 =	sshll.u32 s1, $0xD;
	s1 =	sshrl.u32 s1, $0x2  }
0xc0: {  	s3 =	sand.u32 $0x4000, s31;
	s1 =	sadd.s32 s1, s30  }
0xc1: {  	s0 =	sor.u32 s3, s0;
	s1 =	sshll.u32 s1, $0x11  }
0xc2: {  	s0 =	sor.u32 s1, s0  }
0xc3: {  	s0 =	sadd.s32 $0x8F2B, s0  }
0xc4: {  	[sflag:s0] =	ssyncadd.remote.s32 $0x1  }
0xc5: {  	_ =	sfence.sel $0xFFFF  }
0xc6: {  	[dreg:$0x0] =	wrdreg $0xFFFFFFFF;
	(pc) =	sbr.abs _section_cstart, $3  }
0xc7: {  	[dreg:$0x1] =	wrdreg $0xFFFFFFFF  }
0xc8: {  	_ =	task.clear_ibuf [dreg:s8], $0x2FFFF;
	_ =	strace $0x9FFFFFFF  }
0xc9: {  	(tm) =	ssettm $0x7FFFFFFF  }
tec
execute0_lowered:
.L_overlay_start_1:
0x0: {  	(tag) =	ssettag $0x1  }
0x1: {  	s0 =	srdreg.scid;
	s1 =	rddreg [dreg:$0x0]  }
0x2: {  	s2 =	stileid.u32;
	s4 =	rddreg [dreg:$0x1];
	s0 =	sand.u32 $0x1, s0  }
0x3: {  	s5 =	rddreg [dreg:$0x2];
	s2 =	sshll.u32 s2, $0xA;
	s3 =	sshll.u32 s0, $0x9  }
0x4: {  	s9 =	sadd.s32 $0x16200, s1;
	s26 =	sadd.s32 $0x16600, s1;
	s6 =	sor.u32 s3, s2  }
0x5: {  	s0 =	ssub.s32 $0x2, s0;
	s2 =	simm.s32 $0x0;
	s3 =	smul.u32 $0x5, s6  }
0x6: {  	s10 =	sshrl.u32 s0, $0x1;
	[smem:$0x7FF] =	sst s2;
	s7 =	smul.u32 $0x34, s6  }
0x7: {  	s0 =	ssub.s32 s0, s10;
	_ =	strace $0x8000004A;
	[dreg:$0x4] =	wrdreg s9  }
0x8: {  	[dreg:$0x5] =	wrdreg s26;
	s0 =	smax.u32 s0, $0x1;
	s8 =	sadd.s32 s3, s1  }
0x9: {  	s3 =	sadd.s32 $0x16800, s1;
	s1 =	sadd.s32 $0x16400, s1;
	[dreg:$0x18] =	wrdreg s0  }
0xa: {  	s7 =	sadd.s32 s4, s7;
	[dreg:$0x6] =	wrdreg s1;
	s11 =	sadd.s32 $0x2200, s8  }
0xb: {  	s19 =	smul.u32 $0xD0, s6;
	s12 =	sadd.s32 $0x2, s7;
	[dreg:$0x7] =	wrdreg s11  }
0xc: {  	s21 =	smul.u32 $0x1A, s6;
	s13 =	sadd.s32 $0x4, s7;
	[dreg:$0x8] =	wrdreg s12  }
0xd: {  	s14 =	sadd.s32 $0x6, s7;
	s15 =	sadd.s32 $0x8, s7;
	[dreg:$0x9] =	wrdreg s13  }
0xe: {  	s16 =	sadd.s32 $0xA, s7;
	s17 =	sadd.s32 $0xC, s7;
	[dreg:$0xa] =	wrdreg s14  }
0xf: {  	s18 =	sadd.s32 $0xE, s7;
	s4 =	sadd.s32 $0x10, s7;
	[dreg:$0xb] =	wrdreg s15  }
0x10: {  	s20 =	sadd.s32 $0x12, s7;
	s22 =	sadd.s32 $0x14, s7;
	[dreg:$0xc] =	wrdreg s16  }
0x11: {  	s23 =	sadd.s32 $0x16, s7;
	s1 =	sshrl.u32 s19, $0x3;
	[dreg:$0xd] =	wrdreg s17  }
0x12: {  	s24 =	sadd.s32 $0x18, s7;
	s28 =	sadd.s32 $0x1C, s7;
	[dreg:$0xe] =	wrdreg s18  }
0x13: {  	v0 =	vlaneseq.u32;
	s29 =	sadd.s32 $0x1E, s7;
	s30 =	sadd.s32 $0x20, s7;
	[dreg:$0xf] =	wrdreg s4  }
0x14: {  	v0 =	vmul.u32 $0x28, v0;
	s31 =	sadd.s32 $0x22, s7;
	s0 =	sadd.s32 $0x26, s7;
	[dreg:$0x10] =	wrdreg s20  }
0x15: {  	s6 =	sadd.s32 $0x2C, s7;
	s8 =	sadd.s32 $0x2E, s7;
	[dreg:$0x11] =	wrdreg s22  }
0x16: {  	v1 =	vimm.f32 $1.000000000e+00;
	v2 =	vor.u32 $0x1, v0;
	s9 =	sadd.s32 $0x30, s7;
	s10 =	sadd.s32 $0x32, s7;
	[dreg:$0x12] =	wrdreg s23  }
0x17: {  	v3 =	vor.u32 $0x2, v0;
	v4 =	vor.u32 $0x3, v0;
	v5 =	vor.u32 $0x4, v0;
	s19 =	simm.s32 $0x7740;
	[dreg:$0x13] =	wrdreg s24;
	s4 =	sadd.s32 s5, s21  }
0x18: {  	v6 =	vor.u32 $0x5, v0;
	v7 =	vor.u32 $0x6, v0;
	v8 =	vor.u32 $0x7, v0;
	s1 =	sadd.s32 s5, s1;
	s5 =	sadd.s32 $0x2A, s7;
	s11 =	simm.s32 $0x2  }
0x19: {  	v9 =	vadd.s32 $0x8, v0;
	v10 =	vadd.s32 $0x9, v0;
	v11 =	vadd.s32 $0xA, v0;
	s12 =	simm.s32 $0x200;
	s13 =	simm.s32 $0x5000;
	s14 =	simm.s32 $0x1  }
0x1a: {  	v12 =	vadd.s32 $0xB, v0;
	v13 =	vadd.s32 $0xC, v0;
	v14 =	vadd.s32 $0xD, v0;
	s15 =	simm.s32 $0x5200;
	s16 =	simm.s32 $0x10;
	s17 =	simm.s32 $0x1A0  }
0x1b: {  	v15 =	vadd.s32 $0xE, v0;
	v16 =	vadd.s32 $0xF, v0;
	v17 =	vadd.s32 $0x10, v0;
	s18 =	simm.s32 $0x5400;
	[dreg:$0x14] =	wrdreg s4;
	s25 =	sadd.s32 $0xD00, s1  }
0x1c: {  	v18 =	vadd.s32 $0x11, v0;
	v19 =	vadd.s32 $0x12, v0;
	v20 =	vadd.s32 $0x13, v0;
	s20 =	simm.s32 $0x0;
	s26 =	sadd.s32 $0x1A00, s1;
	[dreg:$0x15] =	wrdreg s25  }
0x1d: {  	v21 =	vadd.s32 $0x14, v0;
	v22 =	vadd.s32 $0x15, v0;
	v23 =	vadd.s32 $0x16, v0;
	s1 =	sadd.s32 $0x2700, s1;
	s4 =	sadd.s32 $0x28, s7;
	[dreg:$0x16] =	wrdreg s26  }
0x1e: {  	v24 =	vadd.s32 $0x17, v0;
	v25 =	vadd.s32 $0x18, v0;
	v26 =	vadd.s32 $0x19, v0;
	[dreg:$0x17] =	wrdreg s1;
	s26 =	sadd.s32 $0x1A, s7;
	s1 =	sadd.s32 $0x24, s7  }
.LBB2_1:
0x1f: {  	s21 =	rddreg [dreg:$0x7]  }
0x20: {  	[tilespmem:s2], [sflag:$0x2] =	stream.linear.gather [hbm4b:s21+s2], $0x5000, $0x38;
	[tilespmem:$0xDF40] =	vst v63  }
0x21: {  	_ =	swait.ge [sflag:s11], $0x5000  }
0x22: {  	[sflag:s11] =	ssyncset.done $0x0  }
0x23: {  	s22 =	simm.s32 $0x7400;
	s23 =	rddreg [dreg:$0x4];
	[sflag:s11] =	ssyncadd.s32 $0xFFFFB000  }
0x24: {  	[tilespmem:s22], [sflag:$0x2] =	stream.linear.gather [hbm4b:s23+s2], $0x1A0, $0x38;
	[tilespmem:$0xDF40] =	vst v63  }
0x25: {  	_ =	swait.ge [sflag:s11], $0x1A0  }
0x26: {  	v27 =	vmov s2;
	[sflag:s11] =	ssyncset.done $0x0  }
0x27: {  	s25 =	simm.s32 $0x75A0;
	v27 =	vmul.u32 $0x28, v27;
	s24 =	rddreg [dreg:$0x5];
	[sflag:s11] =	ssyncadd.s32 $0xFFFFFE60  }
0x28: {  	[tilespmem:s25], [sflag:$0x2] =	stream.linear.gather [hbm4b:s24+s2], $0xD0, $0x38;
	[tilespmem:$0xDF40] =	vst v63  }
0x29: {  	v27 =	vbroadcast v27, $0x0;
	_ =	swait.ge [sflag:s11], $0xD0  }
0x2a: {  	[sflag:s11] =	ssyncset.done $0x0  }
0x2b: {  	v27 =	vadd.s32 v0, v27;
	s23 =	simm.s32 $0x7670;
	s22 =	rddreg [dreg:$0x6];
	[sflag:s11] =	ssyncadd.s32 $0xFFFFFF30  }
0x2c: {  	[tilespmem:s23], [sflag:$0x2] =	stream.linear.gather [hbm4b:s22+s2], $0xD0, $0x38;
	[tilespmem:$0xDF40] =	vst v63  }
0x2d: {  	_ =	swait.ge [sflag:s11], $0xD0  }
0x2e: {  	[sflag:s11] =	ssyncset.done $0x0  }
0x2f: {  	[sflag:s11] =	ssyncadd.s32 $0xFFFFFF30  }
0x30: {  	s24 =	simm.s32 $0x10;
	v27 =	vld.idx.msk [tilespmem:v27+s2+$0x0], $0xffff  }
0x31: {  	v28 =	vmov s24  }
0x32: {  	v28 =	vmul.u32 $0x28, v28;
	_ =	sdelay $0x1  }
0x33: {  	v28 =	vbroadcast v28, $0x0  }
0x34: {  	v27 =	vtrunc.f32 v27  }
0x35: {  	v28 =	vadd.s32 v0, v28;
	v27 =	vcvt.f32.s32 v27;
	_ =	sdelay $0x1  }
0x36: {  	vm0 =	veq.s32 v27, $0x0  }
0x37: {  	[tilespmem:s13+$0x0] =	vst v27;
	v27 =	vsel vm0, $0x0, v1  }
0x38: {  	[tilespmem:s15+$0x0] =	vst v27  }
0x39: {  	s25 =	simm.s32 $0x20;
	v27 =	vld.idx.msk [tilespmem:v28+s2+$0x0], $0xffff  }
0x3a: {  	s21 =	simm.s32 $0x5200;
	s23 =	simm.s32 $0x30;
	s22 =	simm.s32 $0x5000;
	v28 =	vmov s25  }
.LBB2_2:
0x3b: {  	p0 =	sne.s32 s23, $0x1F0;
	v28 =	vmul.u32 $0x28, v28;
	_ =	sdelay $0x1  }
0x3c: {  	v28 =	vbroadcast v28, $0x0  }
0x3d: {  	v27 =	vtrunc.f32 v27  }
0x3e: {  	v27 =	vcvt.f32.s32 v27;
	v28 =	vadd.s32 v0, v28  }
0x3f: {  	s22 =	sadd.s32 $0x10, s22  }
0x40: {  	vm0 =	veq.s32 v27, $0x0;
	[tilespmem:s22+$0x0] =	vst v27  }
.Ltmp0:
0x41: {  	s21 =	sadd.s32 $0x10, s21;
	v27 =	vsel vm0, $0x0, v1;
	(pc) =	sbr.rel @p0 .LBB2_2-.Ltmp0, $3  }
0x42: {  	[tilespmem:s21+$0x0] =	vst v27  }
0x43: {  	v27 =	vld.idx.msk [tilespmem:v28+s2+$0x0], $0xffff;
	_ =	sdelay $0x1  }
0x44: {  	v28 =	vmov s23;
	s23 =	sadd.s32 $0x10, s23  }
0x45: {  	v28 =	vmul.u32 $0x28, v28;
	_ =	sdelay $0x1  }
0x46: {  	v28 =	vbroadcast v28, $0x0  }
0x47: {  	v27 =	vtrunc.f32 v27  }
0x48: {  	v27 =	vcvt.f32.s32 v27;
	v28 =	vadd.s32 v0, v28;
	_ =	sdelay $0x1  }
0x49: {  	s22 =	sadd.s32 $0x10, s22;
	vm0 =	veq.s32 v27, $0x0  }
0x4a: {  	s21 =	sadd.s32 $0x10, s21;
	[tilespmem:s22+$0x0] =	vst v27;
	v27 =	vsel vm0, $0x0, v1  }
0x4b: {  	[tilespmem:s21+$0x0] =	vst v27  }
0x4c: {  	v27 =	vld.idx.msk [tilespmem:v28+s2+$0x0], $0xffff;
	_ =	sdelay $0x4  }
0x4d: {  	v27 =	vtrunc.f32 v27  }
0x4e: {  	v27 =	vcvt.f32.s32 v27;
	_ =	sdelay $0x1  }
0x4f: {  	s22 =	sadd.s32 $0x10, s22;
	vm15 =	veq.s32 v27, $0x0  }
0x50: {  	s24 =	simm.s32 $0x0;
	s21 =	sadd.s32 $0x10, s21;
	[tilespmem:s22+$0x0] =	vst v27;
	v27 =	vsel vm15, $0x0, v1  }
0x51: {  	[tilespmem:s21+$0x0] =	vst v27;
	s21 =	simm.s32 $0x5400;
	v27 =	vmov s24  }
0x52: {  	[tilespmem:s21], [sflag:$0x1] =	stream.indirect.gather [hbm4b:s3+s12], $0x10, s13, s12, $0xb8;
	[tilespmem:$0xDF40] =	vst v63  }
0x53: {  	_ =	swait.ge [sflag:s14], $0x2000  }
0x54: {  	[sflag:s14] =	ssyncset.done $0x0  }
0x55: {  	[sflag:s14] =	ssyncadd.s32 $0xFFFFE000  }
0x56: {  	v29 =	vld.idx.msk [tilespmem:v27+s15+$0x0], $0xffff  }
0x57: {  	v30 =	vld [tilespmem:s21+$0x0];
	_ =	sdelay $0x1  }
0x58: {  	v27 =	vld [tilespmem:$0x7400];
	_ =	sdelay $0x1  }
0x59: {  	s25 =	simm.s32 $0x1  }
0x5a: {  	v28 =	vmov s25;
	s22 =	simm.s32 $0x2;
	v29 =	vmul.f32 v30, v29  }
.LBB2_4:
0x5b: {  	p0 =	sne.s32 s22, $0x1FF  }
0x5c: {  	v29 =	vadd.f32 v29, v27;
	_ =	sdelay $0x1  }
0x5d: {  	[tilespmem:s21+$0x0] =	vst v29  }
0x5e: {  	s21 =	sadd.s32 $0x10, s21;
	v29 =	vld.idx.msk [tilespmem:v28+s15+$0x0], $0xffff  }
0x5f: {  	v30 =	vld [tilespmem:s21+$0x0]  }
.Ltmp1:
0x60: {  	(pc) =	sbr.rel @p0 .LBB2_4-.Ltmp1, $2  }
0x61: {  	_ =	sdelay $0x2  }
0x62: {  	v28 =	vmov s22;
	s22 =	sadd.s32 $0x1, s22;
	v29 =	vmul.f32 v30, v29  }
0x63: {  	_ = 	snop  }
0x64: {  	v29 =	vadd.f32 v29, v27;
	_ =	sdelay $0x1  }
0x65: {  	[tilespmem:s21+$0x0] =	vst v29  }
0x66: {  	s24 =	sadd.s32 $0x10, s21;
	v28 =	vld.idx.msk [tilespmem:v28+s15+$0x0], $0xffff  }
0x67: {  	v29 =	vld [tilespmem:s24+$0x0];
	_ =	sdelay $0x2  }
0x68: {  	s22 =	simm.s32 $0x0  }
0x69: {  	v30 =	vmov s22  }
0x6a: {  	v28 =	vmul.f32 v29, v28;
	v29 =	vmul.u32 $0x28, v30;
	_ =	sdelay $0x1  }
0x6b: {  	v27 =	vadd.f32 v28, v27;
	v28 =	vbroadcast v29, $0x0;
	_ =	sdelay $0x1  }
0x6c: {  	[tilespmem:s24+$0x0] =	vst v27;
	v27 =	vadd.s32 v2, v28  }
0x6d: {  	[hbm4b:s7+s16] =	stream.strided.scatter [tilespmem:s18], [sflag:$0x2], $0x2000, s17, s16, $0x38;
	[tilespmem:$0xDF40] =	vst v63  }
0x6e: {  	_ =	swait.ge [sflag:s11], $0x2000  }
0x6f: {  	[sflag:s11] =	ssyncset.done $0x0  }
0x70: {  	[sflag:s11] =	ssyncadd.s32 $0xFFFFE000  }
0x71: {  	v27 =	vld.idx.msk [tilespmem:v27+s2+$0x0], $0xffff;
	_ =	sdelay $0x1  }
0x72: {  	s25 =	simm.s32 $0x10  }
0x73: {  	v28 =	vmov s25  }
0x74: {  	v28 =	vmul.u32 $0x28, v28  }
0x75: {  	v27 =	vtrunc.f32 v27  }
0x76: {  	v28 =	vbroadcast v28, $0x0;
	v27 =	vcvt.f32.s32 v27;
	_ =	sdelay $0x1  }
0x77: {  	v29 =	vadd.s32 $0x186A1, v27;
	vm0 =	veq.s32 v27, $0x0;
	v27 =	vadd.s32 v2, v28  }
0x78: {  	s22 =	simm.s32 $0x5000  }
0x79: {  	s23 =	simm.s32 $0x20;
	s21 =	simm.s32 $0x5200;
	[tilespmem:s22+$0x0] =	vst v29;
	v28 =	vsel vm0, $0x0, v1  }
.LBB2_6:
0x7a: {  	s22 =	sadd.s32 $0x10, s22  }
0x7b: {  	[tilespmem:s21+$0x0] =	vst v28;
	s21 =	sadd.s32 $0x10, s21;
	s24 =	smov.u32 s23;
	s25 =	sadd.s32 $0x10, s23  }
0x7c: {  	p0 =	sne.s32 s23, $0x1F0;
	v27 =	vld.idx.msk [tilespmem:v27+s2+$0x0], $0xffff;
	_ =	sdelay $0x1  }
0x7d: {  	v28 =	vmov s24  }
0x7e: {  	v28 =	vmul.u32 $0x28, v28;
	_ =	sdelay $0x1  }
0x7f: {  	v28 =	vbroadcast v28, $0x0  }
.Ltmp2:
0x80: {  	v29 =	vtrunc.f32 v27;
	(pc) =	sbr.rel @p0 .LBB2_6-.Ltmp2, $3  }
0x81: {  	v27 =	vadd.s32 v2, v28;
	v28 =	vcvt.f32.s32 v29;
	_ =	sdelay $0x1  }
0x82: {  	v29 =	vadd.s32 $0x186A1, v28;
	vm0 =	veq.s32 v28, $0x0  }
0x83: {  	s23 =	smov.u32 s25;
	v28 =	vsel vm0, $0x0, v1;
	[tilespmem:s22+$0x0] =	vst v29  }
0x84: {  	_ =	sdelay $0x2  }
0x85: {  	[tilespmem:s21+$0x0] =	vst v28  }
0x86: {  	v27 =	vld.idx.msk [tilespmem:v27+s2+$0x0], $0xffff;
	_ =	sdelay $0x4  }
0x87: {  	v27 =	vtrunc.f32 v27  }
0x88: {  	v27 =	vcvt.f32.s32 v27;
	_ =	sdelay $0x1  }
0x89: {  	s22 =	sadd.s32 $0x10, s22;
	v28 =	vadd.s32 $0x186A1, v27;
	vm0 =	veq.s32 v27, $0x0  }
0x8a: {  	s23 =	sadd.s32 $0x10, s21;
	s24 =	simm.s32 $0x0;
	[tilespmem:s22+$0x0] =	vst v28;
	v27 =	vsel vm0, $0x0, v1  }
0x8b: {  	s21 =	simm.s32 $0x5400;
	[tilespmem:s23+$0x0] =	vst v27;
	v27 =	vmov s24  }
0x8c: {  	[tilespmem:s21], [sflag:$0x1] =	stream.indirect.gather [hbm4b:s3+s12], $0x10, s13, s12, $0xb8;
	[tilespmem:$0xDF40] =	vst v63  }
0x8d: {  	_ =	swait.ge [sflag:s14], $0x2000  }
0x8e: {  	[sflag:s14] =	ssyncset.done $0x0  }
0x8f: {  	[sflag:s14] =	ssyncadd.s32 $0xFFFFE000  }
0x90: {  	v29 =	vld.idx.msk [tilespmem:v27+s15+$0x0], $0xffff  }
0x91: {  	v30 =	vld [tilespmem:s21+$0x0];
	_ =	sdelay $0x1  }
0x92: {  	v27 =	vld [tilespmem:$0x7410];
	_ =	sdelay $0x1  }
0x93: {  	s25 =	simm.s32 $0x1  }
0x94: {  	v28 =	vmov s25;
	s22 =	simm.s32 $0x2;
	v29 =	vmul.f32 v30, v29  }
.LBB2_8:
0x95: {  	p0 =	sne.s32 s22, $0x1FF  }
0x96: {  	v29 =	vadd.f32 v29, v27;
	_ =	sdelay $0x1  }
0x97: {  	[tilespmem:s21+$0x0] =	vst v29  }
0x98: {  	s21 =	sadd.s32 $0x10, s21;
	v29 =	vld.idx.msk [tilespmem:v28+s15+$0x0], $0xffff  }
0x99: {  	v30 =	vld [tilespmem:s21+$0x0]  }
.Ltmp3:
0x9a: {  	(pc) =	sbr.rel @p0 .LBB2_8-.Ltmp3, $2  }
0x9b: {  	_ =	sdelay $0x2  }
0x9c: {  	v28 =	vmov s22;
	s22 =	sadd.s32 $0x1, s22;
	v29 =	vmul.f32 v30, v29  }
0x9d: {  	_ = 	snop  }
0x9e: {  	v29 =	vadd.f32 v29, v27;
	_ =	sdelay $0x1  }
0x9f: {  	[tilespmem:s21+$0x0] =	vst v29  }
0xa0: {  	s23 =	sadd.s32 $0x10, s21;
	v28 =	vld.idx.msk [tilespmem:v28+s15+$0x0], $0xffff  }
0xa1: {  	v29 =	vld [tilespmem:s23+$0x0];
	_ =	sdelay $0x2  }
0xa2: {  	s22 =	simm.s32 $0x0  }
0xa3: {  	v30 =	vmov s22  }
0xa4: {  	v28 =	vmul.f32 v29, v28;
	v29 =	vmul.u32 $0x28, v30;
	_ =	sdelay $0x1  }
0xa5: {  	v27 =	vadd.f32 v28, v27;
	v28 =	vbroadcast v29, $0x0;
	_ =	sdelay $0x1  }
0xa6: {  	s24 =	rddreg [dreg:$0x8];
	[tilespmem:s23+$0x0] =	vst v27;
	v27 =	vadd.s32 v3, v28  }
0xa7: {  	[hbm4b:s24+s16] =	stream.strided.scatter [tilespmem:s18], [sflag:$0x2], $0x2000, s17, s16, $0x38;
	[tilespmem:$0xDF40] =	vst v63  }
0xa8: {  	_ =	swait.ge [sflag:s11], $0x2000  }
0xa9: {  	[sflag:s11] =	ssyncset.done $0x0  }
0xaa: {  	[sflag:s11] =	ssyncadd.s32 $0xFFFFE000  }
0xab: {  	v27 =	vld.idx.msk [tilespmem:v27+s2+$0x0], $0xffff;
	_ =	sdelay $0x1  }
0xac: {  	s25 =	simm.s32 $0x10  }
0xad: {  	v28 =	vmov s25  }
0xae: {  	v28 =	vmul.u32 $0x28, v28  }
0xaf: {  	v27 =	vtrunc.f32 v27  }
0xb0: {  	v28 =	vbroadcast v28, $0x0;
	v27 =	vcvt.f32.s32 v27;
	_ =	sdelay $0x1  }
0xb1: {  	v29 =	vadd.s32 $0x30D42, v27;
	vm0 =	veq.s32 v27, $0x0;
	v27 =	vadd.s32 v3, v28  }
0xb2: {  	s22 =	simm.s32 $0x5000  }
0xb3: {  	s21 =	simm.s32 $0x5200;
	s23 =	simm.s32 $0x20;
	[tilespmem:s22+$0x0] =	vst v29;
	v28 =	vsel vm0, $0x0, v1  }
.LBB2_10:
0xb4: {  	s22 =	sadd.s32 $0x10, s22  }
0xb5: {  	[tilespmem:s21+$0x0] =	vst v28;
	s21 =	sadd.s32 $0x10, s21;
	s24 =	smov.u32 s23;
	s25 =	sadd.s32 $0x10, s23  }
0xb6: {  	p0 =	sne.s32 s23, $0x1F0;
	v27 =	vld.idx.msk [tilespmem:v27+s2+$0x0], $0xffff;
	_ =	sdelay $0x1  }
0xb7: {  	v28 =	vmov s24  }
0xb8: {  	v28 =	vmul.u32 $0x28, v28;
	_ =	sdelay $0x1  }
0xb9: {  	v28 =	vbroadcast v28, $0x0  }
.Ltmp4:
0xba: {  	v29 =	vtrunc.f32 v27;
	(pc) =	sbr.rel @p0 .LBB2_10-.Ltmp4, $3  }
0xbb: {  	v27 =	vadd.s32 v3, v28;
	v28 =	vcvt.f32.s32 v29;
	_ =	sdelay $0x1  }
0xbc: {  	v29 =	vadd.s32 $0x30D42, v28;
	vm0 =	veq.s32 v28, $0x0  }
0xbd: {  	s23 =	smov.u32 s25;
	v28 =	vsel vm0, $0x0, v1;
	[tilespmem:s22+$0x0] =	vst v29  }
0xbe: {  	_ =	sdelay $0x2  }
0xbf: {  	[tilespmem:s21+$0x0] =	vst v28  }
0xc0: {  	v27 =	vld.idx.msk [tilespmem:v27+s2+$0x0], $0xffff;
	_ =	sdelay $0x4  }
0xc1: {  	v27 =	vtrunc.f32 v27  }
0xc2: {  	v27 =	vcvt.f32.s32 v27;
	_ =	sdelay $0x1  }
0xc3: {  	s22 =	sadd.s32 $0x10, s22;
	v28 =	vadd.s32 $0x30D42, v27;
	vm0 =	veq.s32 v27, $0x0  }
0xc4: {  	s23 =	sadd.s32 $0x10, s21;
	s24 =	simm.s32 $0x0;
	[tilespmem:s22+$0x0] =	vst v28;
	v27 =	vsel vm0, $0x0, v1  }
0xc5: {  	s21 =	simm.s32 $0x5400;
	[tilespmem:s23+$0x0] =	vst v27;
	v27 =	vmov s24  }
0xc6: {  	[tilespmem:s21], [sflag:$0x1] =	stream.indirect.gather [hbm4b:s3+s12], $0x10, s13, s12, $0xb8;
	[tilespmem:$0xDF40] =	vst v63  }
0xc7: {  	_ =	swait.ge [sflag:s14], $0x2000  }
0xc8: {  	[sflag:s14] =	ssyncset.done $0x0  }
0xc9: {  	[sflag:s14] =	ssyncadd.s32 $0xFFFFE000  }
0xca: {  	v29 =	vld.idx.msk [tilespmem:v27+s15+$0x0], $0xffff  }
0xcb: {  	v30 =	vld [tilespmem:s21+$0x0];
	_ =	sdelay $0x1  }
0xcc: {  	v27 =	vld [tilespmem:$0x7420];
	_ =	sdelay $0x1  }
0xcd: {  	s25 =	simm.s32 $0x1  }
0xce: {  	v28 =	vmov s25;
	s22 =	simm.s32 $0x2;
	v29 =	vmul.f32 v30, v29  }
.LBB2_12:
0xcf: {  	p0 =	sne.s32 s22, $0x1FF  }
0xd0: {  	v29 =	vadd.f32 v29, v27;
	_ =	sdelay $0x1  }
0xd1: {  	[tilespmem:s21+$0x0] =	vst v29  }
0xd2: {  	s21 =	sadd.s32 $0x10, s21;
	v29 =	vld.idx.msk [tilespmem:v28+s15+$0x0], $0xffff  }
0xd3: {  	v30 =	vld [tilespmem:s21+$0x0]  }
.Ltmp5:
0xd4: {  	(pc) =	sbr.rel @p0 .LBB2_12-.Ltmp5, $2  }
0xd5: {  	_ =	sdelay $0x2  }
0xd6: {  	v28 =	vmov s22;
	s22 =	sadd.s32 $0x1, s22;
	v29 =	vmul.f32 v30, v29  }
0xd7: {  	_ = 	snop  }
0xd8: {  	v29 =	vadd.f32 v29, v27;
	_ =	sdelay $0x1  }
0xd9: {  	[tilespmem:s21+$0x0] =	vst v29  }
0xda: {  	s23 =	sadd.s32 $0x10, s21;
	v28 =	vld.idx.msk [tilespmem:v28+s15+$0x0], $0xffff  }
0xdb: {  	v29 =	vld [tilespmem:s23+$0x0];
	_ =	sdelay $0x2  }
0xdc: {  	s22 =	simm.s32 $0x0  }
0xdd: {  	v30 =	vmov s22  }
0xde: {  	v28 =	vmul.f32 v29, v28;
	v29 =	vmul.u32 $0x28, v30;
	_ =	sdelay $0x1  }
0xdf: {  	v27 =	vadd.f32 v28, v27;
	v28 =	vbroadcast v29, $0x0;
	_ =	sdelay $0x1  }
0xe0: {  	s24 =	rddreg [dreg:$0x9];
	[tilespmem:s23+$0x0] =	vst v27;
	v27 =	vadd.s32 v4, v28  }
0xe1: {  	[hbm4b:s24+s16] =	stream.strided.scatter [tilespmem:s18], [sflag:$0x2], $0x2000, s17, s16, $0x38;
	[tilespmem:$0xDF40] =	vst v63  }
0xe2: {  	_ =	swait.ge [sflag:s11], $0x2000  }
0xe3: {  	[sflag:s11] =	ssyncset.done $0x0  }
0xe4: {  	[sflag:s11] =	ssyncadd.s32 $0xFFFFE000  }
0xe5: {  	v27 =	vld.idx.msk [tilespmem:v27+s2+$0x0], $0xffff;
	_ =	sdelay $0x1  }
0xe6: {  	s25 =	simm.s32 $0x10  }
0xe7: {  	v28 =	vmov s25  }
0xe8: {  	v28 =	vmul.u32 $0x28, v28  }
0xe9: {  	v27 =	vtrunc.f32 v27  }
0xea: {  	v28 =	vbroadcast v28, $0x0;
	v27 =	vcvt.f32.s32 v27;
	_ =	sdelay $0x1  }
0xeb: {  	v29 =	vadd.s32 $0x493E3, v27;
	vm0 =	veq.s32 v27, $0x0;
	v27 =	vadd.s32 v4, v28  }
0xec: {  	s22 =	simm.s32 $0x5000  }
0xed: {  	s21 =	simm.s32 $0x5200;
	s23 =	simm.s32 $0x20;
	[tilespmem:s22+$0x0] =	vst v29;
	v28 =	vsel vm0, $0x0, v1  }
.LBB2_14:
0xee: {  	s22 =	sadd.s32 $0x10, s22  }
0xef: {  	[tilespmem:s21+$0x0] =	vst v28;
	s21 =	sadd.s32 $0x10, s21;
	s24 =	smov.u32 s23;
	s25 =	sadd.s32 $0x10, s23  }
0xf0: {  	p0 =	sne.s32 s23, $0x1F0;
	v27 =	vld.idx.msk [tilespmem:v27+s2+$0x0], $0xffff;
	_ =	sdelay $0x1  }
0xf1: {  	v28 =	vmov s24  }
0xf2: {  	v28 =	vmul.u32 $0x28, v28;
	_ =	sdelay $0x1  }
0xf3: {  	v28 =	vbroadcast v28, $0x0  }
.Ltmp6:
0xf4: {  	v29 =	vtrunc.f32 v27;
	(pc) =	sbr.rel @p0 .LBB2_14-.Ltmp6, $3  }
0xf5: {  	v27 =	vadd.s32 v4, v28;
	v28 =	vcvt.f32.s32 v29;
	_ =	sdelay $0x1  }
0xf6: {  	v29 =	vadd.s32 $0x493E3, v28;
	vm0 =	veq.s32 v28, $0x0  }
0xf7: {  	s23 =	smov.u32 s25;
	v28 =	vsel vm0, $0x0, v1;
	[tilespmem:s22+$0x0] =	vst v29  }
0xf8: {  	_ =	sdelay $0x2  }
0xf9: {  	[tilespmem:s21+$0x0] =	vst v28  }
0xfa: {  	v27 =	vld.idx.msk [tilespmem:v27+s2+$0x0], $0xffff;
	_ =	sdelay $0x4  }
0xfb: {  	v27 =	vtrunc.f32 v27  }
0xfc: {  	v27 =	vcvt.f32.s32 v27;
	_ =	sdelay $0x1  }
0xfd: {  	s22 =	sadd.s32 $0x10, s22;
	v28 =	vadd.s32 $0x493E3, v27;
	vm0 =	veq.s32 v27, $0x0  }
0xfe: {  	s23 =	sadd.s32 $0x10, s21;
	s24 =	simm.s32 $0x0;
	[tilespmem:s22+$0x0] =	vst v28;
	v27 =	vsel vm0, $0x0, v1  }
0xff: {  	s21 =	simm.s32 $0x5400;
	[tilespmem:s23+$0x0] =	vst v27;
	v27 =	vmov s24  }
0x100: {  	[tilespmem:s21], [sflag:$0x1] =	stream.indirect.gather [hbm4b:s3+s12], $0x10, s13, s12, $0xb8;
	[tilespmem:$0xDF40] =	vst v63  }
0x101: {  	_ =	swait.ge [sflag:s14], $0x2000  }
0x102: {  	[sflag:s14] =	ssyncset.done $0x0  }
0x103: {  	[sflag:s14] =	ssyncadd.s32 $0xFFFFE000  }
0x104: {  	v29 =	vld.idx.msk [tilespmem:v27+s15+$0x0], $0xffff  }
0x105: {  	v30 =	vld [tilespmem:s21+$0x0];
	_ =	sdelay $0x1  }
0x106: {  	v27 =	vld [tilespmem:$0x7430];
	_ =	sdelay $0x1  }
0x107: {  	s25 =	simm.s32 $0x1  }
0x108: {  	v28 =	vmov s25;
	s22 =	simm.s32 $0x2;
	v29 =	vmul.f32 v30, v29  }
.LBB2_16:
0x109: {  	p0 =	sne.s32 s22, $0x1FF  }
0x10a: {  	v29 =	vadd.f32 v29, v27;
	_ =	sdelay $0x1  }
0x10b: {  	[tilespmem:s21+$0x0] =	vst v29  }
0x10c: {  	s21 =	sadd.s32 $0x10, s21;
	v29 =	vld.idx.msk [tilespmem:v28+s15+$0x0], $0xffff  }
0x10d: {  	v30 =	vld [tilespmem:s21+$0x0]  }
.Ltmp7:
0x10e: {  	(pc) =	sbr.rel @p0 .LBB2_16-.Ltmp7, $2  }
0x10f: {  	_ =	sdelay $0x2  }
0x110: {  	v28 =	vmov s22;
	s22 =	sadd.s32 $0x1, s22;
	v29 =	vmul.f32 v30, v29  }
0x111: {  	_ = 	snop  }
0x112: {  	v29 =	vadd.f32 v29, v27;
	_ =	sdelay $0x1  }
0x113: {  	[tilespmem:s21+$0x0] =	vst v29  }
0x114: {  	s23 =	sadd.s32 $0x10, s21;
	v28 =	vld.idx.msk [tilespmem:v28+s15+$0x0], $0xffff  }
0x115: {  	v29 =	vld [tilespmem:s23+$0x0];
	_ =	sdelay $0x2  }
0x116: {  	s22 =	simm.s32 $0x0  }
0x117: {  	v30 =	vmov s22  }
0x118: {  	v28 =	vmul.f32 v29, v28;
	v29 =	vmul.u32 $0x28, v30;
	_ =	sdelay $0x1  }
0x119: {  	v27 =	vadd.f32 v28, v27;
	v28 =	vbroadcast v29, $0x0;
	_ =	sdelay $0x1  }
0x11a: {  	s24 =	rddreg [dreg:$0xa];
	[tilespmem:s23+$0x0] =	vst v27;
	v27 =	vadd.s32 v5, v28  }
0x11b: {  	[hbm4b:s24+s16] =	stream.strided.scatter [tilespmem:s18], [sflag:$0x2], $0x2000, s17, s16, $0x38;
	[tilespmem:$0xDF40] =	vst v63  }
0x11c: {  	_ =	swait.ge [sflag:s11], $0x2000  }
0x11d: {  	[sflag:s11] =	ssyncset.done $0x0  }
0x11e: {  	[sflag:s11] =	ssyncadd.s32 $0xFFFFE000  }
0x11f: {  	v27 =	vld.idx.msk [tilespmem:v27+s2+$0x0], $0xffff;
	_ =	sdelay $0x1  }
0x120: {  	s25 =	simm.s32 $0x10  }
0x121: {  	v28 =	vmov s25  }
0x122: {  	v28 =	vmul.u32 $0x28, v28  }
0x123: {  	v27 =	vtrunc.f32 v27  }
0x124: {  	v28 =	vbroadcast v28, $0x0;
	v27 =	vcvt.f32.s32 v27;
	_ =	sdelay $0x1  }
0x125: {  	v29 =	vadd.s32 $0x61A84, v27;
	vm0 =	veq.s32 v27, $0x0;
	v27 =	vadd.s32 v5, v28  }
0x126: {  	s22 =	simm.s32 $0x5000  }
0x127: {  	s21 =	simm.s32 $0x5200;
	s23 =	simm.s32 $0x20;
	[tilespmem:s22+$0x0] =	vst v29;
	v28 =	vsel vm0, $0x0, v1  }
.LBB2_18:
0x128: {  	s22 =	sadd.s32 $0x10, s22  }
0x129: {  	[tilespmem:s21+$0x0] =	vst v28;
	s21 =	sadd.s32 $0x10, s21;
	s24 =	smov.u32 s23;
	s25 =	sadd.s32 $0x10, s23  }
0x12a: {  	p0 =	sne.s32 s23, $0x1F0;
	v27 =	vld.idx.msk [tilespmem:v27+s2+$0x0], $0xffff;
	_ =	sdelay $0x1  }
0x12b: {  	v28 =	vmov s24  }
0x12c: {  	v28 =	vmul.u32 $0x28, v28;
	_ =	sdelay $0x1  }
0x12d: {  	v28 =	vbroadcast v28, $0x0  }
.Ltmp8:
0x12e: {  	v29 =	vtrunc.f32 v27;
	(pc) =	sbr.rel @p0 .LBB2_18-.Ltmp8, $3  }
0x12f: {  	v27 =	vadd.s32 v5, v28;
	v28 =	vcvt.f32.s32 v29;
	_ =	sdelay $0x1  }
0x130: {  	v29 =	vadd.s32 $0x61A84, v28;
	vm0 =	veq.s32 v28, $0x0  }
0x131: {  	s23 =	smov.u32 s25;
	v28 =	vsel vm0, $0x0, v1;
	[tilespmem:s22+$0x0] =	vst v29  }
0x132: {  	_ =	sdelay $0x2  }
0x133: {  	[tilespmem:s21+$0x0] =	vst v28  }
0x134: {  	v27 =	vld.idx.msk [tilespmem:v27+s2+$0x0], $0xffff;
	_ =	sdelay $0x4  }
0x135: {  	v27 =	vtrunc.f32 v27  }
0x136: {  	v27 =	vcvt.f32.s32 v27;
	_ =	sdelay $0x1  }
0x137: {  	s22 =	sadd.s32 $0x10, s22;
	v28 =	vadd.s32 $0x61A84, v27;
	vm0 =	veq.s32 v27, $0x0  }
0x138: {  	s23 =	sadd.s32 $0x10, s21;
	s24 =	simm.s32 $0x0;
	[tilespmem:s22+$0x0] =	vst v28;
	v27 =	vsel vm0, $0x0, v1  }
0x139: {  	s21 =	simm.s32 $0x5400;
	[tilespmem:s23+$0x0] =	vst v27;
	v27 =	vmov s24  }
0x13a: {  	[tilespmem:s21], [sflag:$0x1] =	stream.indirect.gather [hbm4b:s3+s12], $0x10, s13, s12, $0xb8;
	[tilespmem:$0xDF40] =	vst v63  }
0x13b: {  	_ =	swait.ge [sflag:s14], $0x2000  }
0x13c: {  	[sflag:s14] =	ssyncset.done $0x0  }
0x13d: {  	[sflag:s14] =	ssyncadd.s32 $0xFFFFE000  }
0x13e: {  	v29 =	vld.idx.msk [tilespmem:v27+s15+$0x0], $0xffff  }
0x13f: {  	v30 =	vld [tilespmem:s21+$0x0];
	_ =	sdelay $0x1  }
0x140: {  	v27 =	vld [tilespmem:$0x7440];
	_ =	sdelay $0x1  }
0x141: {  	s25 =	simm.s32 $0x1  }
0x142: {  	v28 =	vmov s25;
	s22 =	simm.s32 $0x2;
	v29 =	vmul.f32 v30, v29  }
.LBB2_20:
0x143: {  	p0 =	sne.s32 s22, $0x1FF  }
0x144: {  	v29 =	vadd.f32 v29, v27;
	_ =	sdelay $0x1  }
0x145: {  	[tilespmem:s21+$0x0] =	vst v29  }
0x146: {  	s21 =	sadd.s32 $0x10, s21;
	v29 =	vld.idx.msk [tilespmem:v28+s15+$0x0], $0xffff  }
0x147: {  	v30 =	vld [tilespmem:s21+$0x0]  }
.Ltmp9:
0x148: {  	(pc) =	sbr.rel @p0 .LBB2_20-.Ltmp9, $2  }
0x149: {  	_ =	sdelay $0x2  }
0x14a: {  	v28 =	vmov s22;
	s22 =	sadd.s32 $0x1, s22;
	v29 =	vmul.f32 v30, v29  }
0x14b: {  	_ = 	snop  }
0x14c: {  	v29 =	vadd.f32 v29, v27;
	_ =	sdelay $0x1  }
0x14d: {  	[tilespmem:s21+$0x0] =	vst v29  }
0x14e: {  	s23 =	sadd.s32 $0x10, s21;
	v28 =	vld.idx.msk [tilespmem:v28+s15+$0x0], $0xffff  }
0x14f: {  	v29 =	vld [tilespmem:s23+$0x0];
	_ =	sdelay $0x2  }
0x150: {  	s22 =	simm.s32 $0x0  }
0x151: {  	v30 =	vmov s22  }
0x152: {  	v28 =	vmul.f32 v29, v28;
	v29 =	vmul.u32 $0x28, v30;
	_ =	sdelay $0x1  }
0x153: {  	v27 =	vadd.f32 v28, v27;
	v28 =	vbroadcast v29, $0x0;
	_ =	sdelay $0x1  }
0x154: {  	s24 =	rddreg [dreg:$0xb];
	[tilespmem:s23+$0x0] =	vst v27;
	v27 =	vadd.s32 v6, v28  }
0x155: {  	[hbm4b:s24+s16] =	stream.strided.scatter [tilespmem:s18], [sflag:$0x2], $0x2000, s17, s16, $0x38;
	[tilespmem:$0xDF40] =	vst v63  }
0x156: {  	_ =	swait.ge [sflag:s11], $0x2000  }
0x157: {  	[sflag:s11] =	ssyncset.done $0x0  }
0x158: {  	[sflag:s11] =	ssyncadd.s32 $0xFFFFE000  }
0x159: {  	v27 =	vld.idx.msk [tilespmem:v27+s2+$0x0], $0xffff;
	_ =	sdelay $0x1  }
0x15a: {  	s25 =	simm.s32 $0x10  }
0x15b: {  	v28 =	vmov s25  }
0x15c: {  	v28 =	vmul.u32 $0x28, v28  }
0x15d: {  	v27 =	vtrunc.f32 v27  }
0x15e: {  	v28 =	vbroadcast v28, $0x0;
	v27 =	vcvt.f32.s32 v27;
	_ =	sdelay $0x1  }
0x15f: {  	v29 =	vadd.s32 $0x7A125, v27;
	vm0 =	veq.s32 v27, $0x0;
	v27 =	vadd.s32 v6, v28  }
0x160: {  	s22 =	simm.s32 $0x5000  }
0x161: {  	s21 =	simm.s32 $0x5200;
	s23 =	simm.s32 $0x20;
	[tilespmem:s22+$0x0] =	vst v29;
	v28 =	vsel vm0, $0x0, v1  }
.LBB2_22:
0x162: {  	s22 =	sadd.s32 $0x10, s22  }
0x163: {  	[tilespmem:s21+$0x0] =	vst v28;
	s21 =	sadd.s32 $0x10, s21;
	s24 =	smov.u32 s23;
	s25 =	sadd.s32 $0x10, s23  }
0x164: {  	p0 =	sne.s32 s23, $0x1F0;
	v27 =	vld.idx.msk [tilespmem:v27+s2+$0x0], $0xffff;
	_ =	sdelay $0x1  }
0x165: {  	v28 =	vmov s24  }
0x166: {  	v28 =	vmul.u32 $0x28, v28;
	_ =	sdelay $0x1  }
0x167: {  	v28 =	vbroadcast v28, $0x0  }
.Ltmp10:
0x168: {  	v29 =	vtrunc.f32 v27;
	(pc) =	sbr.rel @p0 .LBB2_22-.Ltmp10, $3  }
0x169: {  	v27 =	vadd.s32 v6, v28;
	v28 =	vcvt.f32.s32 v29;
	_ =	sdelay $0x1  }
0x16a: {  	v29 =	vadd.s32 $0x7A125, v28;
	vm0 =	veq.s32 v28, $0x0  }
0x16b: {  	s23 =	smov.u32 s25;
	v28 =	vsel vm0, $0x0, v1;
	[tilespmem:s22+$0x0] =	vst v29  }
0x16c: {  	_ =	sdelay $0x2  }
0x16d: {  	[tilespmem:s21+$0x0] =	vst v28  }
0x16e: {  	v27 =	vld.idx.msk [tilespmem:v27+s2+$0x0], $0xffff;
	_ =	sdelay $0x4  }
0x16f: {  	v27 =	vtrunc.f32 v27  }
0x170: {  	v27 =	vcvt.f32.s32 v27;
	_ =	sdelay $0x1  }
0x171: {  	s22 =	sadd.s32 $0x10, s22;
	v28 =	vadd.s32 $0x7A125, v27;
	vm0 =	veq.s32 v27, $0x0  }
0x172: {  	s23 =	sadd.s32 $0x10, s21;
	s24 =	simm.s32 $0x0;
	[tilespmem:s22+$0x0] =	vst v28;
	v27 =	vsel vm0, $0x0, v1  }
0x173: {  	s21 =	simm.s32 $0x5400;
	[tilespmem:s23+$0x0] =	vst v27;
	v27 =	vmov s24  }
0x174: {  	[tilespmem:s21], [sflag:$0x1] =	stream.indirect.gather [hbm4b:s3+s12], $0x10, s13, s12, $0xb8;
	[tilespmem:$0xDF40] =	vst v63  }
0x175: {  	_ =	swait.ge [sflag:s14], $0x2000  }
0x176: {  	[sflag:s14] =	ssyncset.done $0x0  }
0x177: {  	[sflag:s14] =	ssyncadd.s32 $0xFFFFE000  }
0x178: {  	v29 =	vld.idx.msk [tilespmem:v27+s15+$0x0], $0xffff  }
0x179: {  	v30 =	vld [tilespmem:s21+$0x0];
	_ =	sdelay $0x1  }
0x17a: {  	v27 =	vld [tilespmem:$0x7450];
	_ =	sdelay $0x1  }
0x17b: {  	s25 =	simm.s32 $0x1  }
0x17c: {  	v28 =	vmov s25;
	s22 =	simm.s32 $0x2;
	v29 =	vmul.f32 v30, v29  }
.LBB2_24:
0x17d: {  	p0 =	sne.s32 s22, $0x1FF  }
0x17e: {  	v29 =	vadd.f32 v29, v27;
	_ =	sdelay $0x1  }
0x17f: {  	[tilespmem:s21+$0x0] =	vst v29  }
0x180: {  	s21 =	sadd.s32 $0x10, s21;
	v29 =	vld.idx.msk [tilespmem:v28+s15+$0x0], $0xffff  }
0x181: {  	v30 =	vld [tilespmem:s21+$0x0]  }
.Ltmp11:
0x182: {  	(pc) =	sbr.rel @p0 .LBB2_24-.Ltmp11, $2  }
0x183: {  	_ =	sdelay $0x2  }
0x184: {  	v28 =	vmov s22;
	s22 =	sadd.s32 $0x1, s22;
	v29 =	vmul.f32 v30, v29  }
0x185: {  	_ = 	snop  }
0x186: {  	v29 =	vadd.f32 v29, v27;
	_ =	sdelay $0x1  }
0x187: {  	[tilespmem:s21+$0x0] =	vst v29  }
0x188: {  	s23 =	sadd.s32 $0x10, s21;
	v28 =	vld.idx.msk [tilespmem:v28+s15+$0x0], $0xffff  }
0x189: {  	v29 =	vld [tilespmem:s23+$0x0];
	_ =	sdelay $0x2  }
0x18a: {  	s22 =	simm.s32 $0x0  }
0x18b: {  	v30 =	vmov s22  }
0x18c: {  	v28 =	vmul.f32 v29, v28;
	v29 =	vmul.u32 $0x28, v30;
	_ =	sdelay $0x1  }
0x18d: {  	v27 =	vadd.f32 v28, v27;
	v28 =	vbroadcast v29, $0x0;
	_ =	sdelay $0x1  }
0x18e: {  	s24 =	rddreg [dreg:$0xc];
	[tilespmem:s23+$0x0] =	vst v27;
	v27 =	vadd.s32 v7, v28  }
0x18f: {  	[hbm4b:s24+s16] =	stream.strided.scatter [tilespmem:s18], [sflag:$0x2], $0x2000, s17, s16, $0x38;
	[tilespmem:$0xDF40] =	vst v63  }
0x190: {  	_ =	swait.ge [sflag:s11], $0x2000  }
0x191: {  	[sflag:s11] =	ssyncset.done $0x0  }
0x192: {  	[sflag:s11] =	ssyncadd.s32 $0xFFFFE000  }
0x193: {  	v27 =	vld.idx.msk [tilespmem:v27+s2+$0x0], $0xffff;
	_ =	sdelay $0x1  }
0x194: {  	s25 =	simm.s32 $0x10  }
0x195: {  	v28 =	vmov s25  }
0x196: {  	v28 =	vmul.u32 $0x28, v28  }
0x197: {  	v27 =	vtrunc.f32 v27  }
0x198: {  	v28 =	vbroadcast v28, $0x0;
	v27 =	vcvt.f32.s32 v27;
	_ =	sdelay $0x1  }
0x199: {  	v29 =	vadd.s32 $0x927C6, v27;
	vm0 =	veq.s32 v27, $0x0;
	v27 =	vadd.s32 v7, v28  }
0x19a: {  	s22 =	simm.s32 $0x5000  }
0x19b: {  	s21 =	simm.s32 $0x5200;
	s23 =	simm.s32 $0x20;
	[tilespmem:s22+$0x0] =	vst v29;
	v28 =	vsel vm0, $0x0, v1  }
.LBB2_26:
0x19c: {  	s22 =	sadd.s32 $0x10, s22  }
0x19d: {  	[tilespmem:s21+$0x0] =	vst v28;
	s21 =	sadd.s32 $0x10, s21;
	s24 =	smov.u32 s23;
	s25 =	sadd.s32 $0x10, s23  }
0x19e: {  	p0 =	sne.s32 s23, $0x1F0;
	v27 =	vld.idx.msk [tilespmem:v27+s2+$0x0], $0xffff;
	_ =	sdelay $0x1  }
0x19f: {  	v28 =	vmov s24  }
0x1a0: {  	v28 =	vmul.u32 $0x28, v28;
	_ =	sdelay $0x1  }
0x1a1: {  	v28 =	vbroadcast v28, $0x0  }
.Ltmp12:
0x1a2: {  	v29 =	vtrunc.f32 v27;
	(pc) =	sbr.rel @p0 .LBB2_26-.Ltmp12, $3  }
0x1a3: {  	v27 =	vadd.s32 v7, v28;
	v28 =	vcvt.f32.s32 v29;
	_ =	sdelay $0x1  }
0x1a4: {  	v29 =	vadd.s32 $0x927C6, v28;
	vm0 =	veq.s32 v28, $0x0  }
0x1a5: {  	s23 =	smov.u32 s25;
	v28 =	vsel vm0, $0x0, v1;
	[tilespmem:s22+$0x0] =	vst v29  }
0x1a6: {  	_ =	sdelay $0x2  }
0x1a7: {  	[tilespmem:s21+$0x0] =	vst v28  }
0x1a8: {  	v27 =	vld.idx.msk [tilespmem:v27+s2+$0x0], $0xffff;
	_ =	sdelay $0x4  }
0x1a9: {  	v27 =	vtrunc.f32 v27  }
0x1aa: {  	v27 =	vcvt.f32.s32 v27;
	_ =	sdelay $0x1  }
0x1ab: {  	s22 =	sadd.s32 $0x10, s22;
	v28 =	vadd.s32 $0x927C6, v27;
	vm0 =	veq.s32 v27, $0x0  }
0x1ac: {  	s23 =	sadd.s32 $0x10, s21;
	s24 =	simm.s32 $0x0;
	[tilespmem:s22+$0x0] =	vst v28;
	v27 =	vsel vm0, $0x0, v1  }
0x1ad: {  	s21 =	simm.s32 $0x5400;
	[tilespmem:s23+$0x0] =	vst v27;
	v27 =	vmov s24  }
0x1ae: {  	[tilespmem:s21], [sflag:$0x1] =	stream.indirect.gather [hbm4b:s3+s12], $0x10, s13, s12, $0xb8;
	[tilespmem:$0xDF40] =	vst v63  }
0x1af: {  	_ =	swait.ge [sflag:s14], $0x2000  }
0x1b0: {  	[sflag:s14] =	ssyncset.done $0x0  }
0x1b1: {  	[sflag:s14] =	ssyncadd.s32 $0xFFFFE000  }
0x1b2: {  	v29 =	vld.idx.msk [tilespmem:v27+s15+$0x0], $0xffff  }
0x1b3: {  	v30 =	vld [tilespmem:s21+$0x0];
	_ =	sdelay $0x1  }
0x1b4: {  	v27 =	vld [tilespmem:$0x7460];
	_ =	sdelay $0x1  }
0x1b5: {  	s25 =	simm.s32 $0x1  }
0x1b6: {  	v28 =	vmov s25;
	s22 =	simm.s32 $0x2;
	v29 =	vmul.f32 v30, v29  }
.LBB2_28:
0x1b7: {  	p0 =	sne.s32 s22, $0x1FF  }
0x1b8: {  	v29 =	vadd.f32 v29, v27;
	_ =	sdelay $0x1  }
0x1b9: {  	[tilespmem:s21+$0x0] =	vst v29  }
0x1ba: {  	s21 =	sadd.s32 $0x10, s21;
	v29 =	vld.idx.msk [tilespmem:v28+s15+$0x0], $0xffff  }
0x1bb: {  	v30 =	vld [tilespmem:s21+$0x0]  }
.Ltmp13:
0x1bc: {  	(pc) =	sbr.rel @p0 .LBB2_28-.Ltmp13, $2  }
0x1bd: {  	_ =	sdelay $0x2  }
0x1be: {  	v28 =	vmov s22;
	s22 =	sadd.s32 $0x1, s22;
	v29 =	vmul.f32 v30, v29  }
0x1bf: {  	_ = 	snop  }
0x1c0: {  	v29 =	vadd.f32 v29, v27;
	_ =	sdelay $0x1  }
0x1c1: {  	[tilespmem:s21+$0x0] =	vst v29  }
0x1c2: {  	s23 =	sadd.s32 $0x10, s21;
	v28 =	vld.idx.msk [tilespmem:v28+s15+$0x0], $0xffff  }
0x1c3: {  	v29 =	vld [tilespmem:s23+$0x0];
	_ =	sdelay $0x2  }
0x1c4: {  	s22 =	simm.s32 $0x0  }
0x1c5: {  	v30 =	vmov s22  }
0x1c6: {  	v28 =	vmul.f32 v29, v28;
	v29 =	vmul.u32 $0x28, v30;
	_ =	sdelay $0x1  }
0x1c7: {  	v27 =	vadd.f32 v28, v27;
	v28 =	vbroadcast v29, $0x0;
	_ =	sdelay $0x1  }
0x1c8: {  	s24 =	rddreg [dreg:$0xd];
	[tilespmem:s23+$0x0] =	vst v27;
	v27 =	vadd.s32 v8, v28  }
0x1c9: {  	[hbm4b:s24+s16] =	stream.strided.scatter [tilespmem:s18], [sflag:$0x2], $0x2000, s17, s16, $0x38;
	[tilespmem:$0xDF40] =	vst v63  }
0x1ca: {  	_ =	swait.ge [sflag:s11], $0x2000  }
0x1cb: {  	[sflag:s11] =	ssyncset.done $0x0  }
0x1cc: {  	[sflag:s11] =	ssyncadd.s32 $0xFFFFE000  }
0x1cd: {  	v27 =	vld.idx.msk [tilespmem:v27+s2+$0x0], $0xffff;
	_ =	sdelay $0x1  }
0x1ce: {  	s25 =	simm.s32 $0x10  }
0x1cf: {  	v28 =	vmov s25  }
0x1d0: {  	v28 =	vmul.u32 $0x28, v28  }
0x1d1: {  	v27 =	vtrunc.f32 v27  }
0x1d2: {  	v28 =	vbroadcast v28, $0x0;
	v27 =	vcvt.f32.s32 v27;
	_ =	sdelay $0x1  }
0x1d3: {  	v29 =	vadd.s32 $0xAAE67, v27;
	vm0 =	veq.s32 v27, $0x0;
	v27 =	vadd.s32 v8, v28  }
0x1d4: {  	s22 =	simm.s32 $0x5000  }
0x1d5: {  	s21 =	simm.s32 $0x5200;
	s23 =	simm.s32 $0x20;
	[tilespmem:s22+$0x0] =	vst v29;
	v28 =	vsel vm0, $0x0, v1  }
.LBB2_30:
0x1d6: {  	s22 =	sadd.s32 $0x10, s22  }
0x1d7: {  	[tilespmem:s21+$0x0] =	vst v28;
	s21 =	sadd.s32 $0x10, s21;
	s24 =	smov.u32 s23;
	s25 =	sadd.s32 $0x10, s23  }
0x1d8: {  	p0 =	sne.s32 s23, $0x1F0;
	v27 =	vld.idx.msk [tilespmem:v27+s2+$0x0], $0xffff;
	_ =	sdelay $0x1  }
0x1d9: {  	v28 =	vmov s24  }
0x1da: {  	v28 =	vmul.u32 $0x28, v28;
	_ =	sdelay $0x1  }
0x1db: {  	v28 =	vbroadcast v28, $0x0  }
.Ltmp14:
0x1dc: {  	v29 =	vtrunc.f32 v27;
	(pc) =	sbr.rel @p0 .LBB2_30-.Ltmp14, $3  }
0x1dd: {  	v27 =	vadd.s32 v8, v28;
	v28 =	vcvt.f32.s32 v29;
	_ =	sdelay $0x1  }
0x1de: {  	v29 =	vadd.s32 $0xAAE67, v28;
	vm0 =	veq.s32 v28, $0x0  }
0x1df: {  	s23 =	smov.u32 s25;
	v28 =	vsel vm0, $0x0, v1;
	[tilespmem:s22+$0x0] =	vst v29  }
0x1e0: {  	_ =	sdelay $0x2  }
0x1e1: {  	[tilespmem:s21+$0x0] =	vst v28  }
0x1e2: {  	v27 =	vld.idx.msk [tilespmem:v27+s2+$0x0], $0xffff;
	_ =	sdelay $0x4  }
0x1e3: {  	v27 =	vtrunc.f32 v27  }
0x1e4: {  	v27 =	vcvt.f32.s32 v27;
	_ =	sdelay $0x1  }
0x1e5: {  	s22 =	sadd.s32 $0x10, s22;
	v28 =	vadd.s32 $0xAAE67, v27;
	vm0 =	veq.s32 v27, $0x0  }
0x1e6: {  	s23 =	sadd.s32 $0x10, s21;
	s24 =	simm.s32 $0x0;
	[tilespmem:s22+$0x0] =	vst v28;
	v27 =	vsel vm0, $0x0, v1  }
0x1e7: {  	s21 =	simm.s32 $0x5400;
	[tilespmem:s23+$0x0] =	vst v27;
	v27 =	vmov s24  }
0x1e8: {  	[tilespmem:s21], [sflag:$0x1] =	stream.indirect.gather [hbm4b:s3+s12], $0x10, s13, s12, $0xb8;
	[tilespmem:$0xDF40] =	vst v63  }
0x1e9: {  	_ =	swait.ge [sflag:s14], $0x2000  }
0x1ea: {  	[sflag:s14] =	ssyncset.done $0x0  }
0x1eb: {  	[sflag:s14] =	ssyncadd.s32 $0xFFFFE000  }
0x1ec: {  	v29 =	vld.idx.msk [tilespmem:v27+s15+$0x0], $0xffff  }
0x1ed: {  	v30 =	vld [tilespmem:s21+$0x0];
	_ =	sdelay $0x1  }
0x1ee: {  	v27 =	vld [tilespmem:$0x7470];
	_ =	sdelay $0x1  }
0x1ef: {  	s25 =	simm.s32 $0x1  }
0x1f0: {  	v28 =	vmov s25;
	s22 =	simm.s32 $0x2;
	v29 =	vmul.f32 v30, v29  }
.LBB2_32:
0x1f1: {  	p0 =	sne.s32 s22, $0x1FF  }
0x1f2: {  	v29 =	vadd.f32 v29, v27;
	_ =	sdelay $0x1  }
0x1f3: {  	[tilespmem:s21+$0x0] =	vst v29  }
0x1f4: {  	s21 =	sadd.s32 $0x10, s21;
	v29 =	vld.idx.msk [tilespmem:v28+s15+$0x0], $0xffff  }
0x1f5: {  	v30 =	vld [tilespmem:s21+$0x0]  }
.Ltmp15:
0x1f6: {  	(pc) =	sbr.rel @p0 .LBB2_32-.Ltmp15, $2  }
0x1f7: {  	_ =	sdelay $0x2  }
0x1f8: {  	v28 =	vmov s22;
	s22 =	sadd.s32 $0x1, s22;
	v29 =	vmul.f32 v30, v29  }
0x1f9: {  	_ = 	snop  }
0x1fa: {  	v29 =	vadd.f32 v29, v27;
	_ =	sdelay $0x1  }
0x1fb: {  	[tilespmem:s21+$0x0] =	vst v29  }
0x1fc: {  	s23 =	sadd.s32 $0x10, s21;
	v28 =	vld.idx.msk [tilespmem:v28+s15+$0x0], $0xffff  }
0x1fd: {  	v29 =	vld [tilespmem:s23+$0x0];
	_ =	sdelay $0x2  }
0x1fe: {  	s22 =	simm.s32 $0x0  }
0x1ff: {  	v30 =	vmov s22  }
0x200: {  	v28 =	vmul.f32 v29, v28;
	v29 =	vmul.u32 $0x28, v30;
	_ =	sdelay $0x1  }
0x201: {  	v27 =	vadd.f32 v28, v27;
	v28 =	vbroadcast v29, $0x0;
	_ =	sdelay $0x1  }
0x202: {  	s24 =	rddreg [dreg:$0xe];
	[tilespmem:s23+$0x0] =	vst v27;
	v27 =	vadd.s32 v9, v28  }
0x203: {  	[hbm4b:s24+s16] =	stream.strided.scatter [tilespmem:s18], [sflag:$0x2], $0x2000, s17, s16, $0x38;
	[tilespmem:$0xDF40] =	vst v63  }
0x204: {  	_ =	swait.ge [sflag:s11], $0x2000  }
0x205: {  	[sflag:s11] =	ssyncset.done $0x0  }
0x206: {  	[sflag:s11] =	ssyncadd.s32 $0xFFFFE000  }
0x207: {  	v27 =	vld.idx.msk [tilespmem:v27+s2+$0x0], $0xffff;
	_ =	sdelay $0x1  }
0x208: {  	s25 =	simm.s32 $0x10  }
0x209: {  	v28 =	vmov s25  }
0x20a: {  	v28 =	vmul.u32 $0x28, v28  }
0x20b: {  	v27 =	vtrunc.f32 v27  }
0x20c: {  	v28 =	vbroadcast v28, $0x0;
	v27 =	vcvt.f32.s32 v27;
	_ =	sdelay $0x1  }
0x20d: {  	v29 =	vadd.s32 $0xC3508, v27;
	vm0 =	veq.s32 v27, $0x0;
	v27 =	vadd.s32 v9, v28  }
0x20e: {  	s22 =	simm.s32 $0x5000  }
0x20f: {  	s21 =	simm.s32 $0x5200;
	s23 =	simm.s32 $0x20;
	[tilespmem:s22+$0x0] =	vst v29;
	v28 =	vsel vm0, $0x0, v1  }
.LBB2_34:
0x210: {  	s22 =	sadd.s32 $0x10, s22  }
0x211: {  	[tilespmem:s21+$0x0] =	vst v28;
	s21 =	sadd.s32 $0x10, s21;
	s24 =	smov.u32 s23;
	s25 =	sadd.s32 $0x10, s23  }
0x212: {  	p0 =	sne.s32 s23, $0x1F0;
	v27 =	vld.idx.msk [tilespmem:v27+s2+$0x0], $0xffff;
	_ =	sdelay $0x1  }
0x213: {  	v28 =	vmov s24  }
0x214: {  	v28 =	vmul.u32 $0x28, v28;
	_ =	sdelay $0x1  }
0x215: {  	v28 =	vbroadcast v28, $0x0  }
.Ltmp16:
0x216: {  	v29 =	vtrunc.f32 v27;
	(pc) =	sbr.rel @p0 .LBB2_34-.Ltmp16, $3  }
0x217: {  	v27 =	vadd.s32 v9, v28;
	v28 =	vcvt.f32.s32 v29;
	_ =	sdelay $0x1  }
0x218: {  	v29 =	vadd.s32 $0xC3508, v28;
	vm0 =	veq.s32 v28, $0x0  }
0x219: {  	s23 =	smov.u32 s25;
	v28 =	vsel vm0, $0x0, v1;
	[tilespmem:s22+$0x0] =	vst v29  }
0x21a: {  	_ =	sdelay $0x2  }
0x21b: {  	[tilespmem:s21+$0x0] =	vst v28  }
0x21c: {  	v27 =	vld.idx.msk [tilespmem:v27+s2+$0x0], $0xffff;
	_ =	sdelay $0x4  }
0x21d: {  	v27 =	vtrunc.f32 v27  }
0x21e: {  	v27 =	vcvt.f32.s32 v27;
	_ =	sdelay $0x1  }
0x21f: {  	s22 =	sadd.s32 $0x10, s22;
	v28 =	vadd.s32 $0xC3508, v27;
	vm0 =	veq.s32 v27, $0x0  }
0x220: {  	s23 =	sadd.s32 $0x10, s21;
	s24 =	simm.s32 $0x0;
	[tilespmem:s22+$0x0] =	vst v28;
	v27 =	vsel vm0, $0x0, v1  }
0x221: {  	s21 =	simm.s32 $0x5400;
	[tilespmem:s23+$0x0] =	vst v27;
	v27 =	vmov s24  }
0x222: {  	[tilespmem:s21], [sflag:$0x1] =	stream.indirect.gather [hbm4b:s3+s12], $0x10, s13, s12, $0xb8;
	[tilespmem:$0xDF40] =	vst v63  }
0x223: {  	_ =	swait.ge [sflag:s14], $0x2000  }
0x224: {  	[sflag:s14] =	ssyncset.done $0x0  }
0x225: {  	[sflag:s14] =	ssyncadd.s32 $0xFFFFE000  }
0x226: {  	v29 =	vld.idx.msk [tilespmem:v27+s15+$0x0], $0xffff  }
0x227: {  	v30 =	vld [tilespmem:s21+$0x0];
	_ =	sdelay $0x1  }
0x228: {  	v27 =	vld [tilespmem:$0x7480];
	_ =	sdelay $0x1  }
0x229: {  	s25 =	simm.s32 $0x1  }
0x22a: {  	v28 =	vmov s25;
	s22 =	simm.s32 $0x2;
	v29 =	vmul.f32 v30, v29  }
.LBB2_36:
0x22b: {  	p0 =	sne.s32 s22, $0x1FF  }
0x22c: {  	v29 =	vadd.f32 v29, v27;
	_ =	sdelay $0x1  }
0x22d: {  	[tilespmem:s21+$0x0] =	vst v29  }
0x22e: {  	s21 =	sadd.s32 $0x10, s21;
	v29 =	vld.idx.msk [tilespmem:v28+s15+$0x0], $0xffff  }
0x22f: {  	v30 =	vld [tilespmem:s21+$0x0]  }
.Ltmp17:
0x230: {  	(pc) =	sbr.rel @p0 .LBB2_36-.Ltmp17, $2  }
0x231: {  	_ =	sdelay $0x2  }
0x232: {  	v28 =	vmov s22;
	s22 =	sadd.s32 $0x1, s22;
	v29 =	vmul.f32 v30, v29  }
0x233: {  	_ = 	snop  }
0x234: {  	v29 =	vadd.f32 v29, v27;
	_ =	sdelay $0x1  }
0x235: {  	[tilespmem:s21+$0x0] =	vst v29  }
0x236: {  	s23 =	sadd.s32 $0x10, s21;
	v28 =	vld.idx.msk [tilespmem:v28+s15+$0x0], $0xffff  }
0x237: {  	v29 =	vld [tilespmem:s23+$0x0];
	_ =	sdelay $0x2  }
0x238: {  	s22 =	simm.s32 $0x0  }
0x239: {  	v30 =	vmov s22  }
0x23a: {  	v28 =	vmul.f32 v29, v28;
	v29 =	vmul.u32 $0x28, v30;
	_ =	sdelay $0x1  }
0x23b: {  	v27 =	vadd.f32 v28, v27;
	v28 =	vbroadcast v29, $0x0;
	_ =	sdelay $0x1  }
0x23c: {  	s24 =	rddreg [dreg:$0xf];
	[tilespmem:s23+$0x0] =	vst v27;
	v27 =	vadd.s32 v10, v28  }
0x23d: {  	[hbm4b:s24+s16] =	stream.strided.scatter [tilespmem:s18], [sflag:$0x2], $0x2000, s17, s16, $0x38;
	[tilespmem:$0xDF40] =	vst v63  }
0x23e: {  	_ =	swait.ge [sflag:s11], $0x2000  }
0x23f: {  	[sflag:s11] =	ssyncset.done $0x0  }
0x240: {  	[sflag:s11] =	ssyncadd.s32 $0xFFFFE000  }
0x241: {  	v27 =	vld.idx.msk [tilespmem:v27+s2+$0x0], $0xffff;
	_ =	sdelay $0x1  }
0x242: {  	s25 =	simm.s32 $0x10  }
0x243: {  	v28 =	vmov s25  }
0x244: {  	v28 =	vmul.u32 $0x28, v28  }
0x245: {  	v27 =	vtrunc.f32 v27  }
0x246: {  	v28 =	vbroadcast v28, $0x0;
	v27 =	vcvt.f32.s32 v27;
	_ =	sdelay $0x1  }
0x247: {  	v29 =	vadd.s32 $0xDBBA9, v27;
	vm0 =	veq.s32 v27, $0x0;
	v27 =	vadd.s32 v10, v28  }
0x248: {  	s22 =	simm.s32 $0x5000  }
0x249: {  	s21 =	simm.s32 $0x5200;
	s23 =	simm.s32 $0x20;
	[tilespmem:s22+$0x0] =	vst v29;
	v28 =	vsel vm0, $0x0, v1  }
.LBB2_38:
0x24a: {  	s22 =	sadd.s32 $0x10, s22  }
0x24b: {  	[tilespmem:s21+$0x0] =	vst v28;
	s21 =	sadd.s32 $0x10, s21;
	s24 =	smov.u32 s23;
	s25 =	sadd.s32 $0x10, s23  }
0x24c: {  	p0 =	sne.s32 s23, $0x1F0;
	v27 =	vld.idx.msk [tilespmem:v27+s2+$0x0], $0xffff;
	_ =	sdelay $0x1  }
0x24d: {  	v28 =	vmov s24  }
0x24e: {  	v28 =	vmul.u32 $0x28, v28;
	_ =	sdelay $0x1  }
0x24f: {  	v28 =	vbroadcast v28, $0x0  }
.Ltmp18:
0x250: {  	v29 =	vtrunc.f32 v27;
	(pc) =	sbr.rel @p0 .LBB2_38-.Ltmp18, $3  }
0x251: {  	v27 =	vadd.s32 v10, v28;
	v28 =	vcvt.f32.s32 v29;
	_ =	sdelay $0x1  }
0x252: {  	v29 =	vadd.s32 $0xDBBA9, v28;
	vm0 =	veq.s32 v28, $0x0  }
0x253: {  	s23 =	smov.u32 s25;
	v28 =	vsel vm0, $0x0, v1;
	[tilespmem:s22+$0x0] =	vst v29  }
0x254: {  	_ =	sdelay $0x2  }
0x255: {  	[tilespmem:s21+$0x0] =	vst v28  }
0x256: {  	v27 =	vld.idx.msk [tilespmem:v27+s2+$0x0], $0xffff;
	_ =	sdelay $0x4  }
0x257: {  	v27 =	vtrunc.f32 v27  }
0x258: {  	v27 =	vcvt.f32.s32 v27;
	_ =	sdelay $0x1  }
0x259: {  	s22 =	sadd.s32 $0x10, s22;
	v28 =	vadd.s32 $0xDBBA9, v27;
	vm0 =	veq.s32 v27, $0x0  }
0x25a: {  	s23 =	sadd.s32 $0x10, s21;
	s24 =	simm.s32 $0x0;
	[tilespmem:s22+$0x0] =	vst v28;
	v27 =	vsel vm0, $0x0, v1  }
0x25b: {  	s21 =	simm.s32 $0x5400;
	[tilespmem:s23+$0x0] =	vst v27;
	v27 =	vmov s24  }
0x25c: {  	[tilespmem:s21], [sflag:$0x1] =	stream.indirect.gather [hbm4b:s3+s12], $0x10, s13, s12, $0xb8;
	[tilespmem:$0xDF40] =	vst v63  }
0x25d: {  	_ =	swait.ge [sflag:s14], $0x2000  }
0x25e: {  	[sflag:s14] =	ssyncset.done $0x0  }
0x25f: {  	[sflag:s14] =	ssyncadd.s32 $0xFFFFE000  }
0x260: {  	v29 =	vld.idx.msk [tilespmem:v27+s15+$0x0], $0xffff  }
0x261: {  	v30 =	vld [tilespmem:s21+$0x0];
	_ =	sdelay $0x1  }
0x262: {  	v27 =	vld [tilespmem:$0x7490];
	_ =	sdelay $0x1  }
0x263: {  	s25 =	simm.s32 $0x1  }
0x264: {  	v28 =	vmov s25;
	s22 =	simm.s32 $0x2;
	v29 =	vmul.f32 v30, v29  }
.LBB2_40:
0x265: {  	p0 =	sne.s32 s22, $0x1FF  }
0x266: {  	v29 =	vadd.f32 v29, v27;
	_ =	sdelay $0x1  }
0x267: {  	[tilespmem:s21+$0x0] =	vst v29  }
0x268: {  	s21 =	sadd.s32 $0x10, s21;
	v29 =	vld.idx.msk [tilespmem:v28+s15+$0x0], $0xffff  }
0x269: {  	v30 =	vld [tilespmem:s21+$0x0]  }
.Ltmp19:
0x26a: {  	(pc) =	sbr.rel @p0 .LBB2_40-.Ltmp19, $2  }
0x26b: {  	_ =	sdelay $0x2  }
0x26c: {  	v28 =	vmov s22;
	s22 =	sadd.s32 $0x1, s22;
	v29 =	vmul.f32 v30, v29  }
0x26d: {  	_ = 	snop  }
0x26e: {  	v29 =	vadd.f32 v29, v27;
	_ =	sdelay $0x1  }
0x26f: {  	[tilespmem:s21+$0x0] =	vst v29  }
0x270: {  	s23 =	sadd.s32 $0x10, s21;
	v28 =	vld.idx.msk [tilespmem:v28+s15+$0x0], $0xffff  }
0x271: {  	v29 =	vld [tilespmem:s23+$0x0];
	_ =	sdelay $0x2  }
0x272: {  	s22 =	simm.s32 $0x0  }
0x273: {  	v30 =	vmov s22  }
0x274: {  	v28 =	vmul.f32 v29, v28;
	v29 =	vmul.u32 $0x28, v30;
	_ =	sdelay $0x1  }
0x275: {  	v27 =	vadd.f32 v28, v27;
	v28 =	vbroadcast v29, $0x0;
	_ =	sdelay $0x1  }
0x276: {  	s24 =	rddreg [dreg:$0x10];
	[tilespmem:s23+$0x0] =	vst v27;
	v27 =	vadd.s32 v11, v28  }
0x277: {  	[hbm4b:s24+s16] =	stream.strided.scatter [tilespmem:s18], [sflag:$0x2], $0x2000, s17, s16, $0x38;
	[tilespmem:$0xDF40] =	vst v63  }
0x278: {  	_ =	swait.ge [sflag:s11], $0x2000  }
0x279: {  	[sflag:s11] =	ssyncset.done $0x0  }
0x27a: {  	[sflag:s11] =	ssyncadd.s32 $0xFFFFE000  }
0x27b: {  	v27 =	vld.idx.msk [tilespmem:v27+s2+$0x0], $0xffff;
	_ =	sdelay $0x1  }
0x27c: {  	s25 =	simm.s32 $0x10  }
0x27d: {  	v28 =	vmov s25  }
0x27e: {  	v28 =	vmul.u32 $0x28, v28  }
0x27f: {  	v27 =	vtrunc.f32 v27  }
0x280: {  	v28 =	vbroadcast v28, $0x0;
	v27 =	vcvt.f32.s32 v27;
	_ =	sdelay $0x1  }
0x281: {  	v29 =	vadd.s32 $0xF424A, v27;
	vm0 =	veq.s32 v27, $0x0;
	v27 =	vadd.s32 v11, v28  }
0x282: {  	s22 =	simm.s32 $0x5000  }
0x283: {  	s21 =	simm.s32 $0x5200;
	s23 =	simm.s32 $0x20;
	[tilespmem:s22+$0x0] =	vst v29;
	v28 =	vsel vm0, $0x0, v1  }
.LBB2_42:
0x284: {  	s22 =	sadd.s32 $0x10, s22  }
0x285: {  	[tilespmem:s21+$0x0] =	vst v28;
	s21 =	sadd.s32 $0x10, s21;
	s24 =	smov.u32 s23;
	s25 =	sadd.s32 $0x10, s23  }
0x286: {  	p0 =	sne.s32 s23, $0x1F0;
	v27 =	vld.idx.msk [tilespmem:v27+s2+$0x0], $0xffff;
	_ =	sdelay $0x1  }
0x287: {  	v28 =	vmov s24  }
0x288: {  	v28 =	vmul.u32 $0x28, v28;
	_ =	sdelay $0x1  }
0x289: {  	v28 =	vbroadcast v28, $0x0  }
.Ltmp20:
0x28a: {  	v29 =	vtrunc.f32 v27;
	(pc) =	sbr.rel @p0 .LBB2_42-.Ltmp20, $3  }
0x28b: {  	v27 =	vadd.s32 v11, v28;
	v28 =	vcvt.f32.s32 v29;
	_ =	sdelay $0x1  }
0x28c: {  	v29 =	vadd.s32 $0xF424A, v28;
	vm0 =	veq.s32 v28, $0x0  }
0x28d: {  	s23 =	smov.u32 s25;
	v28 =	vsel vm0, $0x0, v1;
	[tilespmem:s22+$0x0] =	vst v29  }
0x28e: {  	_ =	sdelay $0x2  }
0x28f: {  	[tilespmem:s21+$0x0] =	vst v28  }
0x290: {  	v27 =	vld.idx.msk [tilespmem:v27+s2+$0x0], $0xffff;
	_ =	sdelay $0x4  }
0x291: {  	v27 =	vtrunc.f32 v27  }
0x292: {  	v27 =	vcvt.f32.s32 v27;
	_ =	sdelay $0x1  }
0x293: {  	s22 =	sadd.s32 $0x10, s22;
	v28 =	vadd.s32 $0xF424A, v27;
	vm0 =	veq.s32 v27, $0x0  }
0x294: {  	s23 =	sadd.s32 $0x10, s21;
	s24 =	simm.s32 $0x0;
	[tilespmem:s22+$0x0] =	vst v28;
	v27 =	vsel vm0, $0x0, v1  }
0x295: {  	s21 =	simm.s32 $0x5400;
	[tilespmem:s23+$0x0] =	vst v27;
	v27 =	vmov s24  }
0x296: {  	[tilespmem:s21], [sflag:$0x1] =	stream.indirect.gather [hbm4b:s3+s12], $0x10, s13, s12, $0xb8;
	[tilespmem:$0xDF40] =	vst v63  }
0x297: {  	_ =	swait.ge [sflag:s14], $0x2000  }
0x298: {  	[sflag:s14] =	ssyncset.done $0x0  }
0x299: {  	[sflag:s14] =	ssyncadd.s32 $0xFFFFE000  }
0x29a: {  	v29 =	vld.idx.msk [tilespmem:v27+s15+$0x0], $0xffff  }
0x29b: {  	v30 =	vld [tilespmem:s21+$0x0];
	_ =	sdelay $0x1  }
0x29c: {  	v27 =	vld [tilespmem:$0x74A0];
	_ =	sdelay $0x1  }
0x29d: {  	s25 =	simm.s32 $0x1  }
0x29e: {  	v28 =	vmov s25;
	s22 =	simm.s32 $0x2;
	v29 =	vmul.f32 v30, v29  }
.LBB2_44:
0x29f: {  	p0 =	sne.s32 s22, $0x1FF  }
0x2a0: {  	v29 =	vadd.f32 v29, v27;
	_ =	sdelay $0x1  }
0x2a1: {  	[tilespmem:s21+$0x0] =	vst v29  }
0x2a2: {  	s21 =	sadd.s32 $0x10, s21;
	v29 =	vld.idx.msk [tilespmem:v28+s15+$0x0], $0xffff  }
0x2a3: {  	v30 =	vld [tilespmem:s21+$0x0]  }
.Ltmp21:
0x2a4: {  	(pc) =	sbr.rel @p0 .LBB2_44-.Ltmp21, $2  }
0x2a5: {  	_ =	sdelay $0x2  }
0x2a6: {  	v28 =	vmov s22;
	s22 =	sadd.s32 $0x1, s22;
	v29 =	vmul.f32 v30, v29  }
0x2a7: {  	_ = 	snop  }
0x2a8: {  	v29 =	vadd.f32 v29, v27;
	_ =	sdelay $0x1  }
0x2a9: {  	[tilespmem:s21+$0x0] =	vst v29  }
0x2aa: {  	s23 =	sadd.s32 $0x10, s21;
	v28 =	vld.idx.msk [tilespmem:v28+s15+$0x0], $0xffff  }
0x2ab: {  	v29 =	vld [tilespmem:s23+$0x0];
	_ =	sdelay $0x2  }
0x2ac: {  	s22 =	simm.s32 $0x0  }
0x2ad: {  	v30 =	vmov s22  }
0x2ae: {  	v28 =	vmul.f32 v29, v28;
	v29 =	vmul.u32 $0x28, v30;
	_ =	sdelay $0x1  }
0x2af: {  	v27 =	vadd.f32 v28, v27;
	v28 =	vbroadcast v29, $0x0;
	_ =	sdelay $0x1  }
0x2b0: {  	s24 =	rddreg [dreg:$0x11];
	[tilespmem:s23+$0x0] =	vst v27;
	v27 =	vadd.s32 v12, v28  }
0x2b1: {  	[hbm4b:s24+s16] =	stream.strided.scatter [tilespmem:s18], [sflag:$0x2], $0x2000, s17, s16, $0x38;
	[tilespmem:$0xDF40] =	vst v63  }
0x2b2: {  	_ =	swait.ge [sflag:s11], $0x2000  }
0x2b3: {  	[sflag:s11] =	ssyncset.done $0x0  }
0x2b4: {  	[sflag:s11] =	ssyncadd.s32 $0xFFFFE000  }
0x2b5: {  	v27 =	vld.idx.msk [tilespmem:v27+s2+$0x0], $0xffff;
	_ =	sdelay $0x1  }
0x2b6: {  	s25 =	simm.s32 $0x10  }
0x2b7: {  	v28 =	vmov s25  }
0x2b8: {  	v28 =	vmul.u32 $0x28, v28  }
0x2b9: {  	v27 =	vtrunc.f32 v27  }
0x2ba: {  	v28 =	vbroadcast v28, $0x0;
	v27 =	vcvt.f32.s32 v27;
	_ =	sdelay $0x1  }
0x2bb: {  	v29 =	vadd.s32 $0x10C8EB, v27;
	vm0 =	veq.s32 v27, $0x0;
	v27 =	vadd.s32 v12, v28  }
0x2bc: {  	s22 =	simm.s32 $0x5000  }
0x2bd: {  	s21 =	simm.s32 $0x5200;
	s23 =	simm.s32 $0x20;
	[tilespmem:s22+$0x0] =	vst v29;
	v28 =	vsel vm0, $0x0, v1  }
.LBB2_46:
0x2be: {  	s22 =	sadd.s32 $0x10, s22  }
0x2bf: {  	[tilespmem:s21+$0x0] =	vst v28;
	s21 =	sadd.s32 $0x10, s21;
	s24 =	smov.u32 s23;
	s25 =	sadd.s32 $0x10, s23  }
0x2c0: {  	p0 =	sne.s32 s23, $0x1F0;
	v27 =	vld.idx.msk [tilespmem:v27+s2+$0x0], $0xffff;
	_ =	sdelay $0x1  }
0x2c1: {  	v28 =	vmov s24  }
0x2c2: {  	v28 =	vmul.u32 $0x28, v28;
	_ =	sdelay $0x1  }
0x2c3: {  	v28 =	vbroadcast v28, $0x0  }
.Ltmp22:
0x2c4: {  	v29 =	vtrunc.f32 v27;
	(pc) =	sbr.rel @p0 .LBB2_46-.Ltmp22, $3  }
0x2c5: {  	v27 =	vadd.s32 v12, v28;
	v28 =	vcvt.f32.s32 v29;
	_ =	sdelay $0x1  }
0x2c6: {  	v29 =	vadd.s32 $0x10C8EB, v28;
	vm0 =	veq.s32 v28, $0x0  }
0x2c7: {  	s23 =	smov.u32 s25;
	v28 =	vsel vm0, $0x0, v1;
	[tilespmem:s22+$0x0] =	vst v29  }
0x2c8: {  	_ =	sdelay $0x2  }
0x2c9: {  	[tilespmem:s21+$0x0] =	vst v28  }
0x2ca: {  	v27 =	vld.idx.msk [tilespmem:v27+s2+$0x0], $0xffff;
	_ =	sdelay $0x4  }
0x2cb: {  	v27 =	vtrunc.f32 v27  }
0x2cc: {  	v27 =	vcvt.f32.s32 v27;
	_ =	sdelay $0x1  }
0x2cd: {  	s22 =	sadd.s32 $0x10, s22;
	v28 =	vadd.s32 $0x10C8EB, v27;
	vm0 =	veq.s32 v27, $0x0  }
0x2ce: {  	s23 =	sadd.s32 $0x10, s21;
	s24 =	simm.s32 $0x0;
	[tilespmem:s22+$0x0] =	vst v28;
	v27 =	vsel vm0, $0x0, v1  }
0x2cf: {  	s21 =	simm.s32 $0x5400;
	[tilespmem:s23+$0x0] =	vst v27;
	v27 =	vmov s24  }
0x2d0: {  	[tilespmem:s21], [sflag:$0x1] =	stream.indirect.gather [hbm4b:s3+s12], $0x10, s13, s12, $0xb8;
	[tilespmem:$0xDF40] =	vst v63  }
0x2d1: {  	_ =	swait.ge [sflag:s14], $0x2000  }
0x2d2: {  	[sflag:s14] =	ssyncset.done $0x0  }
0x2d3: {  	[sflag:s14] =	ssyncadd.s32 $0xFFFFE000  }
0x2d4: {  	v29 =	vld.idx.msk [tilespmem:v27+s15+$0x0], $0xffff  }
0x2d5: {  	v30 =	vld [tilespmem:s21+$0x0];
	_ =	sdelay $0x1  }
0x2d6: {  	v27 =	vld [tilespmem:$0x74B0];
	_ =	sdelay $0x1  }
0x2d7: {  	s25 =	simm.s32 $0x1  }
0x2d8: {  	v28 =	vmov s25;
	s22 =	simm.s32 $0x2;
	v29 =	vmul.f32 v30, v29  }
.LBB2_48:
0x2d9: {  	p0 =	sne.s32 s22, $0x1FF  }
0x2da: {  	v29 =	vadd.f32 v29, v27;
	_ =	sdelay $0x1  }
0x2db: {  	[tilespmem:s21+$0x0] =	vst v29  }
0x2dc: {  	s21 =	sadd.s32 $0x10, s21;
	v29 =	vld.idx.msk [tilespmem:v28+s15+$0x0], $0xffff  }
0x2dd: {  	v30 =	vld [tilespmem:s21+$0x0]  }
.Ltmp23:
0x2de: {  	(pc) =	sbr.rel @p0 .LBB2_48-.Ltmp23, $2  }
0x2df: {  	_ =	sdelay $0x2  }
0x2e0: {  	v28 =	vmov s22;
	s22 =	sadd.s32 $0x1, s22;
	v29 =	vmul.f32 v30, v29  }
0x2e1: {  	_ = 	snop  }
0x2e2: {  	v29 =	vadd.f32 v29, v27;
	_ =	sdelay $0x1  }
0x2e3: {  	[tilespmem:s21+$0x0] =	vst v29  }
0x2e4: {  	s23 =	sadd.s32 $0x10, s21;
	v28 =	vld.idx.msk [tilespmem:v28+s15+$0x0], $0xffff  }
0x2e5: {  	v29 =	vld [tilespmem:s23+$0x0];
	_ =	sdelay $0x2  }
0x2e6: {  	s22 =	simm.s32 $0x0  }
0x2e7: {  	v30 =	vmov s22  }
0x2e8: {  	v28 =	vmul.f32 v29, v28;
	v29 =	vmul.u32 $0x28, v30;
	_ =	sdelay $0x1  }
0x2e9: {  	v27 =	vadd.f32 v28, v27;
	v28 =	vbroadcast v29, $0x0;
	_ =	sdelay $0x1  }
0x2ea: {  	s24 =	rddreg [dreg:$0x12];
	[tilespmem:s23+$0x0] =	vst v27;
	v27 =	vadd.s32 v13, v28  }
0x2eb: {  	[hbm4b:s24+s16] =	stream.strided.scatter [tilespmem:s18], [sflag:$0x2], $0x2000, s17, s16, $0x38;
	[tilespmem:$0xDF40] =	vst v63  }
0x2ec: {  	_ =	swait.ge [sflag:s11], $0x2000  }
0x2ed: {  	[sflag:s11] =	ssyncset.done $0x0  }
0x2ee: {  	[sflag:s11] =	ssyncadd.s32 $0xFFFFE000  }
0x2ef: {  	v27 =	vld.idx.msk [tilespmem:v27+s2+$0x0], $0xffff;
	_ =	sdelay $0x1  }
0x2f0: {  	s25 =	simm.s32 $0x10  }
0x2f1: {  	v28 =	vmov s25  }
0x2f2: {  	v28 =	vmul.u32 $0x28, v28  }
0x2f3: {  	v27 =	vtrunc.f32 v27  }
0x2f4: {  	v28 =	vbroadcast v28, $0x0;
	v27 =	vcvt.f32.s32 v27;
	_ =	sdelay $0x1  }
0x2f5: {  	v29 =	vadd.s32 $0x124F8C, v27;
	vm0 =	veq.s32 v27, $0x0;
	v27 =	vadd.s32 v13, v28  }
0x2f6: {  	s22 =	simm.s32 $0x5000  }
0x2f7: {  	s21 =	simm.s32 $0x5200;
	s23 =	simm.s32 $0x20;
	[tilespmem:s22+$0x0] =	vst v29;
	v28 =	vsel vm0, $0x0, v1  }
.LBB2_50:
0x2f8: {  	s22 =	sadd.s32 $0x10, s22  }
0x2f9: {  	[tilespmem:s21+$0x0] =	vst v28;
	s21 =	sadd.s32 $0x10, s21;
	s24 =	smov.u32 s23;
	s25 =	sadd.s32 $0x10, s23  }
0x2fa: {  	p0 =	sne.s32 s23, $0x1F0;
	v27 =	vld.idx.msk [tilespmem:v27+s2+$0x0], $0xffff;
	_ =	sdelay $0x1  }
0x2fb: {  	v28 =	vmov s24  }
0x2fc: {  	v28 =	vmul.u32 $0x28, v28;
	_ =	sdelay $0x1  }
0x2fd: {  	v28 =	vbroadcast v28, $0x0  }
.Ltmp24:
0x2fe: {  	v29 =	vtrunc.f32 v27;
	(pc) =	sbr.rel @p0 .LBB2_50-.Ltmp24, $3  }
0x2ff: {  	v27 =	vadd.s32 v13, v28;
	v28 =	vcvt.f32.s32 v29;
	_ =	sdelay $0x1  }
0x300: {  	v29 =	vadd.s32 $0x124F8C, v28;
	vm0 =	veq.s32 v28, $0x0  }
0x301: {  	s23 =	smov.u32 s25;
	v28 =	vsel vm0, $0x0, v1;
	[tilespmem:s22+$0x0] =	vst v29  }
0x302: {  	_ =	sdelay $0x2  }
0x303: {  	[tilespmem:s21+$0x0] =	vst v28  }
0x304: {  	v27 =	vld.idx.msk [tilespmem:v27+s2+$0x0], $0xffff;
	_ =	sdelay $0x4  }
0x305: {  	v27 =	vtrunc.f32 v27  }
0x306: {  	v27 =	vcvt.f32.s32 v27;
	_ =	sdelay $0x1  }
0x307: {  	s22 =	sadd.s32 $0x10, s22;
	v28 =	vadd.s32 $0x124F8C, v27;
	vm0 =	veq.s32 v27, $0x0  }
0x308: {  	s23 =	sadd.s32 $0x10, s21;
	s24 =	simm.s32 $0x0;
	[tilespmem:s22+$0x0] =	vst v28;
	v27 =	vsel vm0, $0x0, v1  }
0x309: {  	s21 =	simm.s32 $0x5400;
	[tilespmem:s23+$0x0] =	vst v27;
	v27 =	vmov s24  }
0x30a: {  	[tilespmem:s21], [sflag:$0x1] =	stream.indirect.gather [hbm4b:s3+s12], $0x10, s13, s12, $0xb8;
	[tilespmem:$0xDF40] =	vst v63  }
0x30b: {  	_ =	swait.ge [sflag:s14], $0x2000  }
0x30c: {  	[sflag:s14] =	ssyncset.done $0x0  }
0x30d: {  	[sflag:s14] =	ssyncadd.s32 $0xFFFFE000  }
0x30e: {  	v29 =	vld.idx.msk [tilespmem:v27+s15+$0x0], $0xffff  }
0x30f: {  	v30 =	vld [tilespmem:s21+$0x0];
	_ =	sdelay $0x1  }
0x310: {  	v27 =	vld [tilespmem:$0x74C0];
	_ =	sdelay $0x1  }
0x311: {  	s25 =	simm.s32 $0x1  }
0x312: {  	v28 =	vmov s25;
	s22 =	simm.s32 $0x2;
	v29 =	vmul.f32 v30, v29  }
.LBB2_52:
0x313: {  	p0 =	sne.s32 s22, $0x1FF  }
0x314: {  	v29 =	vadd.f32 v29, v27;
	_ =	sdelay $0x1  }
0x315: {  	[tilespmem:s21+$0x0] =	vst v29  }
0x316: {  	s21 =	sadd.s32 $0x10, s21;
	v29 =	vld.idx.msk [tilespmem:v28+s15+$0x0], $0xffff  }
0x317: {  	v30 =	vld [tilespmem:s21+$0x0]  }
.Ltmp25:
0x318: {  	(pc) =	sbr.rel @p0 .LBB2_52-.Ltmp25, $2  }
0x319: {  	_ =	sdelay $0x2  }
0x31a: {  	v28 =	vmov s22;
	s22 =	sadd.s32 $0x1, s22;
	v29 =	vmul.f32 v30, v29  }
0x31b: {  	_ = 	snop  }
0x31c: {  	v29 =	vadd.f32 v29, v27;
	_ =	sdelay $0x1  }
0x31d: {  	[tilespmem:s21+$0x0] =	vst v29  }
0x31e: {  	s23 =	sadd.s32 $0x10, s21;
	v28 =	vld.idx.msk [tilespmem:v28+s15+$0x0], $0xffff  }
0x31f: {  	v29 =	vld [tilespmem:s23+$0x0];
	_ =	sdelay $0x2  }
0x320: {  	s22 =	simm.s32 $0x0  }
0x321: {  	v30 =	vmov s22  }
0x322: {  	v28 =	vmul.f32 v29, v28;
	v29 =	vmul.u32 $0x28, v30;
	_ =	sdelay $0x1  }
0x323: {  	v27 =	vadd.f32 v28, v27;
	v28 =	vbroadcast v29, $0x0;
	_ =	sdelay $0x1  }
0x324: {  	s24 =	rddreg [dreg:$0x13];
	[tilespmem:s23+$0x0] =	vst v27;
	v27 =	vadd.s32 v14, v28  }
0x325: {  	[hbm4b:s24+s16] =	stream.strided.scatter [tilespmem:s18], [sflag:$0x2], $0x2000, s17, s16, $0x38;
	[tilespmem:$0xDF40] =	vst v63  }
0x326: {  	_ =	swait.ge [sflag:s11], $0x2000  }
0x327: {  	[sflag:s11] =	ssyncset.done $0x0  }
0x328: {  	[sflag:s11] =	ssyncadd.s32 $0xFFFFE000  }
0x329: {  	v27 =	vld.idx.msk [tilespmem:v27+s2+$0x0], $0xffff;
	_ =	sdelay $0x1  }
0x32a: {  	s25 =	simm.s32 $0x10  }
0x32b: {  	v28 =	vmov s25  }
0x32c: {  	v28 =	vmul.u32 $0x28, v28  }
0x32d: {  	v27 =	vtrunc.f32 v27  }
0x32e: {  	v28 =	vbroadcast v28, $0x0;
	v27 =	vcvt.f32.s32 v27;
	_ =	sdelay $0x1  }
0x32f: {  	v29 =	vadd.s32 $0x13D62D, v27;
	vm0 =	veq.s32 v27, $0x0;
	v27 =	vadd.s32 v14, v28  }
0x330: {  	s22 =	simm.s32 $0x5000  }
0x331: {  	s21 =	simm.s32 $0x5200;
	s23 =	simm.s32 $0x20;
	[tilespmem:s22+$0x0] =	vst v29;
	v28 =	vsel vm0, $0x0, v1  }
.LBB2_54:
0x332: {  	s22 =	sadd.s32 $0x10, s22  }
0x333: {  	[tilespmem:s21+$0x0] =	vst v28;
	s21 =	sadd.s32 $0x10, s21;
	s24 =	smov.u32 s23;
	s25 =	sadd.s32 $0x10, s23  }
0x334: {  	p0 =	sne.s32 s23, $0x1F0;
	v27 =	vld.idx.msk [tilespmem:v27+s2+$0x0], $0xffff;
	_ =	sdelay $0x1  }
0x335: {  	v28 =	vmov s24  }
0x336: {  	v28 =	vmul.u32 $0x28, v28;
	_ =	sdelay $0x1  }
0x337: {  	v28 =	vbroadcast v28, $0x0  }
.Ltmp26:
0x338: {  	v29 =	vtrunc.f32 v27;
	(pc) =	sbr.rel @p0 .LBB2_54-.Ltmp26, $3  }
0x339: {  	v27 =	vadd.s32 v14, v28;
	v28 =	vcvt.f32.s32 v29;
	_ =	sdelay $0x1  }
0x33a: {  	v29 =	vadd.s32 $0x13D62D, v28;
	vm0 =	veq.s32 v28, $0x0  }
0x33b: {  	s23 =	smov.u32 s25;
	v28 =	vsel vm0, $0x0, v1;
	[tilespmem:s22+$0x0] =	vst v29  }
0x33c: {  	_ =	sdelay $0x2  }
0x33d: {  	[tilespmem:s21+$0x0] =	vst v28  }
0x33e: {  	v27 =	vld.idx.msk [tilespmem:v27+s2+$0x0], $0xffff;
	_ =	sdelay $0x4  }
0x33f: {  	v27 =	vtrunc.f32 v27  }
0x340: {  	v27 =	vcvt.f32.s32 v27;
	_ =	sdelay $0x1  }
0x341: {  	s22 =	sadd.s32 $0x10, s22;
	v28 =	vadd.s32 $0x13D62D, v27;
	vm0 =	veq.s32 v27, $0x0  }
0x342: {  	s23 =	sadd.s32 $0x10, s21;
	s24 =	simm.s32 $0x0;
	[tilespmem:s22+$0x0] =	vst v28;
	v27 =	vsel vm0, $0x0, v1  }
0x343: {  	s21 =	simm.s32 $0x5400;
	[tilespmem:s23+$0x0] =	vst v27;
	v27 =	vmov s24  }
0x344: {  	[tilespmem:s21], [sflag:$0x1] =	stream.indirect.gather [hbm4b:s3+s12], $0x10, s13, s12, $0xb8;
	[tilespmem:$0xDF40] =	vst v63  }
0x345: {  	_ =	swait.ge [sflag:s14], $0x2000  }
0x346: {  	[sflag:s14] =	ssyncset.done $0x0  }
0x347: {  	[sflag:s14] =	ssyncadd.s32 $0xFFFFE000  }
0x348: {  	v29 =	vld.idx.msk [tilespmem:v27+s15+$0x0], $0xffff  }
0x349: {  	v30 =	vld [tilespmem:s21+$0x0];
	_ =	sdelay $0x1  }
0x34a: {  	v27 =	vld [tilespmem:$0x74D0];
	_ =	sdelay $0x1  }
0x34b: {  	s25 =	simm.s32 $0x1  }
0x34c: {  	v28 =	vmov s25;
	s22 =	simm.s32 $0x2;
	v29 =	vmul.f32 v30, v29  }
.LBB2_56:
0x34d: {  	p0 =	sne.s32 s22, $0x1FF  }
0x34e: {  	v29 =	vadd.f32 v29, v27;
	_ =	sdelay $0x1  }
0x34f: {  	[tilespmem:s21+$0x0] =	vst v29  }
0x350: {  	s21 =	sadd.s32 $0x10, s21;
	v29 =	vld.idx.msk [tilespmem:v28+s15+$0x0], $0xffff  }
0x351: {  	v30 =	vld [tilespmem:s21+$0x0]  }
.Ltmp27:
0x352: {  	(pc) =	sbr.rel @p0 .LBB2_56-.Ltmp27, $2  }
0x353: {  	_ =	sdelay $0x2  }
0x354: {  	v28 =	vmov s22;
	s22 =	sadd.s32 $0x1, s22;
	v29 =	vmul.f32 v30, v29  }
0x355: {  	_ = 	snop  }
0x356: {  	v29 =	vadd.f32 v29, v27;
	_ =	sdelay $0x1  }
0x357: {  	[tilespmem:s21+$0x0] =	vst v29  }
0x358: {  	s24 =	sadd.s32 $0x10, s21;
	v28 =	vld.idx.msk [tilespmem:v28+s15+$0x0], $0xffff  }
0x359: {  	v29 =	vld [tilespmem:s24+$0x0];
	_ =	sdelay $0x2  }
0x35a: {  	s22 =	simm.s32 $0x0  }
0x35b: {  	v30 =	vmov s22  }
0x35c: {  	v28 =	vmul.f32 v29, v28;
	v29 =	vmul.u32 $0x28, v30;
	_ =	sdelay $0x1  }
0x35d: {  	v27 =	vadd.f32 v28, v27;
	v28 =	vbroadcast v29, $0x0;
	_ =	sdelay $0x1  }
0x35e: {  	[tilespmem:s24+$0x0] =	vst v27;
	v27 =	vadd.s32 v15, v28  }
0x35f: {  	[hbm4b:s26+s16] =	stream.strided.scatter [tilespmem:s18], [sflag:$0x2], $0x2000, s17, s16, $0x38;
	[tilespmem:$0xDF40] =	vst v63  }
0x360: {  	_ =	swait.ge [sflag:s11], $0x2000  }
0x361: {  	[sflag:s11] =	ssyncset.done $0x0  }
0x362: {  	[sflag:s11] =	ssyncadd.s32 $0xFFFFE000  }
0x363: {  	v27 =	vld.idx.msk [tilespmem:v27+s2+$0x0], $0xffff;
	_ =	sdelay $0x1  }
0x364: {  	s25 =	simm.s32 $0x10  }
0x365: {  	v28 =	vmov s25  }
0x366: {  	v28 =	vmul.u32 $0x28, v28  }
0x367: {  	v27 =	vtrunc.f32 v27  }
0x368: {  	v28 =	vbroadcast v28, $0x0;
	v27 =	vcvt.f32.s32 v27;
	_ =	sdelay $0x1  }
0x369: {  	v29 =	vadd.s32 $0x155CCE, v27;
	vm0 =	veq.s32 v27, $0x0;
	v27 =	vadd.s32 v15, v28  }
0x36a: {  	s22 =	simm.s32 $0x5000  }
0x36b: {  	s23 =	simm.s32 $0x20;
	s21 =	simm.s32 $0x5200;
	[tilespmem:s22+$0x0] =	vst v29;
	v28 =	vsel vm0, $0x0, v1  }
.LBB2_58:
0x36c: {  	s22 =	sadd.s32 $0x10, s22  }
0x36d: {  	[tilespmem:s21+$0x0] =	vst v28;
	s21 =	sadd.s32 $0x10, s21;
	s24 =	smov.u32 s23;
	s25 =	sadd.s32 $0x10, s23  }
0x36e: {  	p0 =	sne.s32 s23, $0x1F0;
	v27 =	vld.idx.msk [tilespmem:v27+s2+$0x0], $0xffff;
	_ =	sdelay $0x1  }
0x36f: {  	v28 =	vmov s24  }
0x370: {  	v28 =	vmul.u32 $0x28, v28;
	_ =	sdelay $0x1  }
0x371: {  	v28 =	vbroadcast v28, $0x0  }
.Ltmp28:
0x372: {  	v29 =	vtrunc.f32 v27;
	(pc) =	sbr.rel @p0 .LBB2_58-.Ltmp28, $3  }
0x373: {  	v27 =	vadd.s32 v15, v28;
	v28 =	vcvt.f32.s32 v29;
	_ =	sdelay $0x1  }
0x374: {  	v29 =	vadd.s32 $0x155CCE, v28;
	vm0 =	veq.s32 v28, $0x0  }
0x375: {  	s23 =	smov.u32 s25;
	v28 =	vsel vm0, $0x0, v1;
	[tilespmem:s22+$0x0] =	vst v29  }
0x376: {  	_ =	sdelay $0x2  }
0x377: {  	[tilespmem:s21+$0x0] =	vst v28  }
0x378: {  	v27 =	vld.idx.msk [tilespmem:v27+s2+$0x0], $0xffff;
	_ =	sdelay $0x4  }
0x379: {  	v27 =	vtrunc.f32 v27  }
0x37a: {  	v27 =	vcvt.f32.s32 v27;
	_ =	sdelay $0x1  }
0x37b: {  	s22 =	sadd.s32 $0x10, s22;
	v28 =	vadd.s32 $0x155CCE, v27;
	vm0 =	veq.s32 v27, $0x0  }
0x37c: {  	s23 =	sadd.s32 $0x10, s21;
	s24 =	simm.s32 $0x0;
	[tilespmem:s22+$0x0] =	vst v28;
	v27 =	vsel vm0, $0x0, v1  }
0x37d: {  	s21 =	simm.s32 $0x5400;
	[tilespmem:s23+$0x0] =	vst v27;
	v27 =	vmov s24  }
0x37e: {  	[tilespmem:s21], [sflag:$0x1] =	stream.indirect.gather [hbm4b:s3+s12], $0x10, s13, s12, $0xb8;
	[tilespmem:$0xDF40] =	vst v63  }
0x37f: {  	_ =	swait.ge [sflag:s14], $0x2000  }
0x380: {  	[sflag:s14] =	ssyncset.done $0x0  }
0x381: {  	[sflag:s14] =	ssyncadd.s32 $0xFFFFE000  }
0x382: {  	v29 =	vld.idx.msk [tilespmem:v27+s15+$0x0], $0xffff  }
0x383: {  	v30 =	vld [tilespmem:s21+$0x0];
	_ =	sdelay $0x1  }
0x384: {  	v27 =	vld [tilespmem:$0x74E0];
	_ =	sdelay $0x1  }
0x385: {  	s25 =	simm.s32 $0x1  }
0x386: {  	v28 =	vmov s25;
	s22 =	simm.s32 $0x2;
	v29 =	vmul.f32 v30, v29  }
.LBB2_60:
0x387: {  	p0 =	sne.s32 s22, $0x1FF  }
0x388: {  	v29 =	vadd.f32 v29, v27;
	_ =	sdelay $0x1  }
0x389: {  	[tilespmem:s21+$0x0] =	vst v29  }
0x38a: {  	s21 =	sadd.s32 $0x10, s21;
	v29 =	vld.idx.msk [tilespmem:v28+s15+$0x0], $0xffff  }
0x38b: {  	v30 =	vld [tilespmem:s21+$0x0]  }
.Ltmp29:
0x38c: {  	(pc) =	sbr.rel @p0 .LBB2_60-.Ltmp29, $2  }
0x38d: {  	_ =	sdelay $0x2  }
0x38e: {  	v28 =	vmov s22;
	s22 =	sadd.s32 $0x1, s22;
	v29 =	vmul.f32 v30, v29  }
0x38f: {  	_ = 	snop  }
0x390: {  	v29 =	vadd.f32 v29, v27;
	_ =	sdelay $0x1  }
0x391: {  	[tilespmem:s21+$0x0] =	vst v29  }
0x392: {  	s24 =	sadd.s32 $0x10, s21;
	v28 =	vld.idx.msk [tilespmem:v28+s15+$0x0], $0xffff  }
0x393: {  	v29 =	vld [tilespmem:s24+$0x0];
	_ =	sdelay $0x2  }
0x394: {  	s22 =	simm.s32 $0x0  }
0x395: {  	v30 =	vmov s22  }
0x396: {  	v28 =	vmul.f32 v29, v28;
	v29 =	vmul.u32 $0x28, v30;
	_ =	sdelay $0x1  }
0x397: {  	v27 =	vadd.f32 v28, v27;
	v28 =	vbroadcast v29, $0x0;
	_ =	sdelay $0x1  }
0x398: {  	[tilespmem:s24+$0x0] =	vst v27;
	v27 =	vadd.s32 v16, v28  }
0x399: {  	[hbm4b:s28+s16] =	stream.strided.scatter [tilespmem:s18], [sflag:$0x2], $0x2000, s17, s16, $0x38;
	[tilespmem:$0xDF40] =	vst v63  }
0x39a: {  	_ =	swait.ge [sflag:s11], $0x2000  }
0x39b: {  	[sflag:s11] =	ssyncset.done $0x0  }
0x39c: {  	[sflag:s11] =	ssyncadd.s32 $0xFFFFE000  }
0x39d: {  	v27 =	vld.idx.msk [tilespmem:v27+s2+$0x0], $0xffff;
	_ =	sdelay $0x1  }
0x39e: {  	s25 =	simm.s32 $0x10  }
0x39f: {  	v28 =	vmov s25  }
0x3a0: {  	v28 =	vmul.u32 $0x28, v28  }
0x3a1: {  	v27 =	vtrunc.f32 v27  }
0x3a2: {  	v28 =	vbroadcast v28, $0x0;
	v27 =	vcvt.f32.s32 v27;
	_ =	sdelay $0x1  }
0x3a3: {  	v29 =	vadd.s32 $0x16E36F, v27;
	vm0 =	veq.s32 v27, $0x0;
	v27 =	vadd.s32 v16, v28  }
0x3a4: {  	s22 =	simm.s32 $0x5000  }
0x3a5: {  	s23 =	simm.s32 $0x20;
	s21 =	simm.s32 $0x5200;
	[tilespmem:s22+$0x0] =	vst v29;
	v28 =	vsel vm0, $0x0, v1  }
.LBB2_62:
0x3a6: {  	s22 =	sadd.s32 $0x10, s22  }
0x3a7: {  	[tilespmem:s21+$0x0] =	vst v28;
	s21 =	sadd.s32 $0x10, s21;
	s24 =	smov.u32 s23;
	s25 =	sadd.s32 $0x10, s23  }
0x3a8: {  	p0 =	sne.s32 s23, $0x1F0;
	v27 =	vld.idx.msk [tilespmem:v27+s2+$0x0], $0xffff;
	_ =	sdelay $0x1  }
0x3a9: {  	v28 =	vmov s24  }
0x3aa: {  	v28 =	vmul.u32 $0x28, v28;
	_ =	sdelay $0x1  }
0x3ab: {  	v28 =	vbroadcast v28, $0x0  }
.Ltmp30:
0x3ac: {  	v29 =	vtrunc.f32 v27;
	(pc) =	sbr.rel @p0 .LBB2_62-.Ltmp30, $3  }
0x3ad: {  	v27 =	vadd.s32 v16, v28;
	v28 =	vcvt.f32.s32 v29;
	_ =	sdelay $0x1  }
0x3ae: {  	v29 =	vadd.s32 $0x16E36F, v28;
	vm0 =	veq.s32 v28, $0x0  }
0x3af: {  	s23 =	smov.u32 s25;
	v28 =	vsel vm0, $0x0, v1;
	[tilespmem:s22+$0x0] =	vst v29  }
0x3b0: {  	_ =	sdelay $0x2  }
0x3b1: {  	[tilespmem:s21+$0x0] =	vst v28  }
0x3b2: {  	v27 =	vld.idx.msk [tilespmem:v27+s2+$0x0], $0xffff;
	_ =	sdelay $0x4  }
0x3b3: {  	v27 =	vtrunc.f32 v27  }
0x3b4: {  	v27 =	vcvt.f32.s32 v27;
	_ =	sdelay $0x1  }
0x3b5: {  	s22 =	sadd.s32 $0x10, s22;
	v28 =	vadd.s32 $0x16E36F, v27;
	vm0 =	veq.s32 v27, $0x0  }
0x3b6: {  	s23 =	sadd.s32 $0x10, s21;
	s24 =	simm.s32 $0x0;
	[tilespmem:s22+$0x0] =	vst v28;
	v27 =	vsel vm0, $0x0, v1  }
0x3b7: {  	s21 =	simm.s32 $0x5400;
	[tilespmem:s23+$0x0] =	vst v27;
	v27 =	vmov s24  }
0x3b8: {  	[tilespmem:s21], [sflag:$0x1] =	stream.indirect.gather [hbm4b:s3+s12], $0x10, s13, s12, $0xb8;
	[tilespmem:$0xDF40] =	vst v63  }
0x3b9: {  	_ =	swait.ge [sflag:s14], $0x2000  }
0x3ba: {  	[sflag:s14] =	ssyncset.done $0x0  }
0x3bb: {  	[sflag:s14] =	ssyncadd.s32 $0xFFFFE000  }
0x3bc: {  	v29 =	vld.idx.msk [tilespmem:v27+s15+$0x0], $0xffff  }
0x3bd: {  	v30 =	vld [tilespmem:s21+$0x0];
	_ =	sdelay $0x1  }
0x3be: {  	v27 =	vld [tilespmem:$0x74F0];
	_ =	sdelay $0x1  }
0x3bf: {  	s25 =	simm.s32 $0x1  }
0x3c0: {  	v28 =	vmov s25;
	s22 =	simm.s32 $0x2;
	v29 =	vmul.f32 v30, v29  }
.LBB2_64:
0x3c1: {  	p0 =	sne.s32 s22, $0x1FF  }
0x3c2: {  	v29 =	vadd.f32 v29, v27;
	_ =	sdelay $0x1  }
0x3c3: {  	[tilespmem:s21+$0x0] =	vst v29  }
0x3c4: {  	s21 =	sadd.s32 $0x10, s21;
	v29 =	vld.idx.msk [tilespmem:v28+s15+$0x0], $0xffff  }
0x3c5: {  	v30 =	vld [tilespmem:s21+$0x0]  }
.Ltmp31:
0x3c6: {  	(pc) =	sbr.rel @p0 .LBB2_64-.Ltmp31, $2  }
0x3c7: {  	_ =	sdelay $0x2  }
0x3c8: {  	v28 =	vmov s22;
	s22 =	sadd.s32 $0x1, s22;
	v29 =	vmul.f32 v30, v29  }
0x3c9: {  	_ = 	snop  }
0x3ca: {  	v29 =	vadd.f32 v29, v27;
	_ =	sdelay $0x1  }
0x3cb: {  	[tilespmem:s21+$0x0] =	vst v29  }
0x3cc: {  	s24 =	sadd.s32 $0x10, s21;
	v28 =	vld.idx.msk [tilespmem:v28+s15+$0x0], $0xffff  }
0x3cd: {  	v29 =	vld [tilespmem:s24+$0x0];
	_ =	sdelay $0x2  }
0x3ce: {  	s22 =	simm.s32 $0x0  }
0x3cf: {  	v30 =	vmov s22  }
0x3d0: {  	v28 =	vmul.f32 v29, v28;
	v29 =	vmul.u32 $0x28, v30;
	_ =	sdelay $0x1  }
0x3d1: {  	v27 =	vadd.f32 v28, v27;
	v28 =	vbroadcast v29, $0x0;
	_ =	sdelay $0x1  }
0x3d2: {  	[tilespmem:s24+$0x0] =	vst v27;
	v27 =	vadd.s32 v17, v28  }
0x3d3: {  	[hbm4b:s29+s16] =	stream.strided.scatter [tilespmem:s18], [sflag:$0x2], $0x2000, s17, s16, $0x38;
	[tilespmem:$0xDF40] =	vst v63  }
0x3d4: {  	_ =	swait.ge [sflag:s11], $0x2000  }
0x3d5: {  	[sflag:s11] =	ssyncset.done $0x0  }
0x3d6: {  	[sflag:s11] =	ssyncadd.s32 $0xFFFFE000  }
0x3d7: {  	v27 =	vld.idx.msk [tilespmem:v27+s2+$0x0], $0xffff;
	_ =	sdelay $0x1  }
0x3d8: {  	s25 =	simm.s32 $0x10  }
0x3d9: {  	v28 =	vmov s25  }
0x3da: {  	v28 =	vmul.u32 $0x28, v28  }
0x3db: {  	v27 =	vtrunc.f32 v27  }
0x3dc: {  	v28 =	vbroadcast v28, $0x0;
	v27 =	vcvt.f32.s32 v27;
	_ =	sdelay $0x1  }
0x3dd: {  	v29 =	vadd.s32 $0x186A10, v27;
	vm0 =	veq.s32 v27, $0x0;
	v27 =	vadd.s32 v17, v28  }
0x3de: {  	s22 =	simm.s32 $0x5000  }
0x3df: {  	s23 =	simm.s32 $0x20;
	s21 =	simm.s32 $0x5200;
	[tilespmem:s22+$0x0] =	vst v29;
	v28 =	vsel vm0, $0x0, v1  }
.LBB2_66:
0x3e0: {  	s22 =	sadd.s32 $0x10, s22  }
0x3e1: {  	[tilespmem:s21+$0x0] =	vst v28;
	s21 =	sadd.s32 $0x10, s21;
	s24 =	smov.u32 s23;
	s25 =	sadd.s32 $0x10, s23  }
0x3e2: {  	p0 =	sne.s32 s23, $0x1F0;
	v27 =	vld.idx.msk [tilespmem:v27+s2+$0x0], $0xffff;
	_ =	sdelay $0x1  }
0x3e3: {  	v28 =	vmov s24  }
0x3e4: {  	v28 =	vmul.u32 $0x28, v28;
	_ =	sdelay $0x1  }
0x3e5: {  	v28 =	vbroadcast v28, $0x0  }
.Ltmp32:
0x3e6: {  	v29 =	vtrunc.f32 v27;
	(pc) =	sbr.rel @p0 .LBB2_66-.Ltmp32, $3  }
0x3e7: {  	v27 =	vadd.s32 v17, v28;
	v28 =	vcvt.f32.s32 v29;
	_ =	sdelay $0x1  }
0x3e8: {  	v29 =	vadd.s32 $0x186A10, v28;
	vm0 =	veq.s32 v28, $0x0  }
0x3e9: {  	s23 =	smov.u32 s25;
	v28 =	vsel vm0, $0x0, v1;
	[tilespmem:s22+$0x0] =	vst v29  }
0x3ea: {  	_ =	sdelay $0x2  }
0x3eb: {  	[tilespmem:s21+$0x0] =	vst v28  }
0x3ec: {  	v27 =	vld.idx.msk [tilespmem:v27+s2+$0x0], $0xffff;
	_ =	sdelay $0x4  }
0x3ed: {  	v27 =	vtrunc.f32 v27  }
0x3ee: {  	v27 =	vcvt.f32.s32 v27;
	_ =	sdelay $0x1  }
0x3ef: {  	s22 =	sadd.s32 $0x10, s22;
	v28 =	vadd.s32 $0x186A10, v27;
	vm0 =	veq.s32 v27, $0x0  }
0x3f0: {  	s23 =	sadd.s32 $0x10, s21;
	s24 =	simm.s32 $0x0;
	[tilespmem:s22+$0x0] =	vst v28;
	v27 =	vsel vm0, $0x0, v1  }
0x3f1: {  	s21 =	simm.s32 $0x5400;
	[tilespmem:s23+$0x0] =	vst v27;
	v27 =	vmov s24  }
0x3f2: {  	[tilespmem:s21], [sflag:$0x1] =	stream.indirect.gather [hbm4b:s3+s12], $0x10, s13, s12, $0xb8;
	[tilespmem:$0xDF40] =	vst v63  }
0x3f3: {  	_ =	swait.ge [sflag:s14], $0x2000  }
0x3f4: {  	[sflag:s14] =	ssyncset.done $0x0  }
0x3f5: {  	[sflag:s14] =	ssyncadd.s32 $0xFFFFE000  }
0x3f6: {  	v29 =	vld.idx.msk [tilespmem:v27+s15+$0x0], $0xffff  }
0x3f7: {  	v30 =	vld [tilespmem:s21+$0x0];
	_ =	sdelay $0x1  }
0x3f8: {  	v27 =	vld [tilespmem:$0x7500];
	_ =	sdelay $0x1  }
0x3f9: {  	s25 =	simm.s32 $0x1  }
0x3fa: {  	v28 =	vmov s25;
	s22 =	simm.s32 $0x2;
	v29 =	vmul.f32 v30, v29  }
.LBB2_68:
0x3fb: {  	p0 =	sne.s32 s22, $0x1FF  }
0x3fc: {  	v29 =	vadd.f32 v29, v27;
	_ =	sdelay $0x1  }
0x3fd: {  	[tilespmem:s21+$0x0] =	vst v29  }
0x3fe: {  	s21 =	sadd.s32 $0x10, s21;
	v29 =	vld.idx.msk [tilespmem:v28+s15+$0x0], $0xffff  }
0x3ff: {  	v30 =	vld [tilespmem:s21+$0x0]  }
.Ltmp33:
0x400: {  	(pc) =	sbr.rel @p0 .LBB2_68-.Ltmp33, $2  }
0x401: {  	_ =	sdelay $0x2  }
0x402: {  	v28 =	vmov s22;
	s22 =	sadd.s32 $0x1, s22;
	v29 =	vmul.f32 v30, v29  }
0x403: {  	_ = 	snop  }
0x404: {  	v29 =	vadd.f32 v29, v27;
	_ =	sdelay $0x1  }
0x405: {  	[tilespmem:s21+$0x0] =	vst v29  }
0x406: {  	s24 =	sadd.s32 $0x10, s21;
	v28 =	vld.idx.msk [tilespmem:v28+s15+$0x0], $0xffff  }
0x407: {  	v29 =	vld [tilespmem:s24+$0x0];
	_ =	sdelay $0x2  }
0x408: {  	s22 =	simm.s32 $0x0  }
0x409: {  	v30 =	vmov s22  }
0x40a: {  	v28 =	vmul.f32 v29, v28;
	v29 =	vmul.u32 $0x28, v30;
	_ =	sdelay $0x1  }
0x40b: {  	v27 =	vadd.f32 v28, v27;
	v28 =	vbroadcast v29, $0x0;
	_ =	sdelay $0x1  }
0x40c: {  	[tilespmem:s24+$0x0] =	vst v27;
	v27 =	vadd.s32 v18, v28  }
0x40d: {  	[hbm4b:s30+s16] =	stream.strided.scatter [tilespmem:s18], [sflag:$0x2], $0x2000, s17, s16, $0x38;
	[tilespmem:$0xDF40] =	vst v63  }
0x40e: {  	_ =	swait.ge [sflag:s11], $0x2000  }
0x40f: {  	[sflag:s11] =	ssyncset.done $0x0  }
0x410: {  	[sflag:s11] =	ssyncadd.s32 $0xFFFFE000  }
0x411: {  	v27 =	vld.idx.msk [tilespmem:v27+s2+$0x0], $0xffff;
	_ =	sdelay $0x1  }
0x412: {  	s25 =	simm.s32 $0x10  }
0x413: {  	v28 =	vmov s25  }
0x414: {  	v28 =	vmul.u32 $0x28, v28  }
0x415: {  	v27 =	vtrunc.f32 v27  }
0x416: {  	v28 =	vbroadcast v28, $0x0;
	v27 =	vcvt.f32.s32 v27;
	_ =	sdelay $0x1  }
0x417: {  	v29 =	vadd.s32 $0x19F0B1, v27;
	vm0 =	veq.s32 v27, $0x0;
	v27 =	vadd.s32 v18, v28  }
0x418: {  	s22 =	simm.s32 $0x5000  }
0x419: {  	s23 =	simm.s32 $0x20;
	s21 =	simm.s32 $0x5200;
	[tilespmem:s22+$0x0] =	vst v29;
	v28 =	vsel vm0, $0x0, v1  }
.LBB2_70:
0x41a: {  	s22 =	sadd.s32 $0x10, s22  }
0x41b: {  	[tilespmem:s21+$0x0] =	vst v28;
	s21 =	sadd.s32 $0x10, s21;
	s24 =	smov.u32 s23;
	s25 =	sadd.s32 $0x10, s23  }
0x41c: {  	p0 =	sne.s32 s23, $0x1F0;
	v27 =	vld.idx.msk [tilespmem:v27+s2+$0x0], $0xffff;
	_ =	sdelay $0x1  }
0x41d: {  	v28 =	vmov s24  }
0x41e: {  	v28 =	vmul.u32 $0x28, v28;
	_ =	sdelay $0x1  }
0x41f: {  	v28 =	vbroadcast v28, $0x0  }
.Ltmp34:
0x420: {  	v29 =	vtrunc.f32 v27;
	(pc) =	sbr.rel @p0 .LBB2_70-.Ltmp34, $3  }
0x421: {  	v27 =	vadd.s32 v18, v28;
	v28 =	vcvt.f32.s32 v29;
	_ =	sdelay $0x1  }
0x422: {  	v29 =	vadd.s32 $0x19F0B1, v28;
	vm0 =	veq.s32 v28, $0x0  }
0x423: {  	s23 =	smov.u32 s25;
	v28 =	vsel vm0, $0x0, v1;
	[tilespmem:s22+$0x0] =	vst v29  }
0x424: {  	_ =	sdelay $0x2  }
0x425: {  	[tilespmem:s21+$0x0] =	vst v28  }
0x426: {  	v27 =	vld.idx.msk [tilespmem:v27+s2+$0x0], $0xffff;
	_ =	sdelay $0x4  }
0x427: {  	v27 =	vtrunc.f32 v27  }
0x428: {  	v27 =	vcvt.f32.s32 v27;
	_ =	sdelay $0x1  }
0x429: {  	s22 =	sadd.s32 $0x10, s22;
	v28 =	vadd.s32 $0x19F0B1, v27;
	vm0 =	veq.s32 v27, $0x0  }
0x42a: {  	s23 =	sadd.s32 $0x10, s21;
	s24 =	simm.s32 $0x0;
	[tilespmem:s22+$0x0] =	vst v28;
	v27 =	vsel vm0, $0x0, v1  }
0x42b: {  	s21 =	simm.s32 $0x5400;
	[tilespmem:s23+$0x0] =	vst v27;
	v27 =	vmov s24  }
0x42c: {  	[tilespmem:s21], [sflag:$0x1] =	stream.indirect.gather [hbm4b:s3+s12], $0x10, s13, s12, $0xb8;
	[tilespmem:$0xDF40] =	vst v63  }
0x42d: {  	_ =	swait.ge [sflag:s14], $0x2000  }
0x42e: {  	[sflag:s14] =	ssyncset.done $0x0  }
0x42f: {  	[sflag:s14] =	ssyncadd.s32 $0xFFFFE000  }
0x430: {  	v29 =	vld.idx.msk [tilespmem:v27+s15+$0x0], $0xffff  }
0x431: {  	v30 =	vld [tilespmem:s21+$0x0];
	_ =	sdelay $0x1  }
0x432: {  	v27 =	vld [tilespmem:$0x7510];
	_ =	sdelay $0x1  }
0x433: {  	s25 =	simm.s32 $0x1  }
0x434: {  	v28 =	vmov s25;
	s22 =	simm.s32 $0x2;
	v29 =	vmul.f32 v30, v29  }
.LBB2_72:
0x435: {  	p0 =	sne.s32 s22, $0x1FF  }
0x436: {  	v29 =	vadd.f32 v29, v27;
	_ =	sdelay $0x1  }
0x437: {  	[tilespmem:s21+$0x0] =	vst v29  }
0x438: {  	s21 =	sadd.s32 $0x10, s21;
	v29 =	vld.idx.msk [tilespmem:v28+s15+$0x0], $0xffff  }
0x439: {  	v30 =	vld [tilespmem:s21+$0x0]  }
.Ltmp35:
0x43a: {  	(pc) =	sbr.rel @p0 .LBB2_72-.Ltmp35, $2  }
0x43b: {  	_ =	sdelay $0x2  }
0x43c: {  	v28 =	vmov s22;
	s22 =	sadd.s32 $0x1, s22;
	v29 =	vmul.f32 v30, v29  }
0x43d: {  	_ = 	snop  }
0x43e: {  	v29 =	vadd.f32 v29, v27;
	_ =	sdelay $0x1  }
0x43f: {  	[tilespmem:s21+$0x0] =	vst v29  }
0x440: {  	s24 =	sadd.s32 $0x10, s21;
	v28 =	vld.idx.msk [tilespmem:v28+s15+$0x0], $0xffff  }
0x441: {  	v29 =	vld [tilespmem:s24+$0x0];
	_ =	sdelay $0x2  }
0x442: {  	s22 =	simm.s32 $0x0  }
0x443: {  	v30 =	vmov s22  }
0x444: {  	v28 =	vmul.f32 v29, v28;
	v29 =	vmul.u32 $0x28, v30;
	_ =	sdelay $0x1  }
0x445: {  	v27 =	vadd.f32 v28, v27;
	v28 =	vbroadcast v29, $0x0;
	_ =	sdelay $0x1  }
0x446: {  	[tilespmem:s24+$0x0] =	vst v27;
	v27 =	vadd.s32 v19, v28  }
0x447: {  	[hbm4b:s31+s16] =	stream.strided.scatter [tilespmem:s18], [sflag:$0x2], $0x2000, s17, s16, $0x38;
	[tilespmem:$0xDF40] =	vst v63  }
0x448: {  	_ =	swait.ge [sflag:s11], $0x2000  }
0x449: {  	[sflag:s11] =	ssyncset.done $0x0  }
0x44a: {  	[sflag:s11] =	ssyncadd.s32 $0xFFFFE000  }
0x44b: {  	v27 =	vld.idx.msk [tilespmem:v27+s2+$0x0], $0xffff;
	_ =	sdelay $0x1  }
0x44c: {  	s25 =	simm.s32 $0x10  }
0x44d: {  	v28 =	vmov s25  }
0x44e: {  	v28 =	vmul.u32 $0x28, v28  }
0x44f: {  	v27 =	vtrunc.f32 v27  }
0x450: {  	v28 =	vbroadcast v28, $0x0;
	v27 =	vcvt.f32.s32 v27;
	_ =	sdelay $0x1  }
0x451: {  	v29 =	vadd.s32 $0x1B7752, v27;
	vm0 =	veq.s32 v27, $0x0;
	v27 =	vadd.s32 v19, v28  }
0x452: {  	s22 =	simm.s32 $0x5000  }
0x453: {  	s23 =	simm.s32 $0x20;
	s21 =	simm.s32 $0x5200;
	[tilespmem:s22+$0x0] =	vst v29;
	v28 =	vsel vm0, $0x0, v1  }
.LBB2_74:
0x454: {  	s22 =	sadd.s32 $0x10, s22  }
0x455: {  	[tilespmem:s21+$0x0] =	vst v28;
	s21 =	sadd.s32 $0x10, s21;
	s24 =	smov.u32 s23;
	s25 =	sadd.s32 $0x10, s23  }
0x456: {  	p0 =	sne.s32 s23, $0x1F0;
	v27 =	vld.idx.msk [tilespmem:v27+s2+$0x0], $0xffff;
	_ =	sdelay $0x1  }
0x457: {  	v28 =	vmov s24  }
0x458: {  	v28 =	vmul.u32 $0x28, v28;
	_ =	sdelay $0x1  }
0x459: {  	v28 =	vbroadcast v28, $0x0  }
.Ltmp36:
0x45a: {  	v29 =	vtrunc.f32 v27;
	(pc) =	sbr.rel @p0 .LBB2_74-.Ltmp36, $3  }
0x45b: {  	v27 =	vadd.s32 v19, v28;
	v28 =	vcvt.f32.s32 v29;
	_ =	sdelay $0x1  }
0x45c: {  	v29 =	vadd.s32 $0x1B7752, v28;
	vm0 =	veq.s32 v28, $0x0  }
0x45d: {  	s23 =	smov.u32 s25;
	v28 =	vsel vm0, $0x0, v1;
	[tilespmem:s22+$0x0] =	vst v29  }
0x45e: {  	_ =	sdelay $0x2  }
0x45f: {  	[tilespmem:s21+$0x0] =	vst v28  }
0x460: {  	v27 =	vld.idx.msk [tilespmem:v27+s2+$0x0], $0xffff;
	_ =	sdelay $0x4  }
0x461: {  	v27 =	vtrunc.f32 v27  }
0x462: {  	v27 =	vcvt.f32.s32 v27;
	_ =	sdelay $0x1  }
0x463: {  	s22 =	sadd.s32 $0x10, s22;
	v28 =	vadd.s32 $0x1B7752, v27;
	vm0 =	veq.s32 v27, $0x0  }
0x464: {  	s23 =	sadd.s32 $0x10, s21;
	s24 =	simm.s32 $0x0;
	[tilespmem:s22+$0x0] =	vst v28;
	v27 =	vsel vm0, $0x0, v1  }
0x465: {  	s21 =	simm.s32 $0x5400;
	[tilespmem:s23+$0x0] =	vst v27;
	v27 =	vmov s24  }
0x466: {  	[tilespmem:s21], [sflag:$0x1] =	stream.indirect.gather [hbm4b:s3+s12], $0x10, s13, s12, $0xb8;
	[tilespmem:$0xDF40] =	vst v63  }
0x467: {  	_ =	swait.ge [sflag:s14], $0x2000  }
0x468: {  	[sflag:s14] =	ssyncset.done $0x0  }
0x469: {  	[sflag:s14] =	ssyncadd.s32 $0xFFFFE000  }
0x46a: {  	v29 =	vld.idx.msk [tilespmem:v27+s15+$0x0], $0xffff  }
0x46b: {  	v30 =	vld [tilespmem:s21+$0x0];
	_ =	sdelay $0x1  }
0x46c: {  	v27 =	vld [tilespmem:$0x7520];
	_ =	sdelay $0x1  }
0x46d: {  	s25 =	simm.s32 $0x1  }
0x46e: {  	v28 =	vmov s25;
	s22 =	simm.s32 $0x2;
	v29 =	vmul.f32 v30, v29  }
.LBB2_76:
0x46f: {  	p0 =	sne.s32 s22, $0x1FF  }
0x470: {  	v29 =	vadd.f32 v29, v27;
	_ =	sdelay $0x1  }
0x471: {  	[tilespmem:s21+$0x0] =	vst v29  }
0x472: {  	s21 =	sadd.s32 $0x10, s21;
	v29 =	vld.idx.msk [tilespmem:v28+s15+$0x0], $0xffff  }
0x473: {  	v30 =	vld [tilespmem:s21+$0x0]  }
.Ltmp37:
0x474: {  	(pc) =	sbr.rel @p0 .LBB2_76-.Ltmp37, $2  }
0x475: {  	_ =	sdelay $0x2  }
0x476: {  	v28 =	vmov s22;
	s22 =	sadd.s32 $0x1, s22;
	v29 =	vmul.f32 v30, v29  }
0x477: {  	_ = 	snop  }
0x478: {  	v29 =	vadd.f32 v29, v27;
	_ =	sdelay $0x1  }
0x479: {  	[tilespmem:s21+$0x0] =	vst v29  }
0x47a: {  	s24 =	sadd.s32 $0x10, s21;
	v28 =	vld.idx.msk [tilespmem:v28+s15+$0x0], $0xffff  }
0x47b: {  	v29 =	vld [tilespmem:s24+$0x0];
	_ =	sdelay $0x2  }
0x47c: {  	s22 =	simm.s32 $0x0  }
0x47d: {  	v30 =	vmov s22  }
0x47e: {  	v28 =	vmul.f32 v29, v28;
	v29 =	vmul.u32 $0x28, v30;
	_ =	sdelay $0x1  }
0x47f: {  	v27 =	vadd.f32 v28, v27;
	v28 =	vbroadcast v29, $0x0;
	_ =	sdelay $0x1  }
0x480: {  	[tilespmem:s24+$0x0] =	vst v27;
	v27 =	vadd.s32 v20, v28  }
0x481: {  	[hbm4b:s1+s16] =	stream.strided.scatter [tilespmem:s18], [sflag:$0x2], $0x2000, s17, s16, $0x38;
	[tilespmem:$0xDF40] =	vst v63  }
0x482: {  	_ =	swait.ge [sflag:s11], $0x2000  }
0x483: {  	[sflag:s11] =	ssyncset.done $0x0  }
0x484: {  	[sflag:s11] =	ssyncadd.s32 $0xFFFFE000  }
0x485: {  	v27 =	vld.idx.msk [tilespmem:v27+s2+$0x0], $0xffff;
	_ =	sdelay $0x1  }
0x486: {  	s25 =	simm.s32 $0x10  }
0x487: {  	v28 =	vmov s25  }
0x488: {  	v28 =	vmul.u32 $0x28, v28  }
0x489: {  	v27 =	vtrunc.f32 v27  }
0x48a: {  	v28 =	vbroadcast v28, $0x0;
	v27 =	vcvt.f32.s32 v27;
	_ =	sdelay $0x1  }
0x48b: {  	v29 =	vadd.s32 $0x1CFDF3, v27;
	vm0 =	veq.s32 v27, $0x0;
	v27 =	vadd.s32 v20, v28  }
0x48c: {  	s22 =	simm.s32 $0x5000  }
0x48d: {  	s23 =	simm.s32 $0x20;
	s21 =	simm.s32 $0x5200;
	[tilespmem:s22+$0x0] =	vst v29;
	v28 =	vsel vm0, $0x0, v1  }
.LBB2_78:
0x48e: {  	s22 =	sadd.s32 $0x10, s22  }
0x48f: {  	[tilespmem:s21+$0x0] =	vst v28;
	s21 =	sadd.s32 $0x10, s21;
	s24 =	smov.u32 s23;
	s25 =	sadd.s32 $0x10, s23  }
0x490: {  	p0 =	sne.s32 s23, $0x1F0;
	v27 =	vld.idx.msk [tilespmem:v27+s2+$0x0], $0xffff;
	_ =	sdelay $0x1  }
0x491: {  	v28 =	vmov s24  }
0x492: {  	v28 =	vmul.u32 $0x28, v28;
	_ =	sdelay $0x1  }
0x493: {  	v28 =	vbroadcast v28, $0x0  }
.Ltmp38:
0x494: {  	v29 =	vtrunc.f32 v27;
	(pc) =	sbr.rel @p0 .LBB2_78-.Ltmp38, $3  }
0x495: {  	v27 =	vadd.s32 v20, v28;
	v28 =	vcvt.f32.s32 v29;
	_ =	sdelay $0x1  }
0x496: {  	v29 =	vadd.s32 $0x1CFDF3, v28;
	vm0 =	veq.s32 v28, $0x0  }
0x497: {  	s23 =	smov.u32 s25;
	v28 =	vsel vm0, $0x0, v1;
	[tilespmem:s22+$0x0] =	vst v29  }
0x498: {  	_ =	sdelay $0x2  }
0x499: {  	[tilespmem:s21+$0x0] =	vst v28  }
0x49a: {  	v27 =	vld.idx.msk [tilespmem:v27+s2+$0x0], $0xffff;
	_ =	sdelay $0x4  }
0x49b: {  	v27 =	vtrunc.f32 v27  }
0x49c: {  	v27 =	vcvt.f32.s32 v27;
	_ =	sdelay $0x1  }
0x49d: {  	s22 =	sadd.s32 $0x10, s22;
	v28 =	vadd.s32 $0x1CFDF3, v27;
	vm0 =	veq.s32 v27, $0x0  }
0x49e: {  	s23 =	sadd.s32 $0x10, s21;
	s24 =	simm.s32 $0x0;
	[tilespmem:s22+$0x0] =	vst v28;
	v27 =	vsel vm0, $0x0, v1  }
0x49f: {  	s21 =	simm.s32 $0x5400;
	[tilespmem:s23+$0x0] =	vst v27;
	v27 =	vmov s24  }
0x4a0: {  	[tilespmem:s21], [sflag:$0x1] =	stream.indirect.gather [hbm4b:s3+s12], $0x10, s13, s12, $0xb8;
	[tilespmem:$0xDF40] =	vst v63  }
0x4a1: {  	_ =	swait.ge [sflag:s14], $0x2000  }
0x4a2: {  	[sflag:s14] =	ssyncset.done $0x0  }
0x4a3: {  	[sflag:s14] =	ssyncadd.s32 $0xFFFFE000  }
0x4a4: {  	v29 =	vld.idx.msk [tilespmem:v27+s15+$0x0], $0xffff  }
0x4a5: {  	v30 =	vld [tilespmem:s21+$0x0];
	_ =	sdelay $0x1  }
0x4a6: {  	v27 =	vld [tilespmem:$0x7530];
	_ =	sdelay $0x1  }
0x4a7: {  	s25 =	simm.s32 $0x1  }
0x4a8: {  	v28 =	vmov s25;
	s22 =	simm.s32 $0x2;
	v29 =	vmul.f32 v30, v29  }
.LBB2_80:
0x4a9: {  	p0 =	sne.s32 s22, $0x1FF  }
0x4aa: {  	v29 =	vadd.f32 v29, v27;
	_ =	sdelay $0x1  }
0x4ab: {  	[tilespmem:s21+$0x0] =	vst v29  }
0x4ac: {  	s21 =	sadd.s32 $0x10, s21;
	v29 =	vld.idx.msk [tilespmem:v28+s15+$0x0], $0xffff  }
0x4ad: {  	v30 =	vld [tilespmem:s21+$0x0]  }
.Ltmp39:
0x4ae: {  	(pc) =	sbr.rel @p0 .LBB2_80-.Ltmp39, $2  }
0x4af: {  	_ =	sdelay $0x2  }
0x4b0: {  	v28 =	vmov s22;
	s22 =	sadd.s32 $0x1, s22;
	v29 =	vmul.f32 v30, v29  }
0x4b1: {  	_ = 	snop  }
0x4b2: {  	v29 =	vadd.f32 v29, v27;
	_ =	sdelay $0x1  }
0x4b3: {  	[tilespmem:s21+$0x0] =	vst v29  }
0x4b4: {  	s24 =	sadd.s32 $0x10, s21;
	v28 =	vld.idx.msk [tilespmem:v28+s15+$0x0], $0xffff  }
0x4b5: {  	v29 =	vld [tilespmem:s24+$0x0];
	_ =	sdelay $0x2  }
0x4b6: {  	s22 =	simm.s32 $0x0  }
0x4b7: {  	v30 =	vmov s22  }
0x4b8: {  	v28 =	vmul.f32 v29, v28;
	v29 =	vmul.u32 $0x28, v30;
	_ =	sdelay $0x1  }
0x4b9: {  	v27 =	vadd.f32 v28, v27;
	v28 =	vbroadcast v29, $0x0;
	_ =	sdelay $0x1  }
0x4ba: {  	[tilespmem:s24+$0x0] =	vst v27;
	v27 =	vadd.s32 v21, v28  }
0x4bb: {  	[hbm4b:s0+s16] =	stream.strided.scatter [tilespmem:s18], [sflag:$0x2], $0x2000, s17, s16, $0x38;
	[tilespmem:$0xDF40] =	vst v63  }
0x4bc: {  	_ =	swait.ge [sflag:s11], $0x2000  }
0x4bd: {  	[sflag:s11] =	ssyncset.done $0x0  }
0x4be: {  	[sflag:s11] =	ssyncadd.s32 $0xFFFFE000  }
0x4bf: {  	v27 =	vld.idx.msk [tilespmem:v27+s2+$0x0], $0xffff;
	_ =	sdelay $0x1  }
0x4c0: {  	s25 =	simm.s32 $0x10  }
0x4c1: {  	v28 =	vmov s25  }
0x4c2: {  	v28 =	vmul.u32 $0x28, v28  }
0x4c3: {  	v27 =	vtrunc.f32 v27  }
0x4c4: {  	v28 =	vbroadcast v28, $0x0;
	v27 =	vcvt.f32.s32 v27;
	_ =	sdelay $0x1  }
0x4c5: {  	v29 =	vadd.s32 $0x1E8494, v27;
	vm0 =	veq.s32 v27, $0x0;
	v27 =	vadd.s32 v21, v28  }
0x4c6: {  	s22 =	simm.s32 $0x5000  }
0x4c7: {  	s23 =	simm.s32 $0x20;
	s21 =	simm.s32 $0x5200;
	[tilespmem:s22+$0x0] =	vst v29;
	v28 =	vsel vm0, $0x0, v1  }
.LBB2_82:
0x4c8: {  	s22 =	sadd.s32 $0x10, s22  }
0x4c9: {  	[tilespmem:s21+$0x0] =	vst v28;
	s21 =	sadd.s32 $0x10, s21;
	s24 =	smov.u32 s23;
	s25 =	sadd.s32 $0x10, s23  }
0x4ca: {  	p0 =	sne.s32 s23, $0x1F0;
	v27 =	vld.idx.msk [tilespmem:v27+s2+$0x0], $0xffff;
	_ =	sdelay $0x1  }
0x4cb: {  	v28 =	vmov s24  }
0x4cc: {  	v28 =	vmul.u32 $0x28, v28;
	_ =	sdelay $0x1  }
0x4cd: {  	v28 =	vbroadcast v28, $0x0  }
.Ltmp40:
0x4ce: {  	v29 =	vtrunc.f32 v27;
	(pc) =	sbr.rel @p0 .LBB2_82-.Ltmp40, $3  }
0x4cf: {  	v27 =	vadd.s32 v21, v28;
	v28 =	vcvt.f32.s32 v29;
	_ =	sdelay $0x1  }
0x4d0: {  	v29 =	vadd.s32 $0x1E8494, v28;
	vm0 =	veq.s32 v28, $0x0  }
0x4d1: {  	s23 =	smov.u32 s25;
	v28 =	vsel vm0, $0x0, v1;
	[tilespmem:s22+$0x0] =	vst v29  }
0x4d2: {  	_ =	sdelay $0x2  }
0x4d3: {  	[tilespmem:s21+$0x0] =	vst v28  }
0x4d4: {  	v27 =	vld.idx.msk [tilespmem:v27+s2+$0x0], $0xffff;
	_ =	sdelay $0x4  }
0x4d5: {  	v27 =	vtrunc.f32 v27  }
0x4d6: {  	v27 =	vcvt.f32.s32 v27;
	_ =	sdelay $0x1  }
0x4d7: {  	s22 =	sadd.s32 $0x10, s22;
	v28 =	vadd.s32 $0x1E8494, v27;
	vm0 =	veq.s32 v27, $0x0  }
0x4d8: {  	s23 =	sadd.s32 $0x10, s21;
	s24 =	simm.s32 $0x0;
	[tilespmem:s22+$0x0] =	vst v28;
	v27 =	vsel vm0, $0x0, v1  }
0x4d9: {  	s21 =	simm.s32 $0x5400;
	[tilespmem:s23+$0x0] =	vst v27;
	v27 =	vmov s24  }
0x4da: {  	[tilespmem:s21], [sflag:$0x1] =	stream.indirect.gather [hbm4b:s3+s12], $0x10, s13, s12, $0xb8;
	[tilespmem:$0xDF40] =	vst v63  }
0x4db: {  	_ =	swait.ge [sflag:s14], $0x2000  }
0x4dc: {  	[sflag:s14] =	ssyncset.done $0x0  }
0x4dd: {  	[sflag:s14] =	ssyncadd.s32 $0xFFFFE000  }
0x4de: {  	v29 =	vld.idx.msk [tilespmem:v27+s15+$0x0], $0xffff  }
0x4df: {  	v30 =	vld [tilespmem:s21+$0x0];
	_ =	sdelay $0x1  }
0x4e0: {  	v27 =	vld [tilespmem:$0x7540];
	_ =	sdelay $0x1  }
0x4e1: {  	s25 =	simm.s32 $0x1  }
0x4e2: {  	v28 =	vmov s25;
	s22 =	simm.s32 $0x2;
	v29 =	vmul.f32 v30, v29  }
.LBB2_84:
0x4e3: {  	p0 =	sne.s32 s22, $0x1FF  }
0x4e4: {  	v29 =	vadd.f32 v29, v27;
	_ =	sdelay $0x1  }
0x4e5: {  	[tilespmem:s21+$0x0] =	vst v29  }
0x4e6: {  	s21 =	sadd.s32 $0x10, s21;
	v29 =	vld.idx.msk [tilespmem:v28+s15+$0x0], $0xffff  }
0x4e7: {  	v30 =	vld [tilespmem:s21+$0x0]  }
.Ltmp41:
0x4e8: {  	(pc) =	sbr.rel @p0 .LBB2_84-.Ltmp41, $2  }
0x4e9: {  	_ =	sdelay $0x2  }
0x4ea: {  	v28 =	vmov s22;
	s22 =	sadd.s32 $0x1, s22;
	v29 =	vmul.f32 v30, v29  }
0x4eb: {  	_ = 	snop  }
0x4ec: {  	v29 =	vadd.f32 v29, v27;
	_ =	sdelay $0x1  }
0x4ed: {  	[tilespmem:s21+$0x0] =	vst v29  }
0x4ee: {  	s24 =	sadd.s32 $0x10, s21;
	v28 =	vld.idx.msk [tilespmem:v28+s15+$0x0], $0xffff  }
0x4ef: {  	v29 =	vld [tilespmem:s24+$0x0];
	_ =	sdelay $0x2  }
0x4f0: {  	s22 =	simm.s32 $0x0  }
0x4f1: {  	v30 =	vmov s22  }
0x4f2: {  	v28 =	vmul.f32 v29, v28;
	v29 =	vmul.u32 $0x28, v30;
	_ =	sdelay $0x1  }
0x4f3: {  	v27 =	vadd.f32 v28, v27;
	v28 =	vbroadcast v29, $0x0;
	_ =	sdelay $0x1  }
0x4f4: {  	[tilespmem:s24+$0x0] =	vst v27;
	v27 =	vadd.s32 v22, v28  }
0x4f5: {  	[hbm4b:s4+s16] =	stream.strided.scatter [tilespmem:s18], [sflag:$0x2], $0x2000, s17, s16, $0x38;
	[tilespmem:$0xDF40] =	vst v63  }
0x4f6: {  	_ =	swait.ge [sflag:s11], $0x2000  }
0x4f7: {  	[sflag:s11] =	ssyncset.done $0x0  }
0x4f8: {  	[sflag:s11] =	ssyncadd.s32 $0xFFFFE000  }
0x4f9: {  	v27 =	vld.idx.msk [tilespmem:v27+s2+$0x0], $0xffff;
	_ =	sdelay $0x1  }
0x4fa: {  	s25 =	simm.s32 $0x10  }
0x4fb: {  	v28 =	vmov s25  }
0x4fc: {  	v28 =	vmul.u32 $0x28, v28  }
0x4fd: {  	v27 =	vtrunc.f32 v27  }
0x4fe: {  	v28 =	vbroadcast v28, $0x0;
	v27 =	vcvt.f32.s32 v27;
	_ =	sdelay $0x1  }
0x4ff: {  	v29 =	vadd.s32 $0x200B35, v27;
	vm0 =	veq.s32 v27, $0x0;
	v27 =	vadd.s32 v22, v28  }
0x500: {  	s22 =	simm.s32 $0x5000  }
0x501: {  	s23 =	simm.s32 $0x20;
	s21 =	simm.s32 $0x5200;
	[tilespmem:s22+$0x0] =	vst v29;
	v28 =	vsel vm0, $0x0, v1  }
.LBB2_86:
0x502: {  	s22 =	sadd.s32 $0x10, s22  }
0x503: {  	[tilespmem:s21+$0x0] =	vst v28;
	s21 =	sadd.s32 $0x10, s21;
	s24 =	smov.u32 s23;
	s25 =	sadd.s32 $0x10, s23  }
0x504: {  	p0 =	sne.s32 s23, $0x1F0;
	v27 =	vld.idx.msk [tilespmem:v27+s2+$0x0], $0xffff;
	_ =	sdelay $0x1  }
0x505: {  	v28 =	vmov s24  }
0x506: {  	v28 =	vmul.u32 $0x28, v28;
	_ =	sdelay $0x1  }
0x507: {  	v28 =	vbroadcast v28, $0x0  }
.Ltmp42:
0x508: {  	v29 =	vtrunc.f32 v27;
	(pc) =	sbr.rel @p0 .LBB2_86-.Ltmp42, $3  }
0x509: {  	v27 =	vadd.s32 v22, v28;
	v28 =	vcvt.f32.s32 v29;
	_ =	sdelay $0x1  }
0x50a: {  	v29 =	vadd.s32 $0x200B35, v28;
	vm0 =	veq.s32 v28, $0x0  }
0x50b: {  	s23 =	smov.u32 s25;
	v28 =	vsel vm0, $0x0, v1;
	[tilespmem:s22+$0x0] =	vst v29  }
0x50c: {  	_ =	sdelay $0x2  }
0x50d: {  	[tilespmem:s21+$0x0] =	vst v28  }
0x50e: {  	v27 =	vld.idx.msk [tilespmem:v27+s2+$0x0], $0xffff;
	_ =	sdelay $0x4  }
0x50f: {  	v27 =	vtrunc.f32 v27  }
0x510: {  	v27 =	vcvt.f32.s32 v27;
	_ =	sdelay $0x1  }
0x511: {  	s22 =	sadd.s32 $0x10, s22;
	v28 =	vadd.s32 $0x200B35, v27;
	vm0 =	veq.s32 v27, $0x0  }
0x512: {  	s23 =	sadd.s32 $0x10, s21;
	s24 =	simm.s32 $0x0;
	[tilespmem:s22+$0x0] =	vst v28;
	v27 =	vsel vm0, $0x0, v1  }
0x513: {  	s21 =	simm.s32 $0x5400;
	[tilespmem:s23+$0x0] =	vst v27;
	v27 =	vmov s24  }
0x514: {  	[tilespmem:s21], [sflag:$0x1] =	stream.indirect.gather [hbm4b:s3+s12], $0x10, s13, s12, $0xb8;
	[tilespmem:$0xDF40] =	vst v63  }
0x515: {  	_ =	swait.ge [sflag:s14], $0x2000  }
0x516: {  	[sflag:s14] =	ssyncset.done $0x0  }
0x517: {  	[sflag:s14] =	ssyncadd.s32 $0xFFFFE000  }
0x518: {  	v29 =	vld.idx.msk [tilespmem:v27+s15+$0x0], $0xffff  }
0x519: {  	v30 =	vld [tilespmem:s21+$0x0];
	_ =	sdelay $0x1  }
0x51a: {  	v27 =	vld [tilespmem:$0x7550];
	_ =	sdelay $0x1  }
0x51b: {  	s25 =	simm.s32 $0x1  }
0x51c: {  	v28 =	vmov s25;
	s22 =	simm.s32 $0x2;
	v29 =	vmul.f32 v30, v29  }
.LBB2_88:
0x51d: {  	p0 =	sne.s32 s22, $0x1FF  }
0x51e: {  	v29 =	vadd.f32 v29, v27;
	_ =	sdelay $0x1  }
0x51f: {  	[tilespmem:s21+$0x0] =	vst v29  }
0x520: {  	s21 =	sadd.s32 $0x10, s21;
	v29 =	vld.idx.msk [tilespmem:v28+s15+$0x0], $0xffff  }
0x521: {  	v30 =	vld [tilespmem:s21+$0x0]  }
.Ltmp43:
0x522: {  	(pc) =	sbr.rel @p0 .LBB2_88-.Ltmp43, $2  }
0x523: {  	_ =	sdelay $0x2  }
0x524: {  	v28 =	vmov s22;
	s22 =	sadd.s32 $0x1, s22;
	v29 =	vmul.f32 v30, v29  }
0x525: {  	_ = 	snop  }
0x526: {  	v29 =	vadd.f32 v29, v27;
	_ =	sdelay $0x1  }
0x527: {  	[tilespmem:s21+$0x0] =	vst v29  }
0x528: {  	s24 =	sadd.s32 $0x10, s21;
	v28 =	vld.idx.msk [tilespmem:v28+s15+$0x0], $0xffff  }
0x529: {  	v29 =	vld [tilespmem:s24+$0x0];
	_ =	sdelay $0x2  }
0x52a: {  	s22 =	simm.s32 $0x0  }
0x52b: {  	v30 =	vmov s22  }
0x52c: {  	v28 =	vmul.f32 v29, v28;
	v29 =	vmul.u32 $0x28, v30;
	_ =	sdelay $0x1  }
0x52d: {  	v27 =	vadd.f32 v28, v27;
	v28 =	vbroadcast v29, $0x0;
	_ =	sdelay $0x1  }
0x52e: {  	[tilespmem:s24+$0x0] =	vst v27;
	v27 =	vadd.s32 v23, v28  }
0x52f: {  	[hbm4b:s5+s16] =	stream.strided.scatter [tilespmem:s18], [sflag:$0x2], $0x2000, s17, s16, $0x38;
	[tilespmem:$0xDF40] =	vst v63  }
0x530: {  	_ =	swait.ge [sflag:s11], $0x2000  }
0x531: {  	[sflag:s11] =	ssyncset.done $0x0  }
0x532: {  	[sflag:s11] =	ssyncadd.s32 $0xFFFFE000  }
0x533: {  	v27 =	vld.idx.msk [tilespmem:v27+s2+$0x0], $0xffff;
	_ =	sdelay $0x1  }
0x534: {  	s25 =	simm.s32 $0x10  }
0x535: {  	v28 =	vmov s25  }
0x536: {  	v28 =	vmul.u32 $0x28, v28  }
0x537: {  	v27 =	vtrunc.f32 v27  }
0x538: {  	v28 =	vbroadcast v28, $0x0;
	v27 =	vcvt.f32.s32 v27;
	_ =	sdelay $0x1  }
0x539: {  	v29 =	vadd.s32 $0x2191D6, v27;
	vm0 =	veq.s32 v27, $0x0;
	v27 =	vadd.s32 v23, v28  }
0x53a: {  	s22 =	simm.s32 $0x5000  }
0x53b: {  	s23 =	simm.s32 $0x20;
	s21 =	simm.s32 $0x5200;
	[tilespmem:s22+$0x0] =	vst v29;
	v28 =	vsel vm0, $0x0, v1  }
.LBB2_90:
0x53c: {  	s22 =	sadd.s32 $0x10, s22  }
0x53d: {  	[tilespmem:s21+$0x0] =	vst v28;
	s21 =	sadd.s32 $0x10, s21;
	s24 =	smov.u32 s23;
	s25 =	sadd.s32 $0x10, s23  }
0x53e: {  	p0 =	sne.s32 s23, $0x1F0;
	v27 =	vld.idx.msk [tilespmem:v27+s2+$0x0], $0xffff;
	_ =	sdelay $0x1  }
0x53f: {  	v28 =	vmov s24  }
0x540: {  	v28 =	vmul.u32 $0x28, v28;
	_ =	sdelay $0x1  }
0x541: {  	v28 =	vbroadcast v28, $0x0  }
.Ltmp44:
0x542: {  	v29 =	vtrunc.f32 v27;
	(pc) =	sbr.rel @p0 .LBB2_90-.Ltmp44, $3  }
0x543: {  	v27 =	vadd.s32 v23, v28;
	v28 =	vcvt.f32.s32 v29;
	_ =	sdelay $0x1  }
0x544: {  	v29 =	vadd.s32 $0x2191D6, v28;
	vm0 =	veq.s32 v28, $0x0  }
0x545: {  	s23 =	smov.u32 s25;
	v28 =	vsel vm0, $0x0, v1;
	[tilespmem:s22+$0x0] =	vst v29  }
0x546: {  	_ =	sdelay $0x2  }
0x547: {  	[tilespmem:s21+$0x0] =	vst v28  }
0x548: {  	v27 =	vld.idx.msk [tilespmem:v27+s2+$0x0], $0xffff;
	_ =	sdelay $0x4  }
0x549: {  	v27 =	vtrunc.f32 v27  }
0x54a: {  	v27 =	vcvt.f32.s32 v27;
	_ =	sdelay $0x1  }
0x54b: {  	s22 =	sadd.s32 $0x10, s22;
	v28 =	vadd.s32 $0x2191D6, v27;
	vm0 =	veq.s32 v27, $0x0  }
0x54c: {  	s23 =	sadd.s32 $0x10, s21;
	s24 =	simm.s32 $0x0;
	[tilespmem:s22+$0x0] =	vst v28;
	v27 =	vsel vm0, $0x0, v1  }
0x54d: {  	s21 =	simm.s32 $0x5400;
	[tilespmem:s23+$0x0] =	vst v27;
	v27 =	vmov s24  }
0x54e: {  	[tilespmem:s21], [sflag:$0x1] =	stream.indirect.gather [hbm4b:s3+s12], $0x10, s13, s12, $0xb8;
	[tilespmem:$0xDF40] =	vst v63  }
0x54f: {  	_ =	swait.ge [sflag:s14], $0x2000  }
0x550: {  	[sflag:s14] =	ssyncset.done $0x0  }
0x551: {  	[sflag:s14] =	ssyncadd.s32 $0xFFFFE000  }
0x552: {  	v29 =	vld.idx.msk [tilespmem:v27+s15+$0x0], $0xffff  }
0x553: {  	v30 =	vld [tilespmem:s21+$0x0];
	_ =	sdelay $0x1  }
0x554: {  	v27 =	vld [tilespmem:$0x7560];
	_ =	sdelay $0x1  }
0x555: {  	s25 =	simm.s32 $0x1  }
0x556: {  	v28 =	vmov s25;
	s22 =	simm.s32 $0x2;
	v29 =	vmul.f32 v30, v29  }
.LBB2_92:
0x557: {  	p0 =	sne.s32 s22, $0x1FF  }
0x558: {  	v29 =	vadd.f32 v29, v27;
	_ =	sdelay $0x1  }
0x559: {  	[tilespmem:s21+$0x0] =	vst v29  }
0x55a: {  	s21 =	sadd.s32 $0x10, s21;
	v29 =	vld.idx.msk [tilespmem:v28+s15+$0x0], $0xffff  }
0x55b: {  	v30 =	vld [tilespmem:s21+$0x0]  }
.Ltmp45:
0x55c: {  	(pc) =	sbr.rel @p0 .LBB2_92-.Ltmp45, $2  }
0x55d: {  	_ =	sdelay $0x2  }
0x55e: {  	v28 =	vmov s22;
	s22 =	sadd.s32 $0x1, s22;
	v29 =	vmul.f32 v30, v29  }
0x55f: {  	_ = 	snop  }
0x560: {  	v29 =	vadd.f32 v29, v27;
	_ =	sdelay $0x1  }
0x561: {  	[tilespmem:s21+$0x0] =	vst v29  }
0x562: {  	s24 =	sadd.s32 $0x10, s21;
	v28 =	vld.idx.msk [tilespmem:v28+s15+$0x0], $0xffff  }
0x563: {  	v29 =	vld [tilespmem:s24+$0x0];
	_ =	sdelay $0x2  }
0x564: {  	s22 =	simm.s32 $0x0  }
0x565: {  	v30 =	vmov s22  }
0x566: {  	v28 =	vmul.f32 v29, v28;
	v29 =	vmul.u32 $0x28, v30;
	_ =	sdelay $0x1  }
0x567: {  	v27 =	vadd.f32 v28, v27;
	v28 =	vbroadcast v29, $0x0;
	_ =	sdelay $0x1  }
0x568: {  	[tilespmem:s24+$0x0] =	vst v27;
	v27 =	vadd.s32 v24, v28  }
0x569: {  	[hbm4b:s6+s16] =	stream.strided.scatter [tilespmem:s18], [sflag:$0x2], $0x2000, s17, s16, $0x38;
	[tilespmem:$0xDF40] =	vst v63  }
0x56a: {  	_ =	swait.ge [sflag:s11], $0x2000  }
0x56b: {  	[sflag:s11] =	ssyncset.done $0x0  }
0x56c: {  	[sflag:s11] =	ssyncadd.s32 $0xFFFFE000  }
0x56d: {  	v27 =	vld.idx.msk [tilespmem:v27+s2+$0x0], $0xffff;
	_ =	sdelay $0x1  }
0x56e: {  	s25 =	simm.s32 $0x10  }
0x56f: {  	v28 =	vmov s25  }
0x570: {  	v28 =	vmul.u32 $0x28, v28  }
0x571: {  	v27 =	vtrunc.f32 v27  }
0x572: {  	v28 =	vbroadcast v28, $0x0;
	v27 =	vcvt.f32.s32 v27;
	_ =	sdelay $0x1  }
0x573: {  	v29 =	vadd.s32 $0x231877, v27;
	vm0 =	veq.s32 v27, $0x0;
	v27 =	vadd.s32 v24, v28  }
0x574: {  	s22 =	simm.s32 $0x5000  }
0x575: {  	s23 =	simm.s32 $0x20;
	s21 =	simm.s32 $0x5200;
	[tilespmem:s22+$0x0] =	vst v29;
	v28 =	vsel vm0, $0x0, v1  }
.LBB2_94:
0x576: {  	s22 =	sadd.s32 $0x10, s22  }
0x577: {  	[tilespmem:s21+$0x0] =	vst v28;
	s21 =	sadd.s32 $0x10, s21;
	s24 =	smov.u32 s23;
	s25 =	sadd.s32 $0x10, s23  }
0x578: {  	p0 =	sne.s32 s23, $0x1F0;
	v27 =	vld.idx.msk [tilespmem:v27+s2+$0x0], $0xffff;
	_ =	sdelay $0x1  }
0x579: {  	v28 =	vmov s24  }
0x57a: {  	v28 =	vmul.u32 $0x28, v28;
	_ =	sdelay $0x1  }
0x57b: {  	v28 =	vbroadcast v28, $0x0  }
.Ltmp46:
0x57c: {  	v29 =	vtrunc.f32 v27;
	(pc) =	sbr.rel @p0 .LBB2_94-.Ltmp46, $3  }
0x57d: {  	v27 =	vadd.s32 v24, v28;
	v28 =	vcvt.f32.s32 v29;
	_ =	sdelay $0x1  }
0x57e: {  	v29 =	vadd.s32 $0x231877, v28;
	vm0 =	veq.s32 v28, $0x0  }
0x57f: {  	s23 =	smov.u32 s25;
	v28 =	vsel vm0, $0x0, v1;
	[tilespmem:s22+$0x0] =	vst v29  }
0x580: {  	_ =	sdelay $0x2  }
0x581: {  	[tilespmem:s21+$0x0] =	vst v28  }
0x582: {  	v27 =	vld.idx.msk [tilespmem:v27+s2+$0x0], $0xffff;
	_ =	sdelay $0x4  }
0x583: {  	v27 =	vtrunc.f32 v27  }
0x584: {  	v27 =	vcvt.f32.s32 v27;
	_ =	sdelay $0x1  }
0x585: {  	s22 =	sadd.s32 $0x10, s22;
	v28 =	vadd.s32 $0x231877, v27;
	vm0 =	veq.s32 v27, $0x0  }
0x586: {  	s23 =	sadd.s32 $0x10, s21;
	s24 =	simm.s32 $0x0;
	[tilespmem:s22+$0x0] =	vst v28;
	v27 =	vsel vm0, $0x0, v1  }
0x587: {  	s21 =	simm.s32 $0x5400;
	[tilespmem:s23+$0x0] =	vst v27;
	v27 =	vmov s24  }
0x588: {  	[tilespmem:s21], [sflag:$0x1] =	stream.indirect.gather [hbm4b:s3+s12], $0x10, s13, s12, $0xb8;
	[tilespmem:$0xDF40] =	vst v63  }
0x589: {  	_ =	swait.ge [sflag:s14], $0x2000  }
0x58a: {  	[sflag:s14] =	ssyncset.done $0x0  }
0x58b: {  	[sflag:s14] =	ssyncadd.s32 $0xFFFFE000  }
0x58c: {  	v29 =	vld.idx.msk [tilespmem:v27+s15+$0x0], $0xffff  }
0x58d: {  	v30 =	vld [tilespmem:s21+$0x0];
	_ =	sdelay $0x1  }
0x58e: {  	v27 =	vld [tilespmem:$0x7570];
	_ =	sdelay $0x1  }
0x58f: {  	s25 =	simm.s32 $0x1  }
0x590: {  	v28 =	vmov s25;
	s22 =	simm.s32 $0x2;
	v29 =	vmul.f32 v30, v29  }
.LBB2_96:
0x591: {  	p0 =	sne.s32 s22, $0x1FF  }
0x592: {  	v29 =	vadd.f32 v29, v27;
	_ =	sdelay $0x1  }
0x593: {  	[tilespmem:s21+$0x0] =	vst v29  }
0x594: {  	s21 =	sadd.s32 $0x10, s21;
	v29 =	vld.idx.msk [tilespmem:v28+s15+$0x0], $0xffff  }
0x595: {  	v30 =	vld [tilespmem:s21+$0x0]  }
.Ltmp47:
0x596: {  	(pc) =	sbr.rel @p0 .LBB2_96-.Ltmp47, $2  }
0x597: {  	_ =	sdelay $0x2  }
0x598: {  	v28 =	vmov s22;
	s22 =	sadd.s32 $0x1, s22;
	v29 =	vmul.f32 v30, v29  }
0x599: {  	_ = 	snop  }
0x59a: {  	v29 =	vadd.f32 v29, v27;
	_ =	sdelay $0x1  }
0x59b: {  	[tilespmem:s21+$0x0] =	vst v29  }
0x59c: {  	s24 =	sadd.s32 $0x10, s21;
	v28 =	vld.idx.msk [tilespmem:v28+s15+$0x0], $0xffff  }
0x59d: {  	v29 =	vld [tilespmem:s24+$0x0];
	_ =	sdelay $0x2  }
0x59e: {  	s22 =	simm.s32 $0x0  }
0x59f: {  	v30 =	vmov s22  }
0x5a0: {  	v28 =	vmul.f32 v29, v28;
	v29 =	vmul.u32 $0x28, v30;
	_ =	sdelay $0x1  }
0x5a1: {  	v27 =	vadd.f32 v28, v27;
	v28 =	vbroadcast v29, $0x0;
	_ =	sdelay $0x1  }
0x5a2: {  	[tilespmem:s24+$0x0] =	vst v27;
	v27 =	vadd.s32 v25, v28  }
0x5a3: {  	[hbm4b:s8+s16] =	stream.strided.scatter [tilespmem:s18], [sflag:$0x2], $0x2000, s17, s16, $0x38;
	[tilespmem:$0xDF40] =	vst v63  }
0x5a4: {  	_ =	swait.ge [sflag:s11], $0x2000  }
0x5a5: {  	[sflag:s11] =	ssyncset.done $0x0  }
0x5a6: {  	[sflag:s11] =	ssyncadd.s32 $0xFFFFE000  }
0x5a7: {  	v27 =	vld.idx.msk [tilespmem:v27+s2+$0x0], $0xffff;
	_ =	sdelay $0x1  }
0x5a8: {  	s25 =	simm.s32 $0x10  }
0x5a9: {  	v28 =	vmov s25  }
0x5aa: {  	v28 =	vmul.u32 $0x28, v28  }
0x5ab: {  	v27 =	vtrunc.f32 v27  }
0x5ac: {  	v28 =	vbroadcast v28, $0x0;
	v27 =	vcvt.f32.s32 v27;
	_ =	sdelay $0x1  }
0x5ad: {  	v29 =	vadd.s32 $0x249F18, v27;
	vm0 =	veq.s32 v27, $0x0;
	v27 =	vadd.s32 v25, v28  }
0x5ae: {  	s22 =	simm.s32 $0x5000  }
0x5af: {  	s23 =	simm.s32 $0x20;
	s21 =	simm.s32 $0x5200;
	[tilespmem:s22+$0x0] =	vst v29;
	v28 =	vsel vm0, $0x0, v1  }
.LBB2_98:
0x5b0: {  	s22 =	sadd.s32 $0x10, s22  }
0x5b1: {  	[tilespmem:s21+$0x0] =	vst v28;
	s21 =	sadd.s32 $0x10, s21;
	s24 =	smov.u32 s23;
	s25 =	sadd.s32 $0x10, s23  }
0x5b2: {  	p0 =	sne.s32 s23, $0x1F0;
	v27 =	vld.idx.msk [tilespmem:v27+s2+$0x0], $0xffff;
	_ =	sdelay $0x1  }
0x5b3: {  	v28 =	vmov s24  }
0x5b4: {  	v28 =	vmul.u32 $0x28, v28;
	_ =	sdelay $0x1  }
0x5b5: {  	v28 =	vbroadcast v28, $0x0  }
.Ltmp48:
0x5b6: {  	v29 =	vtrunc.f32 v27;
	(pc) =	sbr.rel @p0 .LBB2_98-.Ltmp48, $3  }
0x5b7: {  	v27 =	vadd.s32 v25, v28;
	v28 =	vcvt.f32.s32 v29;
	_ =	sdelay $0x1  }
0x5b8: {  	v29 =	vadd.s32 $0x249F18, v28;
	vm0 =	veq.s32 v28, $0x0  }
0x5b9: {  	s23 =	smov.u32 s25;
	v28 =	vsel vm0, $0x0, v1;
	[tilespmem:s22+$0x0] =	vst v29  }
0x5ba: {  	_ =	sdelay $0x2  }
0x5bb: {  	[tilespmem:s21+$0x0] =	vst v28  }
0x5bc: {  	v27 =	vld.idx.msk [tilespmem:v27+s2+$0x0], $0xffff;
	_ =	sdelay $0x4  }
0x5bd: {  	v27 =	vtrunc.f32 v27  }
0x5be: {  	v27 =	vcvt.f32.s32 v27;
	_ =	sdelay $0x1  }
0x5bf: {  	s22 =	sadd.s32 $0x10, s22;
	v28 =	vadd.s32 $0x249F18, v27;
	vm0 =	veq.s32 v27, $0x0  }
0x5c0: {  	s23 =	sadd.s32 $0x10, s21;
	s24 =	simm.s32 $0x0;
	[tilespmem:s22+$0x0] =	vst v28;
	v27 =	vsel vm0, $0x0, v1  }
0x5c1: {  	s21 =	simm.s32 $0x5400;
	[tilespmem:s23+$0x0] =	vst v27;
	v27 =	vmov s24  }
0x5c2: {  	[tilespmem:s21], [sflag:$0x1] =	stream.indirect.gather [hbm4b:s3+s12], $0x10, s13, s12, $0xb8;
	[tilespmem:$0xDF40] =	vst v63  }
0x5c3: {  	_ =	swait.ge [sflag:s14], $0x2000  }
0x5c4: {  	[sflag:s14] =	ssyncset.done $0x0  }
0x5c5: {  	[sflag:s14] =	ssyncadd.s32 $0xFFFFE000  }
0x5c6: {  	v29 =	vld.idx.msk [tilespmem:v27+s15+$0x0], $0xffff  }
0x5c7: {  	v30 =	vld [tilespmem:s21+$0x0];
	_ =	sdelay $0x1  }
0x5c8: {  	v27 =	vld [tilespmem:$0x7580];
	_ =	sdelay $0x1  }
0x5c9: {  	s25 =	simm.s32 $0x1  }
0x5ca: {  	v28 =	vmov s25;
	s22 =	simm.s32 $0x2;
	v29 =	vmul.f32 v30, v29  }
.LBB2_100:
0x5cb: {  	p0 =	sne.s32 s22, $0x1FF  }
0x5cc: {  	v29 =	vadd.f32 v29, v27;
	_ =	sdelay $0x1  }
0x5cd: {  	[tilespmem:s21+$0x0] =	vst v29  }
0x5ce: {  	s21 =	sadd.s32 $0x10, s21;
	v29 =	vld.idx.msk [tilespmem:v28+s15+$0x0], $0xffff  }
0x5cf: {  	v30 =	vld [tilespmem:s21+$0x0]  }
.Ltmp49:
0x5d0: {  	(pc) =	sbr.rel @p0 .LBB2_100-.Ltmp49, $2  }
0x5d1: {  	_ =	sdelay $0x2  }
0x5d2: {  	v28 =	vmov s22;
	s22 =	sadd.s32 $0x1, s22;
	v29 =	vmul.f32 v30, v29  }
0x5d3: {  	_ = 	snop  }
0x5d4: {  	v29 =	vadd.f32 v29, v27;
	_ =	sdelay $0x1  }
0x5d5: {  	[tilespmem:s21+$0x0] =	vst v29  }
0x5d6: {  	s24 =	sadd.s32 $0x10, s21;
	v28 =	vld.idx.msk [tilespmem:v28+s15+$0x0], $0xffff  }
0x5d7: {  	v29 =	vld [tilespmem:s24+$0x0];
	_ =	sdelay $0x2  }
0x5d8: {  	s22 =	simm.s32 $0x0  }
0x5d9: {  	v30 =	vmov s22  }
0x5da: {  	v28 =	vmul.f32 v29, v28;
	v29 =	vmul.u32 $0x28, v30;
	_ =	sdelay $0x1  }
0x5db: {  	v27 =	vadd.f32 v28, v27;
	v28 =	vbroadcast v29, $0x0;
	_ =	sdelay $0x1  }
0x5dc: {  	[tilespmem:s24+$0x0] =	vst v27;
	v27 =	vadd.s32 v26, v28  }
0x5dd: {  	[hbm4b:s9+s16] =	stream.strided.scatter [tilespmem:s18], [sflag:$0x2], $0x2000, s17, s16, $0x38;
	[tilespmem:$0xDF40] =	vst v63  }
0x5de: {  	_ =	swait.ge [sflag:s11], $0x2000  }
0x5df: {  	[sflag:s11] =	ssyncset.done $0x0  }
0x5e0: {  	[sflag:s11] =	ssyncadd.s32 $0xFFFFE000  }
0x5e1: {  	v27 =	vld.idx.msk [tilespmem:v27+s2+$0x0], $0xffff;
	_ =	sdelay $0x1  }
0x5e2: {  	s25 =	simm.s32 $0x10  }
0x5e3: {  	v28 =	vmov s25  }
0x5e4: {  	v28 =	vmul.u32 $0x28, v28  }
0x5e5: {  	v27 =	vtrunc.f32 v27  }
0x5e6: {  	v28 =	vbroadcast v28, $0x0;
	v27 =	vcvt.f32.s32 v27;
	_ =	sdelay $0x1  }
0x5e7: {  	v29 =	vadd.s32 $0x2625B9, v27;
	vm0 =	veq.s32 v27, $0x0;
	v27 =	vadd.s32 v26, v28  }
0x5e8: {  	s22 =	simm.s32 $0x5000  }
0x5e9: {  	s23 =	simm.s32 $0x20;
	s21 =	simm.s32 $0x5200;
	[tilespmem:s22+$0x0] =	vst v29;
	v28 =	vsel vm0, $0x0, v1  }
.LBB2_102:
0x5ea: {  	s22 =	sadd.s32 $0x10, s22  }
0x5eb: {  	[tilespmem:s21+$0x0] =	vst v28;
	s21 =	sadd.s32 $0x10, s21;
	s24 =	smov.u32 s23;
	s25 =	sadd.s32 $0x10, s23  }
0x5ec: {  	p0 =	sne.s32 s23, $0x1F0;
	v27 =	vld.idx.msk [tilespmem:v27+s2+$0x0], $0xffff;
	_ =	sdelay $0x1  }
0x5ed: {  	v28 =	vmov s24  }
0x5ee: {  	v28 =	vmul.u32 $0x28, v28;
	_ =	sdelay $0x1  }
0x5ef: {  	v28 =	vbroadcast v28, $0x0  }
.Ltmp50:
0x5f0: {  	v29 =	vtrunc.f32 v27;
	(pc) =	sbr.rel @p0 .LBB2_102-.Ltmp50, $3  }
0x5f1: {  	v27 =	vadd.s32 v26, v28;
	v28 =	vcvt.f32.s32 v29;
	_ =	sdelay $0x1  }
0x5f2: {  	v29 =	vadd.s32 $0x2625B9, v28;
	vm0 =	veq.s32 v28, $0x0  }
0x5f3: {  	s23 =	smov.u32 s25;
	v28 =	vsel vm0, $0x0, v1;
	[tilespmem:s22+$0x0] =	vst v29  }
0x5f4: {  	_ =	sdelay $0x2  }
0x5f5: {  	[tilespmem:s21+$0x0] =	vst v28  }
0x5f6: {  	v27 =	vld.idx.msk [tilespmem:v27+s2+$0x0], $0xffff;
	_ =	sdelay $0x4  }
0x5f7: {  	v27 =	vtrunc.f32 v27  }
0x5f8: {  	v27 =	vcvt.f32.s32 v27;
	_ =	sdelay $0x1  }
0x5f9: {  	s22 =	sadd.s32 $0x10, s22;
	v28 =	vadd.s32 $0x2625B9, v27;
	vm0 =	veq.s32 v27, $0x0  }
0x5fa: {  	s23 =	sadd.s32 $0x10, s21;
	s24 =	simm.s32 $0x0;
	[tilespmem:s22+$0x0] =	vst v28;
	v27 =	vsel vm0, $0x0, v1  }
0x5fb: {  	s21 =	simm.s32 $0x5400;
	[tilespmem:s23+$0x0] =	vst v27;
	v27 =	vmov s24  }
0x5fc: {  	[tilespmem:s21], [sflag:$0x1] =	stream.indirect.gather [hbm4b:s3+s12], $0x10, s13, s12, $0xb8;
	[tilespmem:$0xDF40] =	vst v63  }
0x5fd: {  	_ =	swait.ge [sflag:s14], $0x2000  }
0x5fe: {  	[sflag:s14] =	ssyncset.done $0x0  }
0x5ff: {  	[sflag:s14] =	ssyncadd.s32 $0xFFFFE000  }
0x600: {  	v29 =	vld.idx.msk [tilespmem:v27+s15+$0x0], $0xffff  }
0x601: {  	v30 =	vld [tilespmem:s21+$0x0];
	_ =	sdelay $0x1  }
0x602: {  	v27 =	vld [tilespmem:$0x7590];
	_ =	sdelay $0x1  }
0x603: {  	s25 =	simm.s32 $0x1  }
0x604: {  	v28 =	vmov s25;
	s22 =	simm.s32 $0x2;
	v29 =	vmul.f32 v30, v29  }
.LBB2_104:
0x605: {  	p0 =	sne.s32 s22, $0x1FF  }
0x606: {  	v29 =	vadd.f32 v29, v27;
	_ =	sdelay $0x1  }
0x607: {  	[tilespmem:s21+$0x0] =	vst v29  }
0x608: {  	s21 =	sadd.s32 $0x10, s21;
	v29 =	vld.idx.msk [tilespmem:v28+s15+$0x0], $0xffff  }
0x609: {  	v30 =	vld [tilespmem:s21+$0x0]  }
.Ltmp51:
0x60a: {  	(pc) =	sbr.rel @p0 .LBB2_104-.Ltmp51, $2  }
0x60b: {  	_ =	sdelay $0x2  }
0x60c: {  	v28 =	vmov s22;
	s22 =	sadd.s32 $0x1, s22;
	v29 =	vmul.f32 v30, v29  }
0x60d: {  	_ = 	snop  }
0x60e: {  	v29 =	vadd.f32 v29, v27;
	_ =	sdelay $0x1  }
0x60f: {  	[tilespmem:s21+$0x0] =	vst v29  }
0x610: {  	s24 =	sadd.s32 $0x10, s21;
	v28 =	vld.idx.msk [tilespmem:v28+s15+$0x0], $0xffff  }
0x611: {  	v29 =	vld [tilespmem:s24+$0x0];
	_ =	sdelay $0x4  }
0x612: {  	v28 =	vmul.f32 v29, v28;
	_ =	sdelay $0x1  }
0x613: {  	v27 =	vadd.f32 v28, v27;
	_ =	sdelay $0x1  }
0x614: {  	[tilespmem:s24+$0x0] =	vst v27  }
0x615: {  	[hbm4b:s10+s16] =	stream.strided.scatter [tilespmem:s18], [sflag:$0x2], $0x2000, s17, s16, $0x38;
	[tilespmem:$0xDF40] =	vst v63  }
0x616: {  	_ =	swait.ge [sflag:s11], $0x2000  }
0x617: {  	[sflag:s11] =	ssyncset.done $0x0  }
0x618: {  	[sflag:s11] =	ssyncadd.s32 $0xFFFFE000  }
0x619: {  	v48 =	vld [tilespmem:$0x75A0]  }
0x61a: {  	v45 =	vld [tilespmem:$0x75B0]  }
0x61b: {  	v43 =	vld [tilespmem:$0x75C0]  }
0x61c: {  	v41 =	vld [tilespmem:$0x75D0]  }
0x61d: {  	v39 =	vld [tilespmem:$0x75E0]  }
0x61e: {  	v37 =	vld [tilespmem:$0x75F0]  }
0x61f: {  	s25 =	simm.s32 $0x0;
	v35 =	vld [tilespmem:$0x7600]  }
0x620: {  	v27 =	vmov s25;
	v32 =	vld [tilespmem:$0x7610]  }
0x621: {  	v27 =	vmul.u32 $0x28, v27;
	v31 =	vld [tilespmem:$0x7620]  }
0x622: {  	v30 =	vld [tilespmem:$0x7630]  }
0x623: {  	v53 =	vbroadcast v27, $0x0;
	v29 =	vld [tilespmem:$0x7640]  }
0x624: {  	v28 =	vld [tilespmem:$0x7650]  }
0x625: {  	v27 =	vld [tilespmem:$0x7660];
	v33 =	vadd.s32 $0x1A, v53  }
0x626: {  	v52 =	vld [tilespmem:$0x7670]  }
0x627: {  	v51 =	vld [tilespmem:$0x7680]  }
0x628: {  	v50 =	vld [tilespmem:$0x7690]  }
0x629: {  	v49 =	vld [tilespmem:$0x76A0]  }
0x62a: {  	v33 =	vld.idx.msk [tilespmem:v33+s2+$0x0], $0xffff  }
0x62b: {  	v47 =	vld [tilespmem:$0x76B0]  }
0x62c: {  	v46 =	vld [tilespmem:$0x76C0]  }
0x62d: {  	v44 =	vld [tilespmem:$0x76D0]  }
0x62e: {  	v42 =	vld [tilespmem:$0x76E0]  }
0x62f: {  	v40 =	vld [tilespmem:$0x76F0];
	v54 =	vadd.s32 $0x1B, v53;
	v33 =	vmul.f32 v33, v48  }
0x630: {  	v38 =	vld [tilespmem:$0x7700]  }
0x631: {  	v36 =	vld [tilespmem:$0x7710];
	v55 =	vadd.f32 v33, v52  }
0x632: {  	s21 =	simm.s32 $0x77A0;
	v34 =	vld [tilespmem:$0x7720]  }
0x633: {  	v33 =	vld [tilespmem:$0x7730];
	[tilespmem:s21+$0xFFFFFFA0] =	vst v55  }
0x634: {  	v54 =	vld.idx.msk [tilespmem:v54+s2+$0x0], $0xffff;
	_ =	sdelay $0x4  }
0x635: {  	v61 =	vadd.s32 $0x1C, v53;
	v54 =	vmul.f32 v54, v45;
	_ =	sdelay $0x1  }
0x636: {  	v54 =	vadd.f32 v54, v51;
	_ =	sdelay $0x1  }
0x637: {  	[tilespmem:s21+$0xFFFFFFB0] =	vst v54  }
0x638: {  	v54 =	vld.idx.msk [tilespmem:v61+s2+$0x0], $0xffff;
	_ =	sdelay $0x4  }
0x639: {  	v62 =	vadd.s32 $0x1D, v53;
	v54 =	vmul.f32 v54, v43;
	_ =	sdelay $0x1  }
0x63a: {  	v54 =	vadd.f32 v54, v50;
	_ =	sdelay $0x1  }
0x63b: {  	[tilespmem:s21+$0xFFFFFFC0] =	vst v54  }
0x63c: {  	v54 =	vld.idx.msk [tilespmem:v62+s2+$0x0], $0xffff;
	_ =	sdelay $0x4  }
0x63d: {  	v63 =	vadd.s32 $0x1E, v53;
	v54 =	vmul.f32 v54, v41;
	_ =	sdelay $0x1  }
0x63e: {  	v54 =	vadd.f32 v54, v49;
	_ =	sdelay $0x1  }
0x63f: {  	[tilespmem:s21+$0xFFFFFFD0] =	vst v54  }
0x640: {  	v54 =	vld.idx.msk [tilespmem:v63+s2+$0x0], $0xffff;
	_ =	sdelay $0x4  }
0x641: {  	v57 =	vadd.s32 $0x1F, v53;
	v54 =	vmul.f32 v54, v39;
	_ =	sdelay $0x1  }
0x642: {  	v54 =	vadd.f32 v54, v47;
	_ =	sdelay $0x1  }
0x643: {  	[tilespmem:s21+$0xFFFFFFE0] =	vst v54  }
0x644: {  	v54 =	vld.idx.msk [tilespmem:v57+s2+$0x0], $0xffff;
	_ =	sdelay $0x4  }
0x645: {  	v58 =	vadd.s32 $0x20, v53;
	v54 =	vmul.f32 v54, v37;
	_ =	sdelay $0x1  }
0x646: {  	v54 =	vadd.f32 v54, v46;
	_ =	sdelay $0x1  }
0x647: {  	[tilespmem:s21+$0xFFFFFFF0] =	vst v54  }
0x648: {  	v54 =	vld.idx.msk [tilespmem:v58+s2+$0x0], $0xffff;
	_ =	sdelay $0x4  }
0x649: {  	v59 =	vadd.s32 $0x21, v53;
	v54 =	vmul.f32 v54, v35;
	_ =	sdelay $0x1  }
0x64a: {  	v54 =	vadd.f32 v54, v44;
	_ =	sdelay $0x1  }
0x64b: {  	[tilespmem:s21+$0x0] =	vst v54  }
0x64c: {  	v54 =	vld.idx.msk [tilespmem:v59+s2+$0x0], $0xffff;
	_ =	sdelay $0x4  }
0x64d: {  	v60 =	vadd.s32 $0x22, v53;
	v54 =	vmul.f32 v54, v32;
	_ =	sdelay $0x1  }
0x64e: {  	v54 =	vadd.f32 v54, v42;
	_ =	sdelay $0x1  }
0x64f: {  	[tilespmem:s21+$0x10] =	vst v54  }
0x650: {  	v54 =	vld.idx.msk [tilespmem:v60+s2+$0x0], $0xffff;
	_ =	sdelay $0x4  }
0x651: {  	v61 =	vadd.s32 $0x23, v53;
	v54 =	vmul.f32 v54, v31;
	_ =	sdelay $0x1  }
0x652: {  	v54 =	vadd.f32 v54, v40;
	_ =	sdelay $0x1  }
0x653: {  	[tilespmem:s21+$0x20] =	vst v54  }
0x654: {  	v54 =	vld.idx.msk [tilespmem:v61+s2+$0x0], $0xffff;
	_ =	sdelay $0x4  }
0x655: {  	v62 =	vadd.s32 $0x24, v53;
	v54 =	vmul.f32 v54, v30;
	_ =	sdelay $0x1  }
0x656: {  	v54 =	vadd.f32 v54, v38;
	_ =	sdelay $0x1  }
0x657: {  	[tilespmem:s21+$0x30] =	vst v54  }
0x658: {  	v54 =	vld.idx.msk [tilespmem:v62+s2+$0x0], $0xffff;
	_ =	sdelay $0x4  }
0x659: {  	v63 =	vadd.s32 $0x25, v53;
	v54 =	vmul.f32 v54, v29;
	_ =	sdelay $0x1  }
0x65a: {  	v54 =	vadd.f32 v54, v36;
	_ =	sdelay $0x1  }
0x65b: {  	[tilespmem:s21+$0x40] =	vst v54  }
0x65c: {  	v54 =	vld.idx.msk [tilespmem:v63+s2+$0x0], $0xffff;
	_ =	sdelay $0x4  }
0x65d: {  	v53 =	vadd.s32 $0x26, v53;
	v54 =	vmul.f32 v54, v28;
	_ =	sdelay $0x1  }
0x65e: {  	v54 =	vadd.f32 v54, v34;
	_ =	sdelay $0x1  }
0x65f: {  	s22 =	simm.s32 $0x1;
	[tilespmem:s21+$0x50] =	vst v54  }
0x660: {  	v54 =	vld.idx.msk [tilespmem:v53+s2+$0x0], $0xffff;
	v53 =	vmov s22;
	s22 =	simm.s32 $0x2  }
.LBB2_106:
0x661: {  	p0 =	sne.s32 s22, $0x7F;
	v53 =	vmul.u32 $0x28, v53;
	_ =	sdelay $0x1  }
0x662: {  	v53 =	vbroadcast v53, $0x0;
	_ =	sdelay $0x1  }
0x663: {  	v54 =	vmul.f32 v54, v27;
	v55 =	vadd.s32 $0x1A, v53;
	_ =	sdelay $0x1  }
0x664: {  	v54 =	vadd.f32 v54, v33;
	_ =	sdelay $0x1  }
0x665: {  	[tilespmem:s21+$0x60] =	vst v54  }
0x666: {  	v54 =	vld.idx.msk [tilespmem:v55+s2+$0x0], $0xffff;
	_ =	sdelay $0x5  }
0x667: {  	v55 =	vadd.s32 $0x1B, v53;
	v54 =	vmul.f32 v54, v48;
	_ =	sdelay $0x1  }
0x668: {  	v54 =	vadd.f32 v54, v52  }
0x669: {  	s21 =	sadd.s32 $0xD0, s21  }
0x66a: {  	[tilespmem:s21+$0xFFFFFFA0] =	vst v54  }
0x66b: {  	v54 =	vld.idx.msk [tilespmem:v55+s2+$0x0], $0xffff;
	_ =	sdelay $0x5  }
0x66c: {  	v55 =	vadd.s32 $0x1C, v53;
	v54 =	vmul.f32 v54, v45;
	_ =	sdelay $0x1  }
0x66d: {  	v54 =	vadd.f32 v54, v51;
	_ =	sdelay $0x1  }
0x66e: {  	[tilespmem:s21+$0xFFFFFFB0] =	vst v54  }
0x66f: {  	v54 =	vld.idx.msk [tilespmem:v55+s2+$0x0], $0xffff;
	_ =	sdelay $0x5  }
0x670: {  	v55 =	vadd.s32 $0x1D, v53;
	v54 =	vmul.f32 v54, v43;
	_ =	sdelay $0x1  }
0x671: {  	v54 =	vadd.f32 v54, v50;
	_ =	sdelay $0x1  }
0x672: {  	[tilespmem:s21+$0xFFFFFFC0] =	vst v54  }
0x673: {  	v54 =	vld.idx.msk [tilespmem:v55+s2+$0x0], $0xffff;
	_ =	sdelay $0x5  }
0x674: {  	v55 =	vadd.s32 $0x1E, v53;
	v54 =	vmul.f32 v54, v41;
	_ =	sdelay $0x1  }
0x675: {  	v54 =	vadd.f32 v54, v49;
	_ =	sdelay $0x1  }
0x676: {  	[tilespmem:s21+$0xFFFFFFD0] =	vst v54  }
0x677: {  	v54 =	vld.idx.msk [tilespmem:v55+s2+$0x0], $0xffff;
	_ =	sdelay $0x5  }
0x678: {  	v55 =	vadd.s32 $0x1F, v53;
	v54 =	vmul.f32 v54, v39;
	_ =	sdelay $0x1  }
0x679: {  	v54 =	vadd.f32 v54, v47;
	_ =	sdelay $0x1  }
0x67a: {  	[tilespmem:s21+$0xFFFFFFE0] =	vst v54  }
0x67b: {  	v54 =	vld.idx.msk [tilespmem:v55+s2+$0x0], $0xffff;
	_ =	sdelay $0x5  }
0x67c: {  	v55 =	vadd.s32 $0x20, v53;
	v54 =	vmul.f32 v54, v37;
	_ =	sdelay $0x1  }
0x67d: {  	v54 =	vadd.f32 v54, v46;
	_ =	sdelay $0x1  }
0x67e: {  	[tilespmem:s21+$0xFFFFFFF0] =	vst v54  }
0x67f: {  	v54 =	vld.idx.msk [tilespmem:v55+s2+$0x0], $0xffff;
	_ =	sdelay $0x5  }
0x680: {  	v55 =	vadd.s32 $0x21, v53;
	v54 =	vmul.f32 v54, v35;
	_ =	sdelay $0x1  }
0x681: {  	v54 =	vadd.f32 v54, v44;
	_ =	sdelay $0x1  }
0x682: {  	[tilespmem:s21+$0x0] =	vst v54  }
0x683: {  	v54 =	vld.idx.msk [tilespmem:v55+s2+$0x0], $0xffff;
	_ =	sdelay $0x5  }
0x684: {  	v55 =	vadd.s32 $0x22, v53;
	v54 =	vmul.f32 v54, v32;
	_ =	sdelay $0x1  }
0x685: {  	v54 =	vadd.f32 v54, v42;
	_ =	sdelay $0x1  }
0x686: {  	[tilespmem:s21+$0x10] =	vst v54  }
0x687: {  	v54 =	vld.idx.msk [tilespmem:v55+s2+$0x0], $0xffff;
	_ =	sdelay $0x5  }
0x688: {  	v55 =	vadd.s32 $0x23, v53;
	v54 =	vmul.f32 v54, v31;
	_ =	sdelay $0x1  }
0x689: {  	v54 =	vadd.f32 v54, v40;
	_ =	sdelay $0x1  }
0x68a: {  	[tilespmem:s21+$0x20] =	vst v54  }
0x68b: {  	v54 =	vld.idx.msk [tilespmem:v55+s2+$0x0], $0xffff;
	_ =	sdelay $0x5  }
0x68c: {  	v55 =	vadd.s32 $0x24, v53;
	v54 =	vmul.f32 v54, v30;
	_ =	sdelay $0x1  }
0x68d: {  	v54 =	vadd.f32 v54, v38;
	_ =	sdelay $0x1  }
0x68e: {  	[tilespmem:s21+$0x30] =	vst v54  }
0x68f: {  	v54 =	vld.idx.msk [tilespmem:v55+s2+$0x0], $0xffff;
	_ =	sdelay $0x5  }
0x690: {  	v55 =	vadd.s32 $0x25, v53;
	v54 =	vmul.f32 v54, v29;
	_ =	sdelay $0x1  }
0x691: {  	v54 =	vadd.f32 v54, v36;
	_ =	sdelay $0x1  }
0x692: {  	[tilespmem:s21+$0x40] =	vst v54  }
0x693: {  	v54 =	vld.idx.msk [tilespmem:v55+s2+$0x0], $0xffff;
	_ =	sdelay $0x5  }
0x694: {  	v53 =	vadd.s32 $0x26, v53;
	v54 =	vmul.f32 v54, v28;
	_ =	sdelay $0x1  }
.Ltmp52:
0x695: {  	v54 =	vadd.f32 v54, v34;
	(pc) =	sbr.rel @p0 .LBB2_106-.Ltmp52, $4  }
0x696: {  	_ = 	snop  }
0x697: {  	[tilespmem:s21+$0x50] =	vst v54  }
0x698: {  	v54 =	vld.idx.msk [tilespmem:v53+s2+$0x0], $0xffff  }
0x699: {  	v53 =	vmov s22;
	s22 =	sadd.s32 $0x1, s22  }
0x69a: {  	v53 =	vmul.u32 $0x28, v53;
	_ =	sdelay $0x1  }
0x69b: {  	v53 =	vbroadcast v53, $0x0;
	_ =	sdelay $0x1  }
0x69c: {  	v54 =	vmul.f32 v54, v27;
	v55 =	vadd.s32 $0x1A, v53;
	_ =	sdelay $0x1  }
0x69d: {  	v54 =	vadd.f32 v54, v33;
	_ =	sdelay $0x1  }
0x69e: {  	[tilespmem:s21+$0x60] =	vst v54  }
0x69f: {  	v54 =	vld.idx.msk [tilespmem:v55+s2+$0x0], $0xffff;
	_ =	sdelay $0x4  }
0x6a0: {  	v61 =	vadd.s32 $0x1B, v53;
	v54 =	vmul.f32 v54, v48;
	_ =	sdelay $0x1  }
0x6a1: {  	v54 =	vadd.f32 v54, v52  }
0x6a2: {  	s23 =	sadd.s32 $0xD0, s21  }
0x6a3: {  	[tilespmem:s23+$0xFFFFFFA0] =	vst v54  }
0x6a4: {  	v54 =	vld.idx.msk [tilespmem:v61+s2+$0x0], $0xffff;
	_ =	sdelay $0x4  }
0x6a5: {  	v62 =	vadd.s32 $0x1C, v53;
	v54 =	vmul.f32 v54, v45;
	_ =	sdelay $0x1  }
0x6a6: {  	v54 =	vadd.f32 v54, v51;
	_ =	sdelay $0x1  }
0x6a7: {  	[tilespmem:s23+$0xFFFFFFB0] =	vst v54  }
0x6a8: {  	v54 =	vld.idx.msk [tilespmem:v62+s2+$0x0], $0xffff;
	_ =	sdelay $0x4  }
0x6a9: {  	v63 =	vadd.s32 $0x1D, v53;
	v54 =	vmul.f32 v54, v43;
	_ =	sdelay $0x1  }
0x6aa: {  	v54 =	vadd.f32 v54, v50;
	_ =	sdelay $0x1  }
0x6ab: {  	[tilespmem:s23+$0xFFFFFFC0] =	vst v54  }
0x6ac: {  	v54 =	vld.idx.msk [tilespmem:v63+s2+$0x0], $0xffff;
	_ =	sdelay $0x4  }
0x6ad: {  	v57 =	vadd.s32 $0x1E, v53;
	v54 =	vmul.f32 v54, v41;
	_ =	sdelay $0x1  }
0x6ae: {  	v54 =	vadd.f32 v54, v49;
	_ =	sdelay $0x1  }
0x6af: {  	[tilespmem:s23+$0xFFFFFFD0] =	vst v54  }
0x6b0: {  	v54 =	vld.idx.msk [tilespmem:v57+s2+$0x0], $0xffff;
	_ =	sdelay $0x4  }
0x6b1: {  	v58 =	vadd.s32 $0x1F, v53;
	v54 =	vmul.f32 v54, v39;
	_ =	sdelay $0x1  }
0x6b2: {  	v54 =	vadd.f32 v54, v47;
	_ =	sdelay $0x1  }
0x6b3: {  	[tilespmem:s23+$0xFFFFFFE0] =	vst v54  }
0x6b4: {  	v54 =	vld.idx.msk [tilespmem:v58+s2+$0x0], $0xffff;
	_ =	sdelay $0x4  }
0x6b5: {  	v59 =	vadd.s32 $0x20, v53;
	v54 =	vmul.f32 v54, v37;
	_ =	sdelay $0x1  }
0x6b6: {  	v54 =	vadd.f32 v54, v46;
	_ =	sdelay $0x1  }
0x6b7: {  	[tilespmem:s23+$0xFFFFFFF0] =	vst v54  }
0x6b8: {  	v54 =	vld.idx.msk [tilespmem:v59+s2+$0x0], $0xffff;
	_ =	sdelay $0x4  }
0x6b9: {  	v60 =	vadd.s32 $0x21, v53;
	v54 =	vmul.f32 v54, v35;
	_ =	sdelay $0x1  }
0x6ba: {  	v54 =	vadd.f32 v54, v44;
	_ =	sdelay $0x1  }
0x6bb: {  	[tilespmem:s23+$0x0] =	vst v54  }
0x6bc: {  	v54 =	vld.idx.msk [tilespmem:v60+s2+$0x0], $0xffff;
	_ =	sdelay $0x4  }
0x6bd: {  	v61 =	vadd.s32 $0x22, v53;
	v54 =	vmul.f32 v54, v32;
	_ =	sdelay $0x1  }
0x6be: {  	v54 =	vadd.f32 v54, v42;
	_ =	sdelay $0x1  }
0x6bf: {  	[tilespmem:s23+$0x10] =	vst v54  }
0x6c0: {  	v54 =	vld.idx.msk [tilespmem:v61+s2+$0x0], $0xffff;
	_ =	sdelay $0x4  }
0x6c1: {  	v62 =	vadd.s32 $0x23, v53;
	v54 =	vmul.f32 v54, v31;
	_ =	sdelay $0x1  }
0x6c2: {  	v54 =	vadd.f32 v54, v40;
	_ =	sdelay $0x1  }
0x6c3: {  	[tilespmem:s23+$0x20] =	vst v54  }
0x6c4: {  	v54 =	vld.idx.msk [tilespmem:v62+s2+$0x0], $0xffff;
	_ =	sdelay $0x4  }
0x6c5: {  	v63 =	vadd.s32 $0x24, v53;
	v54 =	vmul.f32 v54, v30;
	_ =	sdelay $0x1  }
0x6c6: {  	v54 =	vadd.f32 v54, v38;
	_ =	sdelay $0x1  }
0x6c7: {  	[tilespmem:s23+$0x30] =	vst v54  }
0x6c8: {  	v54 =	vld.idx.msk [tilespmem:v63+s2+$0x0], $0xffff;
	_ =	sdelay $0x4  }
0x6c9: {  	v57 =	vadd.s32 $0x25, v53;
	v54 =	vmul.f32 v54, v29;
	_ =	sdelay $0x1  }
0x6ca: {  	v54 =	vadd.f32 v54, v36;
	_ =	sdelay $0x1  }
0x6cb: {  	[tilespmem:s23+$0x40] =	vst v54  }
0x6cc: {  	v54 =	vld.idx.msk [tilespmem:v57+s2+$0x0], $0xffff;
	_ =	sdelay $0x4  }
0x6cd: {  	v53 =	vadd.s32 $0x26, v53;
	v54 =	vmul.f32 v54, v28;
	_ =	sdelay $0x1  }
0x6ce: {  	v54 =	vadd.f32 v54, v34;
	_ =	sdelay $0x1  }
0x6cf: {  	[tilespmem:s23+$0x50] =	vst v54  }
0x6d0: {  	v53 =	vld.idx.msk [tilespmem:v53+s2+$0x0], $0xffff;
	_ =	sdelay $0x2  }
0x6d1: {  	s22 =	simm.s32 $0x80  }
0x6d2: {  	v58 =	vmov s22  }
0x6d3: {  	v54 =	vmul.u32 $0x28, v58;
	v53 =	vmul.f32 v53, v27;
	_ =	sdelay $0x1  }
0x6d4: {  	v54 =	vbroadcast v54, $0x0;
	v53 =	vadd.f32 v53, v33;
	_ =	sdelay $0x1  }
0x6d5: {  	s24 =	rddreg [dreg:$0x14];
	v59 =	vadd.s32 $0x1A, v54;
	[tilespmem:s23+$0x60] =	vst v53  }
0x6d6: {  	[hbm4b:s24+s2] =	stream.linear.scatter [tilespmem:s19], [sflag:$0x2], $0x6800, $0x38;
	[tilespmem:$0xDF40] =	vst v63  }
0x6d7: {  	_ =	swait.ge [sflag:s11], $0x6800  }
0x6d8: {  	[sflag:s11] =	ssyncset.done $0x0  }
0x6d9: {  	[sflag:s11] =	ssyncadd.s32 $0xFFFF9800  }
0x6da: {  	v53 =	vld.idx.msk [tilespmem:v59+s2+$0x0], $0xffff;
	_ =	sdelay $0x4  }
0x6db: {  	v60 =	vadd.s32 $0x1B, v54;
	v53 =	vmul.f32 v53, v48;
	_ =	sdelay $0x1  }
0x6dc: {  	v53 =	vadd.f32 v53, v52  }
0x6dd: {  	s21 =	simm.s32 $0x77A0  }
0x6de: {  	[tilespmem:s21+$0xFFFFFFA0] =	vst v53  }
0x6df: {  	v53 =	vld.idx.msk [tilespmem:v60+s2+$0x0], $0xffff;
	_ =	sdelay $0x4  }
0x6e0: {  	v61 =	vadd.s32 $0x1C, v54;
	v53 =	vmul.f32 v53, v45;
	_ =	sdelay $0x1  }
0x6e1: {  	v53 =	vadd.f32 v53, v51;
	_ =	sdelay $0x1  }
0x6e2: {  	[tilespmem:s21+$0xFFFFFFB0] =	vst v53  }
0x6e3: {  	v53 =	vld.idx.msk [tilespmem:v61+s2+$0x0], $0xffff;
	_ =	sdelay $0x4  }
0x6e4: {  	v62 =	vadd.s32 $0x1D, v54;
	v53 =	vmul.f32 v53, v43;
	_ =	sdelay $0x1  }
0x6e5: {  	v53 =	vadd.f32 v53, v50;
	_ =	sdelay $0x1  }
0x6e6: {  	[tilespmem:s21+$0xFFFFFFC0] =	vst v53  }
0x6e7: {  	v53 =	vld.idx.msk [tilespmem:v62+s2+$0x0], $0xffff;
	_ =	sdelay $0x4  }
0x6e8: {  	v63 =	vadd.s32 $0x1E, v54;
	v53 =	vmul.f32 v53, v41;
	_ =	sdelay $0x1  }
0x6e9: {  	v53 =	vadd.f32 v53, v49;
	_ =	sdelay $0x1  }
0x6ea: {  	[tilespmem:s21+$0xFFFFFFD0] =	vst v53  }
0x6eb: {  	v53 =	vld.idx.msk [tilespmem:v63+s2+$0x0], $0xffff;
	_ =	sdelay $0x4  }
0x6ec: {  	v57 =	vadd.s32 $0x1F, v54;
	v53 =	vmul.f32 v53, v39;
	_ =	sdelay $0x1  }
0x6ed: {  	v53 =	vadd.f32 v53, v47;
	_ =	sdelay $0x1  }
0x6ee: {  	[tilespmem:s21+$0xFFFFFFE0] =	vst v53  }
0x6ef: {  	v53 =	vld.idx.msk [tilespmem:v57+s2+$0x0], $0xffff;
	_ =	sdelay $0x4  }
0x6f0: {  	v58 =	vadd.s32 $0x20, v54;
	v53 =	vmul.f32 v53, v37;
	_ =	sdelay $0x1  }
0x6f1: {  	v53 =	vadd.f32 v53, v46;
	_ =	sdelay $0x1  }
0x6f2: {  	[tilespmem:s21+$0xFFFFFFF0] =	vst v53  }
0x6f3: {  	v53 =	vld.idx.msk [tilespmem:v58+s2+$0x0], $0xffff;
	_ =	sdelay $0x4  }
0x6f4: {  	v59 =	vadd.s32 $0x21, v54;
	v53 =	vmul.f32 v53, v35;
	_ =	sdelay $0x1  }
0x6f5: {  	v53 =	vadd.f32 v53, v44;
	_ =	sdelay $0x1  }
0x6f6: {  	[tilespmem:s21+$0x0] =	vst v53  }
0x6f7: {  	v53 =	vld.idx.msk [tilespmem:v59+s2+$0x0], $0xffff;
	_ =	sdelay $0x4  }
0x6f8: {  	v60 =	vadd.s32 $0x22, v54;
	v53 =	vmul.f32 v53, v32;
	_ =	sdelay $0x1  }
0x6f9: {  	v53 =	vadd.f32 v53, v42;
	_ =	sdelay $0x1  }
0x6fa: {  	[tilespmem:s21+$0x10] =	vst v53  }
0x6fb: {  	v53 =	vld.idx.msk [tilespmem:v60+s2+$0x0], $0xffff;
	_ =	sdelay $0x4  }
0x6fc: {  	v61 =	vadd.s32 $0x23, v54;
	v53 =	vmul.f32 v53, v31;
	_ =	sdelay $0x1  }
0x6fd: {  	v53 =	vadd.f32 v53, v40;
	_ =	sdelay $0x1  }
0x6fe: {  	[tilespmem:s21+$0x20] =	vst v53  }
0x6ff: {  	v53 =	vld.idx.msk [tilespmem:v61+s2+$0x0], $0xffff;
	_ =	sdelay $0x4  }
0x700: {  	v62 =	vadd.s32 $0x24, v54;
	v53 =	vmul.f32 v53, v30;
	_ =	sdelay $0x1  }
0x701: {  	v53 =	vadd.f32 v53, v38;
	_ =	sdelay $0x1  }
0x702: {  	[tilespmem:s21+$0x30] =	vst v53  }
0x703: {  	v53 =	vld.idx.msk [tilespmem:v62+s2+$0x0], $0xffff;
	_ =	sdelay $0x4  }
0x704: {  	v63 =	vadd.s32 $0x25, v54;
	v53 =	vmul.f32 v53, v29;
	_ =	sdelay $0x1  }
0x705: {  	v53 =	vadd.f32 v53, v36;
	_ =	sdelay $0x1  }
0x706: {  	[tilespmem:s21+$0x40] =	vst v53  }
0x707: {  	v53 =	vld.idx.msk [tilespmem:v63+s2+$0x0], $0xffff;
	_ =	sdelay $0x4  }
0x708: {  	v54 =	vadd.s32 $0x26, v54;
	v53 =	vmul.f32 v53, v28;
	_ =	sdelay $0x1  }
0x709: {  	v53 =	vadd.f32 v53, v34;
	_ =	sdelay $0x1  }
0x70a: {  	s25 =	simm.s32 $0x81;
	[tilespmem:s21+$0x50] =	vst v53  }
0x70b: {  	s22 =	simm.s32 $0x82;
	v53 =	vmov s25;
	v54 =	vld.idx.msk [tilespmem:v54+s2+$0x0], $0xffff  }
.LBB2_108:
0x70c: {  	p0 =	sne.s32 s22, $0xFF;
	v53 =	vmul.u32 $0x28, v53;
	_ =	sdelay $0x1  }
0x70d: {  	v53 =	vbroadcast v53, $0x0;
	_ =	sdelay $0x1  }
0x70e: {  	v54 =	vmul.f32 v54, v27;
	v55 =	vadd.s32 $0x1A, v53;
	_ =	sdelay $0x1  }
0x70f: {  	v54 =	vadd.f32 v54, v33;
	_ =	sdelay $0x1  }
0x710: {  	[tilespmem:s21+$0x60] =	vst v54  }
0x711: {  	v54 =	vld.idx.msk [tilespmem:v55+s2+$0x0], $0xffff;
	_ =	sdelay $0x5  }
0x712: {  	v55 =	vadd.s32 $0x1B, v53;
	v54 =	vmul.f32 v54, v48;
	_ =	sdelay $0x1  }
0x713: {  	v54 =	vadd.f32 v54, v52  }
0x714: {  	s21 =	sadd.s32 $0xD0, s21  }
0x715: {  	[tilespmem:s21+$0xFFFFFFA0] =	vst v54  }
0x716: {  	v54 =	vld.idx.msk [tilespmem:v55+s2+$0x0], $0xffff;
	_ =	sdelay $0x5  }
0x717: {  	v55 =	vadd.s32 $0x1C, v53;
	v54 =	vmul.f32 v54, v45;
	_ =	sdelay $0x1  }
0x718: {  	v54 =	vadd.f32 v54, v51;
	_ =	sdelay $0x1  }
0x719: {  	[tilespmem:s21+$0xFFFFFFB0] =	vst v54  }
0x71a: {  	v54 =	vld.idx.msk [tilespmem:v55+s2+$0x0], $0xffff;
	_ =	sdelay $0x5  }
0x71b: {  	v55 =	vadd.s32 $0x1D, v53;
	v54 =	vmul.f32 v54, v43;
	_ =	sdelay $0x1  }
0x71c: {  	v54 =	vadd.f32 v54, v50;
	_ =	sdelay $0x1  }
0x71d: {  	[tilespmem:s21+$0xFFFFFFC0] =	vst v54  }
0x71e: {  	v54 =	vld.idx.msk [tilespmem:v55+s2+$0x0], $0xffff;
	_ =	sdelay $0x5  }
0x71f: {  	v55 =	vadd.s32 $0x1E, v53;
	v54 =	vmul.f32 v54, v41;
	_ =	sdelay $0x1  }
0x720: {  	v54 =	vadd.f32 v54, v49;
	_ =	sdelay $0x1  }
0x721: {  	[tilespmem:s21+$0xFFFFFFD0] =	vst v54  }
0x722: {  	v54 =	vld.idx.msk [tilespmem:v55+s2+$0x0], $0xffff;
	_ =	sdelay $0x5  }
0x723: {  	v55 =	vadd.s32 $0x1F, v53;
	v54 =	vmul.f32 v54, v39;
	_ =	sdelay $0x1  }
0x724: {  	v54 =	vadd.f32 v54, v47;
	_ =	sdelay $0x1  }
0x725: {  	[tilespmem:s21+$0xFFFFFFE0] =	vst v54  }
0x726: {  	v54 =	vld.idx.msk [tilespmem:v55+s2+$0x0], $0xffff;
	_ =	sdelay $0x5  }
0x727: {  	v55 =	vadd.s32 $0x20, v53;
	v54 =	vmul.f32 v54, v37;
	_ =	sdelay $0x1  }
0x728: {  	v54 =	vadd.f32 v54, v46;
	_ =	sdelay $0x1  }
0x729: {  	[tilespmem:s21+$0xFFFFFFF0] =	vst v54  }
0x72a: {  	v54 =	vld.idx.msk [tilespmem:v55+s2+$0x0], $0xffff;
	_ =	sdelay $0x5  }
0x72b: {  	v55 =	vadd.s32 $0x21, v53;
	v54 =	vmul.f32 v54, v35;
	_ =	sdelay $0x1  }
0x72c: {  	v54 =	vadd.f32 v54, v44;
	_ =	sdelay $0x1  }
0x72d: {  	[tilespmem:s21+$0x0] =	vst v54  }
0x72e: {  	v54 =	vld.idx.msk [tilespmem:v55+s2+$0x0], $0xffff;
	_ =	sdelay $0x5  }
0x72f: {  	v55 =	vadd.s32 $0x22, v53;
	v54 =	vmul.f32 v54, v32;
	_ =	sdelay $0x1  }
0x730: {  	v54 =	vadd.f32 v54, v42;
	_ =	sdelay $0x1  }
0x731: {  	[tilespmem:s21+$0x10] =	vst v54  }
0x732: {  	v54 =	vld.idx.msk [tilespmem:v55+s2+$0x0], $0xffff;
	_ =	sdelay $0x5  }
0x733: {  	v55 =	vadd.s32 $0x23, v53;
	v54 =	vmul.f32 v54, v31;
	_ =	sdelay $0x1  }
0x734: {  	v54 =	vadd.f32 v54, v40;
	_ =	sdelay $0x1  }
0x735: {  	[tilespmem:s21+$0x20] =	vst v54  }
0x736: {  	v54 =	vld.idx.msk [tilespmem:v55+s2+$0x0], $0xffff;
	_ =	sdelay $0x5  }
0x737: {  	v55 =	vadd.s32 $0x24, v53;
	v54 =	vmul.f32 v54, v30;
	_ =	sdelay $0x1  }
0x738: {  	v54 =	vadd.f32 v54, v38;
	_ =	sdelay $0x1  }
0x739: {  	[tilespmem:s21+$0x30] =	vst v54  }
0x73a: {  	v54 =	vld.idx.msk [tilespmem:v55+s2+$0x0], $0xffff;
	_ =	sdelay $0x5  }
0x73b: {  	v55 =	vadd.s32 $0x25, v53;
	v54 =	vmul.f32 v54, v29;
	_ =	sdelay $0x1  }
0x73c: {  	v54 =	vadd.f32 v54, v36;
	_ =	sdelay $0x1  }
0x73d: {  	[tilespmem:s21+$0x40] =	vst v54  }
0x73e: {  	v54 =	vld.idx.msk [tilespmem:v55+s2+$0x0], $0xffff;
	_ =	sdelay $0x5  }
0x73f: {  	v53 =	vadd.s32 $0x26, v53;
	v54 =	vmul.f32 v54, v28;
	_ =	sdelay $0x1  }
.Ltmp53:
0x740: {  	v54 =	vadd.f32 v54, v34;
	(pc) =	sbr.rel @p0 .LBB2_108-.Ltmp53, $4  }
0x741: {  	_ = 	snop  }
0x742: {  	[tilespmem:s21+$0x50] =	vst v54  }
0x743: {  	v54 =	vld.idx.msk [tilespmem:v53+s2+$0x0], $0xffff  }
0x744: {  	v53 =	vmov s22;
	s22 =	sadd.s32 $0x1, s22  }
0x745: {  	v53 =	vmul.u32 $0x28, v53;
	_ =	sdelay $0x1  }
0x746: {  	v53 =	vbroadcast v53, $0x0;
	_ =	sdelay $0x1  }
0x747: {  	v54 =	vmul.f32 v54, v27;
	v55 =	vadd.s32 $0x1A, v53;
	_ =	sdelay $0x1  }
0x748: {  	v54 =	vadd.f32 v54, v33;
	_ =	sdelay $0x1  }
0x749: {  	[tilespmem:s21+$0x60] =	vst v54  }
0x74a: {  	v54 =	vld.idx.msk [tilespmem:v55+s2+$0x0], $0xffff;
	_ =	sdelay $0x4  }
0x74b: {  	v61 =	vadd.s32 $0x1B, v53;
	v54 =	vmul.f32 v54, v48;
	_ =	sdelay $0x1  }
0x74c: {  	v54 =	vadd.f32 v54, v52  }
0x74d: {  	s23 =	sadd.s32 $0xD0, s21  }
0x74e: {  	[tilespmem:s23+$0xFFFFFFA0] =	vst v54  }
0x74f: {  	v54 =	vld.idx.msk [tilespmem:v61+s2+$0x0], $0xffff;
	_ =	sdelay $0x4  }
0x750: {  	v62 =	vadd.s32 $0x1C, v53;
	v54 =	vmul.f32 v54, v45;
	_ =	sdelay $0x1  }
0x751: {  	v54 =	vadd.f32 v54, v51;
	_ =	sdelay $0x1  }
0x752: {  	[tilespmem:s23+$0xFFFFFFB0] =	vst v54  }
0x753: {  	v54 =	vld.idx.msk [tilespmem:v62+s2+$0x0], $0xffff;
	_ =	sdelay $0x4  }
0x754: {  	v63 =	vadd.s32 $0x1D, v53;
	v54 =	vmul.f32 v54, v43;
	_ =	sdelay $0x1  }
0x755: {  	v54 =	vadd.f32 v54, v50;
	_ =	sdelay $0x1  }
0x756: {  	[tilespmem:s23+$0xFFFFFFC0] =	vst v54  }
0x757: {  	v54 =	vld.idx.msk [tilespmem:v63+s2+$0x0], $0xffff;
	_ =	sdelay $0x4  }
0x758: {  	v57 =	vadd.s32 $0x1E, v53;
	v54 =	vmul.f32 v54, v41;
	_ =	sdelay $0x1  }
0x759: {  	v54 =	vadd.f32 v54, v49;
	_ =	sdelay $0x1  }
0x75a: {  	[tilespmem:s23+$0xFFFFFFD0] =	vst v54  }
0x75b: {  	v54 =	vld.idx.msk [tilespmem:v57+s2+$0x0], $0xffff;
	_ =	sdelay $0x4  }
0x75c: {  	v58 =	vadd.s32 $0x1F, v53;
	v54 =	vmul.f32 v54, v39;
	_ =	sdelay $0x1  }
0x75d: {  	v54 =	vadd.f32 v54, v47;
	_ =	sdelay $0x1  }
0x75e: {  	[tilespmem:s23+$0xFFFFFFE0] =	vst v54  }
0x75f: {  	v54 =	vld.idx.msk [tilespmem:v58+s2+$0x0], $0xffff;
	_ =	sdelay $0x4  }
0x760: {  	v59 =	vadd.s32 $0x20, v53;
	v54 =	vmul.f32 v54, v37;
	_ =	sdelay $0x1  }
0x761: {  	v54 =	vadd.f32 v54, v46;
	_ =	sdelay $0x1  }
0x762: {  	[tilespmem:s23+$0xFFFFFFF0] =	vst v54  }
0x763: {  	v54 =	vld.idx.msk [tilespmem:v59+s2+$0x0], $0xffff;
	_ =	sdelay $0x4  }
0x764: {  	v60 =	vadd.s32 $0x21, v53;
	v54 =	vmul.f32 v54, v35;
	_ =	sdelay $0x1  }
0x765: {  	v54 =	vadd.f32 v54, v44;
	_ =	sdelay $0x1  }
0x766: {  	[tilespmem:s23+$0x0] =	vst v54  }
0x767: {  	v54 =	vld.idx.msk [tilespmem:v60+s2+$0x0], $0xffff;
	_ =	sdelay $0x4  }
0x768: {  	v61 =	vadd.s32 $0x22, v53;
	v54 =	vmul.f32 v54, v32;
	_ =	sdelay $0x1  }
0x769: {  	v54 =	vadd.f32 v54, v42;
	_ =	sdelay $0x1  }
0x76a: {  	[tilespmem:s23+$0x10] =	vst v54  }
0x76b: {  	v54 =	vld.idx.msk [tilespmem:v61+s2+$0x0], $0xffff;
	_ =	sdelay $0x4  }
0x76c: {  	v62 =	vadd.s32 $0x23, v53;
	v54 =	vmul.f32 v54, v31;
	_ =	sdelay $0x1  }
0x76d: {  	v54 =	vadd.f32 v54, v40;
	_ =	sdelay $0x1  }
0x76e: {  	[tilespmem:s23+$0x20] =	vst v54  }
0x76f: {  	v54 =	vld.idx.msk [tilespmem:v62+s2+$0x0], $0xffff;
	_ =	sdelay $0x4  }
0x770: {  	v63 =	vadd.s32 $0x24, v53;
	v54 =	vmul.f32 v54, v30;
	_ =	sdelay $0x1  }
0x771: {  	v54 =	vadd.f32 v54, v38;
	_ =	sdelay $0x1  }
0x772: {  	[tilespmem:s23+$0x30] =	vst v54  }
0x773: {  	v54 =	vld.idx.msk [tilespmem:v63+s2+$0x0], $0xffff;
	_ =	sdelay $0x4  }
0x774: {  	v57 =	vadd.s32 $0x25, v53;
	v54 =	vmul.f32 v54, v29;
	_ =	sdelay $0x1  }
0x775: {  	v54 =	vadd.f32 v54, v36;
	_ =	sdelay $0x1  }
0x776: {  	[tilespmem:s23+$0x40] =	vst v54  }
0x777: {  	v54 =	vld.idx.msk [tilespmem:v57+s2+$0x0], $0xffff;
	_ =	sdelay $0x4  }
0x778: {  	v53 =	vadd.s32 $0x26, v53;
	v54 =	vmul.f32 v54, v28;
	_ =	sdelay $0x1  }
0x779: {  	v54 =	vadd.f32 v54, v34;
	_ =	sdelay $0x1  }
0x77a: {  	[tilespmem:s23+$0x50] =	vst v54  }
0x77b: {  	v53 =	vld.idx.msk [tilespmem:v53+s2+$0x0], $0xffff;
	_ =	sdelay $0x2  }
0x77c: {  	s22 =	simm.s32 $0x100  }
0x77d: {  	v58 =	vmov s22  }
0x77e: {  	v54 =	vmul.u32 $0x28, v58;
	v53 =	vmul.f32 v53, v27;
	_ =	sdelay $0x1  }
0x77f: {  	v54 =	vbroadcast v54, $0x0;
	v53 =	vadd.f32 v53, v33;
	_ =	sdelay $0x1  }
0x780: {  	s24 =	rddreg [dreg:$0x15];
	v59 =	vadd.s32 $0x1A, v54;
	[tilespmem:s23+$0x60] =	vst v53  }
0x781: {  	[hbm4b:s24+s2] =	stream.linear.scatter [tilespmem:s19], [sflag:$0x2], $0x6800, $0x38;
	[tilespmem:$0xDF40] =	vst v63  }
0x782: {  	_ =	swait.ge [sflag:s11], $0x6800  }
0x783: {  	[sflag:s11] =	ssyncset.done $0x0  }
0x784: {  	[sflag:s11] =	ssyncadd.s32 $0xFFFF9800  }
0x785: {  	v53 =	vld.idx.msk [tilespmem:v59+s2+$0x0], $0xffff;
	_ =	sdelay $0x4  }
0x786: {  	v60 =	vadd.s32 $0x1B, v54;
	v53 =	vmul.f32 v53, v48;
	_ =	sdelay $0x1  }
0x787: {  	v53 =	vadd.f32 v53, v52  }
0x788: {  	s21 =	simm.s32 $0x77A0  }
0x789: {  	[tilespmem:s21+$0xFFFFFFA0] =	vst v53  }
0x78a: {  	v53 =	vld.idx.msk [tilespmem:v60+s2+$0x0], $0xffff;
	_ =	sdelay $0x4  }
0x78b: {  	v61 =	vadd.s32 $0x1C, v54;
	v53 =	vmul.f32 v53, v45;
	_ =	sdelay $0x1  }
0x78c: {  	v53 =	vadd.f32 v53, v51;
	_ =	sdelay $0x1  }
0x78d: {  	[tilespmem:s21+$0xFFFFFFB0] =	vst v53  }
0x78e: {  	v53 =	vld.idx.msk [tilespmem:v61+s2+$0x0], $0xffff;
	_ =	sdelay $0x4  }
0x78f: {  	v62 =	vadd.s32 $0x1D, v54;
	v53 =	vmul.f32 v53, v43;
	_ =	sdelay $0x1  }
0x790: {  	v53 =	vadd.f32 v53, v50;
	_ =	sdelay $0x1  }
0x791: {  	[tilespmem:s21+$0xFFFFFFC0] =	vst v53  }
0x792: {  	v53 =	vld.idx.msk [tilespmem:v62+s2+$0x0], $0xffff;
	_ =	sdelay $0x4  }
0x793: {  	v63 =	vadd.s32 $0x1E, v54;
	v53 =	vmul.f32 v53, v41;
	_ =	sdelay $0x1  }
0x794: {  	v53 =	vadd.f32 v53, v49;
	_ =	sdelay $0x1  }
0x795: {  	[tilespmem:s21+$0xFFFFFFD0] =	vst v53  }
0x796: {  	v53 =	vld.idx.msk [tilespmem:v63+s2+$0x0], $0xffff;
	_ =	sdelay $0x4  }
0x797: {  	v57 =	vadd.s32 $0x1F, v54;
	v53 =	vmul.f32 v53, v39;
	_ =	sdelay $0x1  }
0x798: {  	v53 =	vadd.f32 v53, v47;
	_ =	sdelay $0x1  }
0x799: {  	[tilespmem:s21+$0xFFFFFFE0] =	vst v53  }
0x79a: {  	v53 =	vld.idx.msk [tilespmem:v57+s2+$0x0], $0xffff;
	_ =	sdelay $0x4  }
0x79b: {  	v58 =	vadd.s32 $0x20, v54;
	v53 =	vmul.f32 v53, v37;
	_ =	sdelay $0x1  }
0x79c: {  	v53 =	vadd.f32 v53, v46;
	_ =	sdelay $0x1  }
0x79d: {  	[tilespmem:s21+$0xFFFFFFF0] =	vst v53  }
0x79e: {  	v53 =	vld.idx.msk [tilespmem:v58+s2+$0x0], $0xffff;
	_ =	sdelay $0x4  }
0x79f: {  	v59 =	vadd.s32 $0x21, v54;
	v53 =	vmul.f32 v53, v35;
	_ =	sdelay $0x1  }
0x7a0: {  	v53 =	vadd.f32 v53, v44;
	_ =	sdelay $0x1  }
0x7a1: {  	[tilespmem:s21+$0x0] =	vst v53  }
0x7a2: {  	v53 =	vld.idx.msk [tilespmem:v59+s2+$0x0], $0xffff;
	_ =	sdelay $0x4  }
0x7a3: {  	v60 =	vadd.s32 $0x22, v54;
	v53 =	vmul.f32 v53, v32;
	_ =	sdelay $0x1  }
0x7a4: {  	v53 =	vadd.f32 v53, v42;
	_ =	sdelay $0x1  }
0x7a5: {  	[tilespmem:s21+$0x10] =	vst v53  }
0x7a6: {  	v53 =	vld.idx.msk [tilespmem:v60+s2+$0x0], $0xffff;
	_ =	sdelay $0x4  }
0x7a7: {  	v61 =	vadd.s32 $0x23, v54;
	v53 =	vmul.f32 v53, v31;
	_ =	sdelay $0x1  }
0x7a8: {  	v53 =	vadd.f32 v53, v40;
	_ =	sdelay $0x1  }
0x7a9: {  	[tilespmem:s21+$0x20] =	vst v53  }
0x7aa: {  	v53 =	vld.idx.msk [tilespmem:v61+s2+$0x0], $0xffff;
	_ =	sdelay $0x4  }
0x7ab: {  	v62 =	vadd.s32 $0x24, v54;
	v53 =	vmul.f32 v53, v30;
	_ =	sdelay $0x1  }
0x7ac: {  	v53 =	vadd.f32 v53, v38;
	_ =	sdelay $0x1  }
0x7ad: {  	[tilespmem:s21+$0x30] =	vst v53  }
0x7ae: {  	v53 =	vld.idx.msk [tilespmem:v62+s2+$0x0], $0xffff;
	_ =	sdelay $0x4  }
0x7af: {  	v63 =	vadd.s32 $0x25, v54;
	v53 =	vmul.f32 v53, v29;
	_ =	sdelay $0x1  }
0x7b0: {  	v53 =	vadd.f32 v53, v36;
	_ =	sdelay $0x1  }
0x7b1: {  	[tilespmem:s21+$0x40] =	vst v53  }
0x7b2: {  	v53 =	vld.idx.msk [tilespmem:v63+s2+$0x0], $0xffff;
	_ =	sdelay $0x4  }
0x7b3: {  	v54 =	vadd.s32 $0x26, v54;
	v53 =	vmul.f32 v53, v28;
	_ =	sdelay $0x1  }
0x7b4: {  	v53 =	vadd.f32 v53, v34;
	_ =	sdelay $0x1  }
0x7b5: {  	s25 =	simm.s32 $0x101;
	[tilespmem:s21+$0x50] =	vst v53  }
0x7b6: {  	s22 =	simm.s32 $0x102;
	v53 =	vmov s25;
	v54 =	vld.idx.msk [tilespmem:v54+s2+$0x0], $0xffff  }
.LBB2_110:
0x7b7: {  	p0 =	sne.s32 s22, $0x17F;
	v53 =	vmul.u32 $0x28, v53;
	_ =	sdelay $0x1  }
0x7b8: {  	v53 =	vbroadcast v53, $0x0;
	_ =	sdelay $0x1  }
0x7b9: {  	v54 =	vmul.f32 v54, v27;
	v55 =	vadd.s32 $0x1A, v53;
	_ =	sdelay $0x1  }
0x7ba: {  	v54 =	vadd.f32 v54, v33;
	_ =	sdelay $0x1  }
0x7bb: {  	[tilespmem:s21+$0x60] =	vst v54  }
0x7bc: {  	v54 =	vld.idx.msk [tilespmem:v55+s2+$0x0], $0xffff;
	_ =	sdelay $0x5  }
0x7bd: {  	v55 =	vadd.s32 $0x1B, v53;
	v54 =	vmul.f32 v54, v48;
	_ =	sdelay $0x1  }
0x7be: {  	v54 =	vadd.f32 v54, v52  }
0x7bf: {  	s21 =	sadd.s32 $0xD0, s21  }
0x7c0: {  	[tilespmem:s21+$0xFFFFFFA0] =	vst v54  }
0x7c1: {  	v54 =	vld.idx.msk [tilespmem:v55+s2+$0x0], $0xffff;
	_ =	sdelay $0x5  }
0x7c2: {  	v55 =	vadd.s32 $0x1C, v53;
	v54 =	vmul.f32 v54, v45;
	_ =	sdelay $0x1  }
0x7c3: {  	v54 =	vadd.f32 v54, v51;
	_ =	sdelay $0x1  }
0x7c4: {  	[tilespmem:s21+$0xFFFFFFB0] =	vst v54  }
0x7c5: {  	v54 =	vld.idx.msk [tilespmem:v55+s2+$0x0], $0xffff;
	_ =	sdelay $0x5  }
0x7c6: {  	v55 =	vadd.s32 $0x1D, v53;
	v54 =	vmul.f32 v54, v43;
	_ =	sdelay $0x1  }
0x7c7: {  	v54 =	vadd.f32 v54, v50;
	_ =	sdelay $0x1  }
0x7c8: {  	[tilespmem:s21+$0xFFFFFFC0] =	vst v54  }
0x7c9: {  	v54 =	vld.idx.msk [tilespmem:v55+s2+$0x0], $0xffff;
	_ =	sdelay $0x5  }
0x7ca: {  	v55 =	vadd.s32 $0x1E, v53;
	v54 =	vmul.f32 v54, v41;
	_ =	sdelay $0x1  }
0x7cb: {  	v54 =	vadd.f32 v54, v49;
	_ =	sdelay $0x1  }
0x7cc: {  	[tilespmem:s21+$0xFFFFFFD0] =	vst v54  }
0x7cd: {  	v54 =	vld.idx.msk [tilespmem:v55+s2+$0x0], $0xffff;
	_ =	sdelay $0x5  }
0x7ce: {  	v55 =	vadd.s32 $0x1F, v53;
	v54 =	vmul.f32 v54, v39;
	_ =	sdelay $0x1  }
0x7cf: {  	v54 =	vadd.f32 v54, v47;
	_ =	sdelay $0x1  }
0x7d0: {  	[tilespmem:s21+$0xFFFFFFE0] =	vst v54  }
0x7d1: {  	v54 =	vld.idx.msk [tilespmem:v55+s2+$0x0], $0xffff;
	_ =	sdelay $0x5  }
0x7d2: {  	v55 =	vadd.s32 $0x20, v53;
	v54 =	vmul.f32 v54, v37;
	_ =	sdelay $0x1  }
0x7d3: {  	v54 =	vadd.f32 v54, v46;
	_ =	sdelay $0x1  }
0x7d4: {  	[tilespmem:s21+$0xFFFFFFF0] =	vst v54  }
0x7d5: {  	v54 =	vld.idx.msk [tilespmem:v55+s2+$0x0], $0xffff;
	_ =	sdelay $0x5  }
0x7d6: {  	v55 =	vadd.s32 $0x21, v53;
	v54 =	vmul.f32 v54, v35;
	_ =	sdelay $0x1  }
0x7d7: {  	v54 =	vadd.f32 v54, v44;
	_ =	sdelay $0x1  }
0x7d8: {  	[tilespmem:s21+$0x0] =	vst v54  }
0x7d9: {  	v54 =	vld.idx.msk [tilespmem:v55+s2+$0x0], $0xffff;
	_ =	sdelay $0x5  }
0x7da: {  	v55 =	vadd.s32 $0x22, v53;
	v54 =	vmul.f32 v54, v32;
	_ =	sdelay $0x1  }
0x7db: {  	v54 =	vadd.f32 v54, v42;
	_ =	sdelay $0x1  }
0x7dc: {  	[tilespmem:s21+$0x10] =	vst v54  }
0x7dd: {  	v54 =	vld.idx.msk [tilespmem:v55+s2+$0x0], $0xffff;
	_ =	sdelay $0x5  }
0x7de: {  	v55 =	vadd.s32 $0x23, v53;
	v54 =	vmul.f32 v54, v31;
	_ =	sdelay $0x1  }
0x7df: {  	v54 =	vadd.f32 v54, v40;
	_ =	sdelay $0x1  }
0x7e0: {  	[tilespmem:s21+$0x20] =	vst v54  }
0x7e1: {  	v54 =	vld.idx.msk [tilespmem:v55+s2+$0x0], $0xffff;
	_ =	sdelay $0x5  }
0x7e2: {  	v55 =	vadd.s32 $0x24, v53;
	v54 =	vmul.f32 v54, v30;
	_ =	sdelay $0x1  }
0x7e3: {  	v54 =	vadd.f32 v54, v38;
	_ =	sdelay $0x1  }
0x7e4: {  	[tilespmem:s21+$0x30] =	vst v54  }
0x7e5: {  	v54 =	vld.idx.msk [tilespmem:v55+s2+$0x0], $0xffff;
	_ =	sdelay $0x5  }
0x7e6: {  	v55 =	vadd.s32 $0x25, v53;
	v54 =	vmul.f32 v54, v29;
	_ =	sdelay $0x1  }
0x7e7: {  	v54 =	vadd.f32 v54, v36;
	_ =	sdelay $0x1  }
0x7e8: {  	[tilespmem:s21+$0x40] =	vst v54  }
0x7e9: {  	v54 =	vld.idx.msk [tilespmem:v55+s2+$0x0], $0xffff;
	_ =	sdelay $0x5  }
0x7ea: {  	v53 =	vadd.s32 $0x26, v53;
	v54 =	vmul.f32 v54, v28;
	_ =	sdelay $0x1  }
.Ltmp54:
0x7eb: {  	v54 =	vadd.f32 v54, v34;
	(pc) =	sbr.rel @p0 .LBB2_110-.Ltmp54, $4  }
0x7ec: {  	_ = 	snop  }
0x7ed: {  	[tilespmem:s21+$0x50] =	vst v54  }
0x7ee: {  	v54 =	vld.idx.msk [tilespmem:v53+s2+$0x0], $0xffff  }
0x7ef: {  	v53 =	vmov s22;
	s22 =	sadd.s32 $0x1, s22  }
0x7f0: {  	v53 =	vmul.u32 $0x28, v53;
	_ =	sdelay $0x1  }
0x7f1: {  	v53 =	vbroadcast v53, $0x0;
	_ =	sdelay $0x1  }
0x7f2: {  	v54 =	vmul.f32 v54, v27;
	v55 =	vadd.s32 $0x1A, v53;
	_ =	sdelay $0x1  }
0x7f3: {  	v54 =	vadd.f32 v54, v33;
	_ =	sdelay $0x1  }
0x7f4: {  	[tilespmem:s21+$0x60] =	vst v54  }
0x7f5: {  	v54 =	vld.idx.msk [tilespmem:v55+s2+$0x0], $0xffff;
	_ =	sdelay $0x4  }
0x7f6: {  	v61 =	vadd.s32 $0x1B, v53;
	v54 =	vmul.f32 v54, v48;
	_ =	sdelay $0x1  }
0x7f7: {  	v54 =	vadd.f32 v54, v52  }
0x7f8: {  	s23 =	sadd.s32 $0xD0, s21  }
0x7f9: {  	[tilespmem:s23+$0xFFFFFFA0] =	vst v54  }
0x7fa: {  	v54 =	vld.idx.msk [tilespmem:v61+s2+$0x0], $0xffff;
	_ =	sdelay $0x4  }
0x7fb: {  	v62 =	vadd.s32 $0x1C, v53;
	v54 =	vmul.f32 v54, v45;
	_ =	sdelay $0x1  }
0x7fc: {  	v54 =	vadd.f32 v54, v51;
	_ =	sdelay $0x1  }
0x7fd: {  	[tilespmem:s23+$0xFFFFFFB0] =	vst v54  }
0x7fe: {  	v54 =	vld.idx.msk [tilespmem:v62+s2+$0x0], $0xffff;
	_ =	sdelay $0x4  }
0x7ff: {  	v63 =	vadd.s32 $0x1D, v53;
	v54 =	vmul.f32 v54, v43;
	_ =	sdelay $0x1  }
0x800: {  	v54 =	vadd.f32 v54, v50;
	_ =	sdelay $0x1  }
0x801: {  	[tilespmem:s23+$0xFFFFFFC0] =	vst v54  }
0x802: {  	v54 =	vld.idx.msk [tilespmem:v63+s2+$0x0], $0xffff;
	_ =	sdelay $0x4  }
0x803: {  	v57 =	vadd.s32 $0x1E, v53;
	v54 =	vmul.f32 v54, v41;
	_ =	sdelay $0x1  }
0x804: {  	v54 =	vadd.f32 v54, v49;
	_ =	sdelay $0x1  }
0x805: {  	[tilespmem:s23+$0xFFFFFFD0] =	vst v54  }
0x806: {  	v54 =	vld.idx.msk [tilespmem:v57+s2+$0x0], $0xffff;
	_ =	sdelay $0x4  }
0x807: {  	v58 =	vadd.s32 $0x1F, v53;
	v54 =	vmul.f32 v54, v39;
	_ =	sdelay $0x1  }
0x808: {  	v54 =	vadd.f32 v54, v47;
	_ =	sdelay $0x1  }
0x809: {  	[tilespmem:s23+$0xFFFFFFE0] =	vst v54  }
0x80a: {  	v54 =	vld.idx.msk [tilespmem:v58+s2+$0x0], $0xffff;
	_ =	sdelay $0x4  }
0x80b: {  	v59 =	vadd.s32 $0x20, v53;
	v54 =	vmul.f32 v54, v37;
	_ =	sdelay $0x1  }
0x80c: {  	v54 =	vadd.f32 v54, v46;
	_ =	sdelay $0x1  }
0x80d: {  	[tilespmem:s23+$0xFFFFFFF0] =	vst v54  }
0x80e: {  	v54 =	vld.idx.msk [tilespmem:v59+s2+$0x0], $0xffff;
	_ =	sdelay $0x4  }
0x80f: {  	v60 =	vadd.s32 $0x21, v53;
	v54 =	vmul.f32 v54, v35;
	_ =	sdelay $0x1  }
0x810: {  	v54 =	vadd.f32 v54, v44;
	_ =	sdelay $0x1  }
0x811: {  	[tilespmem:s23+$0x0] =	vst v54  }
0x812: {  	v54 =	vld.idx.msk [tilespmem:v60+s2+$0x0], $0xffff;
	_ =	sdelay $0x4  }
0x813: {  	v61 =	vadd.s32 $0x22, v53;
	v54 =	vmul.f32 v54, v32;
	_ =	sdelay $0x1  }
0x814: {  	v54 =	vadd.f32 v54, v42;
	_ =	sdelay $0x1  }
0x815: {  	[tilespmem:s23+$0x10] =	vst v54  }
0x816: {  	v54 =	vld.idx.msk [tilespmem:v61+s2+$0x0], $0xffff;
	_ =	sdelay $0x4  }
0x817: {  	v62 =	vadd.s32 $0x23, v53;
	v54 =	vmul.f32 v54, v31;
	_ =	sdelay $0x1  }
0x818: {  	v54 =	vadd.f32 v54, v40;
	_ =	sdelay $0x1  }
0x819: {  	[tilespmem:s23+$0x20] =	vst v54  }
0x81a: {  	v54 =	vld.idx.msk [tilespmem:v62+s2+$0x0], $0xffff;
	_ =	sdelay $0x4  }
0x81b: {  	v63 =	vadd.s32 $0x24, v53;
	v54 =	vmul.f32 v54, v30;
	_ =	sdelay $0x1  }
0x81c: {  	v54 =	vadd.f32 v54, v38;
	_ =	sdelay $0x1  }
0x81d: {  	[tilespmem:s23+$0x30] =	vst v54  }
0x81e: {  	v54 =	vld.idx.msk [tilespmem:v63+s2+$0x0], $0xffff;
	_ =	sdelay $0x4  }
0x81f: {  	v57 =	vadd.s32 $0x25, v53;
	v54 =	vmul.f32 v54, v29;
	_ =	sdelay $0x1  }
0x820: {  	v54 =	vadd.f32 v54, v36;
	_ =	sdelay $0x1  }
0x821: {  	[tilespmem:s23+$0x40] =	vst v54  }
0x822: {  	v54 =	vld.idx.msk [tilespmem:v57+s2+$0x0], $0xffff;
	_ =	sdelay $0x4  }
0x823: {  	v53 =	vadd.s32 $0x26, v53;
	v54 =	vmul.f32 v54, v28;
	_ =	sdelay $0x1  }
0x824: {  	v54 =	vadd.f32 v54, v34;
	_ =	sdelay $0x1  }
0x825: {  	[tilespmem:s23+$0x50] =	vst v54  }
0x826: {  	v53 =	vld.idx.msk [tilespmem:v53+s2+$0x0], $0xffff;
	_ =	sdelay $0x2  }
0x827: {  	s22 =	simm.s32 $0x180  }
0x828: {  	v58 =	vmov s22  }
0x829: {  	v54 =	vmul.u32 $0x28, v58;
	v53 =	vmul.f32 v53, v27;
	_ =	sdelay $0x1  }
0x82a: {  	v54 =	vbroadcast v54, $0x0;
	v53 =	vadd.f32 v53, v33;
	_ =	sdelay $0x1  }
0x82b: {  	s24 =	rddreg [dreg:$0x16];
	v59 =	vadd.s32 $0x1A, v54;
	[tilespmem:s23+$0x60] =	vst v53  }
0x82c: {  	[hbm4b:s24+s2] =	stream.linear.scatter [tilespmem:s19], [sflag:$0x2], $0x6800, $0x38;
	[tilespmem:$0xDF40] =	vst v63  }
0x82d: {  	_ =	swait.ge [sflag:s11], $0x6800  }
0x82e: {  	[sflag:s11] =	ssyncset.done $0x0  }
0x82f: {  	[sflag:s11] =	ssyncadd.s32 $0xFFFF9800  }
0x830: {  	v53 =	vld.idx.msk [tilespmem:v59+s2+$0x0], $0xffff;
	_ =	sdelay $0x4  }
0x831: {  	v60 =	vadd.s32 $0x1B, v54;
	v53 =	vmul.f32 v53, v48;
	_ =	sdelay $0x1  }
0x832: {  	v53 =	vadd.f32 v53, v52  }
0x833: {  	s21 =	simm.s32 $0x77A0  }
0x834: {  	[tilespmem:s21+$0xFFFFFFA0] =	vst v53  }
0x835: {  	v53 =	vld.idx.msk [tilespmem:v60+s2+$0x0], $0xffff;
	_ =	sdelay $0x4  }
0x836: {  	v61 =	vadd.s32 $0x1C, v54;
	v53 =	vmul.f32 v53, v45;
	_ =	sdelay $0x1  }
0x837: {  	v53 =	vadd.f32 v53, v51;
	_ =	sdelay $0x1  }
0x838: {  	[tilespmem:s21+$0xFFFFFFB0] =	vst v53  }
0x839: {  	v53 =	vld.idx.msk [tilespmem:v61+s2+$0x0], $0xffff;
	_ =	sdelay $0x4  }
0x83a: {  	v62 =	vadd.s32 $0x1D, v54;
	v53 =	vmul.f32 v53, v43;
	_ =	sdelay $0x1  }
0x83b: {  	v53 =	vadd.f32 v53, v50;
	_ =	sdelay $0x1  }
0x83c: {  	[tilespmem:s21+$0xFFFFFFC0] =	vst v53  }
0x83d: {  	v53 =	vld.idx.msk [tilespmem:v62+s2+$0x0], $0xffff;
	_ =	sdelay $0x4  }
0x83e: {  	v63 =	vadd.s32 $0x1E, v54;
	v53 =	vmul.f32 v53, v41;
	_ =	sdelay $0x1  }
0x83f: {  	v53 =	vadd.f32 v53, v49;
	_ =	sdelay $0x1  }
0x840: {  	[tilespmem:s21+$0xFFFFFFD0] =	vst v53  }
0x841: {  	v53 =	vld.idx.msk [tilespmem:v63+s2+$0x0], $0xffff;
	_ =	sdelay $0x4  }
0x842: {  	v57 =	vadd.s32 $0x1F, v54;
	v53 =	vmul.f32 v53, v39;
	_ =	sdelay $0x1  }
0x843: {  	v53 =	vadd.f32 v53, v47;
	_ =	sdelay $0x1  }
0x844: {  	[tilespmem:s21+$0xFFFFFFE0] =	vst v53  }
0x845: {  	v53 =	vld.idx.msk [tilespmem:v57+s2+$0x0], $0xffff;
	_ =	sdelay $0x4  }
0x846: {  	v58 =	vadd.s32 $0x20, v54;
	v53 =	vmul.f32 v53, v37;
	_ =	sdelay $0x1  }
0x847: {  	v53 =	vadd.f32 v53, v46;
	_ =	sdelay $0x1  }
0x848: {  	[tilespmem:s21+$0xFFFFFFF0] =	vst v53  }
0x849: {  	v53 =	vld.idx.msk [tilespmem:v58+s2+$0x0], $0xffff;
	_ =	sdelay $0x4  }
0x84a: {  	v59 =	vadd.s32 $0x21, v54;
	v53 =	vmul.f32 v53, v35;
	_ =	sdelay $0x1  }
0x84b: {  	v53 =	vadd.f32 v53, v44;
	_ =	sdelay $0x1  }
0x84c: {  	[tilespmem:s21+$0x0] =	vst v53  }
0x84d: {  	v53 =	vld.idx.msk [tilespmem:v59+s2+$0x0], $0xffff;
	_ =	sdelay $0x4  }
0x84e: {  	v60 =	vadd.s32 $0x22, v54;
	v53 =	vmul.f32 v53, v32;
	_ =	sdelay $0x1  }
0x84f: {  	v53 =	vadd.f32 v53, v42;
	_ =	sdelay $0x1  }
0x850: {  	[tilespmem:s21+$0x10] =	vst v53  }
0x851: {  	v53 =	vld.idx.msk [tilespmem:v60+s2+$0x0], $0xffff;
	_ =	sdelay $0x4  }
0x852: {  	v61 =	vadd.s32 $0x23, v54;
	v53 =	vmul.f32 v53, v31;
	_ =	sdelay $0x1  }
0x853: {  	v53 =	vadd.f32 v53, v40;
	_ =	sdelay $0x1  }
0x854: {  	[tilespmem:s21+$0x20] =	vst v53  }
0x855: {  	v53 =	vld.idx.msk [tilespmem:v61+s2+$0x0], $0xffff;
	_ =	sdelay $0x4  }
0x856: {  	v62 =	vadd.s32 $0x24, v54;
	v53 =	vmul.f32 v53, v30;
	_ =	sdelay $0x1  }
0x857: {  	v53 =	vadd.f32 v53, v38;
	_ =	sdelay $0x1  }
0x858: {  	[tilespmem:s21+$0x30] =	vst v53  }
0x859: {  	v53 =	vld.idx.msk [tilespmem:v62+s2+$0x0], $0xffff;
	_ =	sdelay $0x4  }
0x85a: {  	v63 =	vadd.s32 $0x25, v54;
	v53 =	vmul.f32 v53, v29;
	_ =	sdelay $0x1  }
0x85b: {  	v53 =	vadd.f32 v53, v36;
	_ =	sdelay $0x1  }
0x85c: {  	[tilespmem:s21+$0x40] =	vst v53  }
0x85d: {  	v53 =	vld.idx.msk [tilespmem:v63+s2+$0x0], $0xffff;
	_ =	sdelay $0x4  }
0x85e: {  	v54 =	vadd.s32 $0x26, v54;
	v53 =	vmul.f32 v53, v28;
	_ =	sdelay $0x1  }
0x85f: {  	v53 =	vadd.f32 v53, v34;
	_ =	sdelay $0x1  }
0x860: {  	s25 =	simm.s32 $0x181;
	[tilespmem:s21+$0x50] =	vst v53  }
0x861: {  	s22 =	simm.s32 $0x182;
	v53 =	vmov s25;
	v54 =	vld.idx.msk [tilespmem:v54+s2+$0x0], $0xffff  }
.LBB2_112:
0x862: {  	p0 =	sne.s32 s22, $0x1FF;
	v53 =	vmul.u32 $0x28, v53;
	_ =	sdelay $0x1  }
0x863: {  	v53 =	vbroadcast v53, $0x0;
	_ =	sdelay $0x1  }
0x864: {  	v54 =	vmul.f32 v54, v27;
	v55 =	vadd.s32 $0x1A, v53;
	_ =	sdelay $0x1  }
0x865: {  	v54 =	vadd.f32 v54, v33;
	_ =	sdelay $0x1  }
0x866: {  	[tilespmem:s21+$0x60] =	vst v54  }
0x867: {  	v54 =	vld.idx.msk [tilespmem:v55+s2+$0x0], $0xffff;
	_ =	sdelay $0x5  }
0x868: {  	v55 =	vadd.s32 $0x1B, v53;
	v54 =	vmul.f32 v54, v48;
	_ =	sdelay $0x1  }
0x869: {  	v54 =	vadd.f32 v54, v52  }
0x86a: {  	s21 =	sadd.s32 $0xD0, s21  }
0x86b: {  	[tilespmem:s21+$0xFFFFFFA0] =	vst v54  }
0x86c: {  	v54 =	vld.idx.msk [tilespmem:v55+s2+$0x0], $0xffff;
	_ =	sdelay $0x5  }
0x86d: {  	v55 =	vadd.s32 $0x1C, v53;
	v54 =	vmul.f32 v54, v45;
	_ =	sdelay $0x1  }
0x86e: {  	v54 =	vadd.f32 v54, v51;
	_ =	sdelay $0x1  }
0x86f: {  	[tilespmem:s21+$0xFFFFFFB0] =	vst v54  }
0x870: {  	v54 =	vld.idx.msk [tilespmem:v55+s2+$0x0], $0xffff;
	_ =	sdelay $0x5  }
0x871: {  	v55 =	vadd.s32 $0x1D, v53;
	v54 =	vmul.f32 v54, v43;
	_ =	sdelay $0x1  }
0x872: {  	v54 =	vadd.f32 v54, v50;
	_ =	sdelay $0x1  }
0x873: {  	[tilespmem:s21+$0xFFFFFFC0] =	vst v54  }
0x874: {  	v54 =	vld.idx.msk [tilespmem:v55+s2+$0x0], $0xffff;
	_ =	sdelay $0x5  }
0x875: {  	v55 =	vadd.s32 $0x1E, v53;
	v54 =	vmul.f32 v54, v41;
	_ =	sdelay $0x1  }
0x876: {  	v54 =	vadd.f32 v54, v49;
	_ =	sdelay $0x1  }
0x877: {  	[tilespmem:s21+$0xFFFFFFD0] =	vst v54  }
0x878: {  	v54 =	vld.idx.msk [tilespmem:v55+s2+$0x0], $0xffff;
	_ =	sdelay $0x5  }
0x879: {  	v55 =	vadd.s32 $0x1F, v53;
	v54 =	vmul.f32 v54, v39;
	_ =	sdelay $0x1  }
0x87a: {  	v54 =	vadd.f32 v54, v47;
	_ =	sdelay $0x1  }
0x87b: {  	[tilespmem:s21+$0xFFFFFFE0] =	vst v54  }
0x87c: {  	v54 =	vld.idx.msk [tilespmem:v55+s2+$0x0], $0xffff;
	_ =	sdelay $0x5  }
0x87d: {  	v55 =	vadd.s32 $0x20, v53;
	v54 =	vmul.f32 v54, v37;
	_ =	sdelay $0x1  }
0x87e: {  	v54 =	vadd.f32 v54, v46;
	_ =	sdelay $0x1  }
0x87f: {  	[tilespmem:s21+$0xFFFFFFF0] =	vst v54  }
0x880: {  	v54 =	vld.idx.msk [tilespmem:v55+s2+$0x0], $0xffff;
	_ =	sdelay $0x5  }
0x881: {  	v55 =	vadd.s32 $0x21, v53;
	v54 =	vmul.f32 v54, v35;
	_ =	sdelay $0x1  }
0x882: {  	v54 =	vadd.f32 v54, v44;
	_ =	sdelay $0x1  }
0x883: {  	[tilespmem:s21+$0x0] =	vst v54  }
0x884: {  	v54 =	vld.idx.msk [tilespmem:v55+s2+$0x0], $0xffff;
	_ =	sdelay $0x5  }
0x885: {  	v55 =	vadd.s32 $0x22, v53;
	v54 =	vmul.f32 v54, v32;
	_ =	sdelay $0x1  }
0x886: {  	v54 =	vadd.f32 v54, v42;
	_ =	sdelay $0x1  }
0x887: {  	[tilespmem:s21+$0x10] =	vst v54  }
0x888: {  	v54 =	vld.idx.msk [tilespmem:v55+s2+$0x0], $0xffff;
	_ =	sdelay $0x5  }
0x889: {  	v55 =	vadd.s32 $0x23, v53;
	v54 =	vmul.f32 v54, v31;
	_ =	sdelay $0x1  }
0x88a: {  	v54 =	vadd.f32 v54, v40;
	_ =	sdelay $0x1  }
0x88b: {  	[tilespmem:s21+$0x20] =	vst v54  }
0x88c: {  	v54 =	vld.idx.msk [tilespmem:v55+s2+$0x0], $0xffff;
	_ =	sdelay $0x5  }
0x88d: {  	v55 =	vadd.s32 $0x24, v53;
	v54 =	vmul.f32 v54, v30;
	_ =	sdelay $0x1  }
0x88e: {  	v54 =	vadd.f32 v54, v38;
	_ =	sdelay $0x1  }
0x88f: {  	[tilespmem:s21+$0x30] =	vst v54  }
0x890: {  	v54 =	vld.idx.msk [tilespmem:v55+s2+$0x0], $0xffff;
	_ =	sdelay $0x5  }
0x891: {  	v55 =	vadd.s32 $0x25, v53;
	v54 =	vmul.f32 v54, v29;
	_ =	sdelay $0x1  }
0x892: {  	v54 =	vadd.f32 v54, v36;
	_ =	sdelay $0x1  }
0x893: {  	[tilespmem:s21+$0x40] =	vst v54  }
0x894: {  	v54 =	vld.idx.msk [tilespmem:v55+s2+$0x0], $0xffff;
	_ =	sdelay $0x5  }
0x895: {  	v53 =	vadd.s32 $0x26, v53;
	v54 =	vmul.f32 v54, v28;
	_ =	sdelay $0x1  }
.Ltmp55:
0x896: {  	v54 =	vadd.f32 v54, v34;
	(pc) =	sbr.rel @p0 .LBB2_112-.Ltmp55, $4  }
0x897: {  	_ = 	snop  }
0x898: {  	[tilespmem:s21+$0x50] =	vst v54  }
0x899: {  	v54 =	vld.idx.msk [tilespmem:v53+s2+$0x0], $0xffff  }
0x89a: {  	v53 =	vmov s22;
	s22 =	sadd.s32 $0x1, s22  }
0x89b: {  	v53 =	vmul.u32 $0x28, v53;
	_ =	sdelay $0x1  }
0x89c: {  	v53 =	vbroadcast v53, $0x0;
	_ =	sdelay $0x1  }
0x89d: {  	v54 =	vmul.f32 v54, v27;
	v55 =	vadd.s32 $0x1A, v53;
	_ =	sdelay $0x1  }
0x89e: {  	v54 =	vadd.f32 v54, v33;
	_ =	sdelay $0x1  }
0x89f: {  	[tilespmem:s21+$0x60] =	vst v54  }
0x8a0: {  	v54 =	vld.idx.msk [tilespmem:v55+s2+$0x0], $0xffff;
	_ =	sdelay $0x4  }
0x8a1: {  	v63 =	vadd.s32 $0x1B, v53;
	v48 =	vmul.f32 v54, v48;
	_ =	sdelay $0x1  }
0x8a2: {  	v48 =	vadd.f32 v48, v52  }
0x8a3: {  	s23 =	sadd.s32 $0xD0, s21  }
0x8a4: {  	[tilespmem:s23+$0xFFFFFFA0] =	vst v48  }
0x8a5: {  	v48 =	vld.idx.msk [tilespmem:v63+s2+$0x0], $0xffff;
	_ =	sdelay $0x4  }
0x8a6: {  	v52 =	vadd.s32 $0x1C, v53;
	v45 =	vmul.f32 v48, v45;
	_ =	sdelay $0x1  }
0x8a7: {  	v45 =	vadd.f32 v45, v51;
	_ =	sdelay $0x1  }
0x8a8: {  	[tilespmem:s23+$0xFFFFFFB0] =	vst v45  }
0x8a9: {  	v45 =	vld.idx.msk [tilespmem:v52+s2+$0x0], $0xffff;
	_ =	sdelay $0x4  }
0x8aa: {  	v54 =	vadd.s32 $0x1D, v53;
	v43 =	vmul.f32 v45, v43;
	_ =	sdelay $0x1  }
0x8ab: {  	v43 =	vadd.f32 v43, v50;
	_ =	sdelay $0x1  }
0x8ac: {  	[tilespmem:s23+$0xFFFFFFC0] =	vst v43  }
0x8ad: {  	v43 =	vld.idx.msk [tilespmem:v54+s2+$0x0], $0xffff;
	_ =	sdelay $0x4  }
0x8ae: {  	v55 =	vadd.s32 $0x1E, v53;
	v41 =	vmul.f32 v43, v41;
	_ =	sdelay $0x1  }
0x8af: {  	v41 =	vadd.f32 v41, v49;
	_ =	sdelay $0x1  }
0x8b0: {  	[tilespmem:s23+$0xFFFFFFD0] =	vst v41  }
0x8b1: {  	v41 =	vld.idx.msk [tilespmem:v55+s2+$0x0], $0xffff;
	_ =	sdelay $0x4  }
0x8b2: {  	v56 =	vadd.s32 $0x1F, v53;
	v39 =	vmul.f32 v41, v39;
	_ =	sdelay $0x1  }
0x8b3: {  	v39 =	vadd.f32 v39, v47;
	_ =	sdelay $0x1  }
0x8b4: {  	[tilespmem:s23+$0xFFFFFFE0] =	vst v39  }
0x8b5: {  	v39 =	vld.idx.msk [tilespmem:v56+s2+$0x0], $0xffff;
	_ =	sdelay $0x4  }
0x8b6: {  	v57 =	vadd.s32 $0x20, v53;
	v37 =	vmul.f32 v39, v37;
	_ =	sdelay $0x1  }
0x8b7: {  	v37 =	vadd.f32 v37, v46;
	_ =	sdelay $0x1  }
0x8b8: {  	[tilespmem:s23+$0xFFFFFFF0] =	vst v37  }
0x8b9: {  	v37 =	vld.idx.msk [tilespmem:v57+s2+$0x0], $0xffff;
	_ =	sdelay $0x4  }
0x8ba: {  	v58 =	vadd.s32 $0x21, v53;
	v35 =	vmul.f32 v37, v35;
	_ =	sdelay $0x1  }
0x8bb: {  	v35 =	vadd.f32 v35, v44;
	_ =	sdelay $0x1  }
0x8bc: {  	[tilespmem:s23+$0x0] =	vst v35  }
0x8bd: {  	v35 =	vld.idx.msk [tilespmem:v58+s2+$0x0], $0xffff;
	_ =	sdelay $0x4  }
0x8be: {  	v59 =	vadd.s32 $0x22, v53;
	v32 =	vmul.f32 v35, v32;
	_ =	sdelay $0x1  }
0x8bf: {  	v32 =	vadd.f32 v32, v42;
	_ =	sdelay $0x1  }
0x8c0: {  	[tilespmem:s23+$0x10] =	vst v32  }
0x8c1: {  	v32 =	vld.idx.msk [tilespmem:v59+s2+$0x0], $0xffff;
	_ =	sdelay $0x4  }
0x8c2: {  	v60 =	vadd.s32 $0x23, v53;
	v31 =	vmul.f32 v32, v31;
	_ =	sdelay $0x1  }
0x8c3: {  	v31 =	vadd.f32 v31, v40;
	_ =	sdelay $0x1  }
0x8c4: {  	[tilespmem:s23+$0x20] =	vst v31  }
0x8c5: {  	v31 =	vld.idx.msk [tilespmem:v60+s2+$0x0], $0xffff;
	_ =	sdelay $0x4  }
0x8c6: {  	v61 =	vadd.s32 $0x24, v53;
	v30 =	vmul.f32 v31, v30;
	_ =	sdelay $0x1  }
0x8c7: {  	v30 =	vadd.f32 v30, v38;
	_ =	sdelay $0x1  }
0x8c8: {  	[tilespmem:s23+$0x30] =	vst v30  }
0x8c9: {  	v30 =	vld.idx.msk [tilespmem:v61+s2+$0x0], $0xffff;
	_ =	sdelay $0x4  }
0x8ca: {  	v62 =	vadd.s32 $0x25, v53;
	v29 =	vmul.f32 v30, v29;
	_ =	sdelay $0x1  }
0x8cb: {  	v29 =	vadd.f32 v29, v36;
	_ =	sdelay $0x1  }
0x8cc: {  	[tilespmem:s23+$0x40] =	vst v29  }
0x8cd: {  	v29 =	vld.idx.msk [tilespmem:v62+s2+$0x0], $0xffff;
	_ =	sdelay $0x4  }
0x8ce: {  	v63 =	vadd.s32 $0x26, v53;
	v28 =	vmul.f32 v29, v28;
	_ =	sdelay $0x1  }
0x8cf: {  	v28 =	vadd.f32 v28, v34;
	_ =	sdelay $0x1  }
0x8d0: {  	[tilespmem:s23+$0x50] =	vst v28  }
0x8d1: {  	v28 =	vld.idx.msk [tilespmem:v63+s2+$0x0], $0xffff;
	_ =	sdelay $0x4  }
0x8d2: {  	v27 =	vmul.f32 v28, v27;
	_ =	sdelay $0x1  }
0x8d3: {  	v27 =	vadd.f32 v27, v33;
	_ =	sdelay $0x1  }
0x8d4: {  	s24 =	rddreg [dreg:$0x17];
	[tilespmem:s23+$0x60] =	vst v27  }
0x8d5: {  	[hbm4b:s24+s2] =	stream.linear.scatter [tilespmem:s19], [sflag:$0x2], $0x6800, $0x38;
	[tilespmem:$0xDF40] =	vst v63  }
0x8d6: {  	_ =	swait.ge [sflag:s11], $0x6800  }
0x8d7: {  	s20 =	sadd.s32 $0x1, s20;
	s25 =	rddreg [dreg:$0x18]  }
0x8d8: {  	p0 =	sne.s32 s20, s25  }
.Ltmp56:
0x8d9: {  	_ = 	snop;
	(pc) =	sbr.rel @p0 .LBB2_1-.Ltmp56, $3  }
0x8da: {  	_ =	sdelay $0x1  }
0x8db: {  	[sflag:s11] =	ssyncset.done $0x0  }
0x8dc: {  	[sflag:s11] =	ssyncadd.s32 $0xFFFF9800  }
0x8dd: {  	_ =	sfence.sel $0x180000  }
0x8de: {  	[bflag:$0x0] =	sbarrier.arrive $0xFFFF  }
0x8df: {  	_ =	strace $0x9000004A  }
0x8e0: {  	s0 =	stileid.u32;
	[bflag:$0x2] =	sbarrier.arrive $0xFFFF  }
0x8e1: {  	p0 =	sne.s32 s0, $0x0;
	s0 =	rddreg [dreg:$0x3]  }
0x8e2: {  	s0 =	sadd.s32 @!p0 $0x100000, s0  }
0x8e3: {  	[sflag:s0] =	ssyncadd.tile.s32 @!p0 $0x1;
	_ =	shalt  }
.Lfunc_end2:
_tile_overlayer_lowered:
.L_overlay_start_2:
0x8e4: {  	(tag) =	ssettag $0x2  }
0x8e5: {  	s0 =	rddreg [dreg:$0x0];
	s2 =	stileid.u32  }
0x8e6: {  	s1 =	rddreg [dreg:$0x1];
	p0 =	sne.s32 s2, $0x0  }
0x8e7: {  	s3 =	rddreg [dreg:$0x2];
	[bflag:$0x3] =	sbarrier.arrive $0xFFFF;
	s2 =	simm.s32 @!p0 $0x1C02  }
0x8e8: {  	[timem:s3], [sflag:s2] =	dma.local @!p0 [hbm:s0], s1  }
0x8e9: {  	s0 =	simm.s32 @!p0 $0x2  }
0x8ea: {  	_ =	swait.ge @!p0 [sflag:s0], s1  }
0x8eb: {  	s1 =	ssub.s32 @!p0 $0x0, s1;
	[sflag:s0] =	ssyncset.done @!p0 $0x0  }
0x8ec: {  	[sflag:s0] =	ssyncadd.s32 @!p0 s1  }
0x8ed: {  	[bflag:$0x3] =	sbarrier.arrive $0xFFFF  }
0x8ee: {  	_ =	shalt  }

// kernel: sparse-core-data-format-call.cloned.1.call-start
scs
called_computation_lowered:
.L_overlay_start_0:
0x0: {  	s1 =	sld [smem:$0x3FD9]  }
0x1: {  	s2 =	sld [smem:$0x3FFE];
	_ =	sdelay $0x1  }
0x2: {  	s3 =	srdreg.scid  }
0x3: {  	s0 =	sand.u32 $0x1, s3  }
0x4: {  	s17 =	sshll.u32 s0, $0xA;
	s1 =	sadd.s32 s2, s1  }
0x5: {  	s1 =	sadd.s32 s1, s17  }
0x6: {  	[smem:$0x3FC3] =	sst s1  }
0x7: {  	_ = 	snop  }
0x8: {  	(tm) =	ssettm $0x1  }
0x9: {  	s18 =	sld [smem:$0x3FFB];
	_ =	sdelay $0x3  }
0xa: {  	_ =	strace s18  }
0xb: {  	s1 =	sld [smem:$0x3FFC];
	_ =	sdelay $0x3  }
0xc: {  	_ =	strace s1  }
0xd: {  	s1 =	sld [smem:$0x3FFD];
	_ =	sdelay $0x3  }
0xe: {  	_ =	strace s1  }
0xf: {  	_ =	strace $0x8FFFFFFF  }
0x10: {  	s19 =	sld [smem:$0x3FDB];
	_ =	sdelay $0x1  }
0x11: {  	s20 =	simm.s32 $_scs_section_size  }
0x12: {  	s4 =	simm.s32 $_size__tile_overlayer_lowered;
	s5 =	simm.s32 $_tile_overlayer_lowered  }
0x13: {  	s23 =	simm.s32 $0x1BFF;
	s22 =	sshll.u32 s5, $0x1;
	s1 =	sadd.s32 s20, s19  }
0x14: {  	s6 =	simm.s32 $0x0;
	s21 =	sshll.u32 s4, $0x1;
	s4 =	sadd.s32 s22, s1  }
0x15: {  	[timem:s6], [sflag:s23] =	dma.local [hbm:s4], s21  }
0x16: {  	_ =	swait.ge [sflag:s23], s21  }
0x17: {  	s2 =	ssub.s32 $0x0, s21;
	[sflag:s23] =	ssyncset.done $0x0  }
0x18: {  	[sflag:s23] =	ssyncadd.s32 s2;
	_ =	sdelay $0x1  }
0x19: {  	s24 =	simm.s32 $0x1B8B  }
0x1a: {  	_ =	swait.ge [sflag:s24], $0x1  }
0x1b: {  	[sflag:s24] =	ssyncset.done $0x0  }
0x1c: {  	s26 =	simm.s32 $0x1B8E;
	s25 =	sld [smem:$0x3FFE];
	[sflag:s24] =	ssyncadd.s32 $0xFFFFFFFF  }
0x1d: {  	s27 =	simm.s32 $execute0_lowered;
	[smem:$0x3FD2] =	sst s26  }
0x1e: {  	s4 =	sshll.u32 s27, $0x1;
	_ =	strace $0x80000046;
	[dreg:$0x1] =	wrdreg $0xFFFFFFFF  }
0x1f: {  	s28 =	simm.s32 $_size_execute0_lowered;
	s1 =	sadd.s32 s1, s4;
	[dreg:$0x0] =	wrdreg $0x0  }
0x20: {  	s4 =	sshll.u32 s28, $0x1;
	[dreg:$0x2] =	wrdreg s1  }
0x21: {  	[dreg:$0x3] =	wrdreg s4  }
0x22: {  	[dreg:$0x4] =	wrdreg $0xC0  }
0x23: {  	_ =	task [dreg:s6], $0x5FFFF  }
0x24: {  	[dreg:$0x1] =	wrdreg $0xFFFFFFFF  }
0x25: {  	[dreg:$0x0] =	wrdreg $0x60  }
0x26: {  	[dreg:$0x2] =	wrdreg s25  }
0x27: {  	[dreg:$0x3] =	wrdreg $0x9  }
0x28: {  	_ =	task.clear_ibuf [dreg:s6], $0x4FFFF;
	_ =	strace $0x90000046  }
0x29: {  	s29 =	simm.s32 $0x9;
	_ =	strace $0x80000048  }
0x2a: {  	_ =	swait.ge [sflag:s29], $0x1  }
0x2b: {  	[sflag:s29] =	ssyncadd.s32 $0xFFFFFFFF  }
0x2c: {  	_ =	strace $0x90000048  }
0x2d: {  	_ =	sfence  }
0x2e: {  	s30 =	sld [smem:$0x0];
	_ =	sdelay $0x2  }
0x2f: {  	s31 =	sshll.u32 s3, $0xD;
	s3 =	sshrl.u32 s3, $0x2  }
0x30: {  	s2 =	sand.u32 $0x4000, s31;
	s1 =	sadd.s32 s3, s30  }
0x31: {  	s0 =	sor.u32 s2, s0;
	s1 =	sshll.u32 s1, $0x11  }
0x32: {  	s0 =	sor.u32 s1, s0  }
0x33: {  	s0 =	sadd.s32 $0x8F2B, s0  }
0x34: {  	[sflag:s0] =	ssyncadd.remote.s32 $0x1  }
0x35: {  	_ =	sfence.sel $0xFFFF  }
0x36: {  	[dreg:$0x0] =	wrdreg $0xFFFFFFFF;
	(pc) =	sbr.abs _section_cstart, $3  }
0x37: {  	[dreg:$0x1] =	wrdreg $0xFFFFFFFF  }
0x38: {  	_ =	task.clear_ibuf [dreg:s6], $0x2FFFF;
	_ =	strace $0x9FFFFFFF  }
0x39: {  	(tm) =	ssettm $0x7FFFFFFF  }
tec
execute0_lowered:
.L_overlay_start_1:
0x0: {  	(tag) =	ssettag $0x1  }
0x1: {  	s0 =	srdreg.scid  }
0x2: {  	s5 =	rddreg [dreg:$0x0];
	s1 =	stileid.u32;
	s4 =	simm.s32 $0x1  }
0x3: {  	s6 =	simm.s32 $0x2;
	s15 =	simm.s32 $0x0;
	p0 =	por $0x0, $0x0  }
0x4: {  	s8 =	simm.s32 $0x80;
	s14 =	simm.s32 $0x0;
	s2 =	sshll.u32 s0, $0x4  }
0x5: {  	s9 =	simm.s32 $0x0;
	s10 =	simm.s32 $0x0;
	s2 =	sand.u32 $0x10, s2  }
.Ltmp0:
0x6: {  	s12 =	simm.s32 $0x0;
	s3 =	sor.u32 s1, s2;
	(pc) =	sbr.rel .LBB1_1-.Ltmp0, $4  }
0x7: {  	s0 =	rddreg [dreg:$0x1];
	_ =	strace $0x80000047;
	s3 =	sshll.u32 s3, $0x7  }
0x8: {  	s13 =	simm.s32 $0x0;
	[sflag:s4] =	ssyncpa.u1 $0x0;
	s7 =	ssub.s32 $0x27AC00, s3  }
0x9: {  	s2 =	sadd.s32 $0x4F7C00, s5;
	[sflag:s6] =	ssyncpa.u1 $0x0;
	s6 =	sshrl.u32 s7, $0xC  }
0xa: {  	s5 =	sadd.s32 $0x9ED600, s5;
	s11 =	smov.u32 s3;
	s7 =	sadd.s32 $0x2, s6  }
.LBB1_5:
0xb: {  	p1 =	slt.u32 s13, $0x2  }
0xc: {  	s17 =	smov.u32 s15;
	p2 =	sgt.s32 @!p1 s15, $0x27ABE0;
	s16 =	sshra.s32 @!p1 s15, $0x1F  }
0xd: {  	p3 =	sgt.s32 @!p1 s14, $0x70;
	s18 =	sshra.s32 @!p1 s14, $0x1F;
	p2 =	por !p2, p1  }
0xe: {  	s15 =	sand.u32 @!p1 s16, s15;
	p3 =	por !p3, p1;
	s16 =	smov.u32 s14  }
0xf: {  	s14 =	sand.u32 @!p1 s18, s14;
	s17 =	simm.s32 @p2 $0x27ABE0;
	s16 =	simm.s32 @p3 $0x70  }
0x10: {  	s15 =	ssub.s32 @!p1 s17, s15;
	s14 =	ssub.s32 @!p1 s16, s14  }
0x11: {  	s18 =	smov.u32 s12;
	s16 =	sadd.s32 @!p1 $0xFFD85420, s15;
	s17 =	sadd.s32 @!p1 $0xFFFFFF90, s14  }
0x12: {  	s15 =	ssub.s32 @!p1 $0x27AC60, s15;
	p2 =	sgt.s32 @!p1 s16, $0x7F;
	p3 =	sgt.s32 @!p1 s17, $0xF  }
0x13: {  	s14 =	ssub.s32 @!p1 $0x80, s14;
	p2 =	por !p2, p1;
	p3 =	por !p3, p1  }
0x14: {  	s16 =	sadd.s32 $0x1000, s11;
	s15 =	simm.s32 @!p2 $0x0;
	s14 =	simm.s32 @!p3 $0x0  }
0x15: {  	p2 =	sgt.s32 s16, $0x27AC59;
	s14 =	smul.u32 @!p1 s14, s15;
	s15 =	sadd.s32 $0x10, s12  }
0x16: {  	s18 =	smov.u32 @p2 s15  }
0x17: {  	s16 =	smov.u32 @p2 s3;
	p2 =	sgt.s32 s18, $0xF  }
0x18: {  	s18 =	simm.s32 @p2 $0x0;
	p2 =	sne.s32 s13, s7  }
.Ltmp1:
0x19: {  	p0 =	por !p0, !p0;
	s17 =	simm.s32 @!p1 $0x2;
	(pc) =	sbr.rel @!p2 .LBB1_6-.Ltmp1, $4  }
0x1a: {  	s15 =	smov.u32 s9;
	s9 =	smov.u32 s11;
	s14 =	sand.u32 @!p1 $0x3FFFFFFF, s14  }
0x1b: {  	s11 =	smov.u32 s16;
	_ =	swait.ge @!p1 [sflag:s17], s14;
	s19 =	ssub.s32 @!p1 $0x0, s14  }
0x1c: {  	s14 =	smov.u32 s10;
	s13 =	sadd.s32 $0x1, s13;
	[sflag:s17] =	ssyncset.done @!p1 $0x0  }
0x1d: {  	s10 =	smov.u32 s12;
	s12 =	smov.u32 s18;
	[sflag:s17] =	ssyncadd.s32 @!p1 s19  }
.LBB1_1:
0x1e: {  	p1 =	sgt.u32 s13, s6  }
0x1f: {  	s16 =	sshrl.u32 @!p1 s12, $0x3  }
0x20: {  	s17 =	sshll.u32 @!p1 s11, $0x3;
	s16 =	smul.u32 @!p1 $0x13D6400, s16  }
0x21: {  	s18 =	sshll.u32 @!p1 s12, $0x7;
	s17 =	sand.u32 @!p1 $0xFFFFFC00, s17  }
0x22: {  	s16 =	sadd.s32 @!p1 s16, s17;
	s17 =	sand.u32 @!p1 $0x380, s18  }
0x23: {  	s18 =	sand.u32 @!p1 $0x7F, s11;
	s16 =	sor.u32 @!p1 s17, s16  }
0x24: {  	s17 =	sor.u32 @!p1 s18, s16  }
0x25: {  	s18 =	smulhi.u32 @!p1 $0xCE7BD5B5, s17;
	_ =	sdelay $0x1  }
0x26: {  	s16 =	smulhi.u32 @!p1 $0xCE7BD5B5, s16;
	s18 =	sshrl.u32 @!p1 s18, $0x15  }
0x27: {  	s18 =	smul.u32 @!p1 $0x27AC80, s18  }
0x28: {  	s19 =	sxor.u32 @!p1 $0xFFFFFFFF, s13;
	s16 =	sshrl.u32 @!p1 s16, $0x15  }
0x29: {  	s19 =	sshll.u32 @!p1 s19, $0xB;
	s16 =	sand.u32 @!p1 $0xF, s16;
	s17 =	ssub.s32 @!p1 s17, s18  }
0x2a: {  	s16 =	smul.u32 @!p1 $0x4F590, s16;
	s18 =	sshrl.u32 @!p1 s17, $0x3;
	s17 =	sand.u32 @!p1 $0x7, s17  }
0x2b: {  	s19 =	sand.u32 @!p1 $0x800, s19;
	s18 =	sadd.s32 @!p1 s2, s18;
	s17 =	sshll.u32 @!p1 s17, $0x12  }
0x2c: {  	s16 =	sadd.s32 @!p1 s16, s18;
	s17 =	sor.u32 @!p1 $0x400, s17;
	s18 =	simm.s32 @!p1 $0x13D6400  }
0x2d: {  	[tilespmem:s19], [sflag:$0x1] =	stream.strided.gather @!p1 [hbm4b:s16+s17], $0x800, s18, s17, $0x38;
	[tilespmem:$0x2100] =	vst v63  }
0x2e: {  	p1 =	seq.s32 s13, $0x0  }
0x2f: {  	p2 =	sge.u32 @!p1 s13, s7  }
0x30: {  	p1 =	por p1, p2  }
.Ltmp2:
0x31: {  	_ = 	snop;
	(pc) =	sbr.rel @p1 .LBB1_5-.Ltmp2, $1  }
0x32: {  	_ =	sdelay $0x3  }
0x33: {  	s16 =	simm.s32 $0x1  }
0x34: {  	_ =	swait.ge [sflag:s4], $0x800;
	s16 =	simm.s32 @!p0 $0x0  }
0x35: {  	[sflag:s4] =	ssyncset.done $0x0;
	s17 =	sshll.u32 s16, $0xB  }
0x36: {  	[sflag:s4] =	ssyncadd.s32 $0xFFFFF800;
	s18 =	sor.u32 $0x40, s17  }
0x37: {  	s16 =	smul.u32 $0x2200, s16;
	v0 =	vld [tilespmem:s18+$0x30]  }
0x38: {  	v1 =	vld [tilespmem:s18+$0xFFFFFFD0]  }
0x39: {  	s16 =	sshrl.u32 s16, $0x2;
	v5 =	vld [tilespmem:s18+$0xFFFFFFE0]  }
0x3a: {  	v6 =	vld [tilespmem:s18+$0xFFFFFFF0];
	s19 =	sor.u32 $0x1000, s16  }
0x3b: {  	s31 =	sand.u32 $0x1, s13;
	v4 =	vld [tilespmem:s18+$0x0];
	s17 =	sadd.s32 $0x0, s19  }
0x3c: {  	v3 =	vld [tilespmem:s18+$0x10];
	s16 =	smul.u32 $0x2200, s31;
	[tilespmem:s17+$0x770 ss:$0x11] =	vst.msk $0xffff, v0  }
0x3d: {  	v2 =	vld [tilespmem:s18+$0x20];
	[tilespmem:s17+$0x110 ss:$0x11] =	vst.msk $0xffff, v1  }
0x3e: {  	s16 =	sshrl.u32 s16, $0x2;
	v1 =	vld [tilespmem:s18+$0xFFFFFFC0];
	[tilespmem:s17+$0x220 ss:$0x11] =	vst.msk $0xffff, v5;
	s18 =	sadd.s32 $0x80, s18  }
0x3f: {  	s20 =	simm.s32 $0x4;
	s21 =	simm.s32 $0x8;
	s16 =	sor.u32 $0x1000, s16;
	[tilespmem:s17+$0x330 ss:$0x11] =	vst.msk $0xffff, v6;
	v0 =	vld [tilespmem:s18+$0x30]  }
.LBB1_3:
0x40: {  	p1 =	sne.s32 s21, $0x3C;
	v5 =	vld [tilespmem:s18+$0xFFFFFFD0];
	[tilespmem:s17+$0x440 ss:$0x11] =	vst.msk $0xffff, v4  }
0x41: {  	v6 =	vld [tilespmem:s18+$0xFFFFFFE0];
	[tilespmem:s17+$0x550 ss:$0x11] =	vst.msk $0xffff, v3  }
0x42: {  	s22 =	sshra.s32 s20, $0x2;
	s20 =	smov.u32 s21;
	v7 =	vld [tilespmem:s18+$0xFFFFFFF0];
	[tilespmem:s17+$0x660 ss:$0x11] =	vst.msk $0xffff, v2  }
.Ltmp3:
0x43: {  	v4 =	vld [tilespmem:s18+$0x0];
	[tilespmem:s17+$0x0 ss:$0x11] =	vst.msk $0xffff, v1;
	s17 =	sadd.s32 s22, s19;
	(pc) =	sbr.rel @p1 .LBB1_3-.Ltmp3, $4  }
0x44: {  	v3 =	vld [tilespmem:s18+$0x10];
	[tilespmem:s17+$0x770 ss:$0x11] =	vst.msk $0xffff, v0  }
0x45: {  	[tilespmem:s17+$0x110 ss:$0x11] =	vst.msk $0xffff, v5;
	v2 =	vld [tilespmem:s18+$0x20]  }
0x46: {  	v1 =	vld [tilespmem:s18+$0xFFFFFFC0];
	[tilespmem:s17+$0x220 ss:$0x11] =	vst.msk $0xffff, v6;
	s18 =	sadd.s32 $0x80, s18  }
0x47: {  	s21 =	sadd.s32 $0x4, s21;
	v0 =	vld [tilespmem:s18+$0x30];
	[tilespmem:s17+$0x330 ss:$0x11] =	vst.msk $0xffff, v7  }
0x48: {  	s21 =	sshll.u32 s9, $0x7;
	s22 =	sshll.u32 s10, $0x3;
	s20 =	sshra.s32 s20, $0x2  }
0x49: {  	p1 =	sgt.s32 s9, $0x27ABE0;
	s23 =	sand.u32 $0xFFFFFC00, s21;
	s22 =	sand.u32 $0xFFFFFC00, s22  }
0x4a: {  	v5 =	vld [tilespmem:s18+$0xFFFFFFD0];
	s30 =	sshra.s32 s9, $0x1F;
	s21 =	sand.u32 $0x380, s21;
	s22 =	sadd.s32 s22, s23  }
0x4b: {  	v6 =	vld [tilespmem:s18+$0xFFFFFFE0];
	[tilespmem:s17+$0x440 ss:$0x11] =	vst.msk $0xffff, v4;
	s25 =	sshra.s32 s10, $0x1F;
	s19 =	sadd.s32 s20, s19;
	s29 =	sor.u32 s21, s22  }
0x4c: {  	v60 =	vld [tilespmem:s18+$0xFFFFFFF0];
	[tilespmem:s17+$0x550 ss:$0x11] =	vst.msk $0xffff, v3;
	s21 =	smov.u32 s9;
	s22 =	sand.u32 s30, s9;
	s30 =	sand.u32 $0x7, s10  }
0x4d: {  	v61 =	vld [tilespmem:s18+$0x0];
	[tilespmem:s17+$0x660 ss:$0x11] =	vst.msk $0xffff, v2;
	s20 =	sshrl.u32 s29, $0x7;
	s21 =	simm.s32 @!p1 $0x27ABE0;
	p1 =	sgt.s32 s10, $0x70  }
0x4e: {  	v62 =	vld [tilespmem:s18+$0x10];
	[tilespmem:s17+$0x0 ss:$0x11] =	vst.msk $0xffff, v1;
	s29 =	sshrl.u32 s10, $0x3;
	s24 =	ssub.s32 s21, s22;
	s21 =	smov.u32 s10  }
0x4f: {  	v63 =	vld [tilespmem:s18+$0x20];
	[tilespmem:s19+$0x770 ss:$0x11] =	vst.msk $0xffff, v0;
	s31 =	smulhi.u32 $0x19CF8F9, s20;
	s22 =	sand.u32 s25, s10;
	s21 =	simm.s32 @!p1 $0x70  }
0x50: {  	[tilespmem:s19+$0x110 ss:$0x11] =	vst.msk $0xffff, v5;
	s27 =	sadd.s32 $0xFFD85420, s24;
	s17 =	ssub.s32 $0x27AC60, s24;
	s21 =	ssub.s32 s21, s22  }
0x51: {  	v7 =	vld [tilespmem:s18+$0xFFFFFFC0];
	[tilespmem:s19+$0x220 ss:$0x11] =	vst.msk $0xffff, v6;
	s26 =	sshrl.u32 s31, $0xE;
	p1 =	sgt.s32 s27, $0x7F;
	s28 =	sadd.s32 $0xFFFFFF90, s21  }
0x52: {  	[tilespmem:s19+$0x330 ss:$0x11] =	vst.msk $0xffff, v60;
	s18 =	smul.u32 $0x27AC60, s26;
	s21 =	ssub.s32 $0x80, s21;
	p2 =	sgt.s32 s28, $0xF  }
.Ltmp4:
0x53: {  	[tilespmem:s19+$0x440 ss:$0x11] =	vst.msk $0xffff, v61;
	s17 =	simm.s32 @p1 $0x0;
	s21 =	simm.s32 @p2 $0x0;
	(pc) =	sbr.rel .LBB1_5-.Ltmp4, $4  }
0x54: {  	[tilespmem:s19+$0x550 ss:$0x11] =	vst.msk $0xffff, v62;
	s18 =	ssub.s32 s20, s18;
	s20 =	sand.u32 $0xF, s29;
	s17 =	smul.u32 s21, s17  }
0x55: {  	[tilespmem:s19+$0x660 ss:$0x11] =	vst.msk $0xffff, v63;
	s18 =	sshll.u32 s18, $0x4;
	s20 =	sadd.s32 s5, s20;
	s21 =	sshll.u32 s30, $0x12  }
0x56: {  	[tilespmem:s19+$0x0 ss:$0x11] =	vst.msk $0xffff, v7;
	s18 =	sadd.s32 s18, s20;
	s31 =	sor.u32 $0x10, s21;
	s17 =	sand.u32 $0x3FFFFFFF, s17  }
0x57: {  	[hbm4b:s18+s31] =	stream.strided.scatter [tilespmem:s16], [sflag:$0x2], s17, s8, s31, $0x8;
	[tilespmem:$0x2100] =	vst v63  }
.LBB1_6:
0x58: {  	_ =	sfence.sel $0x180000  }
0x59: {  	s2 =	simm.s32 $0x1;
	[bflag:$0x0] =	sbarrier.arrive $0xFFFF  }
0x5a: {  	s31 =	simm.s32 $0x2;
	[sflag:s2] =	ssyncpa.u1 $0x1  }
0x5b: {  	[sflag:s31] =	ssyncpa.u1 $0x1  }
0x5c: {  	p0 =	sne.s32 s1, $0x0;
	_ =	strace $0x90000047  }
0x5d: {  	s0 =	sadd.s32 @!p0 $0x100000, s0;
	[bflag:$0x2] =	sbarrier.arrive $0xFFFF  }
0x5e: {  	[sflag:s0] =	ssyncadd.tile.s32 @!p0 $0x1;
	_ =	shalt  }
.Lfunc_end1:
_tile_overlayer_lowered:
.L_overlay_start_2:
0x5f: {  	(tag) =	ssettag $0x2  }
0x60: {  	s0 =	rddreg [dreg:$0x0];
	s2 =	stileid.u32  }
0x61: {  	s1 =	rddreg [dreg:$0x1];
	p0 =	sne.s32 s2, $0x0  }
0x62: {  	s3 =	rddreg [dreg:$0x2];
	[bflag:$0x3] =	sbarrier.arrive $0xFFFF;
	s2 =	simm.s32 @!p0 $0x1C01  }
0x63: {  	[timem:s3], [sflag:s2] =	dma.local @!p0 [hbm:s0], s1  }
0x64: {  	s0 =	simm.s32 @!p0 $0x1  }
0x65: {  	_ =	swait.ge @!p0 [sflag:s0], s1  }
0x66: {  	s1 =	ssub.s32 @!p0 $0x0, s1;
	[sflag:s0] =	ssyncset.done @!p0 $0x0  }
0x67: {  	[sflag:s0] =	ssyncadd.s32 @!p0 s1  }
0x68: {  	[bflag:$0x3] =	sbarrier.arrive $0xFFFF  }
0x69: {  	_ =	shalt  }

</sc_bundles>
